<compile_context>
chip_gen: v7x
topology: tpu7x:2x2x1
jax: 0.10.2.dev20260603
libtpu: 0.0.44.dev20260713+nightly
codegen_flags: <defaults>
</compile_context>

<pallas_src>
import functools

import jax
import jax.numpy as jnp
from jax import lax
from jax.experimental import pallas as pl
from jax.experimental.pallas import tpu as pltpu
from jax.experimental.pallas import tpu_sc as plsc

N = 10000
E = 320000
D = 128
H = 8
C = 128
NC = 40
NP = 10240
NSC = 2
NTEC = 16
NW = NSC * NTEC
EPW = E // NW
KB = 16
ROWS_PER_TEC = NP // NTEC
L2W = 128


def _sc_layer2_edges(src, dst, a2s, a2d, tab2):
    mesh = plsc.VectorSubcoreMesh(core_axis_name="c", subcore_axis_name="s",
                                  num_cores=NSC, num_subcores=NTEC)
    zacc = jnp.zeros((NP, L2W), jnp.float32)

    @functools.partial(
        pl.kernel,
        out_type=jax.ShapeDtypeStruct((NSC, NP, L2W), jnp.float32),
        mesh=mesh,
        compiler_params=pltpu.CompilerParams(needs_layout_passes=False),
        scratch_types=[
            pltpu.VMEM((EPW,), jnp.int32),
            pltpu.VMEM((EPW,), jnp.int32),
            pltpu.VMEM((NP,), jnp.float32),
            pltpu.VMEM((NP,), jnp.float32),
            pltpu.VMEM((KB, L2W), jnp.float32),
            pltpu.VMEM((KB,), jnp.int32),
            pltpu.VMEM_SHARED((NP, L2W), jnp.float32),
            pltpu.VMEM_SHARED((NTEC * KB,), jnp.int32),
            pltpu.SemaphoreType.DMA,
        ],
    )
    def k(src_hbm, dst_hbm, a2s_hbm, a2d_hbm, tab_hbm, zacc_hbm,
          acc_out,
          src_v, dst_v, a2s_v, a2d_v, rows_v, idx_v, acc_sh, idx_sh, sem):
        cid = lax.axis_index("c")
        sid = lax.axis_index("s")
        wid = sid * NSC + cid
        r0 = sid * ROWS_PER_TEC
        pltpu.sync_copy(zacc_hbm.at[pl.ds(r0, ROWS_PER_TEC)],
                        acc_sh.at[pl.ds(r0, ROWS_PER_TEC)])
        pltpu.sync_copy(src_hbm.at[pl.ds(wid * EPW, EPW)], src_v)
        pltpu.sync_copy(dst_hbm.at[pl.ds(wid * EPW, EPW)], dst_v)
        pltpu.sync_copy(a2s_hbm, a2s_v)
        pltpu.sync_copy(a2d_hbm, a2d_v)
        plsc.subcore_barrier()

        def body(bi, carry):
            base = bi * KB
            src16 = src_v[pl.ds(base, KB)]
            dst16 = dst_v[pl.ds(base, KB)]
            asv = plsc.load_gather(a2s_v, [src16])
            adv = plsc.load_gather(a2d_v, [dst16])
            al = asv + adv
            al = jnp.maximum(al, al * 0.2)
            ex = jnp.exp(al)
            pltpu.sync_copy(dst_v.at[pl.ds(base, KB)],
                            idx_sh.at[pl.ds(sid * KB, KB)])
            pltpu.sync_copy(idx_sh.at[pl.ds(sid * KB, KB)], idx_v)
            pltpu.async_copy(tab_hbm.at[src16], rows_v, sem).wait()
            for e in range(KB):
                s = ex[e]
                for j in range(L2W // 16):
                    rows_v[e, pl.ds(j * 16, 16)] = rows_v[e, pl.ds(j * 16, 16)] * s
            pltpu.sync_copy(rows_v, acc_sh.at[idx_v], add=True)
            return carry

        lax.fori_loop(0, EPW // KB, body, 0)
        plsc.subcore_barrier()
        pltpu.sync_copy(acc_sh.at[pl.ds(r0, ROWS_PER_TEC)],
                        acc_out.at[cid, pl.ds(r0, ROWS_PER_TEC)])

    return k(src, dst, a2s, a2d, tab2, zacc)


L1TW = 1152
R1 = 512
NPASS = NP // R1
RD = 128
EPT = E // NTEC
SELCAP = 6560
_SHIFT8 = None


NB1 = 9


def _sc_layer1_edges(src, dst, tabs, a1d_flat):
    mesh = plsc.VectorSubcoreMesh(core_axis_name="c", subcore_axis_name="s",
                                  num_cores=NSC, num_subcores=NTEC)
    zacc = jnp.zeros((R1 + RD, 128), jnp.float32)

    @functools.partial(
        pl.kernel,
        out_type=jax.ShapeDtypeStruct((NB1, NP, 128), jnp.float32),
        mesh=mesh,
        compiler_params=pltpu.CompilerParams(needs_layout_passes=False),
        scratch_types=[
            pltpu.VMEM((EPT,), jnp.int32),
            pltpu.VMEM((EPT,), jnp.int32),
            pltpu.VMEM((SELCAP + 32,), jnp.int32),
            pltpu.VMEM((SELCAP + 32,), jnp.int32),
            pltpu.VMEM(((R1 + RD) * 8,), jnp.float32),
            [pltpu.VMEM((KB, 128), jnp.float32) for _ in range(NB1)],
            pltpu.VMEM((KB,), jnp.int32),
            [pltpu.VMEM_SHARED((R1 + RD, 128), jnp.float32) for _ in range(NB1)],
            pltpu.VMEM_SHARED((NTEC * KB,), jnp.int32),
            pltpu.SemaphoreType.DMA,
        ],
    )
    def k(src_hbm, dst_hbm, tab_hbm, a1d_hbm, zacc_hbm,
          acc_out,
          src_v, dst_v, selsrc, seldst, a1d_v, blks_v, idx_v, accs_sh,
          idx_sh, sem):
        cid = lax.axis_index("c")
        sid = lax.axis_index("s")
        zrows = (R1 + RD) // NTEC
        orows = R1 // NTEC
        pltpu.sync_copy(src_hbm.at[pl.ds(sid * EPT, EPT)], src_v)
        pltpu.sync_copy(dst_hbm.at[pl.ds(sid * EPT, EPT)], dst_v)

        def do_pass(pi, carry0):
            p = pi * NSC + cid
            r0 = p * R1
            for j in range(NB1):
                pltpu.sync_copy(zacc_hbm.at[pl.ds(sid * zrows, zrows)],
                                accs_sh[j].at[pl.ds(sid * zrows, zrows)])
            pltpu.sync_copy(a1d_hbm.at[pl.ds(r0 * 8, (R1 + RD) * 8)], a1d_v)
            plsc.subcore_barrier()

            def scan(bi, nsel):
                base = bi * KB
                s16 = src_v[pl.ds(base, KB)]
                d16 = dst_v[pl.ds(base, KB)]
                dl = d16 - r0
                m = (dl >= 0) & (dl < R1)
                plsc.store_compressed(selsrc.at[pl.ds(nsel, KB)], s16, mask=m)
                plsc.store_compressed(seldst.at[pl.ds(nsel, KB)], dl, mask=m)
                cnt = plsc.all_reduce_population_count(m)
                if cnt.ndim:
                    cnt = cnt[0]
                return nsel + cnt

            nsel = lax.fori_loop(0, EPT // KB, scan, 0)
            selsrc[pl.ds(nsel, KB)] = jnp.zeros((KB,), jnp.int32)
            seldst[pl.ds(nsel, KB)] = jnp.full((KB,), R1, jnp.int32)
            nb = (nsel + KB - 1) // KB

            def pbody(bi, carry):
                base = bi * KB
                s16 = selsrc[pl.ds(base, KB)]
                pltpu.sync_copy(seldst.at[pl.ds(base, KB)],
                                idx_sh.at[pl.ds(sid * KB, KB)])
                pltpu.sync_copy(idx_sh.at[pl.ds(sid * KB, KB)], idx_v)
                cps = [pltpu.async_copy(tab_hbm[j].at[s16], blks_v[j], sem)
                       for j in range(NB1)]
                for cp in cps:
                    cp.wait()

                def edge(e, c2):
                    de = seldst[pl.ds(base + e, KB)][0]
                    gidx = de * 8 + lax.iota(jnp.int32, KB)
                    adv = plsc.load_gather(a1d_v, [gidx])
                    v64 = blks_v[8][e, pl.ds(0, 16)]
                    shf = 8 + (lax.iota(jnp.int32, KB) & 7)
                    asv = lax.gather(
                        v64, shf[:, None],
                        lax.GatherDimensionNumbers(
                            offset_dims=(), collapsed_slice_dims=(0,),
                            start_index_map=(0,)),
                        slice_sizes=(1,),
                        mode=lax.GatherScatterMode.PROMISE_IN_BOUNDS)
                    al = asv + adv
                    al = jnp.maximum(al, al * 0.2)
                    ex = jnp.exp(al)
                    for hh in range(H):
                        s = ex[hh]
                        for j in range(C // 16):
                            col = j * 16
                            blks_v[hh][e, pl.ds(col, 16)] = (
                                blks_v[hh][e, pl.ds(col, 16)] * s)
                    blks_v[8][e, pl.ds(0, 16)] = v64 * ex
                    return c2

                lax.fori_loop(0, KB, edge, 0)
                for j in range(NB1):
                    pltpu.sync_copy(blks_v[j], accs_sh[j].at[idx_v], add=True)
                return carry

            lax.fori_loop(0, nb, pbody, 0)
            plsc.subcore_barrier()
            for j in range(NB1):
                pltpu.sync_copy(accs_sh[j].at[pl.ds(sid * orows, orows)],
                                acc_out.at[j, pl.ds(r0 + sid * orows, orows)])
            plsc.subcore_barrier()
            return carry0

        lax.fori_loop(0, NPASS // NSC, do_pass, 0)

    return k(src, dst, tabs, a1d_flat, zacc)


BLK = 256


def _k1_body(x_ref, w1_ref, a1s_ref, a1d_ref, tab_ref, aa_ref):
    h = jnp.dot(x_ref[...], w1_ref[...], preferred_element_type=jnp.float32)
    asrc = jnp.dot(h, a1s_ref[...], preferred_element_type=jnp.float32)
    adst = jnp.dot(h, a1d_ref[...], preferred_element_type=jnp.float32)
    ones = jnp.ones((BLK, 8), jnp.float32)
    zpad = jnp.zeros((BLK, L1TW - 1040), jnp.float32)
    tab_ref[...] = jnp.concatenate([h, ones, asrc, zpad], axis=1)
    zpad2 = jnp.zeros((BLK, 128 - 16), jnp.float32)
    aa_ref[...] = jnp.concatenate([asrc, adst, zpad2], axis=1)


def _tc_layer1_dense(xp, W1, A1s, A1d):
    return pl.pallas_call(
        _k1_body,
        grid=(NP // BLK,),
        in_specs=[
            pl.BlockSpec((BLK, D), lambda i: (i, 0)),
            pl.BlockSpec((D, H * C), lambda i: (0, 0)),
            pl.BlockSpec((H * C, 8), lambda i: (0, 0)),
            pl.BlockSpec((H * C, 8), lambda i: (0, 0)),
        ],
        out_specs=[
            pl.BlockSpec((BLK, L1TW), lambda i: (i, 0)),
            pl.BlockSpec((BLK, 128), lambda i: (i, 0)),
        ],
        out_shape=[
            jax.ShapeDtypeStruct((NP, L1TW), jnp.float32),
            jax.ShapeDtypeStruct((NP, 128), jnp.float32),
        ],
    )(xp, W1, A1s, A1d)


def _k3_body(acc_ref, tab_ref, aa_ref, w2_ref, b1_ref, tab2_ref):
    aa = aa_ref[...]
    al = aa[:, 0:8] + aa[:, 8:16]
    exs = jnp.exp(jnp.maximum(al, al * 0.2))
    outs = []
    for hh in range(H):
        lo = hh * C
        num = acc_ref[hh] + exs[:, hh:hh + 1] * tab_ref[:, lo:lo + C]
        den = acc_ref[8, :, hh:hh + 1] + exs[:, hh:hh + 1]
        outs.append(num / den)
    o1 = jnp.concatenate(outs, axis=1) + b1_ref[...]
    o1 = jnp.where(o1 > 0, o1, jnp.exp(o1) - 1.0)
    h2e = jnp.dot(o1, w2_ref[...], preferred_element_type=jnp.float32)
    col = lax.broadcasted_iota(jnp.int32, (BLK, L2W), 1)
    tab2_ref[...] = jnp.where(col == NC, 1.0, h2e)


def _tc_layer1_epilogue(acc1b, tab1, aa, W2ext, bias1):
    return pl.pallas_call(
        _k3_body,
        grid=(NP // BLK,),
        in_specs=[
            pl.BlockSpec((NB1, BLK, 128), lambda i: (0, i, 0)),
            pl.BlockSpec((BLK, L1TW), lambda i: (i, 0)),
            pl.BlockSpec((BLK, 128), lambda i: (i, 0)),
            pl.BlockSpec((H * C, L2W), lambda i: (0, 0)),
            pl.BlockSpec((1, H * C), lambda i: (0, 0)),
        ],
        out_specs=pl.BlockSpec((BLK, L2W), lambda i: (i, 0)),
        out_shape=jax.ShapeDtypeStruct((NP, L2W), jnp.float32),
    )(acc1b, tab1, aa, W2ext, bias1.reshape(1, H * C))


def _k4_body(acc0_ref, acc1_ref, tab2_ref, b2_ref, out_ref):
    t = tab2_ref[...]
    a2s = t[:, 41:42]
    a2d = t[:, 42:43]
    al = a2s + a2d
    exs = jnp.exp(jnp.maximum(al, al * 0.2))
    accs = acc0_ref[...] + acc1_ref[...]
    num = accs[:, 0:NC] + exs * t[:, 0:NC]
    den = accs[:, NC:NC + 1] + exs
    o = num / den + b2_ref[...]
    m = jnp.max(o, axis=1, keepdims=True)
    e = jnp.exp(o - m)
    out_ref[...] = e / jnp.sum(e, axis=1, keepdims=True)


def _tc_layer2_epilogue(acc_parts, tab2, bias2):
    b2 = bias2.reshape(1, NC)
    return pl.pallas_call(
        _k4_body,
        grid=(NP // BLK,),
        in_specs=[
            pl.BlockSpec((BLK, L2W), lambda i: (i, 0)),
            pl.BlockSpec((BLK, L2W), lambda i: (i, 0)),
            pl.BlockSpec((BLK, L2W), lambda i: (i, 0)),
            pl.BlockSpec((1, NC), lambda i: (0, 0)),
        ],
        out_specs=pl.BlockSpec((BLK, NC), lambda i: (i, 0)),
        out_shape=jax.ShapeDtypeStruct((NP, NC), jnp.float32),
    )(acc_parts[0], acc_parts[1], tab2, b2)


def kernel(x, edge_index, W1, att_src1, att_dst1, bias1, W2, att_src2, att_dst2, bias2):
    src = edge_index[0]
    dst = edge_index[1]
    xp = jnp.pad(x, ((0, NP - N), (0, 0)))
    A1s = jnp.zeros((H * C, 8), jnp.float32)
    A1s = A1s.at[jnp.arange(H * C), jnp.arange(H * C) // C].set(att_src1.reshape(-1))
    A1d = jnp.zeros((H * C, 8), jnp.float32)
    A1d = A1d.at[jnp.arange(H * C), jnp.arange(H * C) // C].set(att_dst1.reshape(-1))
    W2ext = jnp.zeros((H * C, L2W), jnp.float32)
    W2ext = W2ext.at[:, :NC].set(W2)
    W2ext = W2ext.at[:, 41].set(W2 @ att_src2.reshape(NC))
    W2ext = W2ext.at[:, 42].set(W2 @ att_dst2.reshape(NC))

    tab1, aa = _tc_layer1_dense(xp, W1, A1s, A1d)
    a1d_flat = jnp.pad(aa[:, 8:16].reshape(-1), (0, RD * 8))
    tabs = [tab1[:, j * 128:(j + 1) * 128] for j in range(NB1)]
    acc1 = _sc_layer1_edges(src, dst, tabs, a1d_flat)

    tab2 = _tc_layer1_epilogue(acc1, tab1, aa, W2ext, bias1)

    a2sp = tab2[:, 41]
    a2dp = tab2[:, 42]
    acc_parts = _sc_layer2_edges(src, dst, a2sp, a2dp, tab2)

    out = _tc_layer2_epilogue(acc_parts, tab2, bias2)
    return out[:N]

# --- scband reference (transcript-rebuilt; emitter-appended) ---
"""Pipeline reference for scband-mono-gat-1855425872578 (READ-ONLY COPY).

The authoritative reference and input builder live on the scoring server;
editing this copy changes nothing except your own understanding.
"""

import jax, jax.numpy as jnp
import numpy as np

N = 10000
E = 320000
D = 128
H = 8
C = 128
NC = 40


def setup_inputs(seed: int = 0) -> dict:
    key = jax.random.key(seed)
    ks = jax.random.split(key, 12)
    x = jax.random.normal(ks[0], (N, D), dtype=jnp.float32)
    edge_index = jax.random.randint(ks[1], (2, E), 0, N)
    # Layer 1: GATConv(128 -> 128, heads=8, concat=True)
    W1 = jax.random.normal(ks[2], (D, H * C), dtype=jnp.float32) * 0.05
    att_src1 = jax.random.normal(ks[3], (1, H, C), dtype=jnp.float32) * 0.05
    att_dst1 = jax.random.normal(ks[4], (1, H, C), dtype=jnp.float32) * 0.05
    bias1 = jnp.zeros((H * C,), dtype=jnp.float32)
    # Layer 2: GATConv(1024 -> 40, heads=1, concat=True)
    W2 = jax.random.normal(ks[5], (H * C, 1 * NC), dtype=jnp.float32) * 0.05
    att_src2 = jax.random.normal(ks[6], (1, 1, NC), dtype=jnp.float32) * 0.05
    att_dst2 = jax.random.normal(ks[7], (1, 1, NC), dtype=jnp.float32) * 0.05
    bias2 = jnp.zeros((NC,), dtype=jnp.float32)
    return {
        "x": x, "edge_index": edge_index,
        "W1": W1, "att_src1": att_src1, "att_dst1": att_dst1, "bias1": bias1,
        "W2": W2, "att_src2": att_src2, "att_dst2": att_dst2, "bias2": bias2,
    }


def _gat_conv(x, edge_index, W, att_src, att_dst, bias, heads, out_ch, concat):
    n = x.shape[0]
    # PyG GATConv default: add self-loops
    loop = jnp.arange(n, dtype=edge_index.dtype)
    src = jnp.concatenate([edge_index[0], loop])
    dst = jnp.concatenate([edge_index[1], loop])
    h = (x @ W).reshape(n, heads, out_ch)
    a_src = (h * att_src).sum(-1)  # [n, heads]
    a_dst = (h * att_dst).sum(-1)  # [n, heads]
    alpha = a_src[src] + a_dst[dst]  # gather -> [E', heads]
    alpha = jax.nn.leaky_relu(alpha, 0.2)
    amax = jax.lax.stop_gradient(jax.ops.segment_max(alpha, dst, num_segments=n))
    ex = jnp.exp(alpha - amax[dst])
    den = jax.ops.segment_sum(ex, dst, num_segments=n)
    alpha = ex / (den[dst] + 1e-16)
    # attention dropout is inactive in eval mode
    msg = h[src] * alpha[..., None]
    out = jax.ops.segment_sum(msg, dst, num_segments=n)
    if concat:
        out = out.reshape(n, heads * out_ch)
    else:
        out = out.mean(axis=1)
    return out + bias


def reference(x, edge_index, W1, att_src1, att_dst1, bias1, W2, att_src2, att_dst2, bias2):
    # eval mode: feature dropout (p=0.6) and attention dropout (p=0.3) are no-ops
    h = _gat_conv(x, edge_index, W1, att_src1, att_dst1, bias1, H, C, True)
    h = jax.nn.elu(h)
    h = _gat_conv(h, edge_index, W2, att_src2, att_dst2, bias2, 1, NC, True)
    return jax.nn.softmax(h, axis=1)

if __name__ == "__main__":
    import jax
    _d = setup_inputs()
    print(jax.jit(kernel)(*tuple(_d.values())))

</pallas_src>

<mosaic_0001>
#map = affine_map<(d0, d1) -> (0)>
#map1 = affine_map<(d0, d1) -> (0, 0)>
#map2 = affine_map<(d0, d1) -> (0, 0, 0)>
module attributes {stable_mosaic.version = 14 : i64} {
  func.func @k(%arg0: i32, %arg1: i32, %arg2: memref<320000xi32, #tpu.memory_space<hbm>>, %arg3: memref<320000xi32, #tpu.memory_space<hbm>>, %arg4: memref<10240xf32, #tpu.memory_space<hbm>>, %arg5: memref<10240xf32, #tpu.memory_space<hbm>>, %arg6: memref<10240x128xf32, #tpu.memory_space<hbm>>, %arg7: memref<10240x128xf32, #tpu.memory_space<hbm>>, %arg8: memref<2x10240x128xf32, #tpu.memory_space<hbm>>, %arg9: memref<10000xi32, #tpu.memory_space<vmem>>, %arg10: memref<10000xi32, #tpu.memory_space<vmem>>, %arg11: memref<10240xf32, #tpu.memory_space<vmem>>, %arg12: memref<10240xf32, #tpu.memory_space<vmem>>, %arg13: memref<16x128xf32, #tpu.memory_space<vmem>>, %arg14: memref<16xi32, #tpu.memory_space<vmem>>, %arg15: memref<10240x128xf32, #tpu.memory_space<vmem_shared>>, %arg16: memref<256xi32, #tpu.memory_space<vmem_shared>>, %arg17: memref<!tpu.dma_semaphore, #tpu.memory_space<semaphore_mem>>) attributes {dimension_semantics = [#tpu.dimension_semantics<core_parallel>, #tpu.dimension_semantics<subcore_parallel>], iteration_bounds = array<i64: 2, 16>, scalar_prefetch = 0 : i64, scratch_operands = 9 : i64, tpu.core_type = #tpu.core_type<sc_vector_subcore>, window_params = [{transform_indices = #map}, {transform_indices = #map}, {transform_indices = #map}, {transform_indices = #map}, {transform_indices = #map1}, {transform_indices = #map1}, {transform_indices = #map2}]} {
    %mul3A = arith.constant 2 : i32
    %mul3A_0 = arith.muli %arg1, %mul3A : i32
    %add3A = arith.addi %mul3A_0, %arg0 : i32
    %mul3A_1 = arith.constant 640 : i32
    %mul3A_2 = arith.muli %arg1, %mul3A_1 : i32
    "tpu.region"() ({
      %run_scoped3A = tpu.sem_alloc : memref<!tpu.dma_semaphore, #tpu.memory_space<semaphore_mem>>
      %dma_start3A = arith.constant 0 : i32
      %dma_start3A_13 = tpu.memref_slice %arg15[%mul3A_2, %dma_start3A] : memref<10240x128xf32, #tpu.memory_space<vmem_shared>> -> memref<640x128xf32, #tpu.memory_space<vmem_shared>>
      %dma_start3A_14 = arith.constant 0 : i32
      %dma_start3A_15 = tpu.memref_slice %arg7[%mul3A_2, %dma_start3A_14] : memref<10240x128xf32, #tpu.memory_space<hbm>> -> memref<640x128xf32, #tpu.memory_space<hbm>>
      tpu.enqueue_dma source(%dma_start3A_15 : memref<640x128xf32, #tpu.memory_space<hbm>>) target(%dma_start3A_13 : memref<640x128xf32, #tpu.memory_space<vmem_shared>>) target_semaphore(%run_scoped3A : memref<!tpu.dma_semaphore, #tpu.memory_space<semaphore_mem>>)
      %dma_wait3A = arith.constant 0 : i32
      %dma_wait3A_16 = tpu.memref_slice %arg15[%mul3A_2, %dma_wait3A] : memref<10240x128xf32, #tpu.memory_space<vmem_shared>> -> memref<640x128xf32, #tpu.memory_space<vmem_shared>>
      %dma_wait3A_17 = arith.constant 0 : i32
      %dma_wait3A_18 = tpu.memref_slice %arg7[%mul3A_2, %dma_wait3A_17] : memref<10240x128xf32, #tpu.memory_space<hbm>> -> memref<640x128xf32, #tpu.memory_space<hbm>>
      tpu.wait_dma2 semaphore(%run_scoped3A : memref<!tpu.dma_semaphore, #tpu.memory_space<semaphore_mem>>) src(%dma_wait3A_18 : memref<640x128xf32, #tpu.memory_space<hbm>>) dst(%dma_wait3A_16 : memref<640x128xf32, #tpu.memory_space<vmem_shared>>)
      tpu.yield
    }) : () -> ()
    %mul3A_3 = arith.constant 10000 : i32
    %mul3A_4 = arith.muli %add3A, %mul3A_3 : i32
    "tpu.region"() ({
      %run_scoped3A = tpu.sem_alloc : memref<!tpu.dma_semaphore, #tpu.memory_space<semaphore_mem>>
      %dma_start3A = tpu.memref_slice %arg2[%mul3A_4] : memref<320000xi32, #tpu.memory_space<hbm>> -> memref<10000xi32, #tpu.memory_space<hbm>>
      %dma_start3A_13 = tpu.memref_slice %arg2[%mul3A_4] : memref<320000xi32, #tpu.memory_space<hbm>> -> memref<10000xi32, #tpu.memory_space<hbm>>
      tpu.enqueue_dma source(%dma_start3A_13 : memref<10000xi32, #tpu.memory_space<hbm>>) target(%arg9 : memref<10000xi32, #tpu.memory_space<vmem>>) target_semaphore(%run_scoped3A : memref<!tpu.dma_semaphore, #tpu.memory_space<semaphore_mem>>)
      %dma_wait3A = tpu.memref_slice %arg2[%mul3A_4] : memref<320000xi32, #tpu.memory_space<hbm>> -> memref<10000xi32, #tpu.memory_space<hbm>>
      %dma_wait3A_14 = tpu.memref_slice %arg2[%mul3A_4] : memref<320000xi32, #tpu.memory_space<hbm>> -> memref<10000xi32, #tpu.memory_space<hbm>>
      tpu.wait_dma2 semaphore(%run_scoped3A : memref<!tpu.dma_semaphore, #tpu.memory_space<semaphore_mem>>) src(%dma_wait3A_14 : memref<10000xi32, #tpu.memory_space<hbm>>) dst(%arg9 : memref<10000xi32, #tpu.memory_space<vmem>>)
      tpu.yield
    }) : () -> ()
    %mul3A_5 = arith.constant 10000 : i32
    %mul3A_6 = arith.muli %add3A, %mul3A_5 : i32
    "tpu.region"() ({
      %run_scoped3A = tpu.sem_alloc : memref<!tpu.dma_semaphore, #tpu.memory_space<semaphore_mem>>
      %dma_start3A = tpu.memref_slice %arg3[%mul3A_6] : memref<320000xi32, #tpu.memory_space<hbm>> -> memref<10000xi32, #tpu.memory_space<hbm>>
      %dma_start3A_13 = tpu.memref_slice %arg3[%mul3A_6] : memref<320000xi32, #tpu.memory_space<hbm>> -> memref<10000xi32, #tpu.memory_space<hbm>>
      tpu.enqueue_dma source(%dma_start3A_13 : memref<10000xi32, #tpu.memory_space<hbm>>) target(%arg10 : memref<10000xi32, #tpu.memory_space<vmem>>) target_semaphore(%run_scoped3A : memref<!tpu.dma_semaphore, #tpu.memory_space<semaphore_mem>>)
      %dma_wait3A = tpu.memref_slice %arg3[%mul3A_6] : memref<320000xi32, #tpu.memory_space<hbm>> -> memref<10000xi32, #tpu.memory_space<hbm>>
      %dma_wait3A_14 = tpu.memref_slice %arg3[%mul3A_6] : memref<320000xi32, #tpu.memory_space<hbm>> -> memref<10000xi32, #tpu.memory_space<hbm>>
      tpu.wait_dma2 semaphore(%run_scoped3A : memref<!tpu.dma_semaphore, #tpu.memory_space<semaphore_mem>>) src(%dma_wait3A_14 : memref<10000xi32, #tpu.memory_space<hbm>>) dst(%arg10 : memref<10000xi32, #tpu.memory_space<vmem>>)
      tpu.yield
    }) : () -> ()
    "tpu.region"() ({
      %run_scoped3A = tpu.sem_alloc : memref<!tpu.dma_semaphore, #tpu.memory_space<semaphore_mem>>
      tpu.enqueue_dma source(%arg4 : memref<10240xf32, #tpu.memory_space<hbm>>) target(%arg11 : memref<10240xf32, #tpu.memory_space<vmem>>) target_semaphore(%run_scoped3A : memref<!tpu.dma_semaphore, #tpu.memory_space<semaphore_mem>>)
      tpu.wait_dma2 semaphore(%run_scoped3A : memref<!tpu.dma_semaphore, #tpu.memory_space<semaphore_mem>>) src(%arg4 : memref<10240xf32, #tpu.memory_space<hbm>>) dst(%arg11 : memref<10240xf32, #tpu.memory_space<vmem>>)
      tpu.yield
    }) : () -> ()
    "tpu.region"() ({
      %run_scoped3A = tpu.sem_alloc : memref<!tpu.dma_semaphore, #tpu.memory_space<semaphore_mem>>
      tpu.enqueue_dma source(%arg5 : memref<10240xf32, #tpu.memory_space<hbm>>) target(%arg12 : memref<10240xf32, #tpu.memory_space<vmem>>) target_semaphore(%run_scoped3A : memref<!tpu.dma_semaphore, #tpu.memory_space<semaphore_mem>>)
      tpu.wait_dma2 semaphore(%run_scoped3A : memref<!tpu.dma_semaphore, #tpu.memory_space<semaphore_mem>>) src(%arg5 : memref<10240xf32, #tpu.memory_space<hbm>>) dst(%arg12 : memref<10240xf32, #tpu.memory_space<vmem>>)
      tpu.yield
    }) : () -> ()
    %barrier3A = arith.constant 0 : index
    tpu.barrier barrier_id(%barrier3A)
    %scan3A = arith.constant 0 : i32
    %scan3A_7 = arith.constant 0 : i32
    %scan3A_8 = arith.constant 625 : i32
    %scan3A_9 = arith.addi %scan3A_7, %scan3A_8 : i32
    %scan3A_10 = arith.constant 1 : i32
    scf.for %scan3A_13 = %scan3A_7 to %scan3A_9 step %scan3A_10  : i32 {
      %mul3A_14 = arith.constant 16 : i32
      %mul3A_15 = arith.muli %scan3A_13, %mul3A_14 : i32
      %get3A = arith.index_cast %mul3A_15 : i32 to index
      %get3A_16 = tpu.vector_load %arg9[%get3A] {strides = array<i32>} : memref<10000xi32, #tpu.memory_space<vmem>>, vector<16xi32>,
      %get3A_17 = arith.index_cast %mul3A_15 : i32 to index
      %get3A_18 = tpu.vector_load %arg10[%get3A_17] {strides = array<i32>} : memref<10000xi32, #tpu.memory_space<vmem>>, vector<16xi32>,
      %gather3A = tpu.vector_load_idx %arg11[%get3A_16] : memref<10240xf32, #tpu.memory_space<vmem>>[vector<16xi32>], vector<16xf32>,
      %gather3A_19 = tpu.vector_load_idx %arg12[%get3A_18] : memref<10240xf32, #tpu.memory_space<vmem>>[vector<16xi32>], vector<16xf32>,
      %add3A_20 = arith.addf %gather3A, %gather3A_19 : vector<16xf32>
      %mul3A_21 = arith.constant 2.000000e-01 : f32
      %mul3A_22 = vector.broadcast %mul3A_21 : f32 to vector<16xf32>
      %mul3A_23 = arith.mulf %add3A_20, %mul3A_22 : vector<16xf32>
      %max3A = arith.maximumf %add3A_20, %mul3A_23 : vector<16xf32>
      %exp3A = math.exp %max3A : vector<16xf32>
      %mul3A_24 = arith.constant 16 : i32
      %mul3A_25 = arith.muli %arg1, %mul3A_24 : i32
      "tpu.region"() ({
        %run_scoped3A = tpu.sem_alloc : memref<!tpu.dma_semaphore, #tpu.memory_space<semaphore_mem>>
        %dma_start3A_1341 = tpu.memref_slice %arg10[%mul3A_15] : memref<10000xi32, #tpu.memory_space<vmem>> -> memref<16xi32, #tpu.memory_space<vmem>>
        %dma_start3A_1342 = tpu.memref_slice %arg16[%mul3A_25] : memref<256xi32, #tpu.memory_space<vmem_shared>> -> memref<16xi32, #tpu.memory_space<vmem_shared>>
        %dma_start3A_1343 = tpu.memref_slice %arg16[%mul3A_25] : memref<256xi32, #tpu.memory_space<vmem_shared>> -> memref<16xi32, #tpu.memory_space<vmem_shared>>
        %dma_start3A_1344 = tpu.memref_slice %arg10[%mul3A_15] : memref<10000xi32, #tpu.memory_space<vmem>> -> memref<16xi32, #tpu.memory_space<vmem>>
        tpu.enqueue_dma source(%dma_start3A_1344 : memref<16xi32, #tpu.memory_space<vmem>>) target(%dma_start3A_1343 : memref<16xi32, #tpu.memory_space<vmem_shared>>) target_semaphore(%run_scoped3A : memref<!tpu.dma_semaphore, #tpu.memory_space<semaphore_mem>>)
        %dma_wait3A_1345 = tpu.memref_slice %arg10[%mul3A_15] : memref<10000xi32, #tpu.memory_space<vmem>> -> memref<16xi32, #tpu.memory_space<vmem>>
        %dma_wait3A_1346 = tpu.memref_slice %arg16[%mul3A_25] : memref<256xi32, #tpu.memory_space<vmem_shared>> -> memref<16xi32, #tpu.memory_space<vmem_shared>>
        %dma_wait3A_1347 = tpu.memref_slice %arg16[%mul3A_25] : memref<256xi32, #tpu.memory_space<vmem_shared>> -> memref<16xi32, #tpu.memory_space<vmem_shared>>
        %dma_wait3A_1348 = tpu.memref_slice %arg10[%mul3A_15] : memref<10000xi32, #tpu.memory_space<vmem>> -> memref<16xi32, #tpu.memory_space<vmem>>
        tpu.wait_dma2 semaphore(%run_scoped3A : memref<!tpu.dma_semaphore, #tpu.memory_space<semaphore_mem>>) src(%dma_wait3A_1348 : memref<16xi32, #tpu.memory_space<vmem>>) dst(%dma_wait3A_1347 : memref<16xi32, #tpu.memory_space<vmem_shared>>)
        tpu.yield
      }) : () -> ()
      %mul3A_26 = arith.constant 16 : i32
      %mul3A_27 = arith.muli %arg1, %mul3A_26 : i32
      "tpu.region"() ({
        %run_scoped3A = tpu.sem_alloc : memref<!tpu.dma_semaphore, #tpu.memory_space<semaphore_mem>>
        %dma_start3A_1341 = tpu.memref_slice %arg16[%mul3A_27] : memref<256xi32, #tpu.memory_space<vmem_shared>> -> memref<16xi32, #tpu.memory_space<vmem_shared>>
        %dma_start3A_1342 = tpu.memref_slice %arg16[%mul3A_27] : memref<256xi32, #tpu.memory_space<vmem_shared>> -> memref<16xi32, #tpu.memory_space<vmem_shared>>
        tpu.enqueue_dma source(%dma_start3A_1342 : memref<16xi32, #tpu.memory_space<vmem_shared>>) target(%arg14 : memref<16xi32, #tpu.memory_space<vmem>>) target_semaphore(%run_scoped3A : memref<!tpu.dma_semaphore, #tpu.memory_space<semaphore_mem>>)
        %dma_wait3A_1343 = tpu.memref_slice %arg16[%mul3A_27] : memref<256xi32, #tpu.memory_space<vmem_shared>> -> memref<16xi32, #tpu.memory_space<vmem_shared>>
        %dma_wait3A_1344 = tpu.memref_slice %arg16[%mul3A_27] : memref<256xi32, #tpu.memory_space<vmem_shared>> -> memref<16xi32, #tpu.memory_space<vmem_shared>>
        tpu.wait_dma2 semaphore(%run_scoped3A : memref<!tpu.dma_semaphore, #tpu.memory_space<semaphore_mem>>) src(%dma_wait3A_1344 : memref<16xi32, #tpu.memory_space<vmem_shared>>) dst(%arg14 : memref<16xi32, #tpu.memory_space<vmem>>)
        tpu.yield
      }) : () -> ()
      %dma_start3A = arith.constant 0 : i32
      %dma_start3A_28 = arith.constant 0 : i32
      %dma_start3A_29 = tpu.memref_slice %arg6[%dma_start3A, %dma_start3A_28] : memref<10240x128xf32, #tpu.memory_space<hbm>> -> memref<10240x128xf32, #tpu.memory_space<hbm>>
      tpu.enqueue_indirect_dma source(%dma_start3A_29 : memref<10240x128xf32, #tpu.memory_space<hbm>>) target(%arg13 : memref<16x128xf32, #tpu.memory_space<vmem>>) offsets(%get3A_16 : vector<16xi32>) semaphore(%arg17 : memref<!tpu.dma_semaphore, #tpu.memory_space<semaphore_mem>>)
      %dma_wait3A = arith.constant 0 : i32
      %dma_wait3A_30 = arith.constant 0 : i32
      %dma_wait3A_31 = tpu.memref_slice %arg6[%dma_wait3A, %dma_wait3A_30] : memref<10240x128xf32, #tpu.memory_space<hbm>> -> memref<10240x128xf32, #tpu.memory_space<hbm>>
      tpu.wait_indirect_dma semaphore(%arg17 : memref<!tpu.dma_semaphore, #tpu.memory_space<semaphore_mem>>) src(%dma_wait3A_31 : memref<10240x128xf32, #tpu.memory_space<hbm>>) dst(%arg13 : memref<16x128xf32, #tpu.memory_space<vmem>>)
      %slice3A = vector.extract_strided_slice %exp3A {offsets = [0], sizes = [1], strides = [1]} : vector<16xf32> to vector<1xf32>
      %squeeze3A = vector.extract %slice3A[0] : f32 from vector<1xf32>
      %get3A_32 = arith.constant 0 : i32
      %get3A_33 = arith.index_cast %get3A_32 : i32 to index
      %get3A_34 = arith.constant 0 : index
      %get3A_35 = tpu.vector_load %arg13[%get3A_33, %get3A_34] {strides = array<i32>} : memref<16x128xf32, #tpu.memory_space<vmem>>, vector<16xf32>,
      %mul3A_36 = vector.broadcast %squeeze3A : f32 to vector<16xf32>
      %mul3A_37 = arith.mulf %get3A_35, %mul3A_36 : vector<16xf32>
      %swap3A = arith.constant 0 : i32
      %swap3A_38 = arith.index_cast %swap3A : i32 to index
      %swap3A_39 = arith.constant 0 : index
      %swap3A_40 = tpu.vector_load %arg13[%swap3A_38, %swap3A_39] {strides = array<i32>} : memref<16x128xf32, #tpu.memory_space<vmem>>, vector<16xf32>,
      tpu.vector_store %arg13[%swap3A_38, %swap3A_39], %mul3A_37 {strides = array<i32>} : memref<16x128xf32, #tpu.memory_space<vmem>>, vector<16xf32>,
      %get3A_41 = arith.constant 0 : i32
      %get3A_42 = arith.index_cast %get3A_41 : i32 to index
      %get3A_43 = arith.constant 16 : index
      %get3A_44 = tpu.vector_load %arg13[%get3A_42, %get3A_43] {strides = array<i32>} : memref<16x128xf32, #tpu.memory_space<vmem>>, vector<16xf32>,
      %mul3A_45 = vector.broadcast %squeeze3A : f32 to vector<16xf32>
      %mul3A_46 = arith.mulf %get3A_44, %mul3A_45 : vector<16xf32>
      %swap3A_47 = arith.constant 0 : i32
      %swap3A_48 = arith.index_cast %swap3A_47 : i32 to index
      %swap3A_49 = arith.constant 16 : index
      %swap3A_50 = tpu.vector_load %arg13[%swap3A_48, %swap3A_49] {strides = array<i32>} : memref<16x128xf32, #tpu.memory_space<vmem>>, vector<16xf32>,
      tpu.vector_store %arg13[%swap3A_48, %swap3A_49], %mul3A_46 {strides = array<i32>} : memref<16x128xf32, #tpu.memory_space<vmem>>, vector<16xf32>,
      %get3A_51 = arith.constant 0 : i32
      %get3A_52 = arith.index_cast %get3A_51 : i32 to index
      %get3A_53 = arith.constant 32 : index
      %get3A_54 = tpu.vector_load %arg13[%get3A_52, %get3A_53] {strides = array<i32>} : memref<16x128xf32, #tpu.memory_space<vmem>>, vector<16xf32>,
      %mul3A_55 = vector.broadcast %squeeze3A : f32 to vector<16xf32>
      %mul3A_56 = arith.mulf %get3A_54, %mul3A_55 : vector<16xf32>
      %swap3A_57 = arith.constant 0 : i32
      %swap3A_58 = arith.index_cast %swap3A_57 : i32 to index
      %swap3A_59 = arith.constant 32 : index
      %swap3A_60 = tpu.vector_load %arg13[%swap3A_58, %swap3A_59] {strides = array<i32>} : memref<16x128xf32, #tpu.memory_space<vmem>>, vector<16xf32>,
      tpu.vector_store %arg13[%swap3A_58, %swap3A_59], %mul3A_56 {strides = array<i32>} : memref<16x128xf32, #tpu.memory_space<vmem>>, vector<16xf32>,
      %get3A_61 = arith.constant 0 : i32
      %get3A_62 = arith.index_cast %get3A_61 : i32 to index
      %get3A_63 = arith.constant 48 : index
      %get3A_64 = tpu.vector_load %arg13[%get3A_62, %get3A_63] {strides = array<i32>} : memref<16x128xf32, #tpu.memory_space<vmem>>, vector<16xf32>,
      %mul3A_65 = vector.broadcast %squeeze3A : f32 to vector<16xf32>
      %mul3A_66 = arith.mulf %get3A_64, %mul3A_65 : vector<16xf32>
      %swap3A_67 = arith.constant 0 : i32
      %swap3A_68 = arith.index_cast %swap3A_67 : i32 to index
      %swap3A_69 = arith.constant 48 : index
      %swap3A_70 = tpu.vector_load %arg13[%swap3A_68, %swap3A_69] {strides = array<i32>} : memref<16x128xf32, #tpu.memory_space<vmem>>, vector<16xf32>,
      tpu.vector_store %arg13[%swap3A_68, %swap3A_69], %mul3A_66 {strides = array<i32>} : memref<16x128xf32, #tpu.memory_space<vmem>>, vector<16xf32>,
      %get3A_71 = arith.constant 0 : i32
      %get3A_72 = arith.index_cast %get3A_71 : i32 to index
      %get3A_73 = arith.constant 64 : index
      %get3A_74 = tpu.vector_load %arg13[%get3A_72, %get3A_73] {strides = array<i32>} : memref<16x128xf32, #tpu.memory_space<vmem>>, vector<16xf32>,
      %mul3A_75 = vector.broadcast %squeeze3A : f32 to vector<16xf32>
      %mul3A_76 = arith.mulf %get3A_74, %mul3A_75 : vector<16xf32>
      %swap3A_77 = arith.constant 0 : i32
      %swap3A_78 = arith.index_cast %swap3A_77 : i32 to index
      %swap3A_79 = arith.constant 64 : index
      %swap3A_80 = tpu.vector_load %arg13[%swap3A_78, %swap3A_79] {strides = array<i32>} : memref<16x128xf32, #tpu.memory_space<vmem>>, vector<16xf32>,
      tpu.vector_store %arg13[%swap3A_78, %swap3A_79], %mul3A_76 {strides = array<i32>} : memref<16x128xf32, #tpu.memory_space<vmem>>, vector<16xf32>,
      %get3A_81 = arith.constant 0 : i32
      %get3A_82 = arith.index_cast %get3A_81 : i32 to index
      %get3A_83 = arith.constant 80 : index
      %get3A_84 = tpu.vector_load %arg13[%get3A_82, %get3A_83] {strides = array<i32>} : memref<16x128xf32, #tpu.memory_space<vmem>>, vector<16xf32>,
      %mul3A_85 = vector.broadcast %squeeze3A : f32 to vector<16xf32>
      %mul3A_86 = arith.mulf %get3A_84, %mul3A_85 : vector<16xf32>
      %swap3A_87 = arith.constant 0 : i32
      %swap3A_88 = arith.index_cast %swap3A_87 : i32 to index
      %swap3A_89 = arith.constant 80 : index
      %swap3A_90 = tpu.vector_load %arg13[%swap3A_88, %swap3A_89] {strides = array<i32>} : memref<16x128xf32, #tpu.memory_space<vmem>>, vector<16xf32>,
      tpu.vector_store %arg13[%swap3A_88, %swap3A_89], %mul3A_86 {strides = array<i32>} : memref<16x128xf32, #tpu.memory_space<vmem>>, vector<16xf32>,
      %get3A_91 = arith.constant 0 : i32
      %get3A_92 = arith.index_cast %get3A_91 : i32 to index
      %get3A_93 = arith.constant 96 : index
      %get3A_94 = tpu.vector_load %arg13[%get3A_92, %get3A_93] {strides = array<i32>} : memref<16x128xf32, #tpu.memory_space<vmem>>, vector<16xf32>,
      %mul3A_95 = vector.broadcast %squeeze3A : f32 to vector<16xf32>
      %mul3A_96 = arith.mulf %get3A_94, %mul3A_95 : vector<16xf32>
      %swap3A_97 = arith.constant 0 : i32
      %swap3A_98 = arith.index_cast %swap3A_97 : i32 to index
      %swap3A_99 = arith.constant 96 : index
      %swap3A_100 = tpu.vector_load %arg13[%swap3A_98, %swap3A_99] {strides = array<i32>} : memref<16x128xf32, #tpu.memory_space<vmem>>, vector<16xf32>,
      tpu.vector_store %arg13[%swap3A_98, %swap3A_99], %mul3A_96 {strides = array<i32>} : memref<16x128xf32, #tpu.memory_space<vmem>>, vector<16xf32>,
      %get3A_101 = arith.constant 0 : i32
      %get3A_102 = arith.index_cast %get3A_101 : i32 to index
      %get3A_103 = arith.constant 112 : index
      %get3A_104 = tpu.vector_load %arg13[%get3A_102, %get3A_103] {strides = array<i32>} : memref<16x128xf32, #tpu.memory_space<vmem>>, vector<16xf32>,
      %mul3A_105 = vector.broadcast %squeeze3A : f32 to vector<16xf32>
      %mul3A_106 = arith.mulf %get3A_104, %mul3A_105 : vector<16xf32>
      %swap3A_107 = arith.constant 0 : i32
      %swap3A_108 = arith.index_cast %swap3A_107 : i32 to index
      %swap3A_109 = arith.constant 112 : index
      %swap3A_110 = tpu.vector_load %arg13[%swap3A_108, %swap3A_109] {strides = array<i32>} : memref<16x128xf32, #tpu.memory_space<vmem>>, vector<16xf32>,
      tpu.vector_store %arg13[%swap3A_108, %swap3A_109], %mul3A_106 {strides = array<i32>} : memref<16x128xf32, #tpu.memory_space<vmem>>, vector<16xf32>,
      %slice3A_111 = vector.extract_strided_slice %exp3A {offsets = [1], sizes = [1], strides = [1]} : vector<16xf32> to vector<1xf32>
      %squeeze3A_112 = vector.extract %slice3A_111[0] : f32 from vector<1xf32>
      %get3A_113 = arith.constant 1 : i32
      %get3A_114 = arith.index_cast %get3A_113 : i32 to index
      %get3A_115 = arith.constant 0 : index
      %get3A_116 = tpu.vector_load %arg13[%get3A_114, %get3A_115] {strides = array<i32>} : memref<16x128xf32, #tpu.memory_space<vmem>>, vector<16xf32>,
      %mul3A_117 = vector.broadcast %squeeze3A_112 : f32 to vector<16xf32>
      %mul3A_118 = arith.mulf %get3A_116, %mul3A_117 : vector<16xf32>
      %swap3A_119 = arith.constant 1 : i32
      %swap3A_120 = arith.index_cast %swap3A_119 : i32 to index
      %swap3A_121 = arith.constant 0 : index
      %swap3A_122 = tpu.vector_load %arg13[%swap3A_120, %swap3A_121] {strides = array<i32>} : memref<16x128xf32, #tpu.memory_space<vmem>>, vector<16xf32>,
      tpu.vector_store %arg13[%swap3A_120, %swap3A_121], %mul3A_118 {strides = array<i32>} : memref<16x128xf32, #tpu.memory_space<vmem>>, vector<16xf32>,
      %get3A_123 = arith.constant 1 : i32
      %get3A_124 = arith.index_cast %get3A_123 : i32 to index
      %get3A_125 = arith.constant 16 : index
      %get3A_126 = tpu.vector_load %arg13[%get3A_124, %get3A_125] {strides = array<i32>} : memref<16x128xf32, #tpu.memory_space<vmem>>, vector<16xf32>,
      %mul3A_127 = vector.broadcast %squeeze3A_112 : f32 to vector<16xf32>
      %mul3A_128 = arith.mulf %get3A_126, %mul3A_127 : vector<16xf32>
      %swap3A_129 = arith.constant 1 : i32
      %swap3A_130 = arith.index_cast %swap3A_129 : i32 to index
      %swap3A_131 = arith.constant 16 : index
      %swap3A_132 = tpu.vector_load %arg13[%swap3A_130, %swap3A_131] {strides = array<i32>} : memref<16x128xf32, #tpu.memory_space<vmem>>, vector<16xf32>,
      tpu.vector_store %arg13[%swap3A_130, %swap3A_131], %mul3A_128 {strides = array<i32>} : memref<16x128xf32, #tpu.memory_space<vmem>>, vector<16xf32>,
      %get3A_133 = arith.constant 1 : i32
      %get3A_134 = arith.index_cast %get3A_133 : i32 to index
      %get3A_135 = arith.constant 32 : index
      %get3A_136 = tpu.vector_load %arg13[%get3A_134, %get3A_135] {strides = array<i32>} : memref<16x128xf32, #tpu.memory_space<vmem>>, vector<16xf32>,
      %mul3A_137 = vector.broadcast %squeeze3A_112 : f32 to vector<16xf32>
      %mul3A_138 = arith.mulf %get3A_136, %mul3A_137 : vector<16xf32>
      %swap3A_139 = arith.constant 1 : i32
      %swap3A_140 = arith.index_cast %swap3A_139 : i32 to index
      %swap3A_141 = arith.constant 32 : index
      %swap3A_142 = tpu.vector_load %arg13[%swap3A_140, %swap3A_141] {strides = array<i32>} : memref<16x128xf32, #tpu.memory_space<vmem>>, vector<16xf32>,
      tpu.vector_store %arg13[%swap3A_140, %swap3A_141], %mul3A_138 {strides = array<i32>} : memref<16x128xf32, #tpu.memory_space<vmem>>, vector<16xf32>,
      %get3A_143 = arith.constant 1 : i32
      %get3A_144 = arith.index_cast %get3A_143 : i32 to index
      %get3A_145 = arith.constant 48 : index
      %get3A_146 = tpu.vector_load %arg13[%get3A_144, %get3A_145] {strides = array<i32>} : memref<16x128xf32, #tpu.memory_space<vmem>>, vector<16xf32>,
      %mul3A_147 = vector.broadcast %squeeze3A_112 : f32 to vector<16xf32>
      %mul3A_148 = arith.mulf %get3A_146, %mul3A_147 : vector<16xf32>
      %swap3A_149 = arith.constant 1 : i32
      %swap3A_150 = arith.index_cast %swap3A_149 : i32 to index
      %swap3A_151 = arith.constant 48 : index
      %swap3A_152 = tpu.vector_load %arg13[%swap3A_150, %swap3A_151] {strides = array<i32>} : memref<16x128xf32, #tpu.memory_space<vmem>>, vector<16xf32>,
      tpu.vector_store %arg13[%swap3A_150, %swap3A_151], %mul3A_148 {strides = array<i32>} : memref<16x128xf32, #tpu.memory_space<vmem>>, vector<16xf32>,
      %get3A_153 = arith.constant 1 : i32
      %get3A_154 = arith.index_cast %get3A_153 : i32 to index
      %get3A_155 = arith.constant 64 : index
      %get3A_156 = tpu.vector_load %arg13[%get3A_154, %get3A_155] {strides = array<i32>} : memref<16x128xf32, #tpu.memory_space<vmem>>, vector<16xf32>,
      %mul3A_157 = vector.broadcast %squeeze3A_112 : f32 to vector<16xf32>
      %mul3A_158 = arith.mulf %get3A_156, %mul3A_157 : vector<16xf32>
      %swap3A_159 = arith.constant 1 : i32
      %swap3A_160 = arith.index_cast %swap3A_159 : i32 to index
      %swap3A_161 = arith.constant 64 : index
      %swap3A_162 = tpu.vector_load %arg13[%swap3A_160, %swap3A_161] {strides = array<i32>} : memref<16x128xf32, #tpu.memory_space<vmem>>, vector<16xf32>,
      tpu.vector_store %arg13[%swap3A_160, %swap3A_161], %mul3A_158 {strides = array<i32>} : memref<16x128xf32, #tpu.memory_space<vmem>>, vector<16xf32>,
      %get3A_163 = arith.constant 1 : i32
      %get3A_164 = arith.index_cast %get3A_163 : i32 to index
      %get3A_165 = arith.constant 80 : index
      %get3A_166 = tpu.vector_load %arg13[%get3A_164, %get3A_165] {strides = array<i32>} : memref<16x128xf32, #tpu.memory_space<vmem>>, vector<16xf32>,
      %mul3A_167 = vector.broadcast %squeeze3A_112 : f32 to vector<16xf32>
      %mul3A_168 = arith.mulf %get3A_166, %mul3A_167 : vector<16xf32>
      %swap3A_169 = arith.constant 1 : i32
      %swap3A_170 = arith.index_cast %swap3A_169 : i32 to index
      %swap3A_171 = arith.constant 80 : index
      %swap3A_172 = tpu.vector_load %arg13[%swap3A_170, %swap3A_171] {strides = array<i32>} : memref<16x128xf32, #tpu.memory_space<vmem>>, vector<16xf32>,
      tpu.vector_store %arg13[%swap3A_170, %swap3A_171], %mul3A_168 {strides = array<i32>} : memref<16x128xf32, #tpu.memory_space<vmem>>, vector<16xf32>,
      %get3A_173 = arith.constant 1 : i32
      %get3A_174 = arith.index_cast %get3A_173 : i32 to index
      %get3A_175 = arith.constant 96 : index
      %get3A_176 = tpu.vector_load %arg13[%get3A_174, %get3A_175] {strides = array<i32>} : memref<16x128xf32, #tpu.memory_space<vmem>>, vector<16xf32>,
      %mul3A_177 = vector.broadcast %squeeze3A_112 : f32 to vector<16xf32>
      %mul3A_178 = arith.mulf %get3A_176, %mul3A_177 : vector<16xf32>
      %swap3A_179 = arith.constant 1 : i32
      %swap3A_180 = arith.index_cast %swap3A_179 : i32 to index
      %swap3A_181 = arith.constant 96 : index
      %swap3A_182 = tpu.vector_load %arg13[%swap3A_180, %swap3A_181] {strides = array<i32>} : memref<16x128xf32, #tpu.memory_space<vmem>>, vector<16xf32>,
      tpu.vector_store %arg13[%swap3A_180, %swap3A_181], %mul3A_178 {strides = array<i32>} : memref<16x128xf32, #tpu.memory_space<vmem>>, vector<16xf32>,
      %get3A_183 = arith.constant 1 : i32
      %get3A_184 = arith.index_cast %get3A_183 : i32 to index
      %get3A_185 = arith.constant 112 : index
      %get3A_186 = tpu.vector_load %arg13[%get3A_184, %get3A_185] {strides = array<i32>} : memref<16x128xf32, #tpu.memory_space<vmem>>, vector<16xf32>,
      %mul3A_187 = vector.broadcast %squeeze3A_112 : f32 to vector<16xf32>
      %mul3A_188 = arith.mulf %get3A_186, %mul3A_187 : vector<16xf32>
      %swap3A_189 = arith.constant 1 : i32
      %swap3A_190 = arith.index_cast %swap3A_189 : i32 to index
      %swap3A_191 = arith.constant 112 : index
      %swap3A_192 = tpu.vector_load %arg13[%swap3A_190, %swap3A_191] {strides = array<i32>} : memref<16x128xf32, #tpu.memory_space<vmem>>, vector<16xf32>,
      tpu.vector_store %arg13[%swap3A_190, %swap3A_191], %mul3A_188 {strides = array<i32>} : memref<16x128xf32, #tpu.memory_space<vmem>>, vector<16xf32>,
      %slice3A_193 = vector.extract_strided_slice %exp3A {offsets = [2], sizes = [1], strides = [1]} : vector<16xf32> to vector<1xf32>
      %squeeze3A_194 = vector.extract %slice3A_193[0] : f32 from vector<1xf32>
      %get3A_195 = arith.constant 2 : i32
      %get3A_196 = arith.index_cast %get3A_195 : i32 to index
      %get3A_197 = arith.constant 0 : index
      %get3A_198 = tpu.vector_load %arg13[%get3A_196, %get3A_197] {strides = array<i32>} : memref<16x128xf32, #tpu.memory_space<vmem>>, vector<16xf32>,
      %mul3A_199 = vector.broadcast %squeeze3A_194 : f32 to vector<16xf32>
      %mul3A_200 = arith.mulf %get3A_198, %mul3A_199 : vector<16xf32>
      %swap3A_201 = arith.constant 2 : i32
      %swap3A_202 = arith.index_cast %swap3A_201 : i32 to index
      %swap3A_203 = arith.constant 0 : index
      %swap3A_204 = tpu.vector_load %arg13[%swap3A_202, %swap3A_203] {strides = array<i32>} : memref<16x128xf32, #tpu.memory_space<vmem>>, vector<16xf32>,
      tpu.vector_store %arg13[%swap3A_202, %swap3A_203], %mul3A_200 {strides = array<i32>} : memref<16x128xf32, #tpu.memory_space<vmem>>, vector<16xf32>,
      %get3A_205 = arith.constant 2 : i32
      %get3A_206 = arith.index_cast %get3A_205 : i32 to index
      %get3A_207 = arith.constant 16 : index
      %get3A_208 = tpu.vector_load %arg13[%get3A_206, %get3A_207] {strides = array<i32>} : memref<16x128xf32, #tpu.memory_space<vmem>>, vector<16xf32>,
      %mul3A_209 = vector.broadcast %squeeze3A_194 : f32 to vector<16xf32>
      %mul3A_210 = arith.mulf %get3A_208, %mul3A_209 : vector<16xf32>
      %swap3A_211 = arith.constant 2 : i32
      %swap3A_212 = arith.index_cast %swap3A_211 : i32 to index
      %swap3A_213 = arith.constant 16 : index
      %swap3A_214 = tpu.vector_load %arg13[%swap3A_212, %swap3A_213] {strides = array<i32>} : memref<16x128xf32, #tpu.memory_space<vmem>>, vector<16xf32>,
      tpu.vector_store %arg13[%swap3A_212, %swap3A_213], %mul3A_210 {strides = array<i32>} : memref<16x128xf32, #tpu.memory_space<vmem>>, vector<16xf32>,
      %get3A_215 = arith.constant 2 : i32
      %get3A_216 = arith.index_cast %get3A_215 : i32 to index
      %get3A_217 = arith.constant 32 : index
      %get3A_218 = tpu.vector_load %arg13[%get3A_216, %get3A_217] {strides = array<i32>} : memref<16x128xf32, #tpu.memory_space<vmem>>, vector<16xf32>,
      %mul3A_219 = vector.broadcast %squeeze3A_194 : f32 to vector<16xf32>
      %mul3A_220 = arith.mulf %get3A_218, %mul3A_219 : vector<16xf32>
      %swap3A_221 = arith.constant 2 : i32
      %swap3A_222 = arith.index_cast %swap3A_221 : i32 to index
      %swap3A_223 = arith.constant 32 : index
      %swap3A_224 = tpu.vector_load %arg13[%swap3A_222, %swap3A_223] {strides = array<i32>} : memref<16x128xf32, #tpu.memory_space<vmem>>, vector<16xf32>,
      tpu.vector_store %arg13[%swap3A_222, %swap3A_223], %mul3A_220 {strides = array<i32>} : memref<16x128xf32, #tpu.memory_space<vmem>>, vector<16xf32>,
      %get3A_225 = arith.constant 2 : i32
      %get3A_226 = arith.index_cast %get3A_225 : i32 to index
      %get3A_227 = arith.constant 48 : index
      %get3A_228 = tpu.vector_load %arg13[%get3A_226, %get3A_227] {strides = array<i32>} : memref<16x128xf32, #tpu.memory_space<vmem>>, vector<16xf32>,
      %mul3A_229 = vector.broadcast %squeeze3A_194 : f32 to vector<16xf32>
      %mul3A_230 = arith.mulf %get3A_228, %mul3A_229 : vector<16xf32>
      %swap3A_231 = arith.constant 2 : i32
      %swap3A_232 = arith.index_cast %swap3A_231 : i32 to index
      %swap3A_233 = arith.constant 48 : index
      %swap3A_234 = tpu.vector_load %arg13[%swap3A_232, %swap3A_233] {strides = array<i32>} : memref<16x128xf32, #tpu.memory_space<vmem>>, vector<16xf32>,
      tpu.vector_store %arg13[%swap3A_232, %swap3A_233], %mul3A_230 {strides = array<i32>} : memref<16x128xf32, #tpu.memory_space<vmem>>, vector<16xf32>,
      %get3A_235 = arith.constant 2 : i32
      %get3A_236 = arith.index_cast %get3A_235 : i32 to index
      %get3A_237 = arith.constant 64 : index
      %get3A_238 = tpu.vector_load %arg13[%get3A_236, %get3A_237] {strides = array<i32>} : memref<16x128xf32, #tpu.memory_space<vmem>>, vector<16xf32>,
      %mul3A_239 = vector.broadcast %squeeze3A_194 : f32 to vector<16xf32>
      %mul3A_240 = arith.mulf %get3A_238, %mul3A_239 : vector<16xf32>
      %swap3A_241 = arith.constant 2 : i32
      %swap3A_242 = arith.index_cast %swap3A_241 : i32 to index
      %swap3A_243 = arith.constant 64 : index
      %swap3A_244 = tpu.vector_load %arg13[%swap3A_242, %swap3A_243] {strides = array<i32>} : memref<16x128xf32, #tpu.memory_space<vmem>>, vector<16xf32>,
      tpu.vector_store %arg13[%swap3A_242, %swap3A_243], %mul3A_240 {strides = array<i32>} : memref<16x128xf32, #tpu.memory_space<vmem>>, vector<16xf32>,
      %get3A_245 = arith.constant 2 : i32
      %get3A_246 = arith.index_cast %get3A_245 : i32 to index
      %get3A_247 = arith.constant 80 : index
      %get3A_248 = tpu.vector_load %arg13[%get3A_246, %get3A_247] {strides = array<i32>} : memref<16x128xf32, #tpu.memory_space<vmem>>, vector<16xf32>,
      %mul3A_249 = vector.broadcast %squeeze3A_194 : f32 to vector<16xf32>
      %mul3A_250 = arith.mulf %get3A_248, %mul3A_249 : vector<16xf32>
      %swap3A_251 = arith.constant 2 : i32
      %swap3A_252 = arith.index_cast %swap3A_251 : i32 to index
      %swap3A_253 = arith.constant 80 : index
      %swap3A_254 = tpu.vector_load %arg13[%swap3A_252, %swap3A_253] {strides = array<i32>} : memref<16x128xf32, #tpu.memory_space<vmem>>, vector<16xf32>,
      tpu.vector_store %arg13[%swap3A_252, %swap3A_253], %mul3A_250 {strides = array<i32>} : memref<16x128xf32, #tpu.memory_space<vmem>>, vector<16xf32>,
      %get3A_255 = arith.constant 2 : i32
      %get3A_256 = arith.index_cast %get3A_255 : i32 to index
      %get3A_257 = arith.constant 96 : index
      %get3A_258 = tpu.vector_load %arg13[%get3A_256, %get3A_257] {strides = array<i32>} : memref<16x128xf32, #tpu.memory_space<vmem>>, vector<16xf32>,
      %mul3A_259 = vector.broadcast %squeeze3A_194 : f32 to vector<16xf32>
      %mul3A_260 = arith.mulf %get3A_258, %mul3A_259 : vector<16xf32>
      %swap3A_261 = arith.constant 2 : i32
      %swap3A_262 = arith.index_cast %swap3A_261 : i32 to index
      %swap3A_263 = arith.constant 96 : index
      %swap3A_264 = tpu.vector_load %arg13[%swap3A_262, %swap3A_263] {strides = array<i32>} : memref<16x128xf32, #tpu.memory_space<vmem>>, vector<16xf32>,
      tpu.vector_store %arg13[%swap3A_262, %swap3A_263], %mul3A_260 {strides = array<i32>} : memref<16x128xf32, #tpu.memory_space<vmem>>, vector<16xf32>,
      %get3A_265 = arith.constant 2 : i32
      %get3A_266 = arith.index_cast %get3A_265 : i32 to index
      %get3A_267 = arith.constant 112 : index
      %get3A_268 = tpu.vector_load %arg13[%get3A_266, %get3A_267] {strides = array<i32>} : memref<16x128xf32, #tpu.memory_space<vmem>>, vector<16xf32>,
      %mul3A_269 = vector.broadcast %squeeze3A_194 : f32 to vector<16xf32>
      %mul3A_270 = arith.mulf %get3A_268, %mul3A_269 : vector<16xf32>
      %swap3A_271 = arith.constant 2 : i32
      %swap3A_272 = arith.index_cast %swap3A_271 : i32 to index
      %swap3A_273 = arith.constant 112 : index
      %swap3A_274 = tpu.vector_load %arg13[%swap3A_272, %swap3A_273] {strides = array<i32>} : memref<16x128xf32, #tpu.memory_space<vmem>>, vector<16xf32>,
      tpu.vector_store %arg13[%swap3A_272, %swap3A_273], %mul3A_270 {strides = array<i32>} : memref<16x128xf32, #tpu.memory_space<vmem>>, vector<16xf32>,
      %slice3A_275 = vector.extract_strided_slice %exp3A {offsets = [3], sizes = [1], strides = [1]} : vector<16xf32> to vector<1xf32>
      %squeeze3A_276 = vector.extract %slice3A_275[0] : f32 from vector<1xf32>
      %get3A_277 = arith.constant 3 : i32
      %get3A_278 = arith.index_cast %get3A_277 : i32 to index
      %get3A_279 = arith.constant 0 : index
      %get3A_280 = tpu.vector_load %arg13[%get3A_278, %get3A_279] {strides = array<i32>} : memref<16x128xf32, #tpu.memory_space<vmem>>, vector<16xf32>,
      %mul3A_281 = vector.broadcast %squeeze3A_276 : f32 to vector<16xf32>
      %mul3A_282 = arith.mulf %get3A_280, %mul3A_281 : vector<16xf32>
      %swap3A_283 = arith.constant 3 : i32
      %swap3A_284 = arith.index_cast %swap3A_283 : i32 to index
      %swap3A_285 = arith.constant 0 : index
      %swap3A_286 = tpu.vector_load %arg13[%swap3A_284, %swap3A_285] {strides = array<i32>} : memref<16x128xf32, #tpu.memory_space<vmem>>, vector<16xf32>,
      tpu.vector_store %arg13[%swap3A_284, %swap3A_285], %mul3A_282 {strides = array<i32>} : memref<16x128xf32, #tpu.memory_space<vmem>>, vector<16xf32>,
      %get3A_287 = arith.constant 3 : i32
      %get3A_288 = arith.index_cast %get3A_287 : i32 to index
      %get3A_289 = arith.constant 16 : index
      %get3A_290 = tpu.vector_load %arg13[%get3A_288, %get3A_289] {strides = array<i32>} : memref<16x128xf32, #tpu.memory_space<vmem>>, vector<16xf32>,
      %mul3A_291 = vector.broadcast %squeeze3A_276 : f32 to vector<16xf32>
      %mul3A_292 = arith.mulf %get3A_290, %mul3A_291 : vector<16xf32>
      %swap3A_293 = arith.constant 3 : i32
      %swap3A_294 = arith.index_cast %swap3A_293 : i32 to index
      %swap3A_295 = arith.constant 16 : index
      %swap3A_296 = tpu.vector_load %arg13[%swap3A_294, %swap3A_295] {strides = array<i32>} : memref<16x128xf32, #tpu.memory_space<vmem>>, vector<16xf32>,
      tpu.vector_store %arg13[%swap3A_294, %swap3A_295], %mul3A_292 {strides = array<i32>} : memref<16x128xf32, #tpu.memory_space<vmem>>, vector<16xf32>,
      %get3A_297 = arith.constant 3 : i32
      %get3A_298 = arith.index_cast %get3A_297 : i32 to index
      %get3A_299 = arith.constant 32 : index
      %get3A_300 = tpu.vector_load %arg13[%get3A_298, %get3A_299] {strides = array<i32>} : memref<16x128xf32, #tpu.memory_space<vmem>>, vector<16xf32>,
      %mul3A_301 = vector.broadcast %squeeze3A_276 : f32 to vector<16xf32>
      %mul3A_302 = arith.mulf %get3A_300, %mul3A_301 : vector<16xf32>
      %swap3A_303 = arith.constant 3 : i32
      %swap3A_304 = arith.index_cast %swap3A_303 : i32 to index
      %swap3A_305 = arith.constant 32 : index
      %swap3A_306 = tpu.vector_load %arg13[%swap3A_304, %swap3A_305] {strides = array<i32>} : memref<16x128xf32, #tpu.memory_space<vmem>>, vector<16xf32>,
      tpu.vector_store %arg13[%swap3A_304, %swap3A_305], %mul3A_302 {strides = array<i32>} : memref<16x128xf32, #tpu.memory_space<vmem>>, vector<16xf32>,
      %get3A_307 = arith.constant 3 : i32
      %get3A_308 = arith.index_cast %get3A_307 : i32 to index
      %get3A_309 = arith.constant 48 : index
      %get3A_310 = tpu.vector_load %arg13[%get3A_308, %get3A_309] {strides = array<i32>} : memref<16x128xf32, #tpu.memory_space<vmem>>, vector<16xf32>,
      %mul3A_311 = vector.broadcast %squeeze3A_276 : f32 to vector<16xf32>
      %mul3A_312 = arith.mulf %get3A_310, %mul3A_311 : vector<16xf32>
      %swap3A_313 = arith.constant 3 : i32
      %swap3A_314 = arith.index_cast %swap3A_313 : i32 to index
      %swap3A_315 = arith.constant 48 : index
      %swap3A_316 = tpu.vector_load %arg13[%swap3A_314, %swap3A_315] {strides = array<i32>} : memref<16x128xf32, #tpu.memory_space<vmem>>, vector<16xf32>,
      tpu.vector_store %arg13[%swap3A_314, %swap3A_315], %mul3A_312 {strides = array<i32>} : memref<16x128xf32, #tpu.memory_space<vmem>>, vector<16xf32>,
      %get3A_317 = arith.constant 3 : i32
      %get3A_318 = arith.index_cast %get3A_317 : i32 to index
      %get3A_319 = arith.constant 64 : index
      %get3A_320 = tpu.vector_load %arg13[%get3A_318, %get3A_319] {strides = array<i32>} : memref<16x128xf32, #tpu.memory_space<vmem>>, vector<16xf32>,
      %mul3A_321 = vector.broadcast %squeeze3A_276 : f32 to vector<16xf32>
      %mul3A_322 = arith.mulf %get3A_320, %mul3A_321 : vector<16xf32>
      %swap3A_323 = arith.constant 3 : i32
      %swap3A_324 = arith.index_cast %swap3A_323 : i32 to index
      %swap3A_325 = arith.constant 64 : index
      %swap3A_326 = tpu.vector_load %arg13[%swap3A_324, %swap3A_325] {strides = array<i32>} : memref<16x128xf32, #tpu.memory_space<vmem>>, vector<16xf32>,
      tpu.vector_store %arg13[%swap3A_324, %swap3A_325], %mul3A_322 {strides = array<i32>} : memref<16x128xf32, #tpu.memory_space<vmem>>, vector<16xf32>,
      %get3A_327 = arith.constant 3 : i32
      %get3A_328 = arith.index_cast %get3A_327 : i32 to index
      %get3A_329 = arith.constant 80 : index
      %get3A_330 = tpu.vector_load %arg13[%get3A_328, %get3A_329] {strides = array<i32>} : memref<16x128xf32, #tpu.memory_space<vmem>>, vector<16xf32>,
      %mul3A_331 = vector.broadcast %squeeze3A_276 : f32 to vector<16xf32>
      %mul3A_332 = arith.mulf %get3A_330, %mul3A_331 : vector<16xf32>
      %swap3A_333 = arith.constant 3 : i32
      %swap3A_334 = arith.index_cast %swap3A_333 : i32 to index
      %swap3A_335 = arith.constant 80 : index
      %swap3A_336 = tpu.vector_load %arg13[%swap3A_334, %swap3A_335] {strides = array<i32>} : memref<16x128xf32, #tpu.memory_space<vmem>>, vector<16xf32>,
      tpu.vector_store %arg13[%swap3A_334, %swap3A_335], %mul3A_332 {strides = array<i32>} : memref<16x128xf32, #tpu.memory_space<vmem>>, vector<16xf32>,
      %get3A_337 = arith.constant 3 : i32
      %get3A_338 = arith.index_cast %get3A_337 : i32 to index
      %get3A_339 = arith.constant 96 : index
      %get3A_340 = tpu.vector_load %arg13[%get3A_338, %get3A_339] {strides = array<i32>} : memref<16x128xf32, #tpu.memory_space<vmem>>, vector<16xf32>,
      %mul3A_341 = vector.broadcast %squeeze3A_276 : f32 to vector<16xf32>
      %mul3A_342 = arith.mulf %get3A_340, %mul3A_341 : vector<16xf32>
      %swap3A_343 = arith.constant 3 : i32
      %swap3A_344 = arith.index_cast %swap3A_343 : i32 to index
      %swap3A_345 = arith.constant 96 : index
      %swap3A_346 = tpu.vector_load %arg13[%swap3A_344, %swap3A_345] {strides = array<i32>} : memref<16x128xf32, #tpu.memory_space<vmem>>, vector<16xf32>,
      tpu.vector_store %arg13[%swap3A_344, %swap3A_345], %mul3A_342 {strides = array<i32>} : memref<16x128xf32, #tpu.memory_space<vmem>>, vector<16xf32>,
      %get3A_347 = arith.constant 3 : i32
      %get3A_348 = arith.index_cast %get3A_347 : i32 to index
      %get3A_349 = arith.constant 112 : index
      %get3A_350 = tpu.vector_load %arg13[%get3A_348, %get3A_349] {strides = array<i32>} : memref<16x128xf32, #tpu.memory_space<vmem>>, vector<16xf32>,
      %mul3A_351 = vector.broadcast %squeeze3A_276 : f32 to vector<16xf32>
      %mul3A_352 = arith.mulf %get3A_350, %mul3A_351 : vector<16xf32>
      %swap3A_353 = arith.constant 3 : i32
      %swap3A_354 = arith.index_cast %swap3A_353 : i32 to index
      %swap3A_355 = arith.constant 112 : index
      %swap3A_356 = tpu.vector_load %arg13[%swap3A_354, %swap3A_355] {strides = array<i32>} : memref<16x128xf32, #tpu.memory_space<vmem>>, vector<16xf32>,
      tpu.vector_store %arg13[%swap3A_354, %swap3A_355], %mul3A_352 {strides = array<i32>} : memref<16x128xf32, #tpu.memory_space<vmem>>, vector<16xf32>,
      %slice3A_357 = vector.extract_strided_slice %exp3A {offsets = [4], sizes = [1], strides = [1]} : vector<16xf32> to vector<1xf32>
      %squeeze3A_358 = vector.extract %slice3A_357[0] : f32 from vector<1xf32>
      %get3A_359 = arith.constant 4 : i32
      %get3A_360 = arith.index_cast %get3A_359 : i32 to index
      %get3A_361 = arith.constant 0 : index
      %get3A_362 = tpu.vector_load %arg13[%get3A_360, %get3A_361] {strides = array<i32>} : memref<16x128xf32, #tpu.memory_space<vmem>>, vector<16xf32>,
      %mul3A_363 = vector.broadcast %squeeze3A_358 : f32 to vector<16xf32>
      %mul3A_364 = arith.mulf %get3A_362, %mul3A_363 : vector<16xf32>
      %swap3A_365 = arith.constant 4 : i32
      %swap3A_366 = arith.index_cast %swap3A_365 : i32 to index
      %swap3A_367 = arith.constant 0 : index
      %swap3A_368 = tpu.vector_load %arg13[%swap3A_366, %swap3A_367] {strides = array<i32>} : memref<16x128xf32, #tpu.memory_space<vmem>>, vector<16xf32>,
      tpu.vector_store %arg13[%swap3A_366, %swap3A_367], %mul3A_364 {strides = array<i32>} : memref<16x128xf32, #tpu.memory_space<vmem>>, vector<16xf32>,
      %get3A_369 = arith.constant 4 : i32
      %get3A_370 = arith.index_cast %get3A_369 : i32 to index
      %get3A_371 = arith.constant 16 : index
      %get3A_372 = tpu.vector_load %arg13[%get3A_370, %get3A_371] {strides = array<i32>} : memref<16x128xf32, #tpu.memory_space<vmem>>, vector<16xf32>,
      %mul3A_373 = vector.broadcast %squeeze3A_358 : f32 to vector<16xf32>
      %mul3A_374 = arith.mulf %get3A_372, %mul3A_373 : vector<16xf32>
      %swap3A_375 = arith.constant 4 : i32
      %swap3A_376 = arith.index_cast %swap3A_375 : i32 to index
      %swap3A_377 = arith.constant 16 : index
      %swap3A_378 = tpu.vector_load %arg13[%swap3A_376, %swap3A_377] {strides = array<i32>} : memref<16x128xf32, #tpu.memory_space<vmem>>, vector<16xf32>,
      tpu.vector_store %arg13[%swap3A_376, %swap3A_377], %mul3A_374 {strides = array<i32>} : memref<16x128xf32, #tpu.memory_space<vmem>>, vector<16xf32>,
      %get3A_379 = arith.constant 4 : i32
      %get3A_380 = arith.index_cast %get3A_379 : i32 to index
      %get3A_381 = arith.constant 32 : index
      %get3A_382 = tpu.vector_load %arg13[%get3A_380, %get3A_381] {strides = array<i32>} : memref<16x128xf32, #tpu.memory_space<vmem>>, vector<16xf32>,
      %mul3A_383 = vector.broadcast %squeeze3A_358 : f32 to vector<16xf32>
      %mul3A_384 = arith.mulf %get3A_382, %mul3A_383 : vector<16xf32>
      %swap3A_385 = arith.constant 4 : i32
      %swap3A_386 = arith.index_cast %swap3A_385 : i32 to index
      %swap3A_387 = arith.constant 32 : index
      %swap3A_388 = tpu.vector_load %arg13[%swap3A_386, %swap3A_387] {strides = array<i32>} : memref<16x128xf32, #tpu.memory_space<vmem>>, vector<16xf32>,
      tpu.vector_store %arg13[%swap3A_386, %swap3A_387], %mul3A_384 {strides = array<i32>} : memref<16x128xf32, #tpu.memory_space<vmem>>, vector<16xf32>,
      %get3A_389 = arith.constant 4 : i32
      %get3A_390 = arith.index_cast %get3A_389 : i32 to index
      %get3A_391 = arith.constant 48 : index
      %get3A_392 = tpu.vector_load %arg13[%get3A_390, %get3A_391] {strides = array<i32>} : memref<16x128xf32, #tpu.memory_space<vmem>>, vector<16xf32>,
      %mul3A_393 = vector.broadcast %squeeze3A_358 : f32 to vector<16xf32>
      %mul3A_394 = arith.mulf %get3A_392, %mul3A_393 : vector<16xf32>
      %swap3A_395 = arith.constant 4 : i32
      %swap3A_396 = arith.index_cast %swap3A_395 : i32 to index
      %swap3A_397 = arith.constant 48 : index
      %swap3A_398 = tpu.vector_load %arg13[%swap3A_396, %swap3A_397] {strides = array<i32>} : memref<16x128xf32, #tpu.memory_space<vmem>>, vector<16xf32>,
      tpu.vector_store %arg13[%swap3A_396, %swap3A_397], %mul3A_394 {strides = array<i32>} : memref<16x128xf32, #tpu.memory_space<vmem>>, vector<16xf32>,
      %get3A_399 = arith.constant 4 : i32
      %get3A_400 = arith.index_cast %get3A_399 : i32 to index
      %get3A_401 = arith.constant 64 : index
      %get3A_402 = tpu.vector_load %arg13[%get3A_400, %get3A_401] {strides = array<i32>} : memref<16x128xf32, #tpu.memory_space<vmem>>, vector<16xf32>,
      %mul3A_403 = vector.broadcast %squeeze3A_358 : f32 to vector<16xf32>
      %mul3A_404 = arith.mulf %get3A_402, %mul3A_403 : vector<16xf32>
      %swap3A_405 = arith.constant 4 : i32
      %swap3A_406 = arith.index_cast %swap3A_405 : i32 to index
      %swap3A_407 = arith.constant 64 : index
      %swap3A_408 = tpu.vector_load %arg13[%swap3A_406, %swap3A_407] {strides = array<i32>} : memref<16x128xf32, #tpu.memory_space<vmem>>, vector<16xf32>,
      tpu.vector_store %arg13[%swap3A_406, %swap3A_407], %mul3A_404 {strides = array<i32>} : memref<16x128xf32, #tpu.memory_space<vmem>>, vector<16xf32>,
      %get3A_409 = arith.constant 4 : i32
      %get3A_410 = arith.index_cast %get3A_409 : i32 to index
      %get3A_411 = arith.constant 80 : index
      %get3A_412 = tpu.vector_load %arg13[%get3A_410, %get3A_411] {strides = array<i32>} : memref<16x128xf32, #tpu.memory_space<vmem>>, vector<16xf32>,
      %mul3A_413 = vector.broadcast %squeeze3A_358 : f32 to vector<16xf32>
      %mul3A_414 = arith.mulf %get3A_412, %mul3A_413 : vector<16xf32>
      %swap3A_415 = arith.constant 4 : i32
      %swap3A_416 = arith.index_cast %swap3A_415 : i32 to index
      %swap3A_417 = arith.constant 80 : index
      %swap3A_418 = tpu.vector_load %arg13[%swap3A_416, %swap3A_417] {strides = array<i32>} : memref<16x128xf32, #tpu.memory_space<vmem>>, vector<16xf32>,
      tpu.vector_store %arg13[%swap3A_416, %swap3A_417], %mul3A_414 {strides = array<i32>} : memref<16x128xf32, #tpu.memory_space<vmem>>, vector<16xf32>,
      %get3A_419 = arith.constant 4 : i32
      %get3A_420 = arith.index_cast %get3A_419 : i32 to index
      %get3A_421 = arith.constant 96 : index
      %get3A_422 = tpu.vector_load %arg13[%get3A_420, %get3A_421] {strides = array<i32>} : memref<16x128xf32, #tpu.memory_space<vmem>>, vector<16xf32>,
      %mul3A_423 = vector.broadcast %squeeze3A_358 : f32 to vector<16xf32>
      %mul3A_424 = arith.mulf %get3A_422, %mul3A_423 : vector<16xf32>
      %swap3A_425 = arith.constant 4 : i32
      %swap3A_426 = arith.index_cast %swap3A_425 : i32 to index
      %swap3A_427 = arith.constant 96 : index
      %swap3A_428 = tpu.vector_load %arg13[%swap3A_426, %swap3A_427] {strides = array<i32>} : memref<16x128xf32, #tpu.memory_space<vmem>>, vector<16xf32>,
      tpu.vector_store %arg13[%swap3A_426, %swap3A_427], %mul3A_424 {strides = array<i32>} : memref<16x128xf32, #tpu.memory_space<vmem>>, vector<16xf32>,
      %get3A_429 = arith.constant 4 : i32
      %get3A_430 = arith.index_cast %get3A_429 : i32 to index
      %get3A_431 = arith.constant 112 : index
      %get3A_432 = tpu.vector_load %arg13[%get3A_430, %get3A_431] {strides = array<i32>} : memref<16x128xf32, #tpu.memory_space<vmem>>, vector<16xf32>,
      %mul3A_433 = vector.broadcast %squeeze3A_358 : f32 to vector<16xf32>
      %mul3A_434 = arith.mulf %get3A_432, %mul3A_433 : vector<16xf32>
      %swap3A_435 = arith.constant 4 : i32
      %swap3A_436 = arith.index_cast %swap3A_435 : i32 to index
      %swap3A_437 = arith.constant 112 : index
      %swap3A_438 = tpu.vector_load %arg13[%swap3A_436, %swap3A_437] {strides = array<i32>} : memref<16x128xf32, #tpu.memory_space<vmem>>, vector<16xf32>,
      tpu.vector_store %arg13[%swap3A_436, %swap3A_437], %mul3A_434 {strides = array<i32>} : memref<16x128xf32, #tpu.memory_space<vmem>>, vector<16xf32>,
      %slice3A_439 = vector.extract_strided_slice %exp3A {offsets = [5], sizes = [1], strides = [1]} : vector<16xf32> to vector<1xf32>
      %squeeze3A_440 = vector.extract %slice3A_439[0] : f32 from vector<1xf32>
      %get3A_441 = arith.constant 5 : i32
      %get3A_442 = arith.index_cast %get3A_441 : i32 to index
      %get3A_443 = arith.constant 0 : index
      %get3A_444 = tpu.vector_load %arg13[%get3A_442, %get3A_443] {strides = array<i32>} : memref<16x128xf32, #tpu.memory_space<vmem>>, vector<16xf32>,
      %mul3A_445 = vector.broadcast %squeeze3A_440 : f32 to vector<16xf32>
      %mul3A_446 = arith.mulf %get3A_444, %mul3A_445 : vector<16xf32>
      %swap3A_447 = arith.constant 5 : i32
      %swap3A_448 = arith.index_cast %swap3A_447 : i32 to index
      %swap3A_449 = arith.constant 0 : index
      %swap3A_450 = tpu.vector_load %arg13[%swap3A_448, %swap3A_449] {strides = array<i32>} : memref<16x128xf32, #tpu.memory_space<vmem>>, vector<16xf32>,
      tpu.vector_store %arg13[%swap3A_448, %swap3A_449], %mul3A_446 {strides = array<i32>} : memref<16x128xf32, #tpu.memory_space<vmem>>, vector<16xf32>,
      %get3A_451 = arith.constant 5 : i32
      %get3A_452 = arith.index_cast %get3A_451 : i32 to index
      %get3A_453 = arith.constant 16 : index
      %get3A_454 = tpu.vector_load %arg13[%get3A_452, %get3A_453] {strides = array<i32>} : memref<16x128xf32, #tpu.memory_space<vmem>>, vector<16xf32>,
      %mul3A_455 = vector.broadcast %squeeze3A_440 : f32 to vector<16xf32>
      %mul3A_456 = arith.mulf %get3A_454, %mul3A_455 : vector<16xf32>
      %swap3A_457 = arith.constant 5 : i32
      %swap3A_458 = arith.index_cast %swap3A_457 : i32 to index
      %swap3A_459 = arith.constant 16 : index
      %swap3A_460 = tpu.vector_load %arg13[%swap3A_458, %swap3A_459] {strides = array<i32>} : memref<16x128xf32, #tpu.memory_space<vmem>>, vector<16xf32>,
      tpu.vector_store %arg13[%swap3A_458, %swap3A_459], %mul3A_456 {strides = array<i32>} : memref<16x128xf32, #tpu.memory_space<vmem>>, vector<16xf32>,
      %get3A_461 = arith.constant 5 : i32
      %get3A_462 = arith.index_cast %get3A_461 : i32 to index
      %get3A_463 = arith.constant 32 : index
      %get3A_464 = tpu.vector_load %arg13[%get3A_462, %get3A_463] {strides = array<i32>} : memref<16x128xf32, #tpu.memory_space<vmem>>, vector<16xf32>,
      %mul3A_465 = vector.broadcast %squeeze3A_440 : f32 to vector<16xf32>
      %mul3A_466 = arith.mulf %get3A_464, %mul3A_465 : vector<16xf32>
      %swap3A_467 = arith.constant 5 : i32
      %swap3A_468 = arith.index_cast %swap3A_467 : i32 to index
      %swap3A_469 = arith.constant 32 : index
      %swap3A_470 = tpu.vector_load %arg13[%swap3A_468, %swap3A_469] {strides = array<i32>} : memref<16x128xf32, #tpu.memory_space<vmem>>, vector<16xf32>,
      tpu.vector_store %arg13[%swap3A_468, %swap3A_469], %mul3A_466 {strides = array<i32>} : memref<16x128xf32, #tpu.memory_space<vmem>>, vector<16xf32>,
      %get3A_471 = arith.constant 5 : i32
      %get3A_472 = arith.index_cast %get3A_471 : i32 to index
      %get3A_473 = arith.constant 48 : index
      %get3A_474 = tpu.vector_load %arg13[%get3A_472, %get3A_473] {strides = array<i32>} : memref<16x128xf32, #tpu.memory_space<vmem>>, vector<16xf32>,
      %mul3A_475 = vector.broadcast %squeeze3A_440 : f32 to vector<16xf32>
      %mul3A_476 = arith.mulf %get3A_474, %mul3A_475 : vector<16xf32>
      %swap3A_477 = arith.constant 5 : i32
      %swap3A_478 = arith.index_cast %swap3A_477 : i32 to index
      %swap3A_479 = arith.constant 48 : index
      %swap3A_480 = tpu.vector_load %arg13[%swap3A_478, %swap3A_479] {strides = array<i32>} : memref<16x128xf32, #tpu.memory_space<vmem>>, vector<16xf32>,
      tpu.vector_store %arg13[%swap3A_478, %swap3A_479], %mul3A_476 {strides = array<i32>} : memref<16x128xf32, #tpu.memory_space<vmem>>, vector<16xf32>,
      %get3A_481 = arith.constant 5 : i32
      %get3A_482 = arith.index_cast %get3A_481 : i32 to index
      %get3A_483 = arith.constant 64 : index
      %get3A_484 = tpu.vector_load %arg13[%get3A_482, %get3A_483] {strides = array<i32>} : memref<16x128xf32, #tpu.memory_space<vmem>>, vector<16xf32>,
      %mul3A_485 = vector.broadcast %squeeze3A_440 : f32 to vector<16xf32>
      %mul3A_486 = arith.mulf %get3A_484, %mul3A_485 : vector<16xf32>
      %swap3A_487 = arith.constant 5 : i32
      %swap3A_488 = arith.index_cast %swap3A_487 : i32 to index
      %swap3A_489 = arith.constant 64 : index
      %swap3A_490 = tpu.vector_load %arg13[%swap3A_488, %swap3A_489] {strides = array<i32>} : memref<16x128xf32, #tpu.memory_space<vmem>>, vector<16xf32>,
      tpu.vector_store %arg13[%swap3A_488, %swap3A_489], %mul3A_486 {strides = array<i32>} : memref<16x128xf32, #tpu.memory_space<vmem>>, vector<16xf32>,
      %get3A_491 = arith.constant 5 : i32
      %get3A_492 = arith.index_cast %get3A_491 : i32 to index
      %get3A_493 = arith.constant 80 : index
      %get3A_494 = tpu.vector_load %arg13[%get3A_492, %get3A_493] {strides = array<i32>} : memref<16x128xf32, #tpu.memory_space<vmem>>, vector<16xf32>,
      %mul3A_495 = vector.broadcast %squeeze3A_440 : f32 to vector<16xf32>
      %mul3A_496 = arith.mulf %get3A_494, %mul3A_495 : vector<16xf32>
      %swap3A_497 = arith.constant 5 : i32
      %swap3A_498 = arith.index_cast %swap3A_497 : i32 to index
      %swap3A_499 = arith.constant 80 : index
      %swap3A_500 = tpu.vector_load %arg13[%swap3A_498, %swap3A_499] {strides = array<i32>} : memref<16x128xf32, #tpu.memory_space<vmem>>, vector<16xf32>,
      tpu.vector_store %arg13[%swap3A_498, %swap3A_499], %mul3A_496 {strides = array<i32>} : memref<16x128xf32, #tpu.memory_space<vmem>>, vector<16xf32>,
      %get3A_501 = arith.constant 5 : i32
      %get3A_502 = arith.index_cast %get3A_501 : i32 to index
      %get3A_503 = arith.constant 96 : index
      %get3A_504 = tpu.vector_load %arg13[%get3A_502, %get3A_503] {strides = array<i32>} : memref<16x128xf32, #tpu.memory_space<vmem>>, vector<16xf32>,
      %mul3A_505 = vector.broadcast %squeeze3A_440 : f32 to vector<16xf32>
      %mul3A_506 = arith.mulf %get3A_504, %mul3A_505 : vector<16xf32>
      %swap3A_507 = arith.constant 5 : i32
      %swap3A_508 = arith.index_cast %swap3A_507 : i32 to index
      %swap3A_509 = arith.constant 96 : index
      %swap3A_510 = tpu.vector_load %arg13[%swap3A_508, %swap3A_509] {strides = array<i32>} : memref<16x128xf32, #tpu.memory_space<vmem>>, vector<16xf32>,
      tpu.vector_store %arg13[%swap3A_508, %swap3A_509], %mul3A_506 {strides = array<i32>} : memref<16x128xf32, #tpu.memory_space<vmem>>, vector<16xf32>,
      %get3A_511 = arith.constant 5 : i32
      %get3A_512 = arith.index_cast %get3A_511 : i32 to index
      %get3A_513 = arith.constant 112 : index
      %get3A_514 = tpu.vector_load %arg13[%get3A_512, %get3A_513] {strides = array<i32>} : memref<16x128xf32, #tpu.memory_space<vmem>>, vector<16xf32>,
      %mul3A_515 = vector.broadcast %squeeze3A_440 : f32 to vector<16xf32>
      %mul3A_516 = arith.mulf %get3A_514, %mul3A_515 : vector<16xf32>
      %swap3A_517 = arith.constant 5 : i32
      %swap3A_518 = arith.index_cast %swap3A_517 : i32 to index
      %swap3A_519 = arith.constant 112 : index
      %swap3A_520 = tpu.vector_load %arg13[%swap3A_518, %swap3A_519] {strides = array<i32>} : memref<16x128xf32, #tpu.memory_space<vmem>>, vector<16xf32>,
      tpu.vector_store %arg13[%swap3A_518, %swap3A_519], %mul3A_516 {strides = array<i32>} : memref<16x128xf32, #tpu.memory_space<vmem>>, vector<16xf32>,
      %slice3A_521 = vector.extract_strided_slice %exp3A {offsets = [6], sizes = [1], strides = [1]} : vector<16xf32> to vector<1xf32>
      %squeeze3A_522 = vector.extract %slice3A_521[0] : f32 from vector<1xf32>
      %get3A_523 = arith.constant 6 : i32
      %get3A_524 = arith.index_cast %get3A_523 : i32 to index
      %get3A_525 = arith.constant 0 : index
      %get3A_526 = tpu.vector_load %arg13[%get3A_524, %get3A_525] {strides = array<i32>} : memref<16x128xf32, #tpu.memory_space<vmem>>, vector<16xf32>,
      %mul3A_527 = vector.broadcast %squeeze3A_522 : f32 to vector<16xf32>
      %mul3A_528 = arith.mulf %get3A_526, %mul3A_527 : vector<16xf32>
      %swap3A_529 = arith.constant 6 : i32
      %swap3A_530 = arith.index_cast %swap3A_529 : i32 to index
      %swap3A_531 = arith.constant 0 : index
      %swap3A_532 = tpu.vector_load %arg13[%swap3A_530, %swap3A_531] {strides = array<i32>} : memref<16x128xf32, #tpu.memory_space<vmem>>, vector<16xf32>,
      tpu.vector_store %arg13[%swap3A_530, %swap3A_531], %mul3A_528 {strides = array<i32>} : memref<16x128xf32, #tpu.memory_space<vmem>>, vector<16xf32>,
      %get3A_533 = arith.constant 6 : i32
      %get3A_534 = arith.index_cast %get3A_533 : i32 to index
      %get3A_535 = arith.constant 16 : index
      %get3A_536 = tpu.vector_load %arg13[%get3A_534, %get3A_535] {strides = array<i32>} : memref<16x128xf32, #tpu.memory_space<vmem>>, vector<16xf32>,
      %mul3A_537 = vector.broadcast %squeeze3A_522 : f32 to vector<16xf32>
      %mul3A_538 = arith.mulf %get3A_536, %mul3A_537 : vector<16xf32>
      %swap3A_539 = arith.constant 6 : i32
      %swap3A_540 = arith.index_cast %swap3A_539 : i32 to index
      %swap3A_541 = arith.constant 16 : index
      %swap3A_542 = tpu.vector_load %arg13[%swap3A_540, %swap3A_541] {strides = array<i32>} : memref<16x128xf32, #tpu.memory_space<vmem>>, vector<16xf32>,
      tpu.vector_store %arg13[%swap3A_540, %swap3A_541], %mul3A_538 {strides = array<i32>} : memref<16x128xf32, #tpu.memory_space<vmem>>, vector<16xf32>,
      %get3A_543 = arith.constant 6 : i32
      %get3A_544 = arith.index_cast %get3A_543 : i32 to index
      %get3A_545 = arith.constant 32 : index
      %get3A_546 = tpu.vector_load %arg13[%get3A_544, %get3A_545] {strides = array<i32>} : memref<16x128xf32, #tpu.memory_space<vmem>>, vector<16xf32>,
      %mul3A_547 = vector.broadcast %squeeze3A_522 : f32 to vector<16xf32>
      %mul3A_548 = arith.mulf %get3A_546, %mul3A_547 : vector<16xf32>
      %swap3A_549 = arith.constant 6 : i32
      %swap3A_550 = arith.index_cast %swap3A_549 : i32 to index
      %swap3A_551 = arith.constant 32 : index
      %swap3A_552 = tpu.vector_load %arg13[%swap3A_550, %swap3A_551] {strides = array<i32>} : memref<16x128xf32, #tpu.memory_space<vmem>>, vector<16xf32>,
      tpu.vector_store %arg13[%swap3A_550, %swap3A_551], %mul3A_548 {strides = array<i32>} : memref<16x128xf32, #tpu.memory_space<vmem>>, vector<16xf32>,
      %get3A_553 = arith.constant 6 : i32
      %get3A_554 = arith.index_cast %get3A_553 : i32 to index
      %get3A_555 = arith.constant 48 : index
      %get3A_556 = tpu.vector_load %arg13[%get3A_554, %get3A_555] {strides = array<i32>} : memref<16x128xf32, #tpu.memory_space<vmem>>, vector<16xf32>,
      %mul3A_557 = vector.broadcast %squeeze3A_522 : f32 to vector<16xf32>
      %mul3A_558 = arith.mulf %get3A_556, %mul3A_557 : vector<16xf32>
      %swap3A_559 = arith.constant 6 : i32
      %swap3A_560 = arith.index_cast %swap3A_559 : i32 to index
      %swap3A_561 = arith.constant 48 : index
      %swap3A_562 = tpu.vector_load %arg13[%swap3A_560, %swap3A_561] {strides = array<i32>} : memref<16x128xf32, #tpu.memory_space<vmem>>, vector<16xf32>,
      tpu.vector_store %arg13[%swap3A_560, %swap3A_561], %mul3A_558 {strides = array<i32>} : memref<16x128xf32, #tpu.memory_space<vmem>>, vector<16xf32>,
      %get3A_563 = arith.constant 6 : i32
      %get3A_564 = arith.index_cast %get3A_563 : i32 to index
      %get3A_565 = arith.constant 64 : index
      %get3A_566 = tpu.vector_load %arg13[%get3A_564, %get3A_565] {strides = array<i32>} : memref<16x128xf32, #tpu.memory_space<vmem>>, vector<16xf32>,
      %mul3A_567 = vector.broadcast %squeeze3A_522 : f32 to vector<16xf32>
      %mul3A_568 = arith.mulf %get3A_566, %mul3A_567 : vector<16xf32>
      %swap3A_569 = arith.constant 6 : i32
      %swap3A_570 = arith.index_cast %swap3A_569 : i32 to index
      %swap3A_571 = arith.constant 64 : index
      %swap3A_572 = tpu.vector_load %arg13[%swap3A_570, %swap3A_571] {strides = array<i32>} : memref<16x128xf32, #tpu.memory_space<vmem>>, vector<16xf32>,
      tpu.vector_store %arg13[%swap3A_570, %swap3A_571], %mul3A_568 {strides = array<i32>} : memref<16x128xf32, #tpu.memory_space<vmem>>, vector<16xf32>,
      %get3A_573 = arith.constant 6 : i32
      %get3A_574 = arith.index_cast %get3A_573 : i32 to index
      %get3A_575 = arith.constant 80 : index
      %get3A_576 = tpu.vector_load %arg13[%get3A_574, %get3A_575] {strides = array<i32>} : memref<16x128xf32, #tpu.memory_space<vmem>>, vector<16xf32>,
      %mul3A_577 = vector.broadcast %squeeze3A_522 : f32 to vector<16xf32>
      %mul3A_578 = arith.mulf %get3A_576, %mul3A_577 : vector<16xf32>
      %swap3A_579 = arith.constant 6 : i32
      %swap3A_580 = arith.index_cast %swap3A_579 : i32 to index
      %swap3A_581 = arith.constant 80 : index
      %swap3A_582 = tpu.vector_load %arg13[%swap3A_580, %swap3A_581] {strides = array<i32>} : memref<16x128xf32, #tpu.memory_space<vmem>>, vector<16xf32>,
      tpu.vector_store %arg13[%swap3A_580, %swap3A_581], %mul3A_578 {strides = array<i32>} : memref<16x128xf32, #tpu.memory_space<vmem>>, vector<16xf32>,
      %get3A_583 = arith.constant 6 : i32
      %get3A_584 = arith.index_cast %get3A_583 : i32 to index
      %get3A_585 = arith.constant 96 : index
      %get3A_586 = tpu.vector_load %arg13[%get3A_584, %get3A_585] {strides = array<i32>} : memref<16x128xf32, #tpu.memory_space<vmem>>, vector<16xf32>,
      %mul3A_587 = vector.broadcast %squeeze3A_522 : f32 to vector<16xf32>
      %mul3A_588 = arith.mulf %get3A_586, %mul3A_587 : vector<16xf32>
      %swap3A_589 = arith.constant 6 : i32
      %swap3A_590 = arith.index_cast %swap3A_589 : i32 to index
      %swap3A_591 = arith.constant 96 : index
      %swap3A_592 = tpu.vector_load %arg13[%swap3A_590, %swap3A_591] {strides = array<i32>} : memref<16x128xf32, #tpu.memory_space<vmem>>, vector<16xf32>,
      tpu.vector_store %arg13[%swap3A_590, %swap3A_591], %mul3A_588 {strides = array<i32>} : memref<16x128xf32, #tpu.memory_space<vmem>>, vector<16xf32>,
      %get3A_593 = arith.constant 6 : i32
      %get3A_594 = arith.index_cast %get3A_593 : i32 to index
      %get3A_595 = arith.constant 112 : index
      %get3A_596 = tpu.vector_load %arg13[%get3A_594, %get3A_595] {strides = array<i32>} : memref<16x128xf32, #tpu.memory_space<vmem>>, vector<16xf32>,
      %mul3A_597 = vector.broadcast %squeeze3A_522 : f32 to vector<16xf32>
      %mul3A_598 = arith.mulf %get3A_596, %mul3A_597 : vector<16xf32>
      %swap3A_599 = arith.constant 6 : i32
      %swap3A_600 = arith.index_cast %swap3A_599 : i32 to index
      %swap3A_601 = arith.constant 112 : index
      %swap3A_602 = tpu.vector_load %arg13[%swap3A_600, %swap3A_601] {strides = array<i32>} : memref<16x128xf32, #tpu.memory_space<vmem>>, vector<16xf32>,
      tpu.vector_store %arg13[%swap3A_600, %swap3A_601], %mul3A_598 {strides = array<i32>} : memref<16x128xf32, #tpu.memory_space<vmem>>, vector<16xf32>,
      %slice3A_603 = vector.extract_strided_slice %exp3A {offsets = [7], sizes = [1], strides = [1]} : vector<16xf32> to vector<1xf32>
      %squeeze3A_604 = vector.extract %slice3A_603[0] : f32 from vector<1xf32>
      %get3A_605 = arith.constant 7 : i32
      %get3A_606 = arith.index_cast %get3A_605 : i32 to index
      %get3A_607 = arith.constant 0 : index
      %get3A_608 = tpu.vector_load %arg13[%get3A_606, %get3A_607] {strides = array<i32>} : memref<16x128xf32, #tpu.memory_space<vmem>>, vector<16xf32>,
      %mul3A_609 = vector.broadcast %squeeze3A_604 : f32 to vector<16xf32>
      %mul3A_610 = arith.mulf %get3A_608, %mul3A_609 : vector<16xf32>
      %swap3A_611 = arith.constant 7 : i32
      %swap3A_612 = arith.index_cast %swap3A_611 : i32 to index
      %swap3A_613 = arith.constant 0 : index
      %swap3A_614 = tpu.vector_load %arg13[%swap3A_612, %swap3A_613] {strides = array<i32>} : memref<16x128xf32, #tpu.memory_space<vmem>>, vector<16xf32>,
      tpu.vector_store %arg13[%swap3A_612, %swap3A_613], %mul3A_610 {strides = array<i32>} : memref<16x128xf32, #tpu.memory_space<vmem>>, vector<16xf32>,
      %get3A_615 = arith.constant 7 : i32
      %get3A_616 = arith.index_cast %get3A_615 : i32 to index
      %get3A_617 = arith.constant 16 : index
      %get3A_618 = tpu.vector_load %arg13[%get3A_616, %get3A_617] {strides = array<i32>} : memref<16x128xf32, #tpu.memory_space<vmem>>, vector<16xf32>,
      %mul3A_619 = vector.broadcast %squeeze3A_604 : f32 to vector<16xf32>
      %mul3A_620 = arith.mulf %get3A_618, %mul3A_619 : vector<16xf32>
      %swap3A_621 = arith.constant 7 : i32
      %swap3A_622 = arith.index_cast %swap3A_621 : i32 to index
      %swap3A_623 = arith.constant 16 : index
      %swap3A_624 = tpu.vector_load %arg13[%swap3A_622, %swap3A_623] {strides = array<i32>} : memref<16x128xf32, #tpu.memory_space<vmem>>, vector<16xf32>,
      tpu.vector_store %arg13[%swap3A_622, %swap3A_623], %mul3A_620 {strides = array<i32>} : memref<16x128xf32, #tpu.memory_space<vmem>>, vector<16xf32>,
      %get3A_625 = arith.constant 7 : i32
      %get3A_626 = arith.index_cast %get3A_625 : i32 to index
      %get3A_627 = arith.constant 32 : index
      %get3A_628 = tpu.vector_load %arg13[%get3A_626, %get3A_627] {strides = array<i32>} : memref<16x128xf32, #tpu.memory_space<vmem>>, vector<16xf32>,
      %mul3A_629 = vector.broadcast %squeeze3A_604 : f32 to vector<16xf32>
      %mul3A_630 = arith.mulf %get3A_628, %mul3A_629 : vector<16xf32>
      %swap3A_631 = arith.constant 7 : i32
      %swap3A_632 = arith.index_cast %swap3A_631 : i32 to index
      %swap3A_633 = arith.constant 32 : index
      %swap3A_634 = tpu.vector_load %arg13[%swap3A_632, %swap3A_633] {strides = array<i32>} : memref<16x128xf32, #tpu.memory_space<vmem>>, vector<16xf32>,
      tpu.vector_store %arg13[%swap3A_632, %swap3A_633], %mul3A_630 {strides = array<i32>} : memref<16x128xf32, #tpu.memory_space<vmem>>, vector<16xf32>,
      %get3A_635 = arith.constant 7 : i32
      %get3A_636 = arith.index_cast %get3A_635 : i32 to index
      %get3A_637 = arith.constant 48 : index
      %get3A_638 = tpu.vector_load %arg13[%get3A_636, %get3A_637] {strides = array<i32>} : memref<16x128xf32, #tpu.memory_space<vmem>>, vector<16xf32>,
      %mul3A_639 = vector.broadcast %squeeze3A_604 : f32 to vector<16xf32>
      %mul3A_640 = arith.mulf %get3A_638, %mul3A_639 : vector<16xf32>
      %swap3A_641 = arith.constant 7 : i32
      %swap3A_642 = arith.index_cast %swap3A_641 : i32 to index
      %swap3A_643 = arith.constant 48 : index
      %swap3A_644 = tpu.vector_load %arg13[%swap3A_642, %swap3A_643] {strides = array<i32>} : memref<16x128xf32, #tpu.memory_space<vmem>>, vector<16xf32>,
      tpu.vector_store %arg13[%swap3A_642, %swap3A_643], %mul3A_640 {strides = array<i32>} : memref<16x128xf32, #tpu.memory_space<vmem>>, vector<16xf32>,
      %get3A_645 = arith.constant 7 : i32
      %get3A_646 = arith.index_cast %get3A_645 : i32 to index
      %get3A_647 = arith.constant 64 : index
      %get3A_648 = tpu.vector_load %arg13[%get3A_646, %get3A_647] {strides = array<i32>} : memref<16x128xf32, #tpu.memory_space<vmem>>, vector<16xf32>,
      %mul3A_649 = vector.broadcast %squeeze3A_604 : f32 to vector<16xf32>
      %mul3A_650 = arith.mulf %get3A_648, %mul3A_649 : vector<16xf32>
      %swap3A_651 = arith.constant 7 : i32
      %swap3A_652 = arith.index_cast %swap3A_651 : i32 to index
      %swap3A_653 = arith.constant 64 : index
      %swap3A_654 = tpu.vector_load %arg13[%swap3A_652, %swap3A_653] {strides = array<i32>} : memref<16x128xf32, #tpu.memory_space<vmem>>, vector<16xf32>,
      tpu.vector_store %arg13[%swap3A_652, %swap3A_653], %mul3A_650 {strides = array<i32>} : memref<16x128xf32, #tpu.memory_space<vmem>>, vector<16xf32>,
      %get3A_655 = arith.constant 7 : i32
      %get3A_656 = arith.index_cast %get3A_655 : i32 to index
      %get3A_657 = arith.constant 80 : index
      %get3A_658 = tpu.vector_load %arg13[%get3A_656, %get3A_657] {strides = array<i32>} : memref<16x128xf32, #tpu.memory_space<vmem>>, vector<16xf32>,
      %mul3A_659 = vector.broadcast %squeeze3A_604 : f32 to vector<16xf32>
      %mul3A_660 = arith.mulf %get3A_658, %mul3A_659 : vector<16xf32>
      %swap3A_661 = arith.constant 7 : i32
      %swap3A_662 = arith.index_cast %swap3A_661 : i32 to index
      %swap3A_663 = arith.constant 80 : index
      %swap3A_664 = tpu.vector_load %arg13[%swap3A_662, %swap3A_663] {strides = array<i32>} : memref<16x128xf32, #tpu.memory_space<vmem>>, vector<16xf32>,
      tpu.vector_store %arg13[%swap3A_662, %swap3A_663], %mul3A_660 {strides = array<i32>} : memref<16x128xf32, #tpu.memory_space<vmem>>, vector<16xf32>,
      %get3A_665 = arith.constant 7 : i32
      %get3A_666 = arith.index_cast %get3A_665 : i32 to index
      %get3A_667 = arith.constant 96 : index
      %get3A_668 = tpu.vector_load %arg13[%get3A_666, %get3A_667] {strides = array<i32>} : memref<16x128xf32, #tpu.memory_space<vmem>>, vector<16xf32>,
      %mul3A_669 = vector.broadcast %squeeze3A_604 : f32 to vector<16xf32>
      %mul3A_670 = arith.mulf %get3A_668, %mul3A_669 : vector<16xf32>
      %swap3A_671 = arith.constant 7 : i32
      %swap3A_672 = arith.index_cast %swap3A_671 : i32 to index
      %swap3A_673 = arith.constant 96 : index
      %swap3A_674 = tpu.vector_load %arg13[%swap3A_672, %swap3A_673] {strides = array<i32>} : memref<16x128xf32, #tpu.memory_space<vmem>>, vector<16xf32>,
      tpu.vector_store %arg13[%swap3A_672, %swap3A_673], %mul3A_670 {strides = array<i32>} : memref<16x128xf32, #tpu.memory_space<vmem>>, vector<16xf32>,
      %get3A_675 = arith.constant 7 : i32
      %get3A_676 = arith.index_cast %get3A_675 : i32 to index
      %get3A_677 = arith.constant 112 : index
      %get3A_678 = tpu.vector_load %arg13[%get3A_676, %get3A_677] {strides = array<i32>} : memref<16x128xf32, #tpu.memory_space<vmem>>, vector<16xf32>,
      %mul3A_679 = vector.broadcast %squeeze3A_604 : f32 to vector<16xf32>
      %mul3A_680 = arith.mulf %get3A_678, %mul3A_679 : vector<16xf32>
      %swap3A_681 = arith.constant 7 : i32
      %swap3A_682 = arith.index_cast %swap3A_681 : i32 to index
      %swap3A_683 = arith.constant 112 : index
      %swap3A_684 = tpu.vector_load %arg13[%swap3A_682, %swap3A_683] {strides = array<i32>} : memref<16x128xf32, #tpu.memory_space<vmem>>, vector<16xf32>,
      tpu.vector_store %arg13[%swap3A_682, %swap3A_683], %mul3A_680 {strides = array<i32>} : memref<16x128xf32, #tpu.memory_space<vmem>>, vector<16xf32>,
      %slice3A_685 = vector.extract_strided_slice %exp3A {offsets = [8], sizes = [1], strides = [1]} : vector<16xf32> to vector<1xf32>
      %squeeze3A_686 = vector.extract %slice3A_685[0] : f32 from vector<1xf32>
      %get3A_687 = arith.constant 8 : i32
      %get3A_688 = arith.index_cast %get3A_687 : i32 to index
      %get3A_689 = arith.constant 0 : index
      %get3A_690 = tpu.vector_load %arg13[%get3A_688, %get3A_689] {strides = array<i32>} : memref<16x128xf32, #tpu.memory_space<vmem>>, vector<16xf32>,
      %mul3A_691 = vector.broadcast %squeeze3A_686 : f32 to vector<16xf32>
      %mul3A_692 = arith.mulf %get3A_690, %mul3A_691 : vector<16xf32>
      %swap3A_693 = arith.constant 8 : i32
      %swap3A_694 = arith.index_cast %swap3A_693 : i32 to index
      %swap3A_695 = arith.constant 0 : index
      %swap3A_696 = tpu.vector_load %arg13[%swap3A_694, %swap3A_695] {strides = array<i32>} : memref<16x128xf32, #tpu.memory_space<vmem>>, vector<16xf32>,
      tpu.vector_store %arg13[%swap3A_694, %swap3A_695], %mul3A_692 {strides = array<i32>} : memref<16x128xf32, #tpu.memory_space<vmem>>, vector<16xf32>,
      %get3A_697 = arith.constant 8 : i32
      %get3A_698 = arith.index_cast %get3A_697 : i32 to index
      %get3A_699 = arith.constant 16 : index
      %get3A_700 = tpu.vector_load %arg13[%get3A_698, %get3A_699] {strides = array<i32>} : memref<16x128xf32, #tpu.memory_space<vmem>>, vector<16xf32>,
      %mul3A_701 = vector.broadcast %squeeze3A_686 : f32 to vector<16xf32>
      %mul3A_702 = arith.mulf %get3A_700, %mul3A_701 : vector<16xf32>
      %swap3A_703 = arith.constant 8 : i32
      %swap3A_704 = arith.index_cast %swap3A_703 : i32 to index
      %swap3A_705 = arith.constant 16 : index
      %swap3A_706 = tpu.vector_load %arg13[%swap3A_704, %swap3A_705] {strides = array<i32>} : memref<16x128xf32, #tpu.memory_space<vmem>>, vector<16xf32>,
      tpu.vector_store %arg13[%swap3A_704, %swap3A_705], %mul3A_702 {strides = array<i32>} : memref<16x128xf32, #tpu.memory_space<vmem>>, vector<16xf32>,
      %get3A_707 = arith.constant 8 : i32
      %get3A_708 = arith.index_cast %get3A_707 : i32 to index
      %get3A_709 = arith.constant 32 : index
      %get3A_710 = tpu.vector_load %arg13[%get3A_708, %get3A_709] {strides = array<i32>} : memref<16x128xf32, #tpu.memory_space<vmem>>, vector<16xf32>,
      %mul3A_711 = vector.broadcast %squeeze3A_686 : f32 to vector<16xf32>
      %mul3A_712 = arith.mulf %get3A_710, %mul3A_711 : vector<16xf32>
      %swap3A_713 = arith.constant 8 : i32
      %swap3A_714 = arith.index_cast %swap3A_713 : i32 to index
      %swap3A_715 = arith.constant 32 : index
      %swap3A_716 = tpu.vector_load %arg13[%swap3A_714, %swap3A_715] {strides = array<i32>} : memref<16x128xf32, #tpu.memory_space<vmem>>, vector<16xf32>,
      tpu.vector_store %arg13[%swap3A_714, %swap3A_715], %mul3A_712 {strides = array<i32>} : memref<16x128xf32, #tpu.memory_space<vmem>>, vector<16xf32>,
      %get3A_717 = arith.constant 8 : i32
      %get3A_718 = arith.index_cast %get3A_717 : i32 to index
      %get3A_719 = arith.constant 48 : index
      %get3A_720 = tpu.vector_load %arg13[%get3A_718, %get3A_719] {strides = array<i32>} : memref<16x128xf32, #tpu.memory_space<vmem>>, vector<16xf32>,
      %mul3A_721 = vector.broadcast %squeeze3A_686 : f32 to vector<16xf32>
      %mul3A_722 = arith.mulf %get3A_720, %mul3A_721 : vector<16xf32>
      %swap3A_723 = arith.constant 8 : i32
      %swap3A_724 = arith.index_cast %swap3A_723 : i32 to index
      %swap3A_725 = arith.constant 48 : index
      %swap3A_726 = tpu.vector_load %arg13[%swap3A_724, %swap3A_725] {strides = array<i32>} : memref<16x128xf32, #tpu.memory_space<vmem>>, vector<16xf32>,
      tpu.vector_store %arg13[%swap3A_724, %swap3A_725], %mul3A_722 {strides = array<i32>} : memref<16x128xf32, #tpu.memory_space<vmem>>, vector<16xf32>,
      %get3A_727 = arith.constant 8 : i32
      %get3A_728 = arith.index_cast %get3A_727 : i32 to index
      %get3A_729 = arith.constant 64 : index
      %get3A_730 = tpu.vector_load %arg13[%get3A_728, %get3A_729] {strides = array<i32>} : memref<16x128xf32, #tpu.memory_space<vmem>>, vector<16xf32>,
      %mul3A_731 = vector.broadcast %squeeze3A_686 : f32 to vector<16xf32>
      %mul3A_732 = arith.mulf %get3A_730, %mul3A_731 : vector<16xf32>
      %swap3A_733 = arith.constant 8 : i32
      %swap3A_734 = arith.index_cast %swap3A_733 : i32 to index
      %swap3A_735 = arith.constant 64 : index
      %swap3A_736 = tpu.vector_load %arg13[%swap3A_734, %swap3A_735] {strides = array<i32>} : memref<16x128xf32, #tpu.memory_space<vmem>>, vector<16xf32>,
      tpu.vector_store %arg13[%swap3A_734, %swap3A_735], %mul3A_732 {strides = array<i32>} : memref<16x128xf32, #tpu.memory_space<vmem>>, vector<16xf32>,
      %get3A_737 = arith.constant 8 : i32
      %get3A_738 = arith.index_cast %get3A_737 : i32 to index
      %get3A_739 = arith.constant 80 : index
      %get3A_740 = tpu.vector_load %arg13[%get3A_738, %get3A_739] {strides = array<i32>} : memref<16x128xf32, #tpu.memory_space<vmem>>, vector<16xf32>,
      %mul3A_741 = vector.broadcast %squeeze3A_686 : f32 to vector<16xf32>
      %mul3A_742 = arith.mulf %get3A_740, %mul3A_741 : vector<16xf32>
      %swap3A_743 = arith.constant 8 : i32
      %swap3A_744 = arith.index_cast %swap3A_743 : i32 to index
      %swap3A_745 = arith.constant 80 : index
      %swap3A_746 = tpu.vector_load %arg13[%swap3A_744, %swap3A_745] {strides = array<i32>} : memref<16x128xf32, #tpu.memory_space<vmem>>, vector<16xf32>,
      tpu.vector_store %arg13[%swap3A_744, %swap3A_745], %mul3A_742 {strides = array<i32>} : memref<16x128xf32, #tpu.memory_space<vmem>>, vector<16xf32>,
      %get3A_747 = arith.constant 8 : i32
      %get3A_748 = arith.index_cast %get3A_747 : i32 to index
      %get3A_749 = arith.constant 96 : index
      %get3A_750 = tpu.vector_load %arg13[%get3A_748, %get3A_749] {strides = array<i32>} : memref<16x128xf32, #tpu.memory_space<vmem>>, vector<16xf32>,
      %mul3A_751 = vector.broadcast %squeeze3A_686 : f32 to vector<16xf32>
      %mul3A_752 = arith.mulf %get3A_750, %mul3A_751 : vector<16xf32>
      %swap3A_753 = arith.constant 8 : i32
      %swap3A_754 = arith.index_cast %swap3A_753 : i32 to index
      %swap3A_755 = arith.constant 96 : index
      %swap3A_756 = tpu.vector_load %arg13[%swap3A_754, %swap3A_755] {strides = array<i32>} : memref<16x128xf32, #tpu.memory_space<vmem>>, vector<16xf32>,
      tpu.vector_store %arg13[%swap3A_754, %swap3A_755], %mul3A_752 {strides = array<i32>} : memref<16x128xf32, #tpu.memory_space<vmem>>, vector<16xf32>,
      %get3A_757 = arith.constant 8 : i32
      %get3A_758 = arith.index_cast %get3A_757 : i32 to index
      %get3A_759 = arith.constant 112 : index
      %get3A_760 = tpu.vector_load %arg13[%get3A_758, %get3A_759] {strides = array<i32>} : memref<16x128xf32, #tpu.memory_space<vmem>>, vector<16xf32>,
      %mul3A_761 = vector.broadcast %squeeze3A_686 : f32 to vector<16xf32>
      %mul3A_762 = arith.mulf %get3A_760, %mul3A_761 : vector<16xf32>
      %swap3A_763 = arith.constant 8 : i32
      %swap3A_764 = arith.index_cast %swap3A_763 : i32 to index
      %swap3A_765 = arith.constant 112 : index
      %swap3A_766 = tpu.vector_load %arg13[%swap3A_764, %swap3A_765] {strides = array<i32>} : memref<16x128xf32, #tpu.memory_space<vmem>>, vector<16xf32>,
      tpu.vector_store %arg13[%swap3A_764, %swap3A_765], %mul3A_762 {strides = array<i32>} : memref<16x128xf32, #tpu.memory_space<vmem>>, vector<16xf32>,
      %slice3A_767 = vector.extract_strided_slice %exp3A {offsets = [9], sizes = [1], strides = [1]} : vector<16xf32> to vector<1xf32>
      %squeeze3A_768 = vector.extract %slice3A_767[0] : f32 from vector<1xf32>
      %get3A_769 = arith.constant 9 : i32
      %get3A_770 = arith.index_cast %get3A_769 : i32 to index
      %get3A_771 = arith.constant 0 : index
      %get3A_772 = tpu.vector_load %arg13[%get3A_770, %get3A_771] {strides = array<i32>} : memref<16x128xf32, #tpu.memory_space<vmem>>, vector<16xf32>,
      %mul3A_773 = vector.broadcast %squeeze3A_768 : f32 to vector<16xf32>
      %mul3A_774 = arith.mulf %get3A_772, %mul3A_773 : vector<16xf32>
      %swap3A_775 = arith.constant 9 : i32
      %swap3A_776 = arith.index_cast %swap3A_775 : i32 to index
      %swap3A_777 = arith.constant 0 : index
      %swap3A_778 = tpu.vector_load %arg13[%swap3A_776, %swap3A_777] {strides = array<i32>} : memref<16x128xf32, #tpu.memory_space<vmem>>, vector<16xf32>,
      tpu.vector_store %arg13[%swap3A_776, %swap3A_777], %mul3A_774 {strides = array<i32>} : memref<16x128xf32, #tpu.memory_space<vmem>>, vector<16xf32>,
      %get3A_779 = arith.constant 9 : i32
      %get3A_780 = arith.index_cast %get3A_779 : i32 to index
      %get3A_781 = arith.constant 16 : index
      %get3A_782 = tpu.vector_load %arg13[%get3A_780, %get3A_781] {strides = array<i32>} : memref<16x128xf32, #tpu.memory_space<vmem>>, vector<16xf32>,
      %mul3A_783 = vector.broadcast %squeeze3A_768 : f32 to vector<16xf32>
      %mul3A_784 = arith.mulf %get3A_782, %mul3A_783 : vector<16xf32>
      %swap3A_785 = arith.constant 9 : i32
      %swap3A_786 = arith.index_cast %swap3A_785 : i32 to index
      %swap3A_787 = arith.constant 16 : index
      %swap3A_788 = tpu.vector_load %arg13[%swap3A_786, %swap3A_787] {strides = array<i32>} : memref<16x128xf32, #tpu.memory_space<vmem>>, vector<16xf32>,
      tpu.vector_store %arg13[%swap3A_786, %swap3A_787], %mul3A_784 {strides = array<i32>} : memref<16x128xf32, #tpu.memory_space<vmem>>, vector<16xf32>,
      %get3A_789 = arith.constant 9 : i32
      %get3A_790 = arith.index_cast %get3A_789 : i32 to index
      %get3A_791 = arith.constant 32 : index
      %get3A_792 = tpu.vector_load %arg13[%get3A_790, %get3A_791] {strides = array<i32>} : memref<16x128xf32, #tpu.memory_space<vmem>>, vector<16xf32>,
      %mul3A_793 = vector.broadcast %squeeze3A_768 : f32 to vector<16xf32>
      %mul3A_794 = arith.mulf %get3A_792, %mul3A_793 : vector<16xf32>
      %swap3A_795 = arith.constant 9 : i32
      %swap3A_796 = arith.index_cast %swap3A_795 : i32 to index
      %swap3A_797 = arith.constant 32 : index
      %swap3A_798 = tpu.vector_load %arg13[%swap3A_796, %swap3A_797] {strides = array<i32>} : memref<16x128xf32, #tpu.memory_space<vmem>>, vector<16xf32>,
      tpu.vector_store %arg13[%swap3A_796, %swap3A_797], %mul3A_794 {strides = array<i32>} : memref<16x128xf32, #tpu.memory_space<vmem>>, vector<16xf32>,
      %get3A_799 = arith.constant 9 : i32
      %get3A_800 = arith.index_cast %get3A_799 : i32 to index
      %get3A_801 = arith.constant 48 : index
      %get3A_802 = tpu.vector_load %arg13[%get3A_800, %get3A_801] {strides = array<i32>} : memref<16x128xf32, #tpu.memory_space<vmem>>, vector<16xf32>,
      %mul3A_803 = vector.broadcast %squeeze3A_768 : f32 to vector<16xf32>
      %mul3A_804 = arith.mulf %get3A_802, %mul3A_803 : vector<16xf32>
      %swap3A_805 = arith.constant 9 : i32
      %swap3A_806 = arith.index_cast %swap3A_805 : i32 to index
      %swap3A_807 = arith.constant 48 : index
      %swap3A_808 = tpu.vector_load %arg13[%swap3A_806, %swap3A_807] {strides = array<i32>} : memref<16x128xf32, #tpu.memory_space<vmem>>, vector<16xf32>,
      tpu.vector_store %arg13[%swap3A_806, %swap3A_807], %mul3A_804 {strides = array<i32>} : memref<16x128xf32, #tpu.memory_space<vmem>>, vector<16xf32>,
      %get3A_809 = arith.constant 9 : i32
      %get3A_810 = arith.index_cast %get3A_809 : i32 to index
      %get3A_811 = arith.constant 64 : index
      %get3A_812 = tpu.vector_load %arg13[%get3A_810, %get3A_811] {strides = array<i32>} : memref<16x128xf32, #tpu.memory_space<vmem>>, vector<16xf32>,
      %mul3A_813 = vector.broadcast %squeeze3A_768 : f32 to vector<16xf32>
      %mul3A_814 = arith.mulf %get3A_812, %mul3A_813 : vector<16xf32>
      %swap3A_815 = arith.constant 9 : i32
      %swap3A_816 = arith.index_cast %swap3A_815 : i32 to index
      %swap3A_817 = arith.constant 64 : index
      %swap3A_818 = tpu.vector_load %arg13[%swap3A_816, %swap3A_817] {strides = array<i32>} : memref<16x128xf32, #tpu.memory_space<vmem>>, vector<16xf32>,
      tpu.vector_store %arg13[%swap3A_816, %swap3A_817], %mul3A_814 {strides = array<i32>} : memref<16x128xf32, #tpu.memory_space<vmem>>, vector<16xf32>,
      %get3A_819 = arith.constant 9 : i32
      %get3A_820 = arith.index_cast %get3A_819 : i32 to index
      %get3A_821 = arith.constant 80 : index
      %get3A_822 = tpu.vector_load %arg13[%get3A_820, %get3A_821] {strides = array<i32>} : memref<16x128xf32, #tpu.memory_space<vmem>>, vector<16xf32>,
      %mul3A_823 = vector.broadcast %squeeze3A_768 : f32 to vector<16xf32>
      %mul3A_824 = arith.mulf %get3A_822, %mul3A_823 : vector<16xf32>
      %swap3A_825 = arith.constant 9 : i32
      %swap3A_826 = arith.index_cast %swap3A_825 : i32 to index
      %swap3A_827 = arith.constant 80 : index
      %swap3A_828 = tpu.vector_load %arg13[%swap3A_826, %swap3A_827] {strides = array<i32>} : memref<16x128xf32, #tpu.memory_space<vmem>>, vector<16xf32>,
      tpu.vector_store %arg13[%swap3A_826, %swap3A_827], %mul3A_824 {strides = array<i32>} : memref<16x128xf32, #tpu.memory_space<vmem>>, vector<16xf32>,
      %get3A_829 = arith.constant 9 : i32
      %get3A_830 = arith.index_cast %get3A_829 : i32 to index
      %get3A_831 = arith.constant 96 : index
      %get3A_832 = tpu.vector_load %arg13[%get3A_830, %get3A_831] {strides = array<i32>} : memref<16x128xf32, #tpu.memory_space<vmem>>, vector<16xf32>,
      %mul3A_833 = vector.broadcast %squeeze3A_768 : f32 to vector<16xf32>
      %mul3A_834 = arith.mulf %get3A_832, %mul3A_833 : vector<16xf32>
      %swap3A_835 = arith.constant 9 : i32
      %swap3A_836 = arith.index_cast %swap3A_835 : i32 to index
      %swap3A_837 = arith.constant 96 : index
      %swap3A_838 = tpu.vector_load %arg13[%swap3A_836, %swap3A_837] {strides = array<i32>} : memref<16x128xf32, #tpu.memory_space<vmem>>, vector<16xf32>,
      tpu.vector_store %arg13[%swap3A_836, %swap3A_837], %mul3A_834 {strides = array<i32>} : memref<16x128xf32, #tpu.memory_space<vmem>>, vector<16xf32>,
      %get3A_839 = arith.constant 9 : i32
      %get3A_840 = arith.index_cast %get3A_839 : i32 to index
      %get3A_841 = arith.constant 112 : index
      %get3A_842 = tpu.vector_load %arg13[%get3A_840, %get3A_841] {strides = array<i32>} : memref<16x128xf32, #tpu.memory_space<vmem>>, vector<16xf32>,
      %mul3A_843 = vector.broadcast %squeeze3A_768 : f32 to vector<16xf32>
      %mul3A_844 = arith.mulf %get3A_842, %mul3A_843 : vector<16xf32>
      %swap3A_845 = arith.constant 9 : i32
      %swap3A_846 = arith.index_cast %swap3A_845 : i32 to index
      %swap3A_847 = arith.constant 112 : index
      %swap3A_848 = tpu.vector_load %arg13[%swap3A_846, %swap3A_847] {strides = array<i32>} : memref<16x128xf32, #tpu.memory_space<vmem>>, vector<16xf32>,
      tpu.vector_store %arg13[%swap3A_846, %swap3A_847], %mul3A_844 {strides = array<i32>} : memref<16x128xf32, #tpu.memory_space<vmem>>, vector<16xf32>,
      %slice3A_849 = vector.extract_strided_slice %exp3A {offsets = [10], sizes = [1], strides = [1]} : vector<16xf32> to vector<1xf32>
      %squeeze3A_850 = vector.extract %slice3A_849[0] : f32 from vector<1xf32>
      %get3A_851 = arith.constant 10 : i32
      %get3A_852 = arith.index_cast %get3A_851 : i32 to index
      %get3A_853 = arith.constant 0 : index
      %get3A_854 = tpu.vector_load %arg13[%get3A_852, %get3A_853] {strides = array<i32>} : memref<16x128xf32, #tpu.memory_space<vmem>>, vector<16xf32>,
      %mul3A_855 = vector.broadcast %squeeze3A_850 : f32 to vector<16xf32>
      %mul3A_856 = arith.mulf %get3A_854, %mul3A_855 : vector<16xf32>
      %swap3A_857 = arith.constant 10 : i32
      %swap3A_858 = arith.index_cast %swap3A_857 : i32 to index
      %swap3A_859 = arith.constant 0 : index
      %swap3A_860 = tpu.vector_load %arg13[%swap3A_858, %swap3A_859] {strides = array<i32>} : memref<16x128xf32, #tpu.memory_space<vmem>>, vector<16xf32>,
      tpu.vector_store %arg13[%swap3A_858, %swap3A_859], %mul3A_856 {strides = array<i32>} : memref<16x128xf32, #tpu.memory_space<vmem>>, vector<16xf32>,
      %get3A_861 = arith.constant 10 : i32
      %get3A_862 = arith.index_cast %get3A_861 : i32 to index
      %get3A_863 = arith.constant 16 : index
      %get3A_864 = tpu.vector_load %arg13[%get3A_862, %get3A_863] {strides = array<i32>} : memref<16x128xf32, #tpu.memory_space<vmem>>, vector<16xf32>,
      %mul3A_865 = vector.broadcast %squeeze3A_850 : f32 to vector<16xf32>
      %mul3A_866 = arith.mulf %get3A_864, %mul3A_865 : vector<16xf32>
      %swap3A_867 = arith.constant 10 : i32
      %swap3A_868 = arith.index_cast %swap3A_867 : i32 to index
      %swap3A_869 = arith.constant 16 : index
      %swap3A_870 = tpu.vector_load %arg13[%swap3A_868, %swap3A_869] {strides = array<i32>} : memref<16x128xf32, #tpu.memory_space<vmem>>, vector<16xf32>,
      tpu.vector_store %arg13[%swap3A_868, %swap3A_869], %mul3A_866 {strides = array<i32>} : memref<16x128xf32, #tpu.memory_space<vmem>>, vector<16xf32>,
      %get3A_871 = arith.constant 10 : i32
      %get3A_872 = arith.index_cast %get3A_871 : i32 to index
      %get3A_873 = arith.constant 32 : index
      %get3A_874 = tpu.vector_load %arg13[%get3A_872, %get3A_873] {strides = array<i32>} : memref<16x128xf32, #tpu.memory_space<vmem>>, vector<16xf32>,
      %mul3A_875 = vector.broadcast %squeeze3A_850 : f32 to vector<16xf32>
      %mul3A_876 = arith.mulf %get3A_874, %mul3A_875 : vector<16xf32>
      %swap3A_877 = arith.constant 10 : i32
      %swap3A_878 = arith.index_cast %swap3A_877 : i32 to index
      %swap3A_879 = arith.constant 32 : index
      %swap3A_880 = tpu.vector_load %arg13[%swap3A_878, %swap3A_879] {strides = array<i32>} : memref<16x128xf32, #tpu.memory_space<vmem>>, vector<16xf32>,
      tpu.vector_store %arg13[%swap3A_878, %swap3A_879], %mul3A_876 {strides = array<i32>} : memref<16x128xf32, #tpu.memory_space<vmem>>, vector<16xf32>,
      %get3A_881 = arith.constant 10 : i32
      %get3A_882 = arith.index_cast %get3A_881 : i32 to index
      %get3A_883 = arith.constant 48 : index
      %get3A_884 = tpu.vector_load %arg13[%get3A_882, %get3A_883] {strides = array<i32>} : memref<16x128xf32, #tpu.memory_space<vmem>>, vector<16xf32>,
      %mul3A_885 = vector.broadcast %squeeze3A_850 : f32 to vector<16xf32>
      %mul3A_886 = arith.mulf %get3A_884, %mul3A_885 : vector<16xf32>
      %swap3A_887 = arith.constant 10 : i32
      %swap3A_888 = arith.index_cast %swap3A_887 : i32 to index
      %swap3A_889 = arith.constant 48 : index
      %swap3A_890 = tpu.vector_load %arg13[%swap3A_888, %swap3A_889] {strides = array<i32>} : memref<16x128xf32, #tpu.memory_space<vmem>>, vector<16xf32>,
      tpu.vector_store %arg13[%swap3A_888, %swap3A_889], %mul3A_886 {strides = array<i32>} : memref<16x128xf32, #tpu.memory_space<vmem>>, vector<16xf32>,
      %get3A_891 = arith.constant 10 : i32
      %get3A_892 = arith.index_cast %get3A_891 : i32 to index
      %get3A_893 = arith.constant 64 : index
      %get3A_894 = tpu.vector_load %arg13[%get3A_892, %get3A_893] {strides = array<i32>} : memref<16x128xf32, #tpu.memory_space<vmem>>, vector<16xf32>,
      %mul3A_895 = vector.broadcast %squeeze3A_850 : f32 to vector<16xf32>
      %mul3A_896 = arith.mulf %get3A_894, %mul3A_895 : vector<16xf32>
      %swap3A_897 = arith.constant 10 : i32
      %swap3A_898 = arith.index_cast %swap3A_897 : i32 to index
      %swap3A_899 = arith.constant 64 : index
      %swap3A_900 = tpu.vector_load %arg13[%swap3A_898, %swap3A_899] {strides = array<i32>} : memref<16x128xf32, #tpu.memory_space<vmem>>, vector<16xf32>,
      tpu.vector_store %arg13[%swap3A_898, %swap3A_899], %mul3A_896 {strides = array<i32>} : memref<16x128xf32, #tpu.memory_space<vmem>>, vector<16xf32>,
      %get3A_901 = arith.constant 10 : i32
      %get3A_902 = arith.index_cast %get3A_901 : i32 to index
      %get3A_903 = arith.constant 80 : index
      %get3A_904 = tpu.vector_load %arg13[%get3A_902, %get3A_903] {strides = array<i32>} : memref<16x128xf32, #tpu.memory_space<vmem>>, vector<16xf32>,
      %mul3A_905 = vector.broadcast %squeeze3A_850 : f32 to vector<16xf32>
      %mul3A_906 = arith.mulf %get3A_904, %mul3A_905 : vector<16xf32>
      %swap3A_907 = arith.constant 10 : i32
      %swap3A_908 = arith.index_cast %swap3A_907 : i32 to index
      %swap3A_909 = arith.constant 80 : index
      %swap3A_910 = tpu.vector_load %arg13[%swap3A_908, %swap3A_909] {strides = array<i32>} : memref<16x128xf32, #tpu.memory_space<vmem>>, vector<16xf32>,
      tpu.vector_store %arg13[%swap3A_908, %swap3A_909], %mul3A_906 {strides = array<i32>} : memref<16x128xf32, #tpu.memory_space<vmem>>, vector<16xf32>,
      %get3A_911 = arith.constant 10 : i32
      %get3A_912 = arith.index_cast %get3A_911 : i32 to index
      %get3A_913 = arith.constant 96 : index
      %get3A_914 = tpu.vector_load %arg13[%get3A_912, %get3A_913] {strides = array<i32>} : memref<16x128xf32, #tpu.memory_space<vmem>>, vector<16xf32>,
      %mul3A_915 = vector.broadcast %squeeze3A_850 : f32 to vector<16xf32>
      %mul3A_916 = arith.mulf %get3A_914, %mul3A_915 : vector<16xf32>
      %swap3A_917 = arith.constant 10 : i32
      %swap3A_918 = arith.index_cast %swap3A_917 : i32 to index
      %swap3A_919 = arith.constant 96 : index
      %swap3A_920 = tpu.vector_load %arg13[%swap3A_918, %swap3A_919] {strides = array<i32>} : memref<16x128xf32, #tpu.memory_space<vmem>>, vector<16xf32>,
      tpu.vector_store %arg13[%swap3A_918, %swap3A_919], %mul3A_916 {strides = array<i32>} : memref<16x128xf32, #tpu.memory_space<vmem>>, vector<16xf32>,
      %get3A_921 = arith.constant 10 : i32
      %get3A_922 = arith.index_cast %get3A_921 : i32 to index
      %get3A_923 = arith.constant 112 : index
      %get3A_924 = tpu.vector_load %arg13[%get3A_922, %get3A_923] {strides = array<i32>} : memref<16x128xf32, #tpu.memory_space<vmem>>, vector<16xf32>,
      %mul3A_925 = vector.broadcast %squeeze3A_850 : f32 to vector<16xf32>
      %mul3A_926 = arith.mulf %get3A_924, %mul3A_925 : vector<16xf32>
      %swap3A_927 = arith.constant 10 : i32
      %swap3A_928 = arith.index_cast %swap3A_927 : i32 to index
      %swap3A_929 = arith.constant 112 : index
      %swap3A_930 = tpu.vector_load %arg13[%swap3A_928, %swap3A_929] {strides = array<i32>} : memref<16x128xf32, #tpu.memory_space<vmem>>, vector<16xf32>,
      tpu.vector_store %arg13[%swap3A_928, %swap3A_929], %mul3A_926 {strides = array<i32>} : memref<16x128xf32, #tpu.memory_space<vmem>>, vector<16xf32>,
      %slice3A_931 = vector.extract_strided_slice %exp3A {offsets = [11], sizes = [1], strides = [1]} : vector<16xf32> to vector<1xf32>
      %squeeze3A_932 = vector.extract %slice3A_931[0] : f32 from vector<1xf32>
      %get3A_933 = arith.constant 11 : i32
      %get3A_934 = arith.index_cast %get3A_933 : i32 to index
      %get3A_935 = arith.constant 0 : index
      %get3A_936 = tpu.vector_load %arg13[%get3A_934, %get3A_935] {strides = array<i32>} : memref<16x128xf32, #tpu.memory_space<vmem>>, vector<16xf32>,
      %mul3A_937 = vector.broadcast %squeeze3A_932 : f32 to vector<16xf32>
      %mul3A_938 = arith.mulf %get3A_936, %mul3A_937 : vector<16xf32>
      %swap3A_939 = arith.constant 11 : i32
      %swap3A_940 = arith.index_cast %swap3A_939 : i32 to index
      %swap3A_941 = arith.constant 0 : index
      %swap3A_942 = tpu.vector_load %arg13[%swap3A_940, %swap3A_941] {strides = array<i32>} : memref<16x128xf32, #tpu.memory_space<vmem>>, vector<16xf32>,
      tpu.vector_store %arg13[%swap3A_940, %swap3A_941], %mul3A_938 {strides = array<i32>} : memref<16x128xf32, #tpu.memory_space<vmem>>, vector<16xf32>,
      %get3A_943 = arith.constant 11 : i32
      %get3A_944 = arith.index_cast %get3A_943 : i32 to index
      %get3A_945 = arith.constant 16 : index
      %get3A_946 = tpu.vector_load %arg13[%get3A_944, %get3A_945] {strides = array<i32>} : memref<16x128xf32, #tpu.memory_space<vmem>>, vector<16xf32>,
      %mul3A_947 = vector.broadcast %squeeze3A_932 : f32 to vector<16xf32>
      %mul3A_948 = arith.mulf %get3A_946, %mul3A_947 : vector<16xf32>
      %swap3A_949 = arith.constant 11 : i32
      %swap3A_950 = arith.index_cast %swap3A_949 : i32 to index
      %swap3A_951 = arith.constant 16 : index
      %swap3A_952 = tpu.vector_load %arg13[%swap3A_950, %swap3A_951] {strides = array<i32>} : memref<16x128xf32, #tpu.memory_space<vmem>>, vector<16xf32>,
      tpu.vector_store %arg13[%swap3A_950, %swap3A_951], %mul3A_948 {strides = array<i32>} : memref<16x128xf32, #tpu.memory_space<vmem>>, vector<16xf32>,
      %get3A_953 = arith.constant 11 : i32
      %get3A_954 = arith.index_cast %get3A_953 : i32 to index
      %get3A_955 = arith.constant 32 : index
      %get3A_956 = tpu.vector_load %arg13[%get3A_954, %get3A_955] {strides = array<i32>} : memref<16x128xf32, #tpu.memory_space<vmem>>, vector<16xf32>,
      %mul3A_957 = vector.broadcast %squeeze3A_932 : f32 to vector<16xf32>
      %mul3A_958 = arith.mulf %get3A_956, %mul3A_957 : vector<16xf32>
      %swap3A_959 = arith.constant 11 : i32
      %swap3A_960 = arith.index_cast %swap3A_959 : i32 to index
      %swap3A_961 = arith.constant 32 : index
      %swap3A_962 = tpu.vector_load %arg13[%swap3A_960, %swap3A_961] {strides = array<i32>} : memref<16x128xf32, #tpu.memory_space<vmem>>, vector<16xf32>,
      tpu.vector_store %arg13[%swap3A_960, %swap3A_961], %mul3A_958 {strides = array<i32>} : memref<16x128xf32, #tpu.memory_space<vmem>>, vector<16xf32>,
      %get3A_963 = arith.constant 11 : i32
      %get3A_964 = arith.index_cast %get3A_963 : i32 to index
      %get3A_965 = arith.constant 48 : index
      %get3A_966 = tpu.vector_load %arg13[%get3A_964, %get3A_965] {strides = array<i32>} : memref<16x128xf32, #tpu.memory_space<vmem>>, vector<16xf32>,
      %mul3A_967 = vector.broadcast %squeeze3A_932 : f32 to vector<16xf32>
      %mul3A_968 = arith.mulf %get3A_966, %mul3A_967 : vector<16xf32>
      %swap3A_969 = arith.constant 11 : i32
      %swap3A_970 = arith.index_cast %swap3A_969 : i32 to index
      %swap3A_971 = arith.constant 48 : index
      %swap3A_972 = tpu.vector_load %arg13[%swap3A_970, %swap3A_971] {strides = array<i32>} : memref<16x128xf32, #tpu.memory_space<vmem>>, vector<16xf32>,
      tpu.vector_store %arg13[%swap3A_970, %swap3A_971], %mul3A_968 {strides = array<i32>} : memref<16x128xf32, #tpu.memory_space<vmem>>, vector<16xf32>,
      %get3A_973 = arith.constant 11 : i32
      %get3A_974 = arith.index_cast %get3A_973 : i32 to index
      %get3A_975 = arith.constant 64 : index
      %get3A_976 = tpu.vector_load %arg13[%get3A_974, %get3A_975] {strides = array<i32>} : memref<16x128xf32, #tpu.memory_space<vmem>>, vector<16xf32>,
      %mul3A_977 = vector.broadcast %squeeze3A_932 : f32 to vector<16xf32>
      %mul3A_978 = arith.mulf %get3A_976, %mul3A_977 : vector<16xf32>
      %swap3A_979 = arith.constant 11 : i32
      %swap3A_980 = arith.index_cast %swap3A_979 : i32 to index
      %swap3A_981 = arith.constant 64 : index
      %swap3A_982 = tpu.vector_load %arg13[%swap3A_980, %swap3A_981] {strides = array<i32>} : memref<16x128xf32, #tpu.memory_space<vmem>>, vector<16xf32>,
      tpu.vector_store %arg13[%swap3A_980, %swap3A_981], %mul3A_978 {strides = array<i32>} : memref<16x128xf32, #tpu.memory_space<vmem>>, vector<16xf32>,
      %get3A_983 = arith.constant 11 : i32
      %get3A_984 = arith.index_cast %get3A_983 : i32 to index
      %get3A_985 = arith.constant 80 : index
      %get3A_986 = tpu.vector_load %arg13[%get3A_984, %get3A_985] {strides = array<i32>} : memref<16x128xf32, #tpu.memory_space<vmem>>, vector<16xf32>,
      %mul3A_987 = vector.broadcast %squeeze3A_932 : f32 to vector<16xf32>
      %mul3A_988 = arith.mulf %get3A_986, %mul3A_987 : vector<16xf32>
      %swap3A_989 = arith.constant 11 : i32
      %swap3A_990 = arith.index_cast %swap3A_989 : i32 to index
      %swap3A_991 = arith.constant 80 : index
      %swap3A_992 = tpu.vector_load %arg13[%swap3A_990, %swap3A_991] {strides = array<i32>} : memref<16x128xf32, #tpu.memory_space<vmem>>, vector<16xf32>,
      tpu.vector_store %arg13[%swap3A_990, %swap3A_991], %mul3A_988 {strides = array<i32>} : memref<16x128xf32, #tpu.memory_space<vmem>>, vector<16xf32>,
      %get3A_993 = arith.constant 11 : i32
      %get3A_994 = arith.index_cast %get3A_993 : i32 to index
      %get3A_995 = arith.constant 96 : index
      %get3A_996 = tpu.vector_load %arg13[%get3A_994, %get3A_995] {strides = array<i32>} : memref<16x128xf32, #tpu.memory_space<vmem>>, vector<16xf32>,
      %mul3A_997 = vector.broadcast %squeeze3A_932 : f32 to vector<16xf32>
      %mul3A_998 = arith.mulf %get3A_996, %mul3A_997 : vector<16xf32>
      %swap3A_999 = arith.constant 11 : i32
      %swap3A_1000 = arith.index_cast %swap3A_999 : i32 to index
      %swap3A_1001 = arith.constant 96 : index
      %swap3A_1002 = tpu.vector_load %arg13[%swap3A_1000, %swap3A_1001] {strides = array<i32>} : memref<16x128xf32, #tpu.memory_space<vmem>>, vector<16xf32>,
      tpu.vector_store %arg13[%swap3A_1000, %swap3A_1001], %mul3A_998 {strides = array<i32>} : memref<16x128xf32, #tpu.memory_space<vmem>>, vector<16xf32>,
      %get3A_1003 = arith.constant 11 : i32
      %get3A_1004 = arith.index_cast %get3A_1003 : i32 to index
      %get3A_1005 = arith.constant 112 : index
      %get3A_1006 = tpu.vector_load %arg13[%get3A_1004, %get3A_1005] {strides = array<i32>} : memref<16x128xf32, #tpu.memory_space<vmem>>, vector<16xf32>,
      %mul3A_1007 = vector.broadcast %squeeze3A_932 : f32 to vector<16xf32>
      %mul3A_1008 = arith.mulf %get3A_1006, %mul3A_1007 : vector<16xf32>
      %swap3A_1009 = arith.constant 11 : i32
      %swap3A_1010 = arith.index_cast %swap3A_1009 : i32 to index
      %swap3A_1011 = arith.constant 112 : index
      %swap3A_1012 = tpu.vector_load %arg13[%swap3A_1010, %swap3A_1011] {strides = array<i32>} : memref<16x128xf32, #tpu.memory_space<vmem>>, vector<16xf32>,
      tpu.vector_store %arg13[%swap3A_1010, %swap3A_1011], %mul3A_1008 {strides = array<i32>} : memref<16x128xf32, #tpu.memory_space<vmem>>, vector<16xf32>,
      %slice3A_1013 = vector.extract_strided_slice %exp3A {offsets = [12], sizes = [1], strides = [1]} : vector<16xf32> to vector<1xf32>
      %squeeze3A_1014 = vector.extract %slice3A_1013[0] : f32 from vector<1xf32>
      %get3A_1015 = arith.constant 12 : i32
      %get3A_1016 = arith.index_cast %get3A_1015 : i32 to index
      %get3A_1017 = arith.constant 0 : index
      %get3A_1018 = tpu.vector_load %arg13[%get3A_1016, %get3A_1017] {strides = array<i32>} : memref<16x128xf32, #tpu.memory_space<vmem>>, vector<16xf32>,
      %mul3A_1019 = vector.broadcast %squeeze3A_1014 : f32 to vector<16xf32>
      %mul3A_1020 = arith.mulf %get3A_1018, %mul3A_1019 : vector<16xf32>
      %swap3A_1021 = arith.constant 12 : i32
      %swap3A_1022 = arith.index_cast %swap3A_1021 : i32 to index
      %swap3A_1023 = arith.constant 0 : index
      %swap3A_1024 = tpu.vector_load %arg13[%swap3A_1022, %swap3A_1023] {strides = array<i32>} : memref<16x128xf32, #tpu.memory_space<vmem>>, vector<16xf32>,
      tpu.vector_store %arg13[%swap3A_1022, %swap3A_1023], %mul3A_1020 {strides = array<i32>} : memref<16x128xf32, #tpu.memory_space<vmem>>, vector<16xf32>,
      %get3A_1025 = arith.constant 12 : i32
      %get3A_1026 = arith.index_cast %get3A_1025 : i32 to index
      %get3A_1027 = arith.constant 16 : index
      %get3A_1028 = tpu.vector_load %arg13[%get3A_1026, %get3A_1027] {strides = array<i32>} : memref<16x128xf32, #tpu.memory_space<vmem>>, vector<16xf32>,
      %mul3A_1029 = vector.broadcast %squeeze3A_1014 : f32 to vector<16xf32>
      %mul3A_1030 = arith.mulf %get3A_1028, %mul3A_1029 : vector<16xf32>
      %swap3A_1031 = arith.constant 12 : i32
      %swap3A_1032 = arith.index_cast %swap3A_1031 : i32 to index
      %swap3A_1033 = arith.constant 16 : index
      %swap3A_1034 = tpu.vector_load %arg13[%swap3A_1032, %swap3A_1033] {strides = array<i32>} : memref<16x128xf32, #tpu.memory_space<vmem>>, vector<16xf32>,
      tpu.vector_store %arg13[%swap3A_1032, %swap3A_1033], %mul3A_1030 {strides = array<i32>} : memref<16x128xf32, #tpu.memory_space<vmem>>, vector<16xf32>,
      %get3A_1035 = arith.constant 12 : i32
      %get3A_1036 = arith.index_cast %get3A_1035 : i32 to index
      %get3A_1037 = arith.constant 32 : index
      %get3A_1038 = tpu.vector_load %arg13[%get3A_1036, %get3A_1037] {strides = array<i32>} : memref<16x128xf32, #tpu.memory_space<vmem>>, vector<16xf32>,
      %mul3A_1039 = vector.broadcast %squeeze3A_1014 : f32 to vector<16xf32>
      %mul3A_1040 = arith.mulf %get3A_1038, %mul3A_1039 : vector<16xf32>
      %swap3A_1041 = arith.constant 12 : i32
      %swap3A_1042 = arith.index_cast %swap3A_1041 : i32 to index
      %swap3A_1043 = arith.constant 32 : index
      %swap3A_1044 = tpu.vector_load %arg13[%swap3A_1042, %swap3A_1043] {strides = array<i32>} : memref<16x128xf32, #tpu.memory_space<vmem>>, vector<16xf32>,
      tpu.vector_store %arg13[%swap3A_1042, %swap3A_1043], %mul3A_1040 {strides = array<i32>} : memref<16x128xf32, #tpu.memory_space<vmem>>, vector<16xf32>,
      %get3A_1045 = arith.constant 12 : i32
      %get3A_1046 = arith.index_cast %get3A_1045 : i32 to index
      %get3A_1047 = arith.constant 48 : index
      %get3A_1048 = tpu.vector_load %arg13[%get3A_1046, %get3A_1047] {strides = array<i32>} : memref<16x128xf32, #tpu.memory_space<vmem>>, vector<16xf32>,
      %mul3A_1049 = vector.broadcast %squeeze3A_1014 : f32 to vector<16xf32>
      %mul3A_1050 = arith.mulf %get3A_1048, %mul3A_1049 : vector<16xf32>
      %swap3A_1051 = arith.constant 12 : i32
      %swap3A_1052 = arith.index_cast %swap3A_1051 : i32 to index
      %swap3A_1053 = arith.constant 48 : index
      %swap3A_1054 = tpu.vector_load %arg13[%swap3A_1052, %swap3A_1053] {strides = array<i32>} : memref<16x128xf32, #tpu.memory_space<vmem>>, vector<16xf32>,
      tpu.vector_store %arg13[%swap3A_1052, %swap3A_1053], %mul3A_1050 {strides = array<i32>} : memref<16x128xf32, #tpu.memory_space<vmem>>, vector<16xf32>,
      %get3A_1055 = arith.constant 12 : i32
      %get3A_1056 = arith.index_cast %get3A_1055 : i32 to index
      %get3A_1057 = arith.constant 64 : index
      %get3A_1058 = tpu.vector_load %arg13[%get3A_1056, %get3A_1057] {strides = array<i32>} : memref<16x128xf32, #tpu.memory_space<vmem>>, vector<16xf32>,
      %mul3A_1059 = vector.broadcast %squeeze3A_1014 : f32 to vector<16xf32>
      %mul3A_1060 = arith.mulf %get3A_1058, %mul3A_1059 : vector<16xf32>
      %swap3A_1061 = arith.constant 12 : i32
      %swap3A_1062 = arith.index_cast %swap3A_1061 : i32 to index
      %swap3A_1063 = arith.constant 64 : index
      %swap3A_1064 = tpu.vector_load %arg13[%swap3A_1062, %swap3A_1063] {strides = array<i32>} : memref<16x128xf32, #tpu.memory_space<vmem>>, vector<16xf32>,
      tpu.vector_store %arg13[%swap3A_1062, %swap3A_1063], %mul3A_1060 {strides = array<i32>} : memref<16x128xf32, #tpu.memory_space<vmem>>, vector<16xf32>,
      %get3A_1065 = arith.constant 12 : i32
      %get3A_1066 = arith.index_cast %get3A_1065 : i32 to index
      %get3A_1067 = arith.constant 80 : index
      %get3A_1068 = tpu.vector_load %arg13[%get3A_1066, %get3A_1067] {strides = array<i32>} : memref<16x128xf32, #tpu.memory_space<vmem>>, vector<16xf32>,
      %mul3A_1069 = vector.broadcast %squeeze3A_1014 : f32 to vector<16xf32>
      %mul3A_1070 = arith.mulf %get3A_1068, %mul3A_1069 : vector<16xf32>
      %swap3A_1071 = arith.constant 12 : i32
      %swap3A_1072 = arith.index_cast %swap3A_1071 : i32 to index
      %swap3A_1073 = arith.constant 80 : index
      %swap3A_1074 = tpu.vector_load %arg13[%swap3A_1072, %swap3A_1073] {strides = array<i32>} : memref<16x128xf32, #tpu.memory_space<vmem>>, vector<16xf32>,
      tpu.vector_store %arg13[%swap3A_1072, %swap3A_1073], %mul3A_1070 {strides = array<i32>} : memref<16x128xf32, #tpu.memory_space<vmem>>, vector<16xf32>,
      %get3A_1075 = arith.constant 12 : i32
      %get3A_1076 = arith.index_cast %get3A_1075 : i32 to index
      %get3A_1077 = arith.constant 96 : index
      %get3A_1078 = tpu.vector_load %arg13[%get3A_1076, %get3A_1077] {strides = array<i32>} : memref<16x128xf32, #tpu.memory_space<vmem>>, vector<16xf32>,
      %mul3A_1079 = vector.broadcast %squeeze3A_1014 : f32 to vector<16xf32>
      %mul3A_1080 = arith.mulf %get3A_1078, %mul3A_1079 : vector<16xf32>
      %swap3A_1081 = arith.constant 12 : i32
      %swap3A_1082 = arith.index_cast %swap3A_1081 : i32 to index
      %swap3A_1083 = arith.constant 96 : index
      %swap3A_1084 = tpu.vector_load %arg13[%swap3A_1082, %swap3A_1083] {strides = array<i32>} : memref<16x128xf32, #tpu.memory_space<vmem>>, vector<16xf32>,
      tpu.vector_store %arg13[%swap3A_1082, %swap3A_1083], %mul3A_1080 {strides = array<i32>} : memref<16x128xf32, #tpu.memory_space<vmem>>, vector<16xf32>,
      %get3A_1085 = arith.constant 12 : i32
      %get3A_1086 = arith.index_cast %get3A_1085 : i32 to index
      %get3A_1087 = arith.constant 112 : index
      %get3A_1088 = tpu.vector_load %arg13[%get3A_1086, %get3A_1087] {strides = array<i32>} : memref<16x128xf32, #tpu.memory_space<vmem>>, vector<16xf32>,
      %mul3A_1089 = vector.broadcast %squeeze3A_1014 : f32 to vector<16xf32>
      %mul3A_1090 = arith.mulf %get3A_1088, %mul3A_1089 : vector<16xf32>
      %swap3A_1091 = arith.constant 12 : i32
      %swap3A_1092 = arith.index_cast %swap3A_1091 : i32 to index
      %swap3A_1093 = arith.constant 112 : index
      %swap3A_1094 = tpu.vector_load %arg13[%swap3A_1092, %swap3A_1093] {strides = array<i32>} : memref<16x128xf32, #tpu.memory_space<vmem>>, vector<16xf32>,
      tpu.vector_store %arg13[%swap3A_1092, %swap3A_1093], %mul3A_1090 {strides = array<i32>} : memref<16x128xf32, #tpu.memory_space<vmem>>, vector<16xf32>,
      %slice3A_1095 = vector.extract_strided_slice %exp3A {offsets = [13], sizes = [1], strides = [1]} : vector<16xf32> to vector<1xf32>
      %squeeze3A_1096 = vector.extract %slice3A_1095[0] : f32 from vector<1xf32>
      %get3A_1097 = arith.constant 13 : i32
      %get3A_1098 = arith.index_cast %get3A_1097 : i32 to index
      %get3A_1099 = arith.constant 0 : index
      %get3A_1100 = tpu.vector_load %arg13[%get3A_1098, %get3A_1099] {strides = array<i32>} : memref<16x128xf32, #tpu.memory_space<vmem>>, vector<16xf32>,
      %mul3A_1101 = vector.broadcast %squeeze3A_1096 : f32 to vector<16xf32>
      %mul3A_1102 = arith.mulf %get3A_1100, %mul3A_1101 : vector<16xf32>
      %swap3A_1103 = arith.constant 13 : i32
      %swap3A_1104 = arith.index_cast %swap3A_1103 : i32 to index
      %swap3A_1105 = arith.constant 0 : index
      %swap3A_1106 = tpu.vector_load %arg13[%swap3A_1104, %swap3A_1105] {strides = array<i32>} : memref<16x128xf32, #tpu.memory_space<vmem>>, vector<16xf32>,
      tpu.vector_store %arg13[%swap3A_1104, %swap3A_1105], %mul3A_1102 {strides = array<i32>} : memref<16x128xf32, #tpu.memory_space<vmem>>, vector<16xf32>,
      %get3A_1107 = arith.constant 13 : i32
      %get3A_1108 = arith.index_cast %get3A_1107 : i32 to index
      %get3A_1109 = arith.constant 16 : index
      %get3A_1110 = tpu.vector_load %arg13[%get3A_1108, %get3A_1109] {strides = array<i32>} : memref<16x128xf32, #tpu.memory_space<vmem>>, vector<16xf32>,
      %mul3A_1111 = vector.broadcast %squeeze3A_1096 : f32 to vector<16xf32>
      %mul3A_1112 = arith.mulf %get3A_1110, %mul3A_1111 : vector<16xf32>
      %swap3A_1113 = arith.constant 13 : i32
      %swap3A_1114 = arith.index_cast %swap3A_1113 : i32 to index
      %swap3A_1115 = arith.constant 16 : index
      %swap3A_1116 = tpu.vector_load %arg13[%swap3A_1114, %swap3A_1115] {strides = array<i32>} : memref<16x128xf32, #tpu.memory_space<vmem>>, vector<16xf32>,
      tpu.vector_store %arg13[%swap3A_1114, %swap3A_1115], %mul3A_1112 {strides = array<i32>} : memref<16x128xf32, #tpu.memory_space<vmem>>, vector<16xf32>,
      %get3A_1117 = arith.constant 13 : i32
      %get3A_1118 = arith.index_cast %get3A_1117 : i32 to index
      %get3A_1119 = arith.constant 32 : index
      %get3A_1120 = tpu.vector_load %arg13[%get3A_1118, %get3A_1119] {strides = array<i32>} : memref<16x128xf32, #tpu.memory_space<vmem>>, vector<16xf32>,
      %mul3A_1121 = vector.broadcast %squeeze3A_1096 : f32 to vector<16xf32>
      %mul3A_1122 = arith.mulf %get3A_1120, %mul3A_1121 : vector<16xf32>
      %swap3A_1123 = arith.constant 13 : i32
      %swap3A_1124 = arith.index_cast %swap3A_1123 : i32 to index
      %swap3A_1125 = arith.constant 32 : index
      %swap3A_1126 = tpu.vector_load %arg13[%swap3A_1124, %swap3A_1125] {strides = array<i32>} : memref<16x128xf32, #tpu.memory_space<vmem>>, vector<16xf32>,
      tpu.vector_store %arg13[%swap3A_1124, %swap3A_1125], %mul3A_1122 {strides = array<i32>} : memref<16x128xf32, #tpu.memory_space<vmem>>, vector<16xf32>,
      %get3A_1127 = arith.constant 13 : i32
      %get3A_1128 = arith.index_cast %get3A_1127 : i32 to index
      %get3A_1129 = arith.constant 48 : index
      %get3A_1130 = tpu.vector_load %arg13[%get3A_1128, %get3A_1129] {strides = array<i32>} : memref<16x128xf32, #tpu.memory_space<vmem>>, vector<16xf32>,
      %mul3A_1131 = vector.broadcast %squeeze3A_1096 : f32 to vector<16xf32>
      %mul3A_1132 = arith.mulf %get3A_1130, %mul3A_1131 : vector<16xf32>
      %swap3A_1133 = arith.constant 13 : i32
      %swap3A_1134 = arith.index_cast %swap3A_1133 : i32 to index
      %swap3A_1135 = arith.constant 48 : index
      %swap3A_1136 = tpu.vector_load %arg13[%swap3A_1134, %swap3A_1135] {strides = array<i32>} : memref<16x128xf32, #tpu.memory_space<vmem>>, vector<16xf32>,
      tpu.vector_store %arg13[%swap3A_1134, %swap3A_1135], %mul3A_1132 {strides = array<i32>} : memref<16x128xf32, #tpu.memory_space<vmem>>, vector<16xf32>,
      %get3A_1137 = arith.constant 13 : i32
      %get3A_1138 = arith.index_cast %get3A_1137 : i32 to index
      %get3A_1139 = arith.constant 64 : index
      %get3A_1140 = tpu.vector_load %arg13[%get3A_1138, %get3A_1139] {strides = array<i32>} : memref<16x128xf32, #tpu.memory_space<vmem>>, vector<16xf32>,
      %mul3A_1141 = vector.broadcast %squeeze3A_1096 : f32 to vector<16xf32>
      %mul3A_1142 = arith.mulf %get3A_1140, %mul3A_1141 : vector<16xf32>
      %swap3A_1143 = arith.constant 13 : i32
      %swap3A_1144 = arith.index_cast %swap3A_1143 : i32 to index
      %swap3A_1145 = arith.constant 64 : index
      %swap3A_1146 = tpu.vector_load %arg13[%swap3A_1144, %swap3A_1145] {strides = array<i32>} : memref<16x128xf32, #tpu.memory_space<vmem>>, vector<16xf32>,
      tpu.vector_store %arg13[%swap3A_1144, %swap3A_1145], %mul3A_1142 {strides = array<i32>} : memref<16x128xf32, #tpu.memory_space<vmem>>, vector<16xf32>,
      %get3A_1147 = arith.constant 13 : i32
      %get3A_1148 = arith.index_cast %get3A_1147 : i32 to index
      %get3A_1149 = arith.constant 80 : index
      %get3A_1150 = tpu.vector_load %arg13[%get3A_1148, %get3A_1149] {strides = array<i32>} : memref<16x128xf32, #tpu.memory_space<vmem>>, vector<16xf32>,
      %mul3A_1151 = vector.broadcast %squeeze3A_1096 : f32 to vector<16xf32>
      %mul3A_1152 = arith.mulf %get3A_1150, %mul3A_1151 : vector<16xf32>
      %swap3A_1153 = arith.constant 13 : i32
      %swap3A_1154 = arith.index_cast %swap3A_1153 : i32 to index
      %swap3A_1155 = arith.constant 80 : index
      %swap3A_1156 = tpu.vector_load %arg13[%swap3A_1154, %swap3A_1155] {strides = array<i32>} : memref<16x128xf32, #tpu.memory_space<vmem>>, vector<16xf32>,
      tpu.vector_store %arg13[%swap3A_1154, %swap3A_1155], %mul3A_1152 {strides = array<i32>} : memref<16x128xf32, #tpu.memory_space<vmem>>, vector<16xf32>,
      %get3A_1157 = arith.constant 13 : i32
      %get3A_1158 = arith.index_cast %get3A_1157 : i32 to index
      %get3A_1159 = arith.constant 96 : index
      %get3A_1160 = tpu.vector_load %arg13[%get3A_1158, %get3A_1159] {strides = array<i32>} : memref<16x128xf32, #tpu.memory_space<vmem>>, vector<16xf32>,
      %mul3A_1161 = vector.broadcast %squeeze3A_1096 : f32 to vector<16xf32>
      %mul3A_1162 = arith.mulf %get3A_1160, %mul3A_1161 : vector<16xf32>
      %swap3A_1163 = arith.constant 13 : i32
      %swap3A_1164 = arith.index_cast %swap3A_1163 : i32 to index
      %swap3A_1165 = arith.constant 96 : index
      %swap3A_1166 = tpu.vector_load %arg13[%swap3A_1164, %swap3A_1165] {strides = array<i32>} : memref<16x128xf32, #tpu.memory_space<vmem>>, vector<16xf32>,
      tpu.vector_store %arg13[%swap3A_1164, %swap3A_1165], %mul3A_1162 {strides = array<i32>} : memref<16x128xf32, #tpu.memory_space<vmem>>, vector<16xf32>,
      %get3A_1167 = arith.constant 13 : i32
      %get3A_1168 = arith.index_cast %get3A_1167 : i32 to index
      %get3A_1169 = arith.constant 112 : index
      %get3A_1170 = tpu.vector_load %arg13[%get3A_1168, %get3A_1169] {strides = array<i32>} : memref<16x128xf32, #tpu.memory_space<vmem>>, vector<16xf32>,
      %mul3A_1171 = vector.broadcast %squeeze3A_1096 : f32 to vector<16xf32>
      %mul3A_1172 = arith.mulf %get3A_1170, %mul3A_1171 : vector<16xf32>
      %swap3A_1173 = arith.constant 13 : i32
      %swap3A_1174 = arith.index_cast %swap3A_1173 : i32 to index
      %swap3A_1175 = arith.constant 112 : index
      %swap3A_1176 = tpu.vector_load %arg13[%swap3A_1174, %swap3A_1175] {strides = array<i32>} : memref<16x128xf32, #tpu.memory_space<vmem>>, vector<16xf32>,
      tpu.vector_store %arg13[%swap3A_1174, %swap3A_1175], %mul3A_1172 {strides = array<i32>} : memref<16x128xf32, #tpu.memory_space<vmem>>, vector<16xf32>,
      %slice3A_1177 = vector.extract_strided_slice %exp3A {offsets = [14], sizes = [1], strides = [1]} : vector<16xf32> to vector<1xf32>
      %squeeze3A_1178 = vector.extract %slice3A_1177[0] : f32 from vector<1xf32>
      %get3A_1179 = arith.constant 14 : i32
      %get3A_1180 = arith.index_cast %get3A_1179 : i32 to index
      %get3A_1181 = arith.constant 0 : index
      %get3A_1182 = tpu.vector_load %arg13[%get3A_1180, %get3A_1181] {strides = array<i32>} : memref<16x128xf32, #tpu.memory_space<vmem>>, vector<16xf32>,
      %mul3A_1183 = vector.broadcast %squeeze3A_1178 : f32 to vector<16xf32>
      %mul3A_1184 = arith.mulf %get3A_1182, %mul3A_1183 : vector<16xf32>
      %swap3A_1185 = arith.constant 14 : i32
      %swap3A_1186 = arith.index_cast %swap3A_1185 : i32 to index
      %swap3A_1187 = arith.constant 0 : index
      %swap3A_1188 = tpu.vector_load %arg13[%swap3A_1186, %swap3A_1187] {strides = array<i32>} : memref<16x128xf32, #tpu.memory_space<vmem>>, vector<16xf32>,
      tpu.vector_store %arg13[%swap3A_1186, %swap3A_1187], %mul3A_1184 {strides = array<i32>} : memref<16x128xf32, #tpu.memory_space<vmem>>, vector<16xf32>,
      %get3A_1189 = arith.constant 14 : i32
      %get3A_1190 = arith.index_cast %get3A_1189 : i32 to index
      %get3A_1191 = arith.constant 16 : index
      %get3A_1192 = tpu.vector_load %arg13[%get3A_1190, %get3A_1191] {strides = array<i32>} : memref<16x128xf32, #tpu.memory_space<vmem>>, vector<16xf32>,
      %mul3A_1193 = vector.broadcast %squeeze3A_1178 : f32 to vector<16xf32>
      %mul3A_1194 = arith.mulf %get3A_1192, %mul3A_1193 : vector<16xf32>
      %swap3A_1195 = arith.constant 14 : i32
      %swap3A_1196 = arith.index_cast %swap3A_1195 : i32 to index
      %swap3A_1197 = arith.constant 16 : index
      %swap3A_1198 = tpu.vector_load %arg13[%swap3A_1196, %swap3A_1197] {strides = array<i32>} : memref<16x128xf32, #tpu.memory_space<vmem>>, vector<16xf32>,
      tpu.vector_store %arg13[%swap3A_1196, %swap3A_1197], %mul3A_1194 {strides = array<i32>} : memref<16x128xf32, #tpu.memory_space<vmem>>, vector<16xf32>,
      %get3A_1199 = arith.constant 14 : i32
      %get3A_1200 = arith.index_cast %get3A_1199 : i32 to index
      %get3A_1201 = arith.constant 32 : index
      %get3A_1202 = tpu.vector_load %arg13[%get3A_1200, %get3A_1201] {strides = array<i32>} : memref<16x128xf32, #tpu.memory_space<vmem>>, vector<16xf32>,
      %mul3A_1203 = vector.broadcast %squeeze3A_1178 : f32 to vector<16xf32>
      %mul3A_1204 = arith.mulf %get3A_1202, %mul3A_1203 : vector<16xf32>
      %swap3A_1205 = arith.constant 14 : i32
      %swap3A_1206 = arith.index_cast %swap3A_1205 : i32 to index
      %swap3A_1207 = arith.constant 32 : index
      %swap3A_1208 = tpu.vector_load %arg13[%swap3A_1206, %swap3A_1207] {strides = array<i32>} : memref<16x128xf32, #tpu.memory_space<vmem>>, vector<16xf32>,
      tpu.vector_store %arg13[%swap3A_1206, %swap3A_1207], %mul3A_1204 {strides = array<i32>} : memref<16x128xf32, #tpu.memory_space<vmem>>, vector<16xf32>,
      %get3A_1209 = arith.constant 14 : i32
      %get3A_1210 = arith.index_cast %get3A_1209 : i32 to index
      %get3A_1211 = arith.constant 48 : index
      %get3A_1212 = tpu.vector_load %arg13[%get3A_1210, %get3A_1211] {strides = array<i32>} : memref<16x128xf32, #tpu.memory_space<vmem>>, vector<16xf32>,
      %mul3A_1213 = vector.broadcast %squeeze3A_1178 : f32 to vector<16xf32>
      %mul3A_1214 = arith.mulf %get3A_1212, %mul3A_1213 : vector<16xf32>
      %swap3A_1215 = arith.constant 14 : i32
      %swap3A_1216 = arith.index_cast %swap3A_1215 : i32 to index
      %swap3A_1217 = arith.constant 48 : index
      %swap3A_1218 = tpu.vector_load %arg13[%swap3A_1216, %swap3A_1217] {strides = array<i32>} : memref<16x128xf32, #tpu.memory_space<vmem>>, vector<16xf32>,
      tpu.vector_store %arg13[%swap3A_1216, %swap3A_1217], %mul3A_1214 {strides = array<i32>} : memref<16x128xf32, #tpu.memory_space<vmem>>, vector<16xf32>,
      %get3A_1219 = arith.constant 14 : i32
      %get3A_1220 = arith.index_cast %get3A_1219 : i32 to index
      %get3A_1221 = arith.constant 64 : index
      %get3A_1222 = tpu.vector_load %arg13[%get3A_1220, %get3A_1221] {strides = array<i32>} : memref<16x128xf32, #tpu.memory_space<vmem>>, vector<16xf32>,
      %mul3A_1223 = vector.broadcast %squeeze3A_1178 : f32 to vector<16xf32>
      %mul3A_1224 = arith.mulf %get3A_1222, %mul3A_1223 : vector<16xf32>
      %swap3A_1225 = arith.constant 14 : i32
      %swap3A_1226 = arith.index_cast %swap3A_1225 : i32 to index
      %swap3A_1227 = arith.constant 64 : index
      %swap3A_1228 = tpu.vector_load %arg13[%swap3A_1226, %swap3A_1227] {strides = array<i32>} : memref<16x128xf32, #tpu.memory_space<vmem>>, vector<16xf32>,
      tpu.vector_store %arg13[%swap3A_1226, %swap3A_1227], %mul3A_1224 {strides = array<i32>} : memref<16x128xf32, #tpu.memory_space<vmem>>, vector<16xf32>,
      %get3A_1229 = arith.constant 14 : i32
      %get3A_1230 = arith.index_cast %get3A_1229 : i32 to index
      %get3A_1231 = arith.constant 80 : index
      %get3A_1232 = tpu.vector_load %arg13[%get3A_1230, %get3A_1231] {strides = array<i32>} : memref<16x128xf32, #tpu.memory_space<vmem>>, vector<16xf32>,
      %mul3A_1233 = vector.broadcast %squeeze3A_1178 : f32 to vector<16xf32>
      %mul3A_1234 = arith.mulf %get3A_1232, %mul3A_1233 : vector<16xf32>
      %swap3A_1235 = arith.constant 14 : i32
      %swap3A_1236 = arith.index_cast %swap3A_1235 : i32 to index
      %swap3A_1237 = arith.constant 80 : index
      %swap3A_1238 = tpu.vector_load %arg13[%swap3A_1236, %swap3A_1237] {strides = array<i32>} : memref<16x128xf32, #tpu.memory_space<vmem>>, vector<16xf32>,
      tpu.vector_store %arg13[%swap3A_1236, %swap3A_1237], %mul3A_1234 {strides = array<i32>} : memref<16x128xf32, #tpu.memory_space<vmem>>, vector<16xf32>,
      %get3A_1239 = arith.constant 14 : i32
      %get3A_1240 = arith.index_cast %get3A_1239 : i32 to index
      %get3A_1241 = arith.constant 96 : index
      %get3A_1242 = tpu.vector_load %arg13[%get3A_1240, %get3A_1241] {strides = array<i32>} : memref<16x128xf32, #tpu.memory_space<vmem>>, vector<16xf32>,
      %mul3A_1243 = vector.broadcast %squeeze3A_1178 : f32 to vector<16xf32>
      %mul3A_1244 = arith.mulf %get3A_1242, %mul3A_1243 : vector<16xf32>
      %swap3A_1245 = arith.constant 14 : i32
      %swap3A_1246 = arith.index_cast %swap3A_1245 : i32 to index
      %swap3A_1247 = arith.constant 96 : index
      %swap3A_1248 = tpu.vector_load %arg13[%swap3A_1246, %swap3A_1247] {strides = array<i32>} : memref<16x128xf32, #tpu.memory_space<vmem>>, vector<16xf32>,
      tpu.vector_store %arg13[%swap3A_1246, %swap3A_1247], %mul3A_1244 {strides = array<i32>} : memref<16x128xf32, #tpu.memory_space<vmem>>, vector<16xf32>,
      %get3A_1249 = arith.constant 14 : i32
      %get3A_1250 = arith.index_cast %get3A_1249 : i32 to index
      %get3A_1251 = arith.constant 112 : index
      %get3A_1252 = tpu.vector_load %arg13[%get3A_1250, %get3A_1251] {strides = array<i32>} : memref<16x128xf32, #tpu.memory_space<vmem>>, vector<16xf32>,
      %mul3A_1253 = vector.broadcast %squeeze3A_1178 : f32 to vector<16xf32>
      %mul3A_1254 = arith.mulf %get3A_1252, %mul3A_1253 : vector<16xf32>
      %swap3A_1255 = arith.constant 14 : i32
      %swap3A_1256 = arith.index_cast %swap3A_1255 : i32 to index
      %swap3A_1257 = arith.constant 112 : index
      %swap3A_1258 = tpu.vector_load %arg13[%swap3A_1256, %swap3A_1257] {strides = array<i32>} : memref<16x128xf32, #tpu.memory_space<vmem>>, vector<16xf32>,
      tpu.vector_store %arg13[%swap3A_1256, %swap3A_1257], %mul3A_1254 {strides = array<i32>} : memref<16x128xf32, #tpu.memory_space<vmem>>, vector<16xf32>,
      %slice3A_1259 = vector.extract_strided_slice %exp3A {offsets = [15], sizes = [1], strides = [1]} : vector<16xf32> to vector<1xf32>
      %squeeze3A_1260 = vector.extract %slice3A_1259[0] : f32 from vector<1xf32>
      %get3A_1261 = arith.constant 15 : i32
      %get3A_1262 = arith.index_cast %get3A_1261 : i32 to index
      %get3A_1263 = arith.constant 0 : index
      %get3A_1264 = tpu.vector_load %arg13[%get3A_1262, %get3A_1263] {strides = array<i32>} : memref<16x128xf32, #tpu.memory_space<vmem>>, vector<16xf32>,
      %mul3A_1265 = vector.broadcast %squeeze3A_1260 : f32 to vector<16xf32>
      %mul3A_1266 = arith.mulf %get3A_1264, %mul3A_1265 : vector<16xf32>
      %swap3A_1267 = arith.constant 15 : i32
      %swap3A_1268 = arith.index_cast %swap3A_1267 : i32 to index
      %swap3A_1269 = arith.constant 0 : index
      %swap3A_1270 = tpu.vector_load %arg13[%swap3A_1268, %swap3A_1269] {strides = array<i32>} : memref<16x128xf32, #tpu.memory_space<vmem>>, vector<16xf32>,
      tpu.vector_store %arg13[%swap3A_1268, %swap3A_1269], %mul3A_1266 {strides = array<i32>} : memref<16x128xf32, #tpu.memory_space<vmem>>, vector<16xf32>,
      %get3A_1271 = arith.constant 15 : i32
      %get3A_1272 = arith.index_cast %get3A_1271 : i32 to index
      %get3A_1273 = arith.constant 16 : index
      %get3A_1274 = tpu.vector_load %arg13[%get3A_1272, %get3A_1273] {strides = array<i32>} : memref<16x128xf32, #tpu.memory_space<vmem>>, vector<16xf32>,
      %mul3A_1275 = vector.broadcast %squeeze3A_1260 : f32 to vector<16xf32>
      %mul3A_1276 = arith.mulf %get3A_1274, %mul3A_1275 : vector<16xf32>
      %swap3A_1277 = arith.constant 15 : i32
      %swap3A_1278 = arith.index_cast %swap3A_1277 : i32 to index
      %swap3A_1279 = arith.constant 16 : index
      %swap3A_1280 = tpu.vector_load %arg13[%swap3A_1278, %swap3A_1279] {strides = array<i32>} : memref<16x128xf32, #tpu.memory_space<vmem>>, vector<16xf32>,
      tpu.vector_store %arg13[%swap3A_1278, %swap3A_1279], %mul3A_1276 {strides = array<i32>} : memref<16x128xf32, #tpu.memory_space<vmem>>, vector<16xf32>,
      %get3A_1281 = arith.constant 15 : i32
      %get3A_1282 = arith.index_cast %get3A_1281 : i32 to index
      %get3A_1283 = arith.constant 32 : index
      %get3A_1284 = tpu.vector_load %arg13[%get3A_1282, %get3A_1283] {strides = array<i32>} : memref<16x128xf32, #tpu.memory_space<vmem>>, vector<16xf32>,
      %mul3A_1285 = vector.broadcast %squeeze3A_1260 : f32 to vector<16xf32>
      %mul3A_1286 = arith.mulf %get3A_1284, %mul3A_1285 : vector<16xf32>
      %swap3A_1287 = arith.constant 15 : i32
      %swap3A_1288 = arith.index_cast %swap3A_1287 : i32 to index
      %swap3A_1289 = arith.constant 32 : index
      %swap3A_1290 = tpu.vector_load %arg13[%swap3A_1288, %swap3A_1289] {strides = array<i32>} : memref<16x128xf32, #tpu.memory_space<vmem>>, vector<16xf32>,
      tpu.vector_store %arg13[%swap3A_1288, %swap3A_1289], %mul3A_1286 {strides = array<i32>} : memref<16x128xf32, #tpu.memory_space<vmem>>, vector<16xf32>,
      %get3A_1291 = arith.constant 15 : i32
      %get3A_1292 = arith.index_cast %get3A_1291 : i32 to index
      %get3A_1293 = arith.constant 48 : index
      %get3A_1294 = tpu.vector_load %arg13[%get3A_1292, %get3A_1293] {strides = array<i32>} : memref<16x128xf32, #tpu.memory_space<vmem>>, vector<16xf32>,
      %mul3A_1295 = vector.broadcast %squeeze3A_1260 : f32 to vector<16xf32>
      %mul3A_1296 = arith.mulf %get3A_1294, %mul3A_1295 : vector<16xf32>
      %swap3A_1297 = arith.constant 15 : i32
      %swap3A_1298 = arith.index_cast %swap3A_1297 : i32 to index
      %swap3A_1299 = arith.constant 48 : index
      %swap3A_1300 = tpu.vector_load %arg13[%swap3A_1298, %swap3A_1299] {strides = array<i32>} : memref<16x128xf32, #tpu.memory_space<vmem>>, vector<16xf32>,
      tpu.vector_store %arg13[%swap3A_1298, %swap3A_1299], %mul3A_1296 {strides = array<i32>} : memref<16x128xf32, #tpu.memory_space<vmem>>, vector<16xf32>,
      %get3A_1301 = arith.constant 15 : i32
      %get3A_1302 = arith.index_cast %get3A_1301 : i32 to index
      %get3A_1303 = arith.constant 64 : index
      %get3A_1304 = tpu.vector_load %arg13[%get3A_1302, %get3A_1303] {strides = array<i32>} : memref<16x128xf32, #tpu.memory_space<vmem>>, vector<16xf32>,
      %mul3A_1305 = vector.broadcast %squeeze3A_1260 : f32 to vector<16xf32>
      %mul3A_1306 = arith.mulf %get3A_1304, %mul3A_1305 : vector<16xf32>
      %swap3A_1307 = arith.constant 15 : i32
      %swap3A_1308 = arith.index_cast %swap3A_1307 : i32 to index
      %swap3A_1309 = arith.constant 64 : index
      %swap3A_1310 = tpu.vector_load %arg13[%swap3A_1308, %swap3A_1309] {strides = array<i32>} : memref<16x128xf32, #tpu.memory_space<vmem>>, vector<16xf32>,
      tpu.vector_store %arg13[%swap3A_1308, %swap3A_1309], %mul3A_1306 {strides = array<i32>} : memref<16x128xf32, #tpu.memory_space<vmem>>, vector<16xf32>,
      %get3A_1311 = arith.constant 15 : i32
      %get3A_1312 = arith.index_cast %get3A_1311 : i32 to index
      %get3A_1313 = arith.constant 80 : index
      %get3A_1314 = tpu.vector_load %arg13[%get3A_1312, %get3A_1313] {strides = array<i32>} : memref<16x128xf32, #tpu.memory_space<vmem>>, vector<16xf32>,
      %mul3A_1315 = vector.broadcast %squeeze3A_1260 : f32 to vector<16xf32>
      %mul3A_1316 = arith.mulf %get3A_1314, %mul3A_1315 : vector<16xf32>
      %swap3A_1317 = arith.constant 15 : i32
      %swap3A_1318 = arith.index_cast %swap3A_1317 : i32 to index
      %swap3A_1319 = arith.constant 80 : index
      %swap3A_1320 = tpu.vector_load %arg13[%swap3A_1318, %swap3A_1319] {strides = array<i32>} : memref<16x128xf32, #tpu.memory_space<vmem>>, vector<16xf32>,
      tpu.vector_store %arg13[%swap3A_1318, %swap3A_1319], %mul3A_1316 {strides = array<i32>} : memref<16x128xf32, #tpu.memory_space<vmem>>, vector<16xf32>,
      %get3A_1321 = arith.constant 15 : i32
      %get3A_1322 = arith.index_cast %get3A_1321 : i32 to index
      %get3A_1323 = arith.constant 96 : index
      %get3A_1324 = tpu.vector_load %arg13[%get3A_1322, %get3A_1323] {strides = array<i32>} : memref<16x128xf32, #tpu.memory_space<vmem>>, vector<16xf32>,
      %mul3A_1325 = vector.broadcast %squeeze3A_1260 : f32 to vector<16xf32>
      %mul3A_1326 = arith.mulf %get3A_1324, %mul3A_1325 : vector<16xf32>
      %swap3A_1327 = arith.constant 15 : i32
      %swap3A_1328 = arith.index_cast %swap3A_1327 : i32 to index
      %swap3A_1329 = arith.constant 96 : index
      %swap3A_1330 = tpu.vector_load %arg13[%swap3A_1328, %swap3A_1329] {strides = array<i32>} : memref<16x128xf32, #tpu.memory_space<vmem>>, vector<16xf32>,
      tpu.vector_store %arg13[%swap3A_1328, %swap3A_1329], %mul3A_1326 {strides = array<i32>} : memref<16x128xf32, #tpu.memory_space<vmem>>, vector<16xf32>,
      %get3A_1331 = arith.constant 15 : i32
      %get3A_1332 = arith.index_cast %get3A_1331 : i32 to index
      %get3A_1333 = arith.constant 112 : index
      %get3A_1334 = tpu.vector_load %arg13[%get3A_1332, %get3A_1333] {strides = array<i32>} : memref<16x128xf32, #tpu.memory_space<vmem>>, vector<16xf32>,
      %mul3A_1335 = vector.broadcast %squeeze3A_1260 : f32 to vector<16xf32>
      %mul3A_1336 = arith.mulf %get3A_1334, %mul3A_1335 : vector<16xf32>
      %swap3A_1337 = arith.constant 15 : i32
      %swap3A_1338 = arith.index_cast %swap3A_1337 : i32 to index
      %swap3A_1339 = arith.constant 112 : index
      %swap3A_1340 = tpu.vector_load %arg13[%swap3A_1338, %swap3A_1339] {strides = array<i32>} : memref<16x128xf32, #tpu.memory_space<vmem>>, vector<16xf32>,
      tpu.vector_store %arg13[%swap3A_1338, %swap3A_1339], %mul3A_1336 {strides = array<i32>} : memref<16x128xf32, #tpu.memory_space<vmem>>, vector<16xf32>,
      "tpu.region"() ({
        %run_scoped3A = tpu.sem_alloc : memref<!tpu.dma_semaphore, #tpu.memory_space<semaphore_mem>>
        %dma_start3A_1341 = arith.constant 0 : i32
        %dma_start3A_1342 = arith.constant 0 : i32
        %dma_start3A_1343 = tpu.memref_slice %arg15[%dma_start3A_1341, %dma_start3A_1342] : memref<10240x128xf32, #tpu.memory_space<vmem_shared>> -> memref<10240x128xf32, #tpu.memory_space<vmem_shared>>
        tpu.enqueue_indirect_dma source(%arg13 : memref<16x128xf32, #tpu.memory_space<vmem>>) target(%dma_start3A_1343 : memref<10240x128xf32, #tpu.memory_space<vmem_shared>>) offsets(%arg14 : memref<16xi32, #tpu.memory_space<vmem>>) semaphore(%run_scoped3A : memref<!tpu.dma_semaphore, #tpu.memory_space<semaphore_mem>>) {add = true}
        %dma_wait3A_1344 = arith.constant 0 : i32
        %dma_wait3A_1345 = arith.constant 0 : i32
        %dma_wait3A_1346 = tpu.memref_slice %arg15[%dma_wait3A_1344, %dma_wait3A_1345] : memref<10240x128xf32, #tpu.memory_space<vmem_shared>> -> memref<10240x128xf32, #tpu.memory_space<vmem_shared>>
        tpu.wait_indirect_dma semaphore(%run_scoped3A : memref<!tpu.dma_semaphore, #tpu.memory_space<semaphore_mem>>) src(%arg13 : memref<16x128xf32, #tpu.memory_space<vmem>>) dst(%dma_wait3A_1346 : memref<10240x128xf32, #tpu.memory_space<vmem_shared>>)
        tpu.yield
      }) : () -> ()
    }
    %scan3A_11 = arith.constant 625 : i32
    %barrier3A_12 = arith.constant 0 : index
    tpu.barrier barrier_id(%barrier3A_12)
    "tpu.region"() ({
      %run_scoped3A = tpu.sem_alloc : memref<!tpu.dma_semaphore, #tpu.memory_space<semaphore_mem>>
      %dma_start3A = arith.constant 0 : i32
      %dma_start3A_13 = tpu.memref_slice %arg8[%arg0, %mul3A_2, %dma_start3A] : memref<2x10240x128xf32, #tpu.memory_space<hbm>> -> memref<1x640x128xf32, #tpu.memory_space<hbm>>
      %dma_start3A_14 = tpu.memref_squeeze %dma_start3A_13 : memref<1x640x128xf32, #tpu.memory_space<hbm>> -> memref<640x128xf32, #tpu.memory_space<hbm>>
      %dma_start3A_15 = arith.constant 0 : i32
      %dma_start3A_16 = tpu.memref_slice %arg15[%mul3A_2, %dma_start3A_15] : memref<10240x128xf32, #tpu.memory_space<vmem_shared>> -> memref<640x128xf32, #tpu.memory_space<vmem_shared>>
      tpu.enqueue_dma source(%dma_start3A_16 : memref<640x128xf32, #tpu.memory_space<vmem_shared>>) target(%dma_start3A_14 : memref<640x128xf32, #tpu.memory_space<hbm>>) target_semaphore(%run_scoped3A : memref<!tpu.dma_semaphore, #tpu.memory_space<semaphore_mem>>)
      %dma_wait3A = arith.constant 0 : i32
      %dma_wait3A_17 = tpu.memref_slice %arg8[%arg0, %mul3A_2, %dma_wait3A] : memref<2x10240x128xf32, #tpu.memory_space<hbm>> -> memref<1x640x128xf32, #tpu.memory_space<hbm>>
      %dma_wait3A_18 = tpu.memref_squeeze %dma_wait3A_17 : memref<1x640x128xf32, #tpu.memory_space<hbm>> -> memref<640x128xf32, #tpu.memory_space<hbm>>
      %dma_wait3A_19 = arith.constant 0 : i32
      %dma_wait3A_20 = tpu.memref_slice %arg15[%mul3A_2, %dma_wait3A_19] : memref<10240x128xf32, #tpu.memory_space<vmem_shared>> -> memref<640x128xf32, #tpu.memory_space<vmem_shared>>
      tpu.wait_dma2 semaphore(%run_scoped3A : memref<!tpu.dma_semaphore, #tpu.memory_space<semaphore_mem>>) src(%dma_wait3A_20 : memref<640x128xf32, #tpu.memory_space<vmem_shared>>) dst(%dma_wait3A_18 : memref<640x128xf32, #tpu.memory_space<hbm>>)
      tpu.yield
    }) : () -> ()
    return
  }
}

#map = affine_map<(d0, d1) -> (0)>
#map1 = affine_map<(d0, d1) -> (0, 0)>
#map2 = affine_map<(d0, d1) -> (0, 0, 0)>
module attributes {stable_mosaic.version = 14 : i64} {
  func.func @k(%arg0: i32, %arg1: i32, %arg2: memref<320000xi32, #tpu.memory_space<hbm>>, %arg3: memref<320000xi32, #tpu.memory_space<hbm>>, %arg4: memref<10240x128xf32, #tpu.memory_space<hbm>>, %arg5: memref<10240x128xf32, #tpu.memory_space<hbm>>, %arg6: memref<10240x128xf32, #tpu.memory_space<hbm>>, %arg7: memref<10240x128xf32, #tpu.memory_space<hbm>>, %arg8: memref<10240x128xf32, #tpu.memory_space<hbm>>, %arg9: memref<10240x128xf32, #tpu.memory_space<hbm>>, %arg10: memref<10240x128xf32, #tpu.memory_space<hbm>>, %arg11: memref<10240x128xf32, #tpu.memory_space<hbm>>, %arg12: memref<10240x128xf32, #tpu.memory_space<hbm>>, %arg13: memref<82944xf32, #tpu.memory_space<hbm>>, %arg14: memref<640x128xf32, #tpu.memory_space<hbm>>, %arg15: memref<9x10240x128xf32, #tpu.memory_space<hbm>>, %arg16: memref<20000xi32, #tpu.memory_space<vmem>>, %arg17: memref<20000xi32, #tpu.memory_space<vmem>>, %arg18: memref<6592xi32, #tpu.memory_space<vmem>>, %arg19: memref<6592xi32, #tpu.memory_space<vmem>>, %arg20: memref<5120xf32, #tpu.memory_space<vmem>>, %arg21: memref<16x128xf32, #tpu.memory_space<vmem>>, %arg22: memref<16x128xf32, #tpu.memory_space<vmem>>, %arg23: memref<16x128xf32, #tpu.memory_space<vmem>>, %arg24: memref<16x128xf32, #tpu.memory_space<vmem>>, %arg25: memref<16x128xf32, #tpu.memory_space<vmem>>, %arg26: memref<16x128xf32, #tpu.memory_space<vmem>>, %arg27: memref<16x128xf32, #tpu.memory_space<vmem>>, %arg28: memref<16x128xf32, #tpu.memory_space<vmem>>, %arg29: memref<16x128xf32, #tpu.memory_space<vmem>>, %arg30: memref<16xi32, #tpu.memory_space<vmem>>, %arg31: memref<640x128xf32, #tpu.memory_space<vmem_shared>>, %arg32: memref<640x128xf32, #tpu.memory_space<vmem_shared>>, %arg33: memref<640x128xf32, #tpu.memory_space<vmem_shared>>, %arg34: memref<640x128xf32, #tpu.memory_space<vmem_shared>>, %arg35: memref<640x128xf32, #tpu.memory_space<vmem_shared>>, %arg36: memref<640x128xf32, #tpu.memory_space<vmem_shared>>, %arg37: memref<640x128xf32, #tpu.memory_space<vmem_shared>>, %arg38: memref<640x128xf32, #tpu.memory_space<vmem_shared>>, %arg39: memref<640x128xf32, #tpu.memory_space<vmem_shared>>, %arg40: memref<256xi32, #tpu.memory_space<vmem_shared>>, %arg41: memref<!tpu.dma_semaphore, #tpu.memory_space<semaphore_mem>>) attributes {dimension_semantics = [#tpu.dimension_semantics<core_parallel>, #tpu.dimension_semantics<subcore_parallel>], iteration_bounds = array<i64: 2, 16>, scalar_prefetch = 0 : i64, scratch_operands = 26 : i64, tpu.core_type = #tpu.core_type<sc_vector_subcore>, window_params = [{transform_indices = #map}, {transform_indices = #map}, {transform_indices = #map1}, {transform_indices = #map1}, {transform_indices = #map1}, {transform_indices = #map1}, {transform_indices = #map1}, {transform_indices = #map1}, {transform_indices = #map1}, {transform_indices = #map1}, {transform_indices = #map1}, {transform_indices = #map}, {transform_indices = #map1}, {transform_indices = #map2}]} {
    %mul3A = arith.constant 20000 : i32
    %mul3A_0 = arith.muli %arg1, %mul3A : i32
    "tpu.region"() ({
      %run_scoped3A = tpu.sem_alloc : memref<!tpu.dma_semaphore, #tpu.memory_space<semaphore_mem>>
      %dma_start3A = tpu.memref_slice %arg2[%mul3A_0] : memref<320000xi32, #tpu.memory_space<hbm>> -> memref<20000xi32, #tpu.memory_space<hbm>>
      %dma_start3A_8 = tpu.memref_slice %arg2[%mul3A_0] : memref<320000xi32, #tpu.memory_space<hbm>> -> memref<20000xi32, #tpu.memory_space<hbm>>
      tpu.enqueue_dma source(%dma_start3A_8 : memref<20000xi32, #tpu.memory_space<hbm>>) target(%arg16 : memref<20000xi32, #tpu.memory_space<vmem>>) target_semaphore(%run_scoped3A : memref<!tpu.dma_semaphore, #tpu.memory_space<semaphore_mem>>)
      %dma_wait3A = tpu.memref_slice %arg2[%mul3A_0] : memref<320000xi32, #tpu.memory_space<hbm>> -> memref<20000xi32, #tpu.memory_space<hbm>>
      %dma_wait3A_9 = tpu.memref_slice %arg2[%mul3A_0] : memref<320000xi32, #tpu.memory_space<hbm>> -> memref<20000xi32, #tpu.memory_space<hbm>>
      tpu.wait_dma2 semaphore(%run_scoped3A : memref<!tpu.dma_semaphore, #tpu.memory_space<semaphore_mem>>) src(%dma_wait3A_9 : memref<20000xi32, #tpu.memory_space<hbm>>) dst(%arg16 : memref<20000xi32, #tpu.memory_space<vmem>>)
      tpu.yield
    }) : () -> ()
    %mul3A_1 = arith.constant 20000 : i32
    %mul3A_2 = arith.muli %arg1, %mul3A_1 : i32
    "tpu.region"() ({
      %run_scoped3A = tpu.sem_alloc : memref<!tpu.dma_semaphore, #tpu.memory_space<semaphore_mem>>
      %dma_start3A = tpu.memref_slice %arg3[%mul3A_2] : memref<320000xi32, #tpu.memory_space<hbm>> -> memref<20000xi32, #tpu.memory_space<hbm>>
      %dma_start3A_8 = tpu.memref_slice %arg3[%mul3A_2] : memref<320000xi32, #tpu.memory_space<hbm>> -> memref<20000xi32, #tpu.memory_space<hbm>>
      tpu.enqueue_dma source(%dma_start3A_8 : memref<20000xi32, #tpu.memory_space<hbm>>) target(%arg17 : memref<20000xi32, #tpu.memory_space<vmem>>) target_semaphore(%run_scoped3A : memref<!tpu.dma_semaphore, #tpu.memory_space<semaphore_mem>>)
      %dma_wait3A = tpu.memref_slice %arg3[%mul3A_2] : memref<320000xi32, #tpu.memory_space<hbm>> -> memref<20000xi32, #tpu.memory_space<hbm>>
      %dma_wait3A_9 = tpu.memref_slice %arg3[%mul3A_2] : memref<320000xi32, #tpu.memory_space<hbm>> -> memref<20000xi32, #tpu.memory_space<hbm>>
      tpu.wait_dma2 semaphore(%run_scoped3A : memref<!tpu.dma_semaphore, #tpu.memory_space<semaphore_mem>>) src(%dma_wait3A_9 : memref<20000xi32, #tpu.memory_space<hbm>>) dst(%arg17 : memref<20000xi32, #tpu.memory_space<vmem>>)
      tpu.yield
    }) : () -> ()
    %scan3A = arith.constant 0 : i32
    %scan3A_3 = arith.constant 0 : i32
    %scan3A_4 = arith.constant 10 : i32
    %scan3A_5 = arith.addi %scan3A_3, %scan3A_4 : i32
    %scan3A_6 = arith.constant 1 : i32
    scf.for %scan3A_8 = %scan3A_3 to %scan3A_5 step %scan3A_6  : i32 {
      %mul3A_9 = arith.constant 2 : i32
      %mul3A_10 = arith.muli %scan3A_8, %mul3A_9 : i32
      %add3A = arith.addi %mul3A_10, %arg0 : i32
      %mul3A_11 = arith.constant 512 : i32
      %mul3A_12 = arith.muli %add3A, %mul3A_11 : i32
      %mul3A_13 = arith.constant 40 : i32
      %mul3A_14 = arith.muli %arg1, %mul3A_13 : i32
      %mul3A_15 = arith.constant 40 : i32
      %mul3A_16 = arith.muli %arg1, %mul3A_15 : i32
      "tpu.region"() ({
        %run_scoped3A_148 = tpu.sem_alloc : memref<!tpu.dma_semaphore, #tpu.memory_space<semaphore_mem>>
        %dma_start3A = arith.constant 0 : i32
        %dma_start3A_149 = tpu.memref_slice %arg31[%mul3A_16, %dma_start3A] : memref<640x128xf32, #tpu.memory_space<vmem_shared>> -> memref<40x128xf32, #tpu.memory_space<vmem_shared>>
        %dma_start3A_150 = arith.constant 0 : i32
        %dma_start3A_151 = tpu.memref_slice %arg14[%mul3A_14, %dma_start3A_150] : memref<640x128xf32, #tpu.memory_space<hbm>> -> memref<40x128xf32, #tpu.memory_space<hbm>>
        tpu.enqueue_dma source(%dma_start3A_151 : memref<40x128xf32, #tpu.memory_space<hbm>>) target(%dma_start3A_149 : memref<40x128xf32, #tpu.memory_space<vmem_shared>>) target_semaphore(%run_scoped3A_148 : memref<!tpu.dma_semaphore, #tpu.memory_space<semaphore_mem>>)
        %dma_wait3A = arith.constant 0 : i32
        %dma_wait3A_152 = tpu.memref_slice %arg31[%mul3A_16, %dma_wait3A] : memref<640x128xf32, #tpu.memory_space<vmem_shared>> -> memref<40x128xf32, #tpu.memory_space<vmem_shared>>
        %dma_wait3A_153 = arith.constant 0 : i32
        %dma_wait3A_154 = tpu.memref_slice %arg14[%mul3A_14, %dma_wait3A_153] : memref<640x128xf32, #tpu.memory_space<hbm>> -> memref<40x128xf32, #tpu.memory_space<hbm>>
        tpu.wait_dma2 semaphore(%run_scoped3A_148 : memref<!tpu.dma_semaphore, #tpu.memory_space<semaphore_mem>>) src(%dma_wait3A_154 : memref<40x128xf32, #tpu.memory_space<hbm>>) dst(%dma_wait3A_152 : memref<40x128xf32, #tpu.memory_space<vmem_shared>>)
        tpu.yield
      }) : () -> ()
      %mul3A_17 = arith.constant 40 : i32
      %mul3A_18 = arith.muli %arg1, %mul3A_17 : i32
      %mul3A_19 = arith.constant 40 : i32
      %mul3A_20 = arith.muli %arg1, %mul3A_19 : i32
      "tpu.region"() ({
        %run_scoped3A_148 = tpu.sem_alloc : memref<!tpu.dma_semaphore, #tpu.memory_space<semaphore_mem>>
        %dma_start3A = arith.constant 0 : i32
        %dma_start3A_149 = tpu.memref_slice %arg32[%mul3A_20, %dma_start3A] : memref<640x128xf32, #tpu.memory_space<vmem_shared>> -> memref<40x128xf32, #tpu.memory_space<vmem_shared>>
        %dma_start3A_150 = arith.constant 0 : i32
        %dma_start3A_151 = tpu.memref_slice %arg14[%mul3A_18, %dma_start3A_150] : memref<640x128xf32, #tpu.memory_space<hbm>> -> memref<40x128xf32, #tpu.memory_space<hbm>>
        tpu.enqueue_dma source(%dma_start3A_151 : memref<40x128xf32, #tpu.memory_space<hbm>>) target(%dma_start3A_149 : memref<40x128xf32, #tpu.memory_space<vmem_shared>>) target_semaphore(%run_scoped3A_148 : memref<!tpu.dma_semaphore, #tpu.memory_space<semaphore_mem>>)
        %dma_wait3A = arith.constant 0 : i32
        %dma_wait3A_152 = tpu.memref_slice %arg32[%mul3A_20, %dma_wait3A] : memref<640x128xf32, #tpu.memory_space<vmem_shared>> -> memref<40x128xf32, #tpu.memory_space<vmem_shared>>
        %dma_wait3A_153 = arith.constant 0 : i32
        %dma_wait3A_154 = tpu.memref_slice %arg14[%mul3A_18, %dma_wait3A_153] : memref<640x128xf32, #tpu.memory_space<hbm>> -> memref<40x128xf32, #tpu.memory_space<hbm>>
        tpu.wait_dma2 semaphore(%run_scoped3A_148 : memref<!tpu.dma_semaphore, #tpu.memory_space<semaphore_mem>>) src(%dma_wait3A_154 : memref<40x128xf32, #tpu.memory_space<hbm>>) dst(%dma_wait3A_152 : memref<40x128xf32, #tpu.memory_space<vmem_shared>>)
        tpu.yield
      }) : () -> ()
      %mul3A_21 = arith.constant 40 : i32
      %mul3A_22 = arith.muli %arg1, %mul3A_21 : i32
      %mul3A_23 = arith.constant 40 : i32
      %mul3A_24 = arith.muli %arg1, %mul3A_23 : i32
      "tpu.region"() ({
        %run_scoped3A_148 = tpu.sem_alloc : memref<!tpu.dma_semaphore, #tpu.memory_space<semaphore_mem>>
        %dma_start3A = arith.constant 0 : i32
        %dma_start3A_149 = tpu.memref_slice %arg33[%mul3A_24, %dma_start3A] : memref<640x128xf32, #tpu.memory_space<vmem_shared>> -> memref<40x128xf32, #tpu.memory_space<vmem_shared>>
        %dma_start3A_150 = arith.constant 0 : i32
        %dma_start3A_151 = tpu.memref_slice %arg14[%mul3A_22, %dma_start3A_150] : memref<640x128xf32, #tpu.memory_space<hbm>> -> memref<40x128xf32, #tpu.memory_space<hbm>>
        tpu.enqueue_dma source(%dma_start3A_151 : memref<40x128xf32, #tpu.memory_space<hbm>>) target(%dma_start3A_149 : memref<40x128xf32, #tpu.memory_space<vmem_shared>>) target_semaphore(%run_scoped3A_148 : memref<!tpu.dma_semaphore, #tpu.memory_space<semaphore_mem>>)
        %dma_wait3A = arith.constant 0 : i32
        %dma_wait3A_152 = tpu.memref_slice %arg33[%mul3A_24, %dma_wait3A] : memref<640x128xf32, #tpu.memory_space<vmem_shared>> -> memref<40x128xf32, #tpu.memory_space<vmem_shared>>
        %dma_wait3A_153 = arith.constant 0 : i32
        %dma_wait3A_154 = tpu.memref_slice %arg14[%mul3A_22, %dma_wait3A_153] : memref<640x128xf32, #tpu.memory_space<hbm>> -> memref<40x128xf32, #tpu.memory_space<hbm>>
        tpu.wait_dma2 semaphore(%run_scoped3A_148 : memref<!tpu.dma_semaphore, #tpu.memory_space<semaphore_mem>>) src(%dma_wait3A_154 : memref<40x128xf32, #tpu.memory_space<hbm>>) dst(%dma_wait3A_152 : memref<40x128xf32, #tpu.memory_space<vmem_shared>>)
        tpu.yield
      }) : () -> ()
      %mul3A_25 = arith.constant 40 : i32
      %mul3A_26 = arith.muli %arg1, %mul3A_25 : i32
      %mul3A_27 = arith.constant 40 : i32
      %mul3A_28 = arith.muli %arg1, %mul3A_27 : i32
      "tpu.region"() ({
        %run_scoped3A_148 = tpu.sem_alloc : memref<!tpu.dma_semaphore, #tpu.memory_space<semaphore_mem>>
        %dma_start3A = arith.constant 0 : i32
        %dma_start3A_149 = tpu.memref_slice %arg34[%mul3A_28, %dma_start3A] : memref<640x128xf32, #tpu.memory_space<vmem_shared>> -> memref<40x128xf32, #tpu.memory_space<vmem_shared>>
        %dma_start3A_150 = arith.constant 0 : i32
        %dma_start3A_151 = tpu.memref_slice %arg14[%mul3A_26, %dma_start3A_150] : memref<640x128xf32, #tpu.memory_space<hbm>> -> memref<40x128xf32, #tpu.memory_space<hbm>>
        tpu.enqueue_dma source(%dma_start3A_151 : memref<40x128xf32, #tpu.memory_space<hbm>>) target(%dma_start3A_149 : memref<40x128xf32, #tpu.memory_space<vmem_shared>>) target_semaphore(%run_scoped3A_148 : memref<!tpu.dma_semaphore, #tpu.memory_space<semaphore_mem>>)
        %dma_wait3A = arith.constant 0 : i32
        %dma_wait3A_152 = tpu.memref_slice %arg34[%mul3A_28, %dma_wait3A] : memref<640x128xf32, #tpu.memory_space<vmem_shared>> -> memref<40x128xf32, #tpu.memory_space<vmem_shared>>
        %dma_wait3A_153 = arith.constant 0 : i32
        %dma_wait3A_154 = tpu.memref_slice %arg14[%mul3A_26, %dma_wait3A_153] : memref<640x128xf32, #tpu.memory_space<hbm>> -> memref<40x128xf32, #tpu.memory_space<hbm>>
        tpu.wait_dma2 semaphore(%run_scoped3A_148 : memref<!tpu.dma_semaphore, #tpu.memory_space<semaphore_mem>>) src(%dma_wait3A_154 : memref<40x128xf32, #tpu.memory_space<hbm>>) dst(%dma_wait3A_152 : memref<40x128xf32, #tpu.memory_space<vmem_shared>>)
        tpu.yield
      }) : () -> ()
      %mul3A_29 = arith.constant 40 : i32
      %mul3A_30 = arith.muli %arg1, %mul3A_29 : i32
      %mul3A_31 = arith.constant 40 : i32
      %mul3A_32 = arith.muli %arg1, %mul3A_31 : i32
      "tpu.region"() ({
        %run_scoped3A_148 = tpu.sem_alloc : memref<!tpu.dma_semaphore, #tpu.memory_space<semaphore_mem>>
        %dma_start3A = arith.constant 0 : i32
        %dma_start3A_149 = tpu.memref_slice %arg35[%mul3A_32, %dma_start3A] : memref<640x128xf32, #tpu.memory_space<vmem_shared>> -> memref<40x128xf32, #tpu.memory_space<vmem_shared>>
        %dma_start3A_150 = arith.constant 0 : i32
        %dma_start3A_151 = tpu.memref_slice %arg14[%mul3A_30, %dma_start3A_150] : memref<640x128xf32, #tpu.memory_space<hbm>> -> memref<40x128xf32, #tpu.memory_space<hbm>>
        tpu.enqueue_dma source(%dma_start3A_151 : memref<40x128xf32, #tpu.memory_space<hbm>>) target(%dma_start3A_149 : memref<40x128xf32, #tpu.memory_space<vmem_shared>>) target_semaphore(%run_scoped3A_148 : memref<!tpu.dma_semaphore, #tpu.memory_space<semaphore_mem>>)
        %dma_wait3A = arith.constant 0 : i32
        %dma_wait3A_152 = tpu.memref_slice %arg35[%mul3A_32, %dma_wait3A] : memref<640x128xf32, #tpu.memory_space<vmem_shared>> -> memref<40x128xf32, #tpu.memory_space<vmem_shared>>
        %dma_wait3A_153 = arith.constant 0 : i32
        %dma_wait3A_154 = tpu.memref_slice %arg14[%mul3A_30, %dma_wait3A_153] : memref<640x128xf32, #tpu.memory_space<hbm>> -> memref<40x128xf32, #tpu.memory_space<hbm>>
        tpu.wait_dma2 semaphore(%run_scoped3A_148 : memref<!tpu.dma_semaphore, #tpu.memory_space<semaphore_mem>>) src(%dma_wait3A_154 : memref<40x128xf32, #tpu.memory_space<hbm>>) dst(%dma_wait3A_152 : memref<40x128xf32, #tpu.memory_space<vmem_shared>>)
        tpu.yield
      }) : () -> ()
      %mul3A_33 = arith.constant 40 : i32
      %mul3A_34 = arith.muli %arg1, %mul3A_33 : i32
      %mul3A_35 = arith.constant 40 : i32
      %mul3A_36 = arith.muli %arg1, %mul3A_35 : i32
      "tpu.region"() ({
        %run_scoped3A_148 = tpu.sem_alloc : memref<!tpu.dma_semaphore, #tpu.memory_space<semaphore_mem>>
        %dma_start3A = arith.constant 0 : i32
        %dma_start3A_149 = tpu.memref_slice %arg36[%mul3A_36, %dma_start3A] : memref<640x128xf32, #tpu.memory_space<vmem_shared>> -> memref<40x128xf32, #tpu.memory_space<vmem_shared>>
        %dma_start3A_150 = arith.constant 0 : i32
        %dma_start3A_151 = tpu.memref_slice %arg14[%mul3A_34, %dma_start3A_150] : memref<640x128xf32, #tpu.memory_space<hbm>> -> memref<40x128xf32, #tpu.memory_space<hbm>>
        tpu.enqueue_dma source(%dma_start3A_151 : memref<40x128xf32, #tpu.memory_space<hbm>>) target(%dma_start3A_149 : memref<40x128xf32, #tpu.memory_space<vmem_shared>>) target_semaphore(%run_scoped3A_148 : memref<!tpu.dma_semaphore, #tpu.memory_space<semaphore_mem>>)
        %dma_wait3A = arith.constant 0 : i32
        %dma_wait3A_152 = tpu.memref_slice %arg36[%mul3A_36, %dma_wait3A] : memref<640x128xf32, #tpu.memory_space<vmem_shared>> -> memref<40x128xf32, #tpu.memory_space<vmem_shared>>
        %dma_wait3A_153 = arith.constant 0 : i32
        %dma_wait3A_154 = tpu.memref_slice %arg14[%mul3A_34, %dma_wait3A_153] : memref<640x128xf32, #tpu.memory_space<hbm>> -> memref<40x128xf32, #tpu.memory_space<hbm>>
        tpu.wait_dma2 semaphore(%run_scoped3A_148 : memref<!tpu.dma_semaphore, #tpu.memory_space<semaphore_mem>>) src(%dma_wait3A_154 : memref<40x128xf32, #tpu.memory_space<hbm>>) dst(%dma_wait3A_152 : memref<40x128xf32, #tpu.memory_space<vmem_shared>>)
        tpu.yield
      }) : () -> ()
      %mul3A_37 = arith.constant 40 : i32
      %mul3A_38 = arith.muli %arg1, %mul3A_37 : i32
      %mul3A_39 = arith.constant 40 : i32
      %mul3A_40 = arith.muli %arg1, %mul3A_39 : i32
      "tpu.region"() ({
        %run_scoped3A_148 = tpu.sem_alloc : memref<!tpu.dma_semaphore, #tpu.memory_space<semaphore_mem>>
        %dma_start3A = arith.constant 0 : i32
        %dma_start3A_149 = tpu.memref_slice %arg37[%mul3A_40, %dma_start3A] : memref<640x128xf32, #tpu.memory_space<vmem_shared>> -> memref<40x128xf32, #tpu.memory_space<vmem_shared>>
        %dma_start3A_150 = arith.constant 0 : i32
        %dma_start3A_151 = tpu.memref_slice %arg14[%mul3A_38, %dma_start3A_150] : memref<640x128xf32, #tpu.memory_space<hbm>> -> memref<40x128xf32, #tpu.memory_space<hbm>>
        tpu.enqueue_dma source(%dma_start3A_151 : memref<40x128xf32, #tpu.memory_space<hbm>>) target(%dma_start3A_149 : memref<40x128xf32, #tpu.memory_space<vmem_shared>>) target_semaphore(%run_scoped3A_148 : memref<!tpu.dma_semaphore, #tpu.memory_space<semaphore_mem>>)
        %dma_wait3A = arith.constant 0 : i32
        %dma_wait3A_152 = tpu.memref_slice %arg37[%mul3A_40, %dma_wait3A] : memref<640x128xf32, #tpu.memory_space<vmem_shared>> -> memref<40x128xf32, #tpu.memory_space<vmem_shared>>
        %dma_wait3A_153 = arith.constant 0 : i32
        %dma_wait3A_154 = tpu.memref_slice %arg14[%mul3A_38, %dma_wait3A_153] : memref<640x128xf32, #tpu.memory_space<hbm>> -> memref<40x128xf32, #tpu.memory_space<hbm>>
        tpu.wait_dma2 semaphore(%run_scoped3A_148 : memref<!tpu.dma_semaphore, #tpu.memory_space<semaphore_mem>>) src(%dma_wait3A_154 : memref<40x128xf32, #tpu.memory_space<hbm>>) dst(%dma_wait3A_152 : memref<40x128xf32, #tpu.memory_space<vmem_shared>>)
        tpu.yield
      }) : () -> ()
      %mul3A_41 = arith.constant 40 : i32
      %mul3A_42 = arith.muli %arg1, %mul3A_41 : i32
      %mul3A_43 = arith.constant 40 : i32
      %mul3A_44 = arith.muli %arg1, %mul3A_43 : i32
      "tpu.region"() ({
        %run_scoped3A_148 = tpu.sem_alloc : memref<!tpu.dma_semaphore, #tpu.memory_space<semaphore_mem>>
        %dma_start3A = arith.constant 0 : i32
        %dma_start3A_149 = tpu.memref_slice %arg38[%mul3A_44, %dma_start3A] : memref<640x128xf32, #tpu.memory_space<vmem_shared>> -> memref<40x128xf32, #tpu.memory_space<vmem_shared>>
        %dma_start3A_150 = arith.constant 0 : i32
        %dma_start3A_151 = tpu.memref_slice %arg14[%mul3A_42, %dma_start3A_150] : memref<640x128xf32, #tpu.memory_space<hbm>> -> memref<40x128xf32, #tpu.memory_space<hbm>>
        tpu.enqueue_dma source(%dma_start3A_151 : memref<40x128xf32, #tpu.memory_space<hbm>>) target(%dma_start3A_149 : memref<40x128xf32, #tpu.memory_space<vmem_shared>>) target_semaphore(%run_scoped3A_148 : memref<!tpu.dma_semaphore, #tpu.memory_space<semaphore_mem>>)
        %dma_wait3A = arith.constant 0 : i32
        %dma_wait3A_152 = tpu.memref_slice %arg38[%mul3A_44, %dma_wait3A] : memref<640x128xf32, #tpu.memory_space<vmem_shared>> -> memref<40x128xf32, #tpu.memory_space<vmem_shared>>
        %dma_wait3A_153 = arith.constant 0 : i32
        %dma_wait3A_154 = tpu.memref_slice %arg14[%mul3A_42, %dma_wait3A_153] : memref<640x128xf32, #tpu.memory_space<hbm>> -> memref<40x128xf32, #tpu.memory_space<hbm>>
        tpu.wait_dma2 semaphore(%run_scoped3A_148 : memref<!tpu.dma_semaphore, #tpu.memory_space<semaphore_mem>>) src(%dma_wait3A_154 : memref<40x128xf32, #tpu.memory_space<hbm>>) dst(%dma_wait3A_152 : memref<40x128xf32, #tpu.memory_space<vmem_shared>>)
        tpu.yield
      }) : () -> ()
      %mul3A_45 = arith.constant 40 : i32
      %mul3A_46 = arith.muli %arg1, %mul3A_45 : i32
      %mul3A_47 = arith.constant 40 : i32
      %mul3A_48 = arith.muli %arg1, %mul3A_47 : i32
      "tpu.region"() ({
        %run_scoped3A_148 = tpu.sem_alloc : memref<!tpu.dma_semaphore, #tpu.memory_space<semaphore_mem>>
        %dma_start3A = arith.constant 0 : i32
        %dma_start3A_149 = tpu.memref_slice %arg39[%mul3A_48, %dma_start3A] : memref<640x128xf32, #tpu.memory_space<vmem_shared>> -> memref<40x128xf32, #tpu.memory_space<vmem_shared>>
        %dma_start3A_150 = arith.constant 0 : i32
        %dma_start3A_151 = tpu.memref_slice %arg14[%mul3A_46, %dma_start3A_150] : memref<640x128xf32, #tpu.memory_space<hbm>> -> memref<40x128xf32, #tpu.memory_space<hbm>>
        tpu.enqueue_dma source(%dma_start3A_151 : memref<40x128xf32, #tpu.memory_space<hbm>>) target(%dma_start3A_149 : memref<40x128xf32, #tpu.memory_space<vmem_shared>>) target_semaphore(%run_scoped3A_148 : memref<!tpu.dma_semaphore, #tpu.memory_space<semaphore_mem>>)
        %dma_wait3A = arith.constant 0 : i32
        %dma_wait3A_152 = tpu.memref_slice %arg39[%mul3A_48, %dma_wait3A] : memref<640x128xf32, #tpu.memory_space<vmem_shared>> -> memref<40x128xf32, #tpu.memory_space<vmem_shared>>
        %dma_wait3A_153 = arith.constant 0 : i32
        %dma_wait3A_154 = tpu.memref_slice %arg14[%mul3A_46, %dma_wait3A_153] : memref<640x128xf32, #tpu.memory_space<hbm>> -> memref<40x128xf32, #tpu.memory_space<hbm>>
        tpu.wait_dma2 semaphore(%run_scoped3A_148 : memref<!tpu.dma_semaphore, #tpu.memory_space<semaphore_mem>>) src(%dma_wait3A_154 : memref<40x128xf32, #tpu.memory_space<hbm>>) dst(%dma_wait3A_152 : memref<40x128xf32, #tpu.memory_space<vmem_shared>>)
        tpu.yield
      }) : () -> ()
      %mul3A_49 = arith.constant 8 : i32
      %mul3A_50 = arith.muli %mul3A_12, %mul3A_49 : i32
      "tpu.region"() ({
        %run_scoped3A_148 = tpu.sem_alloc : memref<!tpu.dma_semaphore, #tpu.memory_space<semaphore_mem>>
        %dma_start3A = tpu.memref_slice %arg13[%mul3A_50] : memref<82944xf32, #tpu.memory_space<hbm>> -> memref<5120xf32, #tpu.memory_space<hbm>>
        %dma_start3A_149 = tpu.memref_slice %arg13[%mul3A_50] : memref<82944xf32, #tpu.memory_space<hbm>> -> memref<5120xf32, #tpu.memory_space<hbm>>
        tpu.enqueue_dma source(%dma_start3A_149 : memref<5120xf32, #tpu.memory_space<hbm>>) target(%arg20 : memref<5120xf32, #tpu.memory_space<vmem>>) target_semaphore(%run_scoped3A_148 : memref<!tpu.dma_semaphore, #tpu.memory_space<semaphore_mem>>)
        %dma_wait3A = tpu.memref_slice %arg13[%mul3A_50] : memref<82944xf32, #tpu.memory_space<hbm>> -> memref<5120xf32, #tpu.memory_space<hbm>>
        %dma_wait3A_150 = tpu.memref_slice %arg13[%mul3A_50] : memref<82944xf32, #tpu.memory_space<hbm>> -> memref<5120xf32, #tpu.memory_space<hbm>>
        tpu.wait_dma2 semaphore(%run_scoped3A_148 : memref<!tpu.dma_semaphore, #tpu.memory_space<semaphore_mem>>) src(%dma_wait3A_150 : memref<5120xf32, #tpu.memory_space<hbm>>) dst(%arg20 : memref<5120xf32, #tpu.memory_space<vmem>>)
        tpu.yield
      }) : () -> ()
      %barrier3A = arith.constant 0 : index
      tpu.barrier barrier_id(%barrier3A)
      %scan3A_51 = arith.constant 0 : i32
      %scan3A_52 = arith.constant 0 : i32
      %scan3A_53 = arith.constant 1250 : i32
      %scan3A_54 = arith.addi %scan3A_52, %scan3A_53 : i32
      %scan3A_55 = arith.constant 1 : i32
      %scan3A_56 = scf.for %scan3A_148 = %scan3A_52 to %scan3A_54 step %scan3A_55 iter_args(%scan3A_149 = %scan3A_51) -> (i32)  : i32 {
        %mul3A_150 = arith.constant 16 : i32
        %mul3A_151 = arith.muli %scan3A_148, %mul3A_150 : i32
        %get3A = arith.index_cast %mul3A_151 : i32 to index
        %get3A_152 = tpu.vector_load %arg16[%get3A] {strides = array<i32>} : memref<20000xi32, #tpu.memory_space<vmem>>, vector<16xi32>,
        %get3A_153 = arith.index_cast %mul3A_151 : i32 to index
        %get3A_154 = tpu.vector_load %arg17[%get3A_153] {strides = array<i32>} : memref<20000xi32, #tpu.memory_space<vmem>>, vector<16xi32>,
        %sub3A_155 = vector.broadcast %mul3A_12 : i32 to vector<16xi32>
        %sub3A_156 = arith.subi %get3A_154, %sub3A_155 : vector<16xi32>
        %ge3A = arith.constant 0 : i32
        %ge3A_157 = vector.broadcast %ge3A : i32 to vector<16xi32>
        %ge3A_158 = arith.cmpi sge, %sub3A_156, %ge3A_157 : vector<16xi32>
        %lt3A = arith.constant 512 : i32
        %lt3A_159 = vector.broadcast %lt3A : i32 to vector<16xi32>
        %lt3A_160 = arith.cmpi slt, %sub3A_156, %lt3A_159 : vector<16xi32>
        %and3A_161 = arith.andi %ge3A_158, %lt3A_160 : vector<16xi1>
        %swap3A_162 = arith.index_cast %scan3A_149 : i32 to index
        %swap3A_163 = tpu.vector_load %arg18[%swap3A_162] masked %and3A_161 {strides = array<i32>} : memref<6592xi32, #tpu.memory_space<vmem>>, vector<16xi32>, vector<16xi1>
        tpu.vector_store %arg18[%swap3A_162], %get3A_152 masked %and3A_161 {strides = array<i32>} : memref<6592xi32, #tpu.memory_space<vmem>>, vector<16xi32>, vector<16xi1>
        %swap3A_164 = arith.index_cast %scan3A_149 : i32 to index
        %swap3A_165 = tpu.vector_load %arg19[%swap3A_164] masked %and3A_161 {strides = array<i32>} : memref<6592xi32, #tpu.memory_space<vmem>>, vector<16xi32>, vector<16xi1>
        tpu.vector_store %arg19[%swap3A_164], %sub3A_156 masked %and3A_161 {strides = array<i32>} : memref<6592xi32, #tpu.memory_space<vmem>>, vector<16xi32>, vector<16xi1>
        %all_reduce_population_count3A = tpu.all_reduce %and3A_161 {dim = 0 : i64, kind = #tpu.reduction_kind<sum>} : vector<16xi1> -> vector<16xi32>
        %slice3A = vector.extract_strided_slice %all_reduce_population_count3A {offsets = [0], sizes = [1], strides = [1]} : vector<16xi32> to vector<1xi32>
        %squeeze3A = vector.extract %slice3A[0] : i32 from vector<1xi32>
        %add3A_166 = arith.addi %scan3A_149, %squeeze3A : i32
        scf.yield %add3A_166 : i32
      }
      %scan3A_57 = arith.constant 1250 : i32
      %broadcast_in_dim3A = arith.constant 0 : i32
      %broadcast_in_dim3A_58 = vector.broadcast %broadcast_in_dim3A : i32 to vector<16xi32>
      %swap3A = arith.index_cast %scan3A_56 : i32 to index
      %swap3A_59 = tpu.vector_load %arg18[%swap3A] {strides = array<i32>} : memref<6592xi32, #tpu.memory_space<vmem>>, vector<16xi32>,
      tpu.vector_store %arg18[%swap3A], %broadcast_in_dim3A_58 {strides = array<i32>} : memref<6592xi32, #tpu.memory_space<vmem>>, vector<16xi32>,
      %broadcast_in_dim3A_60 = arith.constant 512 : i32
      %broadcast_in_dim3A_61 = vector.broadcast %broadcast_in_dim3A_60 : i32 to vector<16xi32>
      %swap3A_62 = arith.index_cast %scan3A_56 : i32 to index
      %swap3A_63 = tpu.vector_load %arg19[%swap3A_62] {strides = array<i32>} : memref<6592xi32, #tpu.memory_space<vmem>>, vector<16xi32>,
      tpu.vector_store %arg19[%swap3A_62], %broadcast_in_dim3A_61 {strides = array<i32>} : memref<6592xi32, #tpu.memory_space<vmem>>, vector<16xi32>,
      %add3A_64 = arith.constant 16 : i32
      %add3A_65 = arith.addi %scan3A_56, %add3A_64 : i32
      %sub3A = arith.constant 1 : i32
      %sub3A_66 = arith.subi %add3A_65, %sub3A : i32
      %jit3A = arith.constant 16 : i32
      %div3A = arith.divsi %sub3A_66, %jit3A : i32
      %sign3A = arith.constant 0 : i32
      %sign3A_67 = arith.cmpi sgt, %sub3A_66, %sign3A : i32
      %sign3A_68 = arith.extui %sign3A_67 : i1 to i32
      %sign3A_69 = arith.constant 0 : i32
      %sign3A_70 = arith.cmpi slt, %sub3A_66, %sign3A_69 : i32
      %sign3A_71 = arith.extui %sign3A_70 : i1 to i32
      %sign3A_72 = arith.subi %sign3A_68, %sign3A_71 : i32
      %sign3A_73 = arith.constant 0 : i32
      %sign3A_74 = arith.cmpi sgt, %jit3A, %sign3A_73 : i32
      %sign3A_75 = arith.extui %sign3A_74 : i1 to i32
      %sign3A_76 = arith.constant 0 : i32
      %sign3A_77 = arith.cmpi slt, %jit3A, %sign3A_76 : i32
      %sign3A_78 = arith.extui %sign3A_77 : i1 to i32
      %sign3A_79 = arith.subi %sign3A_75, %sign3A_78 : i32
      %ne3A = arith.cmpi ne, %sign3A_72, %sign3A_79 : i32
      %rem3A = arith.remsi %sub3A_66, %jit3A : i32
      %ne3A_80 = arith.constant 0 : i32
      %ne3A_81 = arith.cmpi ne, %rem3A, %ne3A_80 : i32
      %and3A = arith.andi %ne3A, %ne3A_81 : i1
      %sub3A_82 = arith.constant 1 : i32
      %sub3A_83 = arith.subi %div3A, %sub3A_82 : i32
      %select_n3A = arith.select %and3A, %sub3A_83, %div3A : i32
      %while3A = arith.constant 0 : i32
      %while3A_84 = arith.constant 0 : i32
      %while3A_85 = arith.subi %select_n3A, %while3A_84 : i32
      %while3A_86 = arith.addi %while3A_84, %while3A_85 : i32
      %while3A_87 = arith.constant 1 : i32
      %while3A_88 = arith.divsi %while3A_85, %while3A_87 : i32
      %while3A_89 = arith.muli %while3A_88, %while3A_87 : i32
      %while3A_90 = arith.addi %while3A_84, %while3A_89 : i32
      %while3A_91 = arith.constant 1 : i32
      scf.for %while3A_148 = %while3A_84 to %while3A_90 step %while3A_91  : i32 {
        %mul3A_149 = arith.constant 16 : i32
        %mul3A_150 = arith.muli %while3A_148, %mul3A_149 : i32
        %get3A = arith.index_cast %mul3A_150 : i32 to index
        %get3A_151 = tpu.vector_load %arg18[%get3A] {strides = array<i32>} : memref<6592xi32, #tpu.memory_space<vmem>>, vector<16xi32>,
        %mul3A_152 = arith.constant 16 : i32
        %mul3A_153 = arith.muli %arg1, %mul3A_152 : i32
        "tpu.region"() ({
          %run_scoped3A_214 = tpu.sem_alloc : memref<!tpu.dma_semaphore, #tpu.memory_space<semaphore_mem>>
          %dma_start3A_215 = tpu.memref_slice %arg19[%mul3A_150] : memref<6592xi32, #tpu.memory_space<vmem>> -> memref<16xi32, #tpu.memory_space<vmem>>
          %dma_start3A_216 = tpu.memref_slice %arg40[%mul3A_153] : memref<256xi32, #tpu.memory_space<vmem_shared>> -> memref<16xi32, #tpu.memory_space<vmem_shared>>
          %dma_start3A_217 = tpu.memref_slice %arg40[%mul3A_153] : memref<256xi32, #tpu.memory_space<vmem_shared>> -> memref<16xi32, #tpu.memory_space<vmem_shared>>
          %dma_start3A_218 = tpu.memref_slice %arg19[%mul3A_150] : memref<6592xi32, #tpu.memory_space<vmem>> -> memref<16xi32, #tpu.memory_space<vmem>>
          tpu.enqueue_dma source(%dma_start3A_218 : memref<16xi32, #tpu.memory_space<vmem>>) target(%dma_start3A_217 : memref<16xi32, #tpu.memory_space<vmem_shared>>) target_semaphore(%run_scoped3A_214 : memref<!tpu.dma_semaphore, #tpu.memory_space<semaphore_mem>>)
          %dma_wait3A_219 = tpu.memref_slice %arg19[%mul3A_150] : memref<6592xi32, #tpu.memory_space<vmem>> -> memref<16xi32, #tpu.memory_space<vmem>>
          %dma_wait3A_220 = tpu.memref_slice %arg40[%mul3A_153] : memref<256xi32, #tpu.memory_space<vmem_shared>> -> memref<16xi32, #tpu.memory_space<vmem_shared>>
          %dma_wait3A_221 = tpu.memref_slice %arg40[%mul3A_153] : memref<256xi32, #tpu.memory_space<vmem_shared>> -> memref<16xi32, #tpu.memory_space<vmem_shared>>
          %dma_wait3A_222 = tpu.memref_slice %arg19[%mul3A_150] : memref<6592xi32, #tpu.memory_space<vmem>> -> memref<16xi32, #tpu.memory_space<vmem>>
          tpu.wait_dma2 semaphore(%run_scoped3A_214 : memref<!tpu.dma_semaphore, #tpu.memory_space<semaphore_mem>>) src(%dma_wait3A_222 : memref<16xi32, #tpu.memory_space<vmem>>) dst(%dma_wait3A_221 : memref<16xi32, #tpu.memory_space<vmem_shared>>)
          tpu.yield
        }) : () -> ()
        %mul3A_154 = arith.constant 16 : i32
        %mul3A_155 = arith.muli %arg1, %mul3A_154 : i32
        "tpu.region"() ({
          %run_scoped3A_214 = tpu.sem_alloc : memref<!tpu.dma_semaphore, #tpu.memory_space<semaphore_mem>>
          %dma_start3A_215 = tpu.memref_slice %arg40[%mul3A_155] : memref<256xi32, #tpu.memory_space<vmem_shared>> -> memref<16xi32, #tpu.memory_space<vmem_shared>>
          %dma_start3A_216 = tpu.memref_slice %arg40[%mul3A_155] : memref<256xi32, #tpu.memory_space<vmem_shared>> -> memref<16xi32, #tpu.memory_space<vmem_shared>>
          tpu.enqueue_dma source(%dma_start3A_216 : memref<16xi32, #tpu.memory_space<vmem_shared>>) target(%arg30 : memref<16xi32, #tpu.memory_space<vmem>>) target_semaphore(%run_scoped3A_214 : memref<!tpu.dma_semaphore, #tpu.memory_space<semaphore_mem>>)
          %dma_wait3A_217 = tpu.memref_slice %arg40[%mul3A_155] : memref<256xi32, #tpu.memory_space<vmem_shared>> -> memref<16xi32, #tpu.memory_space<vmem_shared>>
          %dma_wait3A_218 = tpu.memref_slice %arg40[%mul3A_155] : memref<256xi32, #tpu.memory_space<vmem_shared>> -> memref<16xi32, #tpu.memory_space<vmem_shared>>
          tpu.wait_dma2 semaphore(%run_scoped3A_214 : memref<!tpu.dma_semaphore, #tpu.memory_space<semaphore_mem>>) src(%dma_wait3A_218 : memref<16xi32, #tpu.memory_space<vmem_shared>>) dst(%arg30 : memref<16xi32, #tpu.memory_space<vmem>>)
          tpu.yield
        }) : () -> ()
        %dma_start3A = arith.constant 0 : i32
        %dma_start3A_156 = arith.constant 0 : i32
        %dma_start3A_157 = tpu.memref_slice %arg4[%dma_start3A, %dma_start3A_156] : memref<10240x128xf32, #tpu.memory_space<hbm>> -> memref<10240x128xf32, #tpu.memory_space<hbm>>
        tpu.enqueue_indirect_dma source(%dma_start3A_157 : memref<10240x128xf32, #tpu.memory_space<hbm>>) target(%arg21 : memref<16x128xf32, #tpu.memory_space<vmem>>) offsets(%get3A_151 : vector<16xi32>) semaphore(%arg41 : memref<!tpu.dma_semaphore, #tpu.memory_space<semaphore_mem>>)
        %dma_start3A_158 = arith.constant 0 : i32
        %dma_start3A_159 = arith.constant 0 : i32
        %dma_start3A_160 = tpu.memref_slice %arg5[%dma_start3A_158, %dma_start3A_159] : memref<10240x128xf32, #tpu.memory_space<hbm>> -> memref<10240x128xf32, #tpu.memory_space<hbm>>
        tpu.enqueue_indirect_dma source(%dma_start3A_160 : memref<10240x128xf32, #tpu.memory_space<hbm>>) target(%arg22 : memref<16x128xf32, #tpu.memory_space<vmem>>) offsets(%get3A_151 : vector<16xi32>) semaphore(%arg41 : memref<!tpu.dma_semaphore, #tpu.memory_space<semaphore_mem>>)
        %dma_start3A_161 = arith.constant 0 : i32
        %dma_start3A_162 = arith.constant 0 : i32
        %dma_start3A_163 = tpu.memref_slice %arg6[%dma_start3A_161, %dma_start3A_162] : memref<10240x128xf32, #tpu.memory_space<hbm>> -> memref<10240x128xf32, #tpu.memory_space<hbm>>
        tpu.enqueue_indirect_dma source(%dma_start3A_163 : memref<10240x128xf32, #tpu.memory_space<hbm>>) target(%arg23 : memref<16x128xf32, #tpu.memory_space<vmem>>) offsets(%get3A_151 : vector<16xi32>) semaphore(%arg41 : memref<!tpu.dma_semaphore, #tpu.memory_space<semaphore_mem>>)
        %dma_start3A_164 = arith.constant 0 : i32
        %dma_start3A_165 = arith.constant 0 : i32
        %dma_start3A_166 = tpu.memref_slice %arg7[%dma_start3A_164, %dma_start3A_165] : memref<10240x128xf32, #tpu.memory_space<hbm>> -> memref<10240x128xf32, #tpu.memory_space<hbm>>
        tpu.enqueue_indirect_dma source(%dma_start3A_166 : memref<10240x128xf32, #tpu.memory_space<hbm>>) target(%arg24 : memref<16x128xf32, #tpu.memory_space<vmem>>) offsets(%get3A_151 : vector<16xi32>) semaphore(%arg41 : memref<!tpu.dma_semaphore, #tpu.memory_space<semaphore_mem>>)
        %dma_start3A_167 = arith.constant 0 : i32
        %dma_start3A_168 = arith.constant 0 : i32
        %dma_start3A_169 = tpu.memref_slice %arg8[%dma_start3A_167, %dma_start3A_168] : memref<10240x128xf32, #tpu.memory_space<hbm>> -> memref<10240x128xf32, #tpu.memory_space<hbm>>
        tpu.enqueue_indirect_dma source(%dma_start3A_169 : memref<10240x128xf32, #tpu.memory_space<hbm>>) target(%arg25 : memref<16x128xf32, #tpu.memory_space<vmem>>) offsets(%get3A_151 : vector<16xi32>) semaphore(%arg41 : memref<!tpu.dma_semaphore, #tpu.memory_space<semaphore_mem>>)
        %dma_start3A_170 = arith.constant 0 : i32
        %dma_start3A_171 = arith.constant 0 : i32
        %dma_start3A_172 = tpu.memref_slice %arg9[%dma_start3A_170, %dma_start3A_171] : memref<10240x128xf32, #tpu.memory_space<hbm>> -> memref<10240x128xf32, #tpu.memory_space<hbm>>
        tpu.enqueue_indirect_dma source(%dma_start3A_172 : memref<10240x128xf32, #tpu.memory_space<hbm>>) target(%arg26 : memref<16x128xf32, #tpu.memory_space<vmem>>) offsets(%get3A_151 : vector<16xi32>) semaphore(%arg41 : memref<!tpu.dma_semaphore, #tpu.memory_space<semaphore_mem>>)
        %dma_start3A_173 = arith.constant 0 : i32
        %dma_start3A_174 = arith.constant 0 : i32
        %dma_start3A_175 = tpu.memref_slice %arg10[%dma_start3A_173, %dma_start3A_174] : memref<10240x128xf32, #tpu.memory_space<hbm>> -> memref<10240x128xf32, #tpu.memory_space<hbm>>
        tpu.enqueue_indirect_dma source(%dma_start3A_175 : memref<10240x128xf32, #tpu.memory_space<hbm>>) target(%arg27 : memref<16x128xf32, #tpu.memory_space<vmem>>) offsets(%get3A_151 : vector<16xi32>) semaphore(%arg41 : memref<!tpu.dma_semaphore, #tpu.memory_space<semaphore_mem>>)
        %dma_start3A_176 = arith.constant 0 : i32
        %dma_start3A_177 = arith.constant 0 : i32
        %dma_start3A_178 = tpu.memref_slice %arg11[%dma_start3A_176, %dma_start3A_177] : memref<10240x128xf32, #tpu.memory_space<hbm>> -> memref<10240x128xf32, #tpu.memory_space<hbm>>
        tpu.enqueue_indirect_dma source(%dma_start3A_178 : memref<10240x128xf32, #tpu.memory_space<hbm>>) target(%arg28 : memref<16x128xf32, #tpu.memory_space<vmem>>) offsets(%get3A_151 : vector<16xi32>) semaphore(%arg41 : memref<!tpu.dma_semaphore, #tpu.memory_space<semaphore_mem>>)
        %dma_start3A_179 = arith.constant 0 : i32
        %dma_start3A_180 = arith.constant 0 : i32
        %dma_start3A_181 = tpu.memref_slice %arg12[%dma_start3A_179, %dma_start3A_180] : memref<10240x128xf32, #tpu.memory_space<hbm>> -> memref<10240x128xf32, #tpu.memory_space<hbm>>
        tpu.enqueue_indirect_dma source(%dma_start3A_181 : memref<10240x128xf32, #tpu.memory_space<hbm>>) target(%arg29 : memref<16x128xf32, #tpu.memory_space<vmem>>) offsets(%get3A_151 : vector<16xi32>) semaphore(%arg41 : memref<!tpu.dma_semaphore, #tpu.memory_space<semaphore_mem>>)
        %dma_wait3A = arith.constant 0 : i32
        %dma_wait3A_182 = arith.constant 0 : i32
        %dma_wait3A_183 = tpu.memref_slice %arg4[%dma_wait3A, %dma_wait3A_182] : memref<10240x128xf32, #tpu.memory_space<hbm>> -> memref<10240x128xf32, #tpu.memory_space<hbm>>
        tpu.wait_indirect_dma semaphore(%arg41 : memref<!tpu.dma_semaphore, #tpu.memory_space<semaphore_mem>>) src(%dma_wait3A_183 : memref<10240x128xf32, #tpu.memory_space<hbm>>) dst(%arg21 : memref<16x128xf32, #tpu.memory_space<vmem>>)
        %dma_wait3A_184 = arith.constant 0 : i32
        %dma_wait3A_185 = arith.constant 0 : i32
        %dma_wait3A_186 = tpu.memref_slice %arg5[%dma_wait3A_184, %dma_wait3A_185] : memref<10240x128xf32, #tpu.memory_space<hbm>> -> memref<10240x128xf32, #tpu.memory_space<hbm>>
        tpu.wait_indirect_dma semaphore(%arg41 : memref<!tpu.dma_semaphore, #tpu.memory_space<semaphore_mem>>) src(%dma_wait3A_186 : memref<10240x128xf32, #tpu.memory_space<hbm>>) dst(%arg22 : memref<16x128xf32, #tpu.memory_space<vmem>>)
        %dma_wait3A_187 = arith.constant 0 : i32
        %dma_wait3A_188 = arith.constant 0 : i32
        %dma_wait3A_189 = tpu.memref_slice %arg6[%dma_wait3A_187, %dma_wait3A_188] : memref<10240x128xf32, #tpu.memory_space<hbm>> -> memref<10240x128xf32, #tpu.memory_space<hbm>>
        tpu.wait_indirect_dma semaphore(%arg41 : memref<!tpu.dma_semaphore, #tpu.memory_space<semaphore_mem>>) src(%dma_wait3A_189 : memref<10240x128xf32, #tpu.memory_space<hbm>>) dst(%arg23 : memref<16x128xf32, #tpu.memory_space<vmem>>)
        %dma_wait3A_190 = arith.constant 0 : i32
        %dma_wait3A_191 = arith.constant 0 : i32
        %dma_wait3A_192 = tpu.memref_slice %arg7[%dma_wait3A_190, %dma_wait3A_191] : memref<10240x128xf32, #tpu.memory_space<hbm>> -> memref<10240x128xf32, #tpu.memory_space<hbm>>
        tpu.wait_indirect_dma semaphore(%arg41 : memref<!tpu.dma_semaphore, #tpu.memory_space<semaphore_mem>>) src(%dma_wait3A_192 : memref<10240x128xf32, #tpu.memory_space<hbm>>) dst(%arg24 : memref<16x128xf32, #tpu.memory_space<vmem>>)
        %dma_wait3A_193 = arith.constant 0 : i32
        %dma_wait3A_194 = arith.constant 0 : i32
        %dma_wait3A_195 = tpu.memref_slice %arg8[%dma_wait3A_193, %dma_wait3A_194] : memref<10240x128xf32, #tpu.memory_space<hbm>> -> memref<10240x128xf32, #tpu.memory_space<hbm>>
        tpu.wait_indirect_dma semaphore(%arg41 : memref<!tpu.dma_semaphore, #tpu.memory_space<semaphore_mem>>) src(%dma_wait3A_195 : memref<10240x128xf32, #tpu.memory_space<hbm>>) dst(%arg25 : memref<16x128xf32, #tpu.memory_space<vmem>>)
        %dma_wait3A_196 = arith.constant 0 : i32
        %dma_wait3A_197 = arith.constant 0 : i32
        %dma_wait3A_198 = tpu.memref_slice %arg9[%dma_wait3A_196, %dma_wait3A_197] : memref<10240x128xf32, #tpu.memory_space<hbm>> -> memref<10240x128xf32, #tpu.memory_space<hbm>>
        tpu.wait_indirect_dma semaphore(%arg41 : memref<!tpu.dma_semaphore, #tpu.memory_space<semaphore_mem>>) src(%dma_wait3A_198 : memref<10240x128xf32, #tpu.memory_space<hbm>>) dst(%arg26 : memref<16x128xf32, #tpu.memory_space<vmem>>)
        %dma_wait3A_199 = arith.constant 0 : i32
        %dma_wait3A_200 = arith.constant 0 : i32
        %dma_wait3A_201 = tpu.memref_slice %arg10[%dma_wait3A_199, %dma_wait3A_200] : memref<10240x128xf32, #tpu.memory_space<hbm>> -> memref<10240x128xf32, #tpu.memory_space<hbm>>
        tpu.wait_indirect_dma semaphore(%arg41 : memref<!tpu.dma_semaphore, #tpu.memory_space<semaphore_mem>>) src(%dma_wait3A_201 : memref<10240x128xf32, #tpu.memory_space<hbm>>) dst(%arg27 : memref<16x128xf32, #tpu.memory_space<vmem>>)
        %dma_wait3A_202 = arith.constant 0 : i32
        %dma_wait3A_203 = arith.constant 0 : i32
        %dma_wait3A_204 = tpu.memref_slice %arg11[%dma_wait3A_202, %dma_wait3A_203] : memref<10240x128xf32, #tpu.memory_space<hbm>> -> memref<10240x128xf32, #tpu.memory_space<hbm>>
        tpu.wait_indirect_dma semaphore(%arg41 : memref<!tpu.dma_semaphore, #tpu.memory_space<semaphore_mem>>) src(%dma_wait3A_204 : memref<10240x128xf32, #tpu.memory_space<hbm>>) dst(%arg28 : memref<16x128xf32, #tpu.memory_space<vmem>>)
        %dma_wait3A_205 = arith.constant 0 : i32
        %dma_wait3A_206 = arith.constant 0 : i32
        %dma_wait3A_207 = tpu.memref_slice %arg12[%dma_wait3A_205, %dma_wait3A_206] : memref<10240x128xf32, #tpu.memory_space<hbm>> -> memref<10240x128xf32, #tpu.memory_space<hbm>>
        tpu.wait_indirect_dma semaphore(%arg41 : memref<!tpu.dma_semaphore, #tpu.memory_space<semaphore_mem>>) src(%dma_wait3A_207 : memref<10240x128xf32, #tpu.memory_space<hbm>>) dst(%arg29 : memref<16x128xf32, #tpu.memory_space<vmem>>)
        %scan3A_208 = arith.constant 0 : i32
        %scan3A_209 = arith.constant 0 : i32
        %scan3A_210 = arith.constant 16 : i32
        %scan3A_211 = arith.addi %scan3A_209, %scan3A_210 : i32
        %scan3A_212 = arith.constant 1 : i32
        scf.for %scan3A_214 = %scan3A_209 to %scan3A_211 step %scan3A_212  : i32 {
          %add3A_215 = arith.addi %mul3A_150, %scan3A_214 : i32
          %get3A_216 = arith.index_cast %add3A_215 : i32 to index
          %get3A_217 = tpu.vector_load %arg19[%get3A_216] {strides = array<i32>} : memref<6592xi32, #tpu.memory_space<vmem>>, vector<16xi32>,
          %slice3A = vector.extract_strided_slice %get3A_217 {offsets = [0], sizes = [1], strides = [1]} : vector<16xi32> to vector<1xi32>
          %squeeze3A = vector.extract %slice3A[0] : i32 from vector<1xi32>
          %mul3A_218 = arith.constant 8 : i32
          %mul3A_219 = arith.muli %squeeze3A, %mul3A_218 : i32
          %iota3A = tpu.iota {dimensions = array<i32: 0>} : vector<16xi32>
          %add3A_220 = vector.broadcast %mul3A_219 : i32 to vector<16xi32>
          %add3A_221 = arith.addi %add3A_220, %iota3A : vector<16xi32>
          %gather3A = tpu.vector_load_idx %arg20[%add3A_221] : memref<5120xf32, #tpu.memory_space<vmem>>[vector<16xi32>], vector<16xf32>,
          %get3A_222 = arith.index_cast %scan3A_214 : i32 to index
          %get3A_223 = arith.constant 0 : index
          %get3A_224 = tpu.vector_load %arg29[%get3A_222, %get3A_223] {strides = array<i32>} : memref<16x128xf32, #tpu.memory_space<vmem>>, vector<16xf32>,
          %iota3A_225 = tpu.iota {dimensions = array<i32: 0>} : vector<16xi32>
          %and3A_226 = arith.constant 7 : i32
          %and3A_227 = vector.broadcast %and3A_226 : i32 to vector<16xi32>
          %and3A_228 = arith.andi %iota3A_225, %and3A_227 : vector<16xi32>
          %add3A_229 = arith.constant 8 : i32
          %add3A_230 = vector.broadcast %add3A_229 : i32 to vector<16xi32>
          %add3A_231 = arith.addi %add3A_230, %and3A_228 : vector<16xi32>
          %broadcast_in_dim3A_232 = vector.shape_cast %add3A_231 : vector<16xi32> to vector<16x1xi32>
          %gather3A_233 = vector.shape_cast %broadcast_in_dim3A_232 : vector<16x1xi32> to vector<16xi32>
          %gather3A_234 = tpu.dynamic_gather %get3A_224[%gather3A_233] in [0] : vector<16xf32>, vector<16xi32> -> vector<16xf32>
          %add3A_235 = arith.addf %gather3A_234, %gather3A : vector<16xf32>
          %mul3A_236 = arith.constant 2.000000e-01 : f32
          %mul3A_237 = vector.broadcast %mul3A_236 : f32 to vector<16xf32>
          %mul3A_238 = arith.mulf %add3A_235, %mul3A_237 : vector<16xf32>
          %max3A = arith.maximumf %add3A_235, %mul3A_238 : vector<16xf32>
          %exp3A = math.exp %max3A : vector<16xf32>
          %slice3A_239 = vector.extract_strided_slice %exp3A {offsets = [0], sizes = [1], strides = [1]} : vector<16xf32> to vector<1xf32>
          %squeeze3A_240 = vector.extract %slice3A_239[0] : f32 from vector<1xf32>
          %get3A_241 = arith.index_cast %scan3A_214 : i32 to index
          %get3A_242 = arith.constant 0 : index
          %get3A_243 = tpu.vector_load %arg21[%get3A_241, %get3A_242] {strides = array<i32>} : memref<16x128xf32, #tpu.memory_space<vmem>>, vector<16xf32>,
          %mul3A_244 = vector.broadcast %squeeze3A_240 : f32 to vector<16xf32>
          %mul3A_245 = arith.mulf %get3A_243, %mul3A_244 : vector<16xf32>
          %swap3A_246 = arith.index_cast %scan3A_214 : i32 to index
          %swap3A_247 = arith.constant 0 : index
          %swap3A_248 = tpu.vector_load %arg21[%swap3A_246, %swap3A_247] {strides = array<i32>} : memref<16x128xf32, #tpu.memory_space<vmem>>, vector<16xf32>,
          tpu.vector_store %arg21[%swap3A_246, %swap3A_247], %mul3A_245 {strides = array<i32>} : memref<16x128xf32, #tpu.memory_space<vmem>>, vector<16xf32>,
          %get3A_249 = arith.index_cast %scan3A_214 : i32 to index
          %get3A_250 = arith.constant 16 : index
          %get3A_251 = tpu.vector_load %arg21[%get3A_249, %get3A_250] {strides = array<i32>} : memref<16x128xf32, #tpu.memory_space<vmem>>, vector<16xf32>,
          %mul3A_252 = vector.broadcast %squeeze3A_240 : f32 to vector<16xf32>
          %mul3A_253 = arith.mulf %get3A_251, %mul3A_252 : vector<16xf32>
          %swap3A_254 = arith.index_cast %scan3A_214 : i32 to index
          %swap3A_255 = arith.constant 16 : index
          %swap3A_256 = tpu.vector_load %arg21[%swap3A_254, %swap3A_255] {strides = array<i32>} : memref<16x128xf32, #tpu.memory_space<vmem>>, vector<16xf32>,
          tpu.vector_store %arg21[%swap3A_254, %swap3A_255], %mul3A_253 {strides = array<i32>} : memref<16x128xf32, #tpu.memory_space<vmem>>, vector<16xf32>,
          %get3A_257 = arith.index_cast %scan3A_214 : i32 to index
          %get3A_258 = arith.constant 32 : index
          %get3A_259 = tpu.vector_load %arg21[%get3A_257, %get3A_258] {strides = array<i32>} : memref<16x128xf32, #tpu.memory_space<vmem>>, vector<16xf32>,
          %mul3A_260 = vector.broadcast %squeeze3A_240 : f32 to vector<16xf32>
          %mul3A_261 = arith.mulf %get3A_259, %mul3A_260 : vector<16xf32>
          %swap3A_262 = arith.index_cast %scan3A_214 : i32 to index
          %swap3A_263 = arith.constant 32 : index
          %swap3A_264 = tpu.vector_load %arg21[%swap3A_262, %swap3A_263] {strides = array<i32>} : memref<16x128xf32, #tpu.memory_space<vmem>>, vector<16xf32>,
          tpu.vector_store %arg21[%swap3A_262, %swap3A_263], %mul3A_261 {strides = array<i32>} : memref<16x128xf32, #tpu.memory_space<vmem>>, vector<16xf32>,
          %get3A_265 = arith.index_cast %scan3A_214 : i32 to index
          %get3A_266 = arith.constant 48 : index
          %get3A_267 = tpu.vector_load %arg21[%get3A_265, %get3A_266] {strides = array<i32>} : memref<16x128xf32, #tpu.memory_space<vmem>>, vector<16xf32>,
          %mul3A_268 = vector.broadcast %squeeze3A_240 : f32 to vector<16xf32>
          %mul3A_269 = arith.mulf %get3A_267, %mul3A_268 : vector<16xf32>
          %swap3A_270 = arith.index_cast %scan3A_214 : i32 to index
          %swap3A_271 = arith.constant 48 : index
          %swap3A_272 = tpu.vector_load %arg21[%swap3A_270, %swap3A_271] {strides = array<i32>} : memref<16x128xf32, #tpu.memory_space<vmem>>, vector<16xf32>,
          tpu.vector_store %arg21[%swap3A_270, %swap3A_271], %mul3A_269 {strides = array<i32>} : memref<16x128xf32, #tpu.memory_space<vmem>>, vector<16xf32>,
          %get3A_273 = arith.index_cast %scan3A_214 : i32 to index
          %get3A_274 = arith.constant 64 : index
          %get3A_275 = tpu.vector_load %arg21[%get3A_273, %get3A_274] {strides = array<i32>} : memref<16x128xf32, #tpu.memory_space<vmem>>, vector<16xf32>,
          %mul3A_276 = vector.broadcast %squeeze3A_240 : f32 to vector<16xf32>
          %mul3A_277 = arith.mulf %get3A_275, %mul3A_276 : vector<16xf32>
          %swap3A_278 = arith.index_cast %scan3A_214 : i32 to index
          %swap3A_279 = arith.constant 64 : index
          %swap3A_280 = tpu.vector_load %arg21[%swap3A_278, %swap3A_279] {strides = array<i32>} : memref<16x128xf32, #tpu.memory_space<vmem>>, vector<16xf32>,
          tpu.vector_store %arg21[%swap3A_278, %swap3A_279], %mul3A_277 {strides = array<i32>} : memref<16x128xf32, #tpu.memory_space<vmem>>, vector<16xf32>,
          %get3A_281 = arith.index_cast %scan3A_214 : i32 to index
          %get3A_282 = arith.constant 80 : index
          %get3A_283 = tpu.vector_load %arg21[%get3A_281, %get3A_282] {strides = array<i32>} : memref<16x128xf32, #tpu.memory_space<vmem>>, vector<16xf32>,
          %mul3A_284 = vector.broadcast %squeeze3A_240 : f32 to vector<16xf32>
          %mul3A_285 = arith.mulf %get3A_283, %mul3A_284 : vector<16xf32>
          %swap3A_286 = arith.index_cast %scan3A_214 : i32 to index
          %swap3A_287 = arith.constant 80 : index
          %swap3A_288 = tpu.vector_load %arg21[%swap3A_286, %swap3A_287] {strides = array<i32>} : memref<16x128xf32, #tpu.memory_space<vmem>>, vector<16xf32>,
          tpu.vector_store %arg21[%swap3A_286, %swap3A_287], %mul3A_285 {strides = array<i32>} : memref<16x128xf32, #tpu.memory_space<vmem>>, vector<16xf32>,
          %get3A_289 = arith.index_cast %scan3A_214 : i32 to index
          %get3A_290 = arith.constant 96 : index
          %get3A_291 = tpu.vector_load %arg21[%get3A_289, %get3A_290] {strides = array<i32>} : memref<16x128xf32, #tpu.memory_space<vmem>>, vector<16xf32>,
          %mul3A_292 = vector.broadcast %squeeze3A_240 : f32 to vector<16xf32>
          %mul3A_293 = arith.mulf %get3A_291, %mul3A_292 : vector<16xf32>
          %swap3A_294 = arith.index_cast %scan3A_214 : i32 to index
          %swap3A_295 = arith.constant 96 : index
          %swap3A_296 = tpu.vector_load %arg21[%swap3A_294, %swap3A_295] {strides = array<i32>} : memref<16x128xf32, #tpu.memory_space<vmem>>, vector<16xf32>,
          tpu.vector_store %arg21[%swap3A_294, %swap3A_295], %mul3A_293 {strides = array<i32>} : memref<16x128xf32, #tpu.memory_space<vmem>>, vector<16xf32>,
          %get3A_297 = arith.index_cast %scan3A_214 : i32 to index
          %get3A_298 = arith.constant 112 : index
          %get3A_299 = tpu.vector_load %arg21[%get3A_297, %get3A_298] {strides = array<i32>} : memref<16x128xf32, #tpu.memory_space<vmem>>, vector<16xf32>,
          %mul3A_300 = vector.broadcast %squeeze3A_240 : f32 to vector<16xf32>
          %mul3A_301 = arith.mulf %get3A_299, %mul3A_300 : vector<16xf32>
          %swap3A_302 = arith.index_cast %scan3A_214 : i32 to index
          %swap3A_303 = arith.constant 112 : index
          %swap3A_304 = tpu.vector_load %arg21[%swap3A_302, %swap3A_303] {strides = array<i32>} : memref<16x128xf32, #tpu.memory_space<vmem>>, vector<16xf32>,
          tpu.vector_store %arg21[%swap3A_302, %swap3A_303], %mul3A_301 {strides = array<i32>} : memref<16x128xf32, #tpu.memory_space<vmem>>, vector<16xf32>,
          %slice3A_305 = vector.extract_strided_slice %exp3A {offsets = [1], sizes = [1], strides = [1]} : vector<16xf32> to vector<1xf32>
          %squeeze3A_306 = vector.extract %slice3A_305[0] : f32 from vector<1xf32>
          %get3A_307 = arith.index_cast %scan3A_214 : i32 to index
          %get3A_308 = arith.constant 0 : index
          %get3A_309 = tpu.vector_load %arg22[%get3A_307, %get3A_308] {strides = array<i32>} : memref<16x128xf32, #tpu.memory_space<vmem>>, vector<16xf32>,
          %mul3A_310 = vector.broadcast %squeeze3A_306 : f32 to vector<16xf32>
          %mul3A_311 = arith.mulf %get3A_309, %mul3A_310 : vector<16xf32>
          %swap3A_312 = arith.index_cast %scan3A_214 : i32 to index
          %swap3A_313 = arith.constant 0 : index
          %swap3A_314 = tpu.vector_load %arg22[%swap3A_312, %swap3A_313] {strides = array<i32>} : memref<16x128xf32, #tpu.memory_space<vmem>>, vector<16xf32>,
          tpu.vector_store %arg22[%swap3A_312, %swap3A_313], %mul3A_311 {strides = array<i32>} : memref<16x128xf32, #tpu.memory_space<vmem>>, vector<16xf32>,
          %get3A_315 = arith.index_cast %scan3A_214 : i32 to index
          %get3A_316 = arith.constant 16 : index
          %get3A_317 = tpu.vector_load %arg22[%get3A_315, %get3A_316] {strides = array<i32>} : memref<16x128xf32, #tpu.memory_space<vmem>>, vector<16xf32>,
          %mul3A_318 = vector.broadcast %squeeze3A_306 : f32 to vector<16xf32>
          %mul3A_319 = arith.mulf %get3A_317, %mul3A_318 : vector<16xf32>
          %swap3A_320 = arith.index_cast %scan3A_214 : i32 to index
          %swap3A_321 = arith.constant 16 : index
          %swap3A_322 = tpu.vector_load %arg22[%swap3A_320, %swap3A_321] {strides = array<i32>} : memref<16x128xf32, #tpu.memory_space<vmem>>, vector<16xf32>,
          tpu.vector_store %arg22[%swap3A_320, %swap3A_321], %mul3A_319 {strides = array<i32>} : memref<16x128xf32, #tpu.memory_space<vmem>>, vector<16xf32>,
          %get3A_323 = arith.index_cast %scan3A_214 : i32 to index
          %get3A_324 = arith.constant 32 : index
          %get3A_325 = tpu.vector_load %arg22[%get3A_323, %get3A_324] {strides = array<i32>} : memref<16x128xf32, #tpu.memory_space<vmem>>, vector<16xf32>,
          %mul3A_326 = vector.broadcast %squeeze3A_306 : f32 to vector<16xf32>
          %mul3A_327 = arith.mulf %get3A_325, %mul3A_326 : vector<16xf32>
          %swap3A_328 = arith.index_cast %scan3A_214 : i32 to index
          %swap3A_329 = arith.constant 32 : index
          %swap3A_330 = tpu.vector_load %arg22[%swap3A_328, %swap3A_329] {strides = array<i32>} : memref<16x128xf32, #tpu.memory_space<vmem>>, vector<16xf32>,
          tpu.vector_store %arg22[%swap3A_328, %swap3A_329], %mul3A_327 {strides = array<i32>} : memref<16x128xf32, #tpu.memory_space<vmem>>, vector<16xf32>,
          %get3A_331 = arith.index_cast %scan3A_214 : i32 to index
          %get3A_332 = arith.constant 48 : index
          %get3A_333 = tpu.vector_load %arg22[%get3A_331, %get3A_332] {strides = array<i32>} : memref<16x128xf32, #tpu.memory_space<vmem>>, vector<16xf32>,
          %mul3A_334 = vector.broadcast %squeeze3A_306 : f32 to vector<16xf32>
          %mul3A_335 = arith.mulf %get3A_333, %mul3A_334 : vector<16xf32>
          %swap3A_336 = arith.index_cast %scan3A_214 : i32 to index
          %swap3A_337 = arith.constant 48 : index
          %swap3A_338 = tpu.vector_load %arg22[%swap3A_336, %swap3A_337] {strides = array<i32>} : memref<16x128xf32, #tpu.memory_space<vmem>>, vector<16xf32>,
          tpu.vector_store %arg22[%swap3A_336, %swap3A_337], %mul3A_335 {strides = array<i32>} : memref<16x128xf32, #tpu.memory_space<vmem>>, vector<16xf32>,
          %get3A_339 = arith.index_cast %scan3A_214 : i32 to index
          %get3A_340 = arith.constant 64 : index
          %get3A_341 = tpu.vector_load %arg22[%get3A_339, %get3A_340] {strides = array<i32>} : memref<16x128xf32, #tpu.memory_space<vmem>>, vector<16xf32>,
          %mul3A_342 = vector.broadcast %squeeze3A_306 : f32 to vector<16xf32>
          %mul3A_343 = arith.mulf %get3A_341, %mul3A_342 : vector<16xf32>
          %swap3A_344 = arith.index_cast %scan3A_214 : i32 to index
          %swap3A_345 = arith.constant 64 : index
          %swap3A_346 = tpu.vector_load %arg22[%swap3A_344, %swap3A_345] {strides = array<i32>} : memref<16x128xf32, #tpu.memory_space<vmem>>, vector<16xf32>,
          tpu.vector_store %arg22[%swap3A_344, %swap3A_345], %mul3A_343 {strides = array<i32>} : memref<16x128xf32, #tpu.memory_space<vmem>>, vector<16xf32>,
          %get3A_347 = arith.index_cast %scan3A_214 : i32 to index
          %get3A_348 = arith.constant 80 : index
          %get3A_349 = tpu.vector_load %arg22[%get3A_347, %get3A_348] {strides = array<i32>} : memref<16x128xf32, #tpu.memory_space<vmem>>, vector<16xf32>,
          %mul3A_350 = vector.broadcast %squeeze3A_306 : f32 to vector<16xf32>
          %mul3A_351 = arith.mulf %get3A_349, %mul3A_350 : vector<16xf32>
          %swap3A_352 = arith.index_cast %scan3A_214 : i32 to index
          %swap3A_353 = arith.constant 80 : index
          %swap3A_354 = tpu.vector_load %arg22[%swap3A_352, %swap3A_353] {strides = array<i32>} : memref<16x128xf32, #tpu.memory_space<vmem>>, vector<16xf32>,
          tpu.vector_store %arg22[%swap3A_352, %swap3A_353], %mul3A_351 {strides = array<i32>} : memref<16x128xf32, #tpu.memory_space<vmem>>, vector<16xf32>,
          %get3A_355 = arith.index_cast %scan3A_214 : i32 to index
          %get3A_356 = arith.constant 96 : index
          %get3A_357 = tpu.vector_load %arg22[%get3A_355, %get3A_356] {strides = array<i32>} : memref<16x128xf32, #tpu.memory_space<vmem>>, vector<16xf32>,
          %mul3A_358 = vector.broadcast %squeeze3A_306 : f32 to vector<16xf32>
          %mul3A_359 = arith.mulf %get3A_357, %mul3A_358 : vector<16xf32>
          %swap3A_360 = arith.index_cast %scan3A_214 : i32 to index
          %swap3A_361 = arith.constant 96 : index
          %swap3A_362 = tpu.vector_load %arg22[%swap3A_360, %swap3A_361] {strides = array<i32>} : memref<16x128xf32, #tpu.memory_space<vmem>>, vector<16xf32>,
          tpu.vector_store %arg22[%swap3A_360, %swap3A_361], %mul3A_359 {strides = array<i32>} : memref<16x128xf32, #tpu.memory_space<vmem>>, vector<16xf32>,
          %get3A_363 = arith.index_cast %scan3A_214 : i32 to index
          %get3A_364 = arith.constant 112 : index
          %get3A_365 = tpu.vector_load %arg22[%get3A_363, %get3A_364] {strides = array<i32>} : memref<16x128xf32, #tpu.memory_space<vmem>>, vector<16xf32>,
          %mul3A_366 = vector.broadcast %squeeze3A_306 : f32 to vector<16xf32>
          %mul3A_367 = arith.mulf %get3A_365, %mul3A_366 : vector<16xf32>
          %swap3A_368 = arith.index_cast %scan3A_214 : i32 to index
          %swap3A_369 = arith.constant 112 : index
          %swap3A_370 = tpu.vector_load %arg22[%swap3A_368, %swap3A_369] {strides = array<i32>} : memref<16x128xf32, #tpu.memory_space<vmem>>, vector<16xf32>,
          tpu.vector_store %arg22[%swap3A_368, %swap3A_369], %mul3A_367 {strides = array<i32>} : memref<16x128xf32, #tpu.memory_space<vmem>>, vector<16xf32>,
          %slice3A_371 = vector.extract_strided_slice %exp3A {offsets = [2], sizes = [1], strides = [1]} : vector<16xf32> to vector<1xf32>
          %squeeze3A_372 = vector.extract %slice3A_371[0] : f32 from vector<1xf32>
          %get3A_373 = arith.index_cast %scan3A_214 : i32 to index
          %get3A_374 = arith.constant 0 : index
          %get3A_375 = tpu.vector_load %arg23[%get3A_373, %get3A_374] {strides = array<i32>} : memref<16x128xf32, #tpu.memory_space<vmem>>, vector<16xf32>,
          %mul3A_376 = vector.broadcast %squeeze3A_372 : f32 to vector<16xf32>
          %mul3A_377 = arith.mulf %get3A_375, %mul3A_376 : vector<16xf32>
          %swap3A_378 = arith.index_cast %scan3A_214 : i32 to index
          %swap3A_379 = arith.constant 0 : index
          %swap3A_380 = tpu.vector_load %arg23[%swap3A_378, %swap3A_379] {strides = array<i32>} : memref<16x128xf32, #tpu.memory_space<vmem>>, vector<16xf32>,
          tpu.vector_store %arg23[%swap3A_378, %swap3A_379], %mul3A_377 {strides = array<i32>} : memref<16x128xf32, #tpu.memory_space<vmem>>, vector<16xf32>,
          %get3A_381 = arith.index_cast %scan3A_214 : i32 to index
          %get3A_382 = arith.constant 16 : index
          %get3A_383 = tpu.vector_load %arg23[%get3A_381, %get3A_382] {strides = array<i32>} : memref<16x128xf32, #tpu.memory_space<vmem>>, vector<16xf32>,
          %mul3A_384 = vector.broadcast %squeeze3A_372 : f32 to vector<16xf32>
          %mul3A_385 = arith.mulf %get3A_383, %mul3A_384 : vector<16xf32>
          %swap3A_386 = arith.index_cast %scan3A_214 : i32 to index
          %swap3A_387 = arith.constant 16 : index
          %swap3A_388 = tpu.vector_load %arg23[%swap3A_386, %swap3A_387] {strides = array<i32>} : memref<16x128xf32, #tpu.memory_space<vmem>>, vector<16xf32>,
          tpu.vector_store %arg23[%swap3A_386, %swap3A_387], %mul3A_385 {strides = array<i32>} : memref<16x128xf32, #tpu.memory_space<vmem>>, vector<16xf32>,
          %get3A_389 = arith.index_cast %scan3A_214 : i32 to index
          %get3A_390 = arith.constant 32 : index
          %get3A_391 = tpu.vector_load %arg23[%get3A_389, %get3A_390] {strides = array<i32>} : memref<16x128xf32, #tpu.memory_space<vmem>>, vector<16xf32>,
          %mul3A_392 = vector.broadcast %squeeze3A_372 : f32 to vector<16xf32>
          %mul3A_393 = arith.mulf %get3A_391, %mul3A_392 : vector<16xf32>
          %swap3A_394 = arith.index_cast %scan3A_214 : i32 to index
          %swap3A_395 = arith.constant 32 : index
          %swap3A_396 = tpu.vector_load %arg23[%swap3A_394, %swap3A_395] {strides = array<i32>} : memref<16x128xf32, #tpu.memory_space<vmem>>, vector<16xf32>,
          tpu.vector_store %arg23[%swap3A_394, %swap3A_395], %mul3A_393 {strides = array<i32>} : memref<16x128xf32, #tpu.memory_space<vmem>>, vector<16xf32>,
          %get3A_397 = arith.index_cast %scan3A_214 : i32 to index
          %get3A_398 = arith.constant 48 : index
          %get3A_399 = tpu.vector_load %arg23[%get3A_397, %get3A_398] {strides = array<i32>} : memref<16x128xf32, #tpu.memory_space<vmem>>, vector<16xf32>,
          %mul3A_400 = vector.broadcast %squeeze3A_372 : f32 to vector<16xf32>
          %mul3A_401 = arith.mulf %get3A_399, %mul3A_400 : vector<16xf32>
          %swap3A_402 = arith.index_cast %scan3A_214 : i32 to index
          %swap3A_403 = arith.constant 48 : index
          %swap3A_404 = tpu.vector_load %arg23[%swap3A_402, %swap3A_403] {strides = array<i32>} : memref<16x128xf32, #tpu.memory_space<vmem>>, vector<16xf32>,
          tpu.vector_store %arg23[%swap3A_402, %swap3A_403], %mul3A_401 {strides = array<i32>} : memref<16x128xf32, #tpu.memory_space<vmem>>, vector<16xf32>,
          %get3A_405 = arith.index_cast %scan3A_214 : i32 to index
          %get3A_406 = arith.constant 64 : index
          %get3A_407 = tpu.vector_load %arg23[%get3A_405, %get3A_406] {strides = array<i32>} : memref<16x128xf32, #tpu.memory_space<vmem>>, vector<16xf32>,
          %mul3A_408 = vector.broadcast %squeeze3A_372 : f32 to vector<16xf32>
          %mul3A_409 = arith.mulf %get3A_407, %mul3A_408 : vector<16xf32>
          %swap3A_410 = arith.index_cast %scan3A_214 : i32 to index
          %swap3A_411 = arith.constant 64 : index
          %swap3A_412 = tpu.vector_load %arg23[%swap3A_410, %swap3A_411] {strides = array<i32>} : memref<16x128xf32, #tpu.memory_space<vmem>>, vector<16xf32>,
          tpu.vector_store %arg23[%swap3A_410, %swap3A_411], %mul3A_409 {strides = array<i32>} : memref<16x128xf32, #tpu.memory_space<vmem>>, vector<16xf32>,
          %get3A_413 = arith.index_cast %scan3A_214 : i32 to index
          %get3A_414 = arith.constant 80 : index
          %get3A_415 = tpu.vector_load %arg23[%get3A_413, %get3A_414] {strides = array<i32>} : memref<16x128xf32, #tpu.memory_space<vmem>>, vector<16xf32>,
          %mul3A_416 = vector.broadcast %squeeze3A_372 : f32 to vector<16xf32>
          %mul3A_417 = arith.mulf %get3A_415, %mul3A_416 : vector<16xf32>
          %swap3A_418 = arith.index_cast %scan3A_214 : i32 to index
          %swap3A_419 = arith.constant 80 : index
          %swap3A_420 = tpu.vector_load %arg23[%swap3A_418, %swap3A_419] {strides = array<i32>} : memref<16x128xf32, #tpu.memory_space<vmem>>, vector<16xf32>,
          tpu.vector_store %arg23[%swap3A_418, %swap3A_419], %mul3A_417 {strides = array<i32>} : memref<16x128xf32, #tpu.memory_space<vmem>>, vector<16xf32>,
          %get3A_421 = arith.index_cast %scan3A_214 : i32 to index
          %get3A_422 = arith.constant 96 : index
          %get3A_423 = tpu.vector_load %arg23[%get3A_421, %get3A_422] {strides = array<i32>} : memref<16x128xf32, #tpu.memory_space<vmem>>, vector<16xf32>,
          %mul3A_424 = vector.broadcast %squeeze3A_372 : f32 to vector<16xf32>
          %mul3A_425 = arith.mulf %get3A_423, %mul3A_424 : vector<16xf32>
          %swap3A_426 = arith.index_cast %scan3A_214 : i32 to index
          %swap3A_427 = arith.constant 96 : index
          %swap3A_428 = tpu.vector_load %arg23[%swap3A_426, %swap3A_427] {strides = array<i32>} : memref<16x128xf32, #tpu.memory_space<vmem>>, vector<16xf32>,
          tpu.vector_store %arg23[%swap3A_426, %swap3A_427], %mul3A_425 {strides = array<i32>} : memref<16x128xf32, #tpu.memory_space<vmem>>, vector<16xf32>,
          %get3A_429 = arith.index_cast %scan3A_214 : i32 to index
          %get3A_430 = arith.constant 112 : index
          %get3A_431 = tpu.vector_load %arg23[%get3A_429, %get3A_430] {strides = array<i32>} : memref<16x128xf32, #tpu.memory_space<vmem>>, vector<16xf32>,
          %mul3A_432 = vector.broadcast %squeeze3A_372 : f32 to vector<16xf32>
          %mul3A_433 = arith.mulf %get3A_431, %mul3A_432 : vector<16xf32>
          %swap3A_434 = arith.index_cast %scan3A_214 : i32 to index
          %swap3A_435 = arith.constant 112 : index
          %swap3A_436 = tpu.vector_load %arg23[%swap3A_434, %swap3A_435] {strides = array<i32>} : memref<16x128xf32, #tpu.memory_space<vmem>>, vector<16xf32>,
          tpu.vector_store %arg23[%swap3A_434, %swap3A_435], %mul3A_433 {strides = array<i32>} : memref<16x128xf32, #tpu.memory_space<vmem>>, vector<16xf32>,
          %slice3A_437 = vector.extract_strided_slice %exp3A {offsets = [3], sizes = [1], strides = [1]} : vector<16xf32> to vector<1xf32>
          %squeeze3A_438 = vector.extract %slice3A_437[0] : f32 from vector<1xf32>
          %get3A_439 = arith.index_cast %scan3A_214 : i32 to index
          %get3A_440 = arith.constant 0 : index
          %get3A_441 = tpu.vector_load %arg24[%get3A_439, %get3A_440] {strides = array<i32>} : memref<16x128xf32, #tpu.memory_space<vmem>>, vector<16xf32>,
          %mul3A_442 = vector.broadcast %squeeze3A_438 : f32 to vector<16xf32>
          %mul3A_443 = arith.mulf %get3A_441, %mul3A_442 : vector<16xf32>
          %swap3A_444 = arith.index_cast %scan3A_214 : i32 to index
          %swap3A_445 = arith.constant 0 : index
          %swap3A_446 = tpu.vector_load %arg24[%swap3A_444, %swap3A_445] {strides = array<i32>} : memref<16x128xf32, #tpu.memory_space<vmem>>, vector<16xf32>,
          tpu.vector_store %arg24[%swap3A_444, %swap3A_445], %mul3A_443 {strides = array<i32>} : memref<16x128xf32, #tpu.memory_space<vmem>>, vector<16xf32>,
          %get3A_447 = arith.index_cast %scan3A_214 : i32 to index
          %get3A_448 = arith.constant 16 : index
          %get3A_449 = tpu.vector_load %arg24[%get3A_447, %get3A_448] {strides = array<i32>} : memref<16x128xf32, #tpu.memory_space<vmem>>, vector<16xf32>,
          %mul3A_450 = vector.broadcast %squeeze3A_438 : f32 to vector<16xf32>
          %mul3A_451 = arith.mulf %get3A_449, %mul3A_450 : vector<16xf32>
          %swap3A_452 = arith.index_cast %scan3A_214 : i32 to index
          %swap3A_453 = arith.constant 16 : index
          %swap3A_454 = tpu.vector_load %arg24[%swap3A_452, %swap3A_453] {strides = array<i32>} : memref<16x128xf32, #tpu.memory_space<vmem>>, vector<16xf32>,
          tpu.vector_store %arg24[%swap3A_452, %swap3A_453], %mul3A_451 {strides = array<i32>} : memref<16x128xf32, #tpu.memory_space<vmem>>, vector<16xf32>,
          %get3A_455 = arith.index_cast %scan3A_214 : i32 to index
          %get3A_456 = arith.constant 32 : index
          %get3A_457 = tpu.vector_load %arg24[%get3A_455, %get3A_456] {strides = array<i32>} : memref<16x128xf32, #tpu.memory_space<vmem>>, vector<16xf32>,
          %mul3A_458 = vector.broadcast %squeeze3A_438 : f32 to vector<16xf32>
          %mul3A_459 = arith.mulf %get3A_457, %mul3A_458 : vector<16xf32>
          %swap3A_460 = arith.index_cast %scan3A_214 : i32 to index
          %swap3A_461 = arith.constant 32 : index
          %swap3A_462 = tpu.vector_load %arg24[%swap3A_460, %swap3A_461] {strides = array<i32>} : memref<16x128xf32, #tpu.memory_space<vmem>>, vector<16xf32>,
          tpu.vector_store %arg24[%swap3A_460, %swap3A_461], %mul3A_459 {strides = array<i32>} : memref<16x128xf32, #tpu.memory_space<vmem>>, vector<16xf32>,
          %get3A_463 = arith.index_cast %scan3A_214 : i32 to index
          %get3A_464 = arith.constant 48 : index
          %get3A_465 = tpu.vector_load %arg24[%get3A_463, %get3A_464] {strides = array<i32>} : memref<16x128xf32, #tpu.memory_space<vmem>>, vector<16xf32>,
          %mul3A_466 = vector.broadcast %squeeze3A_438 : f32 to vector<16xf32>
          %mul3A_467 = arith.mulf %get3A_465, %mul3A_466 : vector<16xf32>
          %swap3A_468 = arith.index_cast %scan3A_214 : i32 to index
          %swap3A_469 = arith.constant 48 : index
          %swap3A_470 = tpu.vector_load %arg24[%swap3A_468, %swap3A_469] {strides = array<i32>} : memref<16x128xf32, #tpu.memory_space<vmem>>, vector<16xf32>,
          tpu.vector_store %arg24[%swap3A_468, %swap3A_469], %mul3A_467 {strides = array<i32>} : memref<16x128xf32, #tpu.memory_space<vmem>>, vector<16xf32>,
          %get3A_471 = arith.index_cast %scan3A_214 : i32 to index
          %get3A_472 = arith.constant 64 : index
          %get3A_473 = tpu.vector_load %arg24[%get3A_471, %get3A_472] {strides = array<i32>} : memref<16x128xf32, #tpu.memory_space<vmem>>, vector<16xf32>,
          %mul3A_474 = vector.broadcast %squeeze3A_438 : f32 to vector<16xf32>
          %mul3A_475 = arith.mulf %get3A_473, %mul3A_474 : vector<16xf32>
          %swap3A_476 = arith.index_cast %scan3A_214 : i32 to index
          %swap3A_477 = arith.constant 64 : index
          %swap3A_478 = tpu.vector_load %arg24[%swap3A_476, %swap3A_477] {strides = array<i32>} : memref<16x128xf32, #tpu.memory_space<vmem>>, vector<16xf32>,
          tpu.vector_store %arg24[%swap3A_476, %swap3A_477], %mul3A_475 {strides = array<i32>} : memref<16x128xf32, #tpu.memory_space<vmem>>, vector<16xf32>,
          %get3A_479 = arith.index_cast %scan3A_214 : i32 to index
          %get3A_480 = arith.constant 80 : index
          %get3A_481 = tpu.vector_load %arg24[%get3A_479, %get3A_480] {strides = array<i32>} : memref<16x128xf32, #tpu.memory_space<vmem>>, vector<16xf32>,
          %mul3A_482 = vector.broadcast %squeeze3A_438 : f32 to vector<16xf32>
          %mul3A_483 = arith.mulf %get3A_481, %mul3A_482 : vector<16xf32>
          %swap3A_484 = arith.index_cast %scan3A_214 : i32 to index
          %swap3A_485 = arith.constant 80 : index
          %swap3A_486 = tpu.vector_load %arg24[%swap3A_484, %swap3A_485] {strides = array<i32>} : memref<16x128xf32, #tpu.memory_space<vmem>>, vector<16xf32>,
          tpu.vector_store %arg24[%swap3A_484, %swap3A_485], %mul3A_483 {strides = array<i32>} : memref<16x128xf32, #tpu.memory_space<vmem>>, vector<16xf32>,
          %get3A_487 = arith.index_cast %scan3A_214 : i32 to index
          %get3A_488 = arith.constant 96 : index
          %get3A_489 = tpu.vector_load %arg24[%get3A_487, %get3A_488] {strides = array<i32>} : memref<16x128xf32, #tpu.memory_space<vmem>>, vector<16xf32>,
          %mul3A_490 = vector.broadcast %squeeze3A_438 : f32 to vector<16xf32>
          %mul3A_491 = arith.mulf %get3A_489, %mul3A_490 : vector<16xf32>
          %swap3A_492 = arith.index_cast %scan3A_214 : i32 to index
          %swap3A_493 = arith.constant 96 : index
          %swap3A_494 = tpu.vector_load %arg24[%swap3A_492, %swap3A_493] {strides = array<i32>} : memref<16x128xf32, #tpu.memory_space<vmem>>, vector<16xf32>,
          tpu.vector_store %arg24[%swap3A_492, %swap3A_493], %mul3A_491 {strides = array<i32>} : memref<16x128xf32, #tpu.memory_space<vmem>>, vector<16xf32>,
          %get3A_495 = arith.index_cast %scan3A_214 : i32 to index
          %get3A_496 = arith.constant 112 : index
          %get3A_497 = tpu.vector_load %arg24[%get3A_495, %get3A_496] {strides = array<i32>} : memref<16x128xf32, #tpu.memory_space<vmem>>, vector<16xf32>,
          %mul3A_498 = vector.broadcast %squeeze3A_438 : f32 to vector<16xf32>
          %mul3A_499 = arith.mulf %get3A_497, %mul3A_498 : vector<16xf32>
          %swap3A_500 = arith.index_cast %scan3A_214 : i32 to index
          %swap3A_501 = arith.constant 112 : index
          %swap3A_502 = tpu.vector_load %arg24[%swap3A_500, %swap3A_501] {strides = array<i32>} : memref<16x128xf32, #tpu.memory_space<vmem>>, vector<16xf32>,
          tpu.vector_store %arg24[%swap3A_500, %swap3A_501], %mul3A_499 {strides = array<i32>} : memref<16x128xf32, #tpu.memory_space<vmem>>, vector<16xf32>,
          %slice3A_503 = vector.extract_strided_slice %exp3A {offsets = [4], sizes = [1], strides = [1]} : vector<16xf32> to vector<1xf32>
          %squeeze3A_504 = vector.extract %slice3A_503[0] : f32 from vector<1xf32>
          %get3A_505 = arith.index_cast %scan3A_214 : i32 to index
          %get3A_506 = arith.constant 0 : index
          %get3A_507 = tpu.vector_load %arg25[%get3A_505, %get3A_506] {strides = array<i32>} : memref<16x128xf32, #tpu.memory_space<vmem>>, vector<16xf32>,
          %mul3A_508 = vector.broadcast %squeeze3A_504 : f32 to vector<16xf32>
          %mul3A_509 = arith.mulf %get3A_507, %mul3A_508 : vector<16xf32>
          %swap3A_510 = arith.index_cast %scan3A_214 : i32 to index
          %swap3A_511 = arith.constant 0 : index
          %swap3A_512 = tpu.vector_load %arg25[%swap3A_510, %swap3A_511] {strides = array<i32>} : memref<16x128xf32, #tpu.memory_space<vmem>>, vector<16xf32>,
          tpu.vector_store %arg25[%swap3A_510, %swap3A_511], %mul3A_509 {strides = array<i32>} : memref<16x128xf32, #tpu.memory_space<vmem>>, vector<16xf32>,
          %get3A_513 = arith.index_cast %scan3A_214 : i32 to index
          %get3A_514 = arith.constant 16 : index
          %get3A_515 = tpu.vector_load %arg25[%get3A_513, %get3A_514] {strides = array<i32>} : memref<16x128xf32, #tpu.memory_space<vmem>>, vector<16xf32>,
          %mul3A_516 = vector.broadcast %squeeze3A_504 : f32 to vector<16xf32>
          %mul3A_517 = arith.mulf %get3A_515, %mul3A_516 : vector<16xf32>
          %swap3A_518 = arith.index_cast %scan3A_214 : i32 to index
          %swap3A_519 = arith.constant 16 : index
          %swap3A_520 = tpu.vector_load %arg25[%swap3A_518, %swap3A_519] {strides = array<i32>} : memref<16x128xf32, #tpu.memory_space<vmem>>, vector<16xf32>,
          tpu.vector_store %arg25[%swap3A_518, %swap3A_519], %mul3A_517 {strides = array<i32>} : memref<16x128xf32, #tpu.memory_space<vmem>>, vector<16xf32>,
          %get3A_521 = arith.index_cast %scan3A_214 : i32 to index
          %get3A_522 = arith.constant 32 : index
          %get3A_523 = tpu.vector_load %arg25[%get3A_521, %get3A_522] {strides = array<i32>} : memref<16x128xf32, #tpu.memory_space<vmem>>, vector<16xf32>,
          %mul3A_524 = vector.broadcast %squeeze3A_504 : f32 to vector<16xf32>
          %mul3A_525 = arith.mulf %get3A_523, %mul3A_524 : vector<16xf32>
          %swap3A_526 = arith.index_cast %scan3A_214 : i32 to index
          %swap3A_527 = arith.constant 32 : index
          %swap3A_528 = tpu.vector_load %arg25[%swap3A_526, %swap3A_527] {strides = array<i32>} : memref<16x128xf32, #tpu.memory_space<vmem>>, vector<16xf32>,
          tpu.vector_store %arg25[%swap3A_526, %swap3A_527], %mul3A_525 {strides = array<i32>} : memref<16x128xf32, #tpu.memory_space<vmem>>, vector<16xf32>,
          %get3A_529 = arith.index_cast %scan3A_214 : i32 to index
          %get3A_530 = arith.constant 48 : index
          %get3A_531 = tpu.vector_load %arg25[%get3A_529, %get3A_530] {strides = array<i32>} : memref<16x128xf32, #tpu.memory_space<vmem>>, vector<16xf32>,
          %mul3A_532 = vector.broadcast %squeeze3A_504 : f32 to vector<16xf32>
          %mul3A_533 = arith.mulf %get3A_531, %mul3A_532 : vector<16xf32>
          %swap3A_534 = arith.index_cast %scan3A_214 : i32 to index
          %swap3A_535 = arith.constant 48 : index
          %swap3A_536 = tpu.vector_load %arg25[%swap3A_534, %swap3A_535] {strides = array<i32>} : memref<16x128xf32, #tpu.memory_space<vmem>>, vector<16xf32>,
          tpu.vector_store %arg25[%swap3A_534, %swap3A_535], %mul3A_533 {strides = array<i32>} : memref<16x128xf32, #tpu.memory_space<vmem>>, vector<16xf32>,
          %get3A_537 = arith.index_cast %scan3A_214 : i32 to index
          %get3A_538 = arith.constant 64 : index
          %get3A_539 = tpu.vector_load %arg25[%get3A_537, %get3A_538] {strides = array<i32>} : memref<16x128xf32, #tpu.memory_space<vmem>>, vector<16xf32>,
          %mul3A_540 = vector.broadcast %squeeze3A_504 : f32 to vector<16xf32>
          %mul3A_541 = arith.mulf %get3A_539, %mul3A_540 : vector<16xf32>
          %swap3A_542 = arith.index_cast %scan3A_214 : i32 to index
          %swap3A_543 = arith.constant 64 : index
          %swap3A_544 = tpu.vector_load %arg25[%swap3A_542, %swap3A_543] {strides = array<i32>} : memref<16x128xf32, #tpu.memory_space<vmem>>, vector<16xf32>,
          tpu.vector_store %arg25[%swap3A_542, %swap3A_543], %mul3A_541 {strides = array<i32>} : memref<16x128xf32, #tpu.memory_space<vmem>>, vector<16xf32>,
          %get3A_545 = arith.index_cast %scan3A_214 : i32 to index
          %get3A_546 = arith.constant 80 : index
          %get3A_547 = tpu.vector_load %arg25[%get3A_545, %get3A_546] {strides = array<i32>} : memref<16x128xf32, #tpu.memory_space<vmem>>, vector<16xf32>,
          %mul3A_548 = vector.broadcast %squeeze3A_504 : f32 to vector<16xf32>
          %mul3A_549 = arith.mulf %get3A_547, %mul3A_548 : vector<16xf32>
          %swap3A_550 = arith.index_cast %scan3A_214 : i32 to index
          %swap3A_551 = arith.constant 80 : index
          %swap3A_552 = tpu.vector_load %arg25[%swap3A_550, %swap3A_551] {strides = array<i32>} : memref<16x128xf32, #tpu.memory_space<vmem>>, vector<16xf32>,
          tpu.vector_store %arg25[%swap3A_550, %swap3A_551], %mul3A_549 {strides = array<i32>} : memref<16x128xf32, #tpu.memory_space<vmem>>, vector<16xf32>,
          %get3A_553 = arith.index_cast %scan3A_214 : i32 to index
          %get3A_554 = arith.constant 96 : index
          %get3A_555 = tpu.vector_load %arg25[%get3A_553, %get3A_554] {strides = array<i32>} : memref<16x128xf32, #tpu.memory_space<vmem>>, vector<16xf32>,
          %mul3A_556 = vector.broadcast %squeeze3A_504 : f32 to vector<16xf32>
          %mul3A_557 = arith.mulf %get3A_555, %mul3A_556 : vector<16xf32>
          %swap3A_558 = arith.index_cast %scan3A_214 : i32 to index
          %swap3A_559 = arith.constant 96 : index
          %swap3A_560 = tpu.vector_load %arg25[%swap3A_558, %swap3A_559] {strides = array<i32>} : memref<16x128xf32, #tpu.memory_space<vmem>>, vector<16xf32>,
          tpu.vector_store %arg25[%swap3A_558, %swap3A_559], %mul3A_557 {strides = array<i32>} : memref<16x128xf32, #tpu.memory_space<vmem>>, vector<16xf32>,
          %get3A_561 = arith.index_cast %scan3A_214 : i32 to index
          %get3A_562 = arith.constant 112 : index
          %get3A_563 = tpu.vector_load %arg25[%get3A_561, %get3A_562] {strides = array<i32>} : memref<16x128xf32, #tpu.memory_space<vmem>>, vector<16xf32>,
          %mul3A_564 = vector.broadcast %squeeze3A_504 : f32 to vector<16xf32>
          %mul3A_565 = arith.mulf %get3A_563, %mul3A_564 : vector<16xf32>
          %swap3A_566 = arith.index_cast %scan3A_214 : i32 to index
          %swap3A_567 = arith.constant 112 : index
          %swap3A_568 = tpu.vector_load %arg25[%swap3A_566, %swap3A_567] {strides = array<i32>} : memref<16x128xf32, #tpu.memory_space<vmem>>, vector<16xf32>,
          tpu.vector_store %arg25[%swap3A_566, %swap3A_567], %mul3A_565 {strides = array<i32>} : memref<16x128xf32, #tpu.memory_space<vmem>>, vector<16xf32>,
          %slice3A_569 = vector.extract_strided_slice %exp3A {offsets = [5], sizes = [1], strides = [1]} : vector<16xf32> to vector<1xf32>
          %squeeze3A_570 = vector.extract %slice3A_569[0] : f32 from vector<1xf32>
          %get3A_571 = arith.index_cast %scan3A_214 : i32 to index
          %get3A_572 = arith.constant 0 : index
          %get3A_573 = tpu.vector_load %arg26[%get3A_571, %get3A_572] {strides = array<i32>} : memref<16x128xf32, #tpu.memory_space<vmem>>, vector<16xf32>,
          %mul3A_574 = vector.broadcast %squeeze3A_570 : f32 to vector<16xf32>
          %mul3A_575 = arith.mulf %get3A_573, %mul3A_574 : vector<16xf32>
          %swap3A_576 = arith.index_cast %scan3A_214 : i32 to index
          %swap3A_577 = arith.constant 0 : index
          %swap3A_578 = tpu.vector_load %arg26[%swap3A_576, %swap3A_577] {strides = array<i32>} : memref<16x128xf32, #tpu.memory_space<vmem>>, vector<16xf32>,
          tpu.vector_store %arg26[%swap3A_576, %swap3A_577], %mul3A_575 {strides = array<i32>} : memref<16x128xf32, #tpu.memory_space<vmem>>, vector<16xf32>,
          %get3A_579 = arith.index_cast %scan3A_214 : i32 to index
          %get3A_580 = arith.constant 16 : index
          %get3A_581 = tpu.vector_load %arg26[%get3A_579, %get3A_580] {strides = array<i32>} : memref<16x128xf32, #tpu.memory_space<vmem>>, vector<16xf32>,
          %mul3A_582 = vector.broadcast %squeeze3A_570 : f32 to vector<16xf32>
          %mul3A_583 = arith.mulf %get3A_581, %mul3A_582 : vector<16xf32>
          %swap3A_584 = arith.index_cast %scan3A_214 : i32 to index
          %swap3A_585 = arith.constant 16 : index
          %swap3A_586 = tpu.vector_load %arg26[%swap3A_584, %swap3A_585] {strides = array<i32>} : memref<16x128xf32, #tpu.memory_space<vmem>>, vector<16xf32>,
          tpu.vector_store %arg26[%swap3A_584, %swap3A_585], %mul3A_583 {strides = array<i32>} : memref<16x128xf32, #tpu.memory_space<vmem>>, vector<16xf32>,
          %get3A_587 = arith.index_cast %scan3A_214 : i32 to index
          %get3A_588 = arith.constant 32 : index
          %get3A_589 = tpu.vector_load %arg26[%get3A_587, %get3A_588] {strides = array<i32>} : memref<16x128xf32, #tpu.memory_space<vmem>>, vector<16xf32>,
          %mul3A_590 = vector.broadcast %squeeze3A_570 : f32 to vector<16xf32>
          %mul3A_591 = arith.mulf %get3A_589, %mul3A_590 : vector<16xf32>
          %swap3A_592 = arith.index_cast %scan3A_214 : i32 to index
          %swap3A_593 = arith.constant 32 : index
          %swap3A_594 = tpu.vector_load %arg26[%swap3A_592, %swap3A_593] {strides = array<i32>} : memref<16x128xf32, #tpu.memory_space<vmem>>, vector<16xf32>,
          tpu.vector_store %arg26[%swap3A_592, %swap3A_593], %mul3A_591 {strides = array<i32>} : memref<16x128xf32, #tpu.memory_space<vmem>>, vector<16xf32>,
          %get3A_595 = arith.index_cast %scan3A_214 : i32 to index
          %get3A_596 = arith.constant 48 : index
          %get3A_597 = tpu.vector_load %arg26[%get3A_595, %get3A_596] {strides = array<i32>} : memref<16x128xf32, #tpu.memory_space<vmem>>, vector<16xf32>,
          %mul3A_598 = vector.broadcast %squeeze3A_570 : f32 to vector<16xf32>
          %mul3A_599 = arith.mulf %get3A_597, %mul3A_598 : vector<16xf32>
          %swap3A_600 = arith.index_cast %scan3A_214 : i32 to index
          %swap3A_601 = arith.constant 48 : index
          %swap3A_602 = tpu.vector_load %arg26[%swap3A_600, %swap3A_601] {strides = array<i32>} : memref<16x128xf32, #tpu.memory_space<vmem>>, vector<16xf32>,
          tpu.vector_store %arg26[%swap3A_600, %swap3A_601], %mul3A_599 {strides = array<i32>} : memref<16x128xf32, #tpu.memory_space<vmem>>, vector<16xf32>,
          %get3A_603 = arith.index_cast %scan3A_214 : i32 to index
          %get3A_604 = arith.constant 64 : index
          %get3A_605 = tpu.vector_load %arg26[%get3A_603, %get3A_604] {strides = array<i32>} : memref<16x128xf32, #tpu.memory_space<vmem>>, vector<16xf32>,
          %mul3A_606 = vector.broadcast %squeeze3A_570 : f32 to vector<16xf32>
          %mul3A_607 = arith.mulf %get3A_605, %mul3A_606 : vector<16xf32>
          %swap3A_608 = arith.index_cast %scan3A_214 : i32 to index
          %swap3A_609 = arith.constant 64 : index
          %swap3A_610 = tpu.vector_load %arg26[%swap3A_608, %swap3A_609] {strides = array<i32>} : memref<16x128xf32, #tpu.memory_space<vmem>>, vector<16xf32>,
          tpu.vector_store %arg26[%swap3A_608, %swap3A_609], %mul3A_607 {strides = array<i32>} : memref<16x128xf32, #tpu.memory_space<vmem>>, vector<16xf32>,
          %get3A_611 = arith.index_cast %scan3A_214 : i32 to index
          %get3A_612 = arith.constant 80 : index
          %get3A_613 = tpu.vector_load %arg26[%get3A_611, %get3A_612] {strides = array<i32>} : memref<16x128xf32, #tpu.memory_space<vmem>>, vector<16xf32>,
          %mul3A_614 = vector.broadcast %squeeze3A_570 : f32 to vector<16xf32>
          %mul3A_615 = arith.mulf %get3A_613, %mul3A_614 : vector<16xf32>
          %swap3A_616 = arith.index_cast %scan3A_214 : i32 to index
          %swap3A_617 = arith.constant 80 : index
          %swap3A_618 = tpu.vector_load %arg26[%swap3A_616, %swap3A_617] {strides = array<i32>} : memref<16x128xf32, #tpu.memory_space<vmem>>, vector<16xf32>,
          tpu.vector_store %arg26[%swap3A_616, %swap3A_617], %mul3A_615 {strides = array<i32>} : memref<16x128xf32, #tpu.memory_space<vmem>>, vector<16xf32>,
          %get3A_619 = arith.index_cast %scan3A_214 : i32 to index
          %get3A_620 = arith.constant 96 : index
          %get3A_621 = tpu.vector_load %arg26[%get3A_619, %get3A_620] {strides = array<i32>} : memref<16x128xf32, #tpu.memory_space<vmem>>, vector<16xf32>,
          %mul3A_622 = vector.broadcast %squeeze3A_570 : f32 to vector<16xf32>
          %mul3A_623 = arith.mulf %get3A_621, %mul3A_622 : vector<16xf32>
          %swap3A_624 = arith.index_cast %scan3A_214 : i32 to index
          %swap3A_625 = arith.constant 96 : index
          %swap3A_626 = tpu.vector_load %arg26[%swap3A_624, %swap3A_625] {strides = array<i32>} : memref<16x128xf32, #tpu.memory_space<vmem>>, vector<16xf32>,
          tpu.vector_store %arg26[%swap3A_624, %swap3A_625], %mul3A_623 {strides = array<i32>} : memref<16x128xf32, #tpu.memory_space<vmem>>, vector<16xf32>,
          %get3A_627 = arith.index_cast %scan3A_214 : i32 to index
          %get3A_628 = arith.constant 112 : index
          %get3A_629 = tpu.vector_load %arg26[%get3A_627, %get3A_628] {strides = array<i32>} : memref<16x128xf32, #tpu.memory_space<vmem>>, vector<16xf32>,
          %mul3A_630 = vector.broadcast %squeeze3A_570 : f32 to vector<16xf32>
          %mul3A_631 = arith.mulf %get3A_629, %mul3A_630 : vector<16xf32>
          %swap3A_632 = arith.index_cast %scan3A_214 : i32 to index
          %swap3A_633 = arith.constant 112 : index
          %swap3A_634 = tpu.vector_load %arg26[%swap3A_632, %swap3A_633] {strides = array<i32>} : memref<16x128xf32, #tpu.memory_space<vmem>>, vector<16xf32>,
          tpu.vector_store %arg26[%swap3A_632, %swap3A_633], %mul3A_631 {strides = array<i32>} : memref<16x128xf32, #tpu.memory_space<vmem>>, vector<16xf32>,
          %slice3A_635 = vector.extract_strided_slice %exp3A {offsets = [6], sizes = [1], strides = [1]} : vector<16xf32> to vector<1xf32>
          %squeeze3A_636 = vector.extract %slice3A_635[0] : f32 from vector<1xf32>
          %get3A_637 = arith.index_cast %scan3A_214 : i32 to index
          %get3A_638 = arith.constant 0 : index
          %get3A_639 = tpu.vector_load %arg27[%get3A_637, %get3A_638] {strides = array<i32>} : memref<16x128xf32, #tpu.memory_space<vmem>>, vector<16xf32>,
          %mul3A_640 = vector.broadcast %squeeze3A_636 : f32 to vector<16xf32>
          %mul3A_641 = arith.mulf %get3A_639, %mul3A_640 : vector<16xf32>
          %swap3A_642 = arith.index_cast %scan3A_214 : i32 to index
          %swap3A_643 = arith.constant 0 : index
          %swap3A_644 = tpu.vector_load %arg27[%swap3A_642, %swap3A_643] {strides = array<i32>} : memref<16x128xf32, #tpu.memory_space<vmem>>, vector<16xf32>,
          tpu.vector_store %arg27[%swap3A_642, %swap3A_643], %mul3A_641 {strides = array<i32>} : memref<16x128xf32, #tpu.memory_space<vmem>>, vector<16xf32>,
          %get3A_645 = arith.index_cast %scan3A_214 : i32 to index
          %get3A_646 = arith.constant 16 : index
          %get3A_647 = tpu.vector_load %arg27[%get3A_645, %get3A_646] {strides = array<i32>} : memref<16x128xf32, #tpu.memory_space<vmem>>, vector<16xf32>,
          %mul3A_648 = vector.broadcast %squeeze3A_636 : f32 to vector<16xf32>
          %mul3A_649 = arith.mulf %get3A_647, %mul3A_648 : vector<16xf32>
          %swap3A_650 = arith.index_cast %scan3A_214 : i32 to index
          %swap3A_651 = arith.constant 16 : index
          %swap3A_652 = tpu.vector_load %arg27[%swap3A_650, %swap3A_651] {strides = array<i32>} : memref<16x128xf32, #tpu.memory_space<vmem>>, vector<16xf32>,
          tpu.vector_store %arg27[%swap3A_650, %swap3A_651], %mul3A_649 {strides = array<i32>} : memref<16x128xf32, #tpu.memory_space<vmem>>, vector<16xf32>,
          %get3A_653 = arith.index_cast %scan3A_214 : i32 to index
          %get3A_654 = arith.constant 32 : index
          %get3A_655 = tpu.vector_load %arg27[%get3A_653, %get3A_654] {strides = array<i32>} : memref<16x128xf32, #tpu.memory_space<vmem>>, vector<16xf32>,
          %mul3A_656 = vector.broadcast %squeeze3A_636 : f32 to vector<16xf32>
          %mul3A_657 = arith.mulf %get3A_655, %mul3A_656 : vector<16xf32>
          %swap3A_658 = arith.index_cast %scan3A_214 : i32 to index
          %swap3A_659 = arith.constant 32 : index
          %swap3A_660 = tpu.vector_load %arg27[%swap3A_658, %swap3A_659] {strides = array<i32>} : memref<16x128xf32, #tpu.memory_space<vmem>>, vector<16xf32>,
          tpu.vector_store %arg27[%swap3A_658, %swap3A_659], %mul3A_657 {strides = array<i32>} : memref<16x128xf32, #tpu.memory_space<vmem>>, vector<16xf32>,
          %get3A_661 = arith.index_cast %scan3A_214 : i32 to index
          %get3A_662 = arith.constant 48 : index
          %get3A_663 = tpu.vector_load %arg27[%get3A_661, %get3A_662] {strides = array<i32>} : memref<16x128xf32, #tpu.memory_space<vmem>>, vector<16xf32>,
          %mul3A_664 = vector.broadcast %squeeze3A_636 : f32 to vector<16xf32>
          %mul3A_665 = arith.mulf %get3A_663, %mul3A_664 : vector<16xf32>
          %swap3A_666 = arith.index_cast %scan3A_214 : i32 to index
          %swap3A_667 = arith.constant 48 : index
          %swap3A_668 = tpu.vector_load %arg27[%swap3A_666, %swap3A_667] {strides = array<i32>} : memref<16x128xf32, #tpu.memory_space<vmem>>, vector<16xf32>,
          tpu.vector_store %arg27[%swap3A_666, %swap3A_667], %mul3A_665 {strides = array<i32>} : memref<16x128xf32, #tpu.memory_space<vmem>>, vector<16xf32>,
          %get3A_669 = arith.index_cast %scan3A_214 : i32 to index
          %get3A_670 = arith.constant 64 : index
          %get3A_671 = tpu.vector_load %arg27[%get3A_669, %get3A_670] {strides = array<i32>} : memref<16x128xf32, #tpu.memory_space<vmem>>, vector<16xf32>,
          %mul3A_672 = vector.broadcast %squeeze3A_636 : f32 to vector<16xf32>
          %mul3A_673 = arith.mulf %get3A_671, %mul3A_672 : vector<16xf32>
          %swap3A_674 = arith.index_cast %scan3A_214 : i32 to index
          %swap3A_675 = arith.constant 64 : index
          %swap3A_676 = tpu.vector_load %arg27[%swap3A_674, %swap3A_675] {strides = array<i32>} : memref<16x128xf32, #tpu.memory_space<vmem>>, vector<16xf32>,
          tpu.vector_store %arg27[%swap3A_674, %swap3A_675], %mul3A_673 {strides = array<i32>} : memref<16x128xf32, #tpu.memory_space<vmem>>, vector<16xf32>,
          %get3A_677 = arith.index_cast %scan3A_214 : i32 to index
          %get3A_678 = arith.constant 80 : index
          %get3A_679 = tpu.vector_load %arg27[%get3A_677, %get3A_678] {strides = array<i32>} : memref<16x128xf32, #tpu.memory_space<vmem>>, vector<16xf32>,
          %mul3A_680 = vector.broadcast %squeeze3A_636 : f32 to vector<16xf32>
          %mul3A_681 = arith.mulf %get3A_679, %mul3A_680 : vector<16xf32>
          %swap3A_682 = arith.index_cast %scan3A_214 : i32 to index
          %swap3A_683 = arith.constant 80 : index
          %swap3A_684 = tpu.vector_load %arg27[%swap3A_682, %swap3A_683] {strides = array<i32>} : memref<16x128xf32, #tpu.memory_space<vmem>>, vector<16xf32>,
          tpu.vector_store %arg27[%swap3A_682, %swap3A_683], %mul3A_681 {strides = array<i32>} : memref<16x128xf32, #tpu.memory_space<vmem>>, vector<16xf32>,
          %get3A_685 = arith.index_cast %scan3A_214 : i32 to index
          %get3A_686 = arith.constant 96 : index
          %get3A_687 = tpu.vector_load %arg27[%get3A_685, %get3A_686] {strides = array<i32>} : memref<16x128xf32, #tpu.memory_space<vmem>>, vector<16xf32>,
          %mul3A_688 = vector.broadcast %squeeze3A_636 : f32 to vector<16xf32>
          %mul3A_689 = arith.mulf %get3A_687, %mul3A_688 : vector<16xf32>
          %swap3A_690 = arith.index_cast %scan3A_214 : i32 to index
          %swap3A_691 = arith.constant 96 : index
          %swap3A_692 = tpu.vector_load %arg27[%swap3A_690, %swap3A_691] {strides = array<i32>} : memref<16x128xf32, #tpu.memory_space<vmem>>, vector<16xf32>,
          tpu.vector_store %arg27[%swap3A_690, %swap3A_691], %mul3A_689 {strides = array<i32>} : memref<16x128xf32, #tpu.memory_space<vmem>>, vector<16xf32>,
          %get3A_693 = arith.index_cast %scan3A_214 : i32 to index
          %get3A_694 = arith.constant 112 : index
          %get3A_695 = tpu.vector_load %arg27[%get3A_693, %get3A_694] {strides = array<i32>} : memref<16x128xf32, #tpu.memory_space<vmem>>, vector<16xf32>,
          %mul3A_696 = vector.broadcast %squeeze3A_636 : f32 to vector<16xf32>
          %mul3A_697 = arith.mulf %get3A_695, %mul3A_696 : vector<16xf32>
          %swap3A_698 = arith.index_cast %scan3A_214 : i32 to index
          %swap3A_699 = arith.constant 112 : index
          %swap3A_700 = tpu.vector_load %arg27[%swap3A_698, %swap3A_699] {strides = array<i32>} : memref<16x128xf32, #tpu.memory_space<vmem>>, vector<16xf32>,
          tpu.vector_store %arg27[%swap3A_698, %swap3A_699], %mul3A_697 {strides = array<i32>} : memref<16x128xf32, #tpu.memory_space<vmem>>, vector<16xf32>,
          %slice3A_701 = vector.extract_strided_slice %exp3A {offsets = [7], sizes = [1], strides = [1]} : vector<16xf32> to vector<1xf32>
          %squeeze3A_702 = vector.extract %slice3A_701[0] : f32 from vector<1xf32>
          %get3A_703 = arith.index_cast %scan3A_214 : i32 to index
          %get3A_704 = arith.constant 0 : index
          %get3A_705 = tpu.vector_load %arg28[%get3A_703, %get3A_704] {strides = array<i32>} : memref<16x128xf32, #tpu.memory_space<vmem>>, vector<16xf32>,
          %mul3A_706 = vector.broadcast %squeeze3A_702 : f32 to vector<16xf32>
          %mul3A_707 = arith.mulf %get3A_705, %mul3A_706 : vector<16xf32>
          %swap3A_708 = arith.index_cast %scan3A_214 : i32 to index
          %swap3A_709 = arith.constant 0 : index
          %swap3A_710 = tpu.vector_load %arg28[%swap3A_708, %swap3A_709] {strides = array<i32>} : memref<16x128xf32, #tpu.memory_space<vmem>>, vector<16xf32>,
          tpu.vector_store %arg28[%swap3A_708, %swap3A_709], %mul3A_707 {strides = array<i32>} : memref<16x128xf32, #tpu.memory_space<vmem>>, vector<16xf32>,
          %get3A_711 = arith.index_cast %scan3A_214 : i32 to index
          %get3A_712 = arith.constant 16 : index
          %get3A_713 = tpu.vector_load %arg28[%get3A_711, %get3A_712] {strides = array<i32>} : memref<16x128xf32, #tpu.memory_space<vmem>>, vector<16xf32>,
          %mul3A_714 = vector.broadcast %squeeze3A_702 : f32 to vector<16xf32>
          %mul3A_715 = arith.mulf %get3A_713, %mul3A_714 : vector<16xf32>
          %swap3A_716 = arith.index_cast %scan3A_214 : i32 to index
          %swap3A_717 = arith.constant 16 : index
          %swap3A_718 = tpu.vector_load %arg28[%swap3A_716, %swap3A_717] {strides = array<i32>} : memref<16x128xf32, #tpu.memory_space<vmem>>, vector<16xf32>,
          tpu.vector_store %arg28[%swap3A_716, %swap3A_717], %mul3A_715 {strides = array<i32>} : memref<16x128xf32, #tpu.memory_space<vmem>>, vector<16xf32>,
          %get3A_719 = arith.index_cast %scan3A_214 : i32 to index
          %get3A_720 = arith.constant 32 : index
          %get3A_721 = tpu.vector_load %arg28[%get3A_719, %get3A_720] {strides = array<i32>} : memref<16x128xf32, #tpu.memory_space<vmem>>, vector<16xf32>,
          %mul3A_722 = vector.broadcast %squeeze3A_702 : f32 to vector<16xf32>
          %mul3A_723 = arith.mulf %get3A_721, %mul3A_722 : vector<16xf32>
          %swap3A_724 = arith.index_cast %scan3A_214 : i32 to index
          %swap3A_725 = arith.constant 32 : index
          %swap3A_726 = tpu.vector_load %arg28[%swap3A_724, %swap3A_725] {strides = array<i32>} : memref<16x128xf32, #tpu.memory_space<vmem>>, vector<16xf32>,
          tpu.vector_store %arg28[%swap3A_724, %swap3A_725], %mul3A_723 {strides = array<i32>} : memref<16x128xf32, #tpu.memory_space<vmem>>, vector<16xf32>,
          %get3A_727 = arith.index_cast %scan3A_214 : i32 to index
          %get3A_728 = arith.constant 48 : index
          %get3A_729 = tpu.vector_load %arg28[%get3A_727, %get3A_728] {strides = array<i32>} : memref<16x128xf32, #tpu.memory_space<vmem>>, vector<16xf32>,
          %mul3A_730 = vector.broadcast %squeeze3A_702 : f32 to vector<16xf32>
          %mul3A_731 = arith.mulf %get3A_729, %mul3A_730 : vector<16xf32>
          %swap3A_732 = arith.index_cast %scan3A_214 : i32 to index
          %swap3A_733 = arith.constant 48 : index
          %swap3A_734 = tpu.vector_load %arg28[%swap3A_732, %swap3A_733] {strides = array<i32>} : memref<16x128xf32, #tpu.memory_space<vmem>>, vector<16xf32>,
          tpu.vector_store %arg28[%swap3A_732, %swap3A_733], %mul3A_731 {strides = array<i32>} : memref<16x128xf32, #tpu.memory_space<vmem>>, vector<16xf32>,
          %get3A_735 = arith.index_cast %scan3A_214 : i32 to index
          %get3A_736 = arith.constant 64 : index
          %get3A_737 = tpu.vector_load %arg28[%get3A_735, %get3A_736] {strides = array<i32>} : memref<16x128xf32, #tpu.memory_space<vmem>>, vector<16xf32>,
          %mul3A_738 = vector.broadcast %squeeze3A_702 : f32 to vector<16xf32>
          %mul3A_739 = arith.mulf %get3A_737, %mul3A_738 : vector<16xf32>
          %swap3A_740 = arith.index_cast %scan3A_214 : i32 to index
          %swap3A_741 = arith.constant 64 : index
          %swap3A_742 = tpu.vector_load %arg28[%swap3A_740, %swap3A_741] {strides = array<i32>} : memref<16x128xf32, #tpu.memory_space<vmem>>, vector<16xf32>,
          tpu.vector_store %arg28[%swap3A_740, %swap3A_741], %mul3A_739 {strides = array<i32>} : memref<16x128xf32, #tpu.memory_space<vmem>>, vector<16xf32>,
          %get3A_743 = arith.index_cast %scan3A_214 : i32 to index
          %get3A_744 = arith.constant 80 : index
          %get3A_745 = tpu.vector_load %arg28[%get3A_743, %get3A_744] {strides = array<i32>} : memref<16x128xf32, #tpu.memory_space<vmem>>, vector<16xf32>,
          %mul3A_746 = vector.broadcast %squeeze3A_702 : f32 to vector<16xf32>
          %mul3A_747 = arith.mulf %get3A_745, %mul3A_746 : vector<16xf32>
          %swap3A_748 = arith.index_cast %scan3A_214 : i32 to index
          %swap3A_749 = arith.constant 80 : index
          %swap3A_750 = tpu.vector_load %arg28[%swap3A_748, %swap3A_749] {strides = array<i32>} : memref<16x128xf32, #tpu.memory_space<vmem>>, vector<16xf32>,
          tpu.vector_store %arg28[%swap3A_748, %swap3A_749], %mul3A_747 {strides = array<i32>} : memref<16x128xf32, #tpu.memory_space<vmem>>, vector<16xf32>,
          %get3A_751 = arith.index_cast %scan3A_214 : i32 to index
          %get3A_752 = arith.constant 96 : index
          %get3A_753 = tpu.vector_load %arg28[%get3A_751, %get3A_752] {strides = array<i32>} : memref<16x128xf32, #tpu.memory_space<vmem>>, vector<16xf32>,
          %mul3A_754 = vector.broadcast %squeeze3A_702 : f32 to vector<16xf32>
          %mul3A_755 = arith.mulf %get3A_753, %mul3A_754 : vector<16xf32>
          %swap3A_756 = arith.index_cast %scan3A_214 : i32 to index
          %swap3A_757 = arith.constant 96 : index
          %swap3A_758 = tpu.vector_load %arg28[%swap3A_756, %swap3A_757] {strides = array<i32>} : memref<16x128xf32, #tpu.memory_space<vmem>>, vector<16xf32>,
          tpu.vector_store %arg28[%swap3A_756, %swap3A_757], %mul3A_755 {strides = array<i32>} : memref<16x128xf32, #tpu.memory_space<vmem>>, vector<16xf32>,
          %get3A_759 = arith.index_cast %scan3A_214 : i32 to index
          %get3A_760 = arith.constant 112 : index
          %get3A_761 = tpu.vector_load %arg28[%get3A_759, %get3A_760] {strides = array<i32>} : memref<16x128xf32, #tpu.memory_space<vmem>>, vector<16xf32>,
          %mul3A_762 = vector.broadcast %squeeze3A_702 : f32 to vector<16xf32>
          %mul3A_763 = arith.mulf %get3A_761, %mul3A_762 : vector<16xf32>
          %swap3A_764 = arith.index_cast %scan3A_214 : i32 to index
          %swap3A_765 = arith.constant 112 : index
          %swap3A_766 = tpu.vector_load %arg28[%swap3A_764, %swap3A_765] {strides = array<i32>} : memref<16x128xf32, #tpu.memory_space<vmem>>, vector<16xf32>,
          tpu.vector_store %arg28[%swap3A_764, %swap3A_765], %mul3A_763 {strides = array<i32>} : memref<16x128xf32, #tpu.memory_space<vmem>>, vector<16xf32>,
          %mul3A_767 = arith.mulf %get3A_224, %exp3A : vector<16xf32>
          %swap3A_768 = arith.index_cast %scan3A_214 : i32 to index
          %swap3A_769 = arith.constant 0 : index
          %swap3A_770 = tpu.vector_load %arg29[%swap3A_768, %swap3A_769] {strides = array<i32>} : memref<16x128xf32, #tpu.memory_space<vmem>>, vector<16xf32>,
          tpu.vector_store %arg29[%swap3A_768, %swap3A_769], %mul3A_767 {strides = array<i32>} : memref<16x128xf32, #tpu.memory_space<vmem>>, vector<16xf32>,
        }
        %scan3A_213 = arith.constant 16 : i32
        "tpu.region"() ({
          %run_scoped3A_214 = tpu.sem_alloc : memref<!tpu.dma_semaphore, #tpu.memory_space<semaphore_mem>>
          %dma_start3A_215 = arith.constant 0 : i32
          %dma_start3A_216 = arith.constant 0 : i32
          %dma_start3A_217 = tpu.memref_slice %arg31[%dma_start3A_215, %dma_start3A_216] : memref<640x128xf32, #tpu.memory_space<vmem_shared>> -> memref<640x128xf32, #tpu.memory_space<vmem_shared>>
          tpu.enqueue_indirect_dma source(%arg21 : memref<16x128xf32, #tpu.memory_space<vmem>>) target(%dma_start3A_217 : memref<640x128xf32, #tpu.memory_space<vmem_shared>>) offsets(%arg30 : memref<16xi32, #tpu.memory_space<vmem>>) semaphore(%run_scoped3A_214 : memref<!tpu.dma_semaphore, #tpu.memory_space<semaphore_mem>>) {add = true}
          %dma_wait3A_218 = arith.constant 0 : i32
          %dma_wait3A_219 = arith.constant 0 : i32
          %dma_wait3A_220 = tpu.memref_slice %arg31[%dma_wait3A_218, %dma_wait3A_219] : memref<640x128xf32, #tpu.memory_space<vmem_shared>> -> memref<640x128xf32, #tpu.memory_space<vmem_shared>>
          tpu.wait_indirect_dma semaphore(%run_scoped3A_214 : memref<!tpu.dma_semaphore, #tpu.memory_space<semaphore_mem>>) src(%arg21 : memref<16x128xf32, #tpu.memory_space<vmem>>) dst(%dma_wait3A_220 : memref<640x128xf32, #tpu.memory_space<vmem_shared>>)
          tpu.yield
        }) : () -> ()
        "tpu.region"() ({
          %run_scoped3A_214 = tpu.sem_alloc : memref<!tpu.dma_semaphore, #tpu.memory_space<semaphore_mem>>
          %dma_start3A_215 = arith.constant 0 : i32
          %dma_start3A_216 = arith.constant 0 : i32
          %dma_start3A_217 = tpu.memref_slice %arg32[%dma_start3A_215, %dma_start3A_216] : memref<640x128xf32, #tpu.memory_space<vmem_shared>> -> memref<640x128xf32, #tpu.memory_space<vmem_shared>>
          tpu.enqueue_indirect_dma source(%arg22 : memref<16x128xf32, #tpu.memory_space<vmem>>) target(%dma_start3A_217 : memref<640x128xf32, #tpu.memory_space<vmem_shared>>) offsets(%arg30 : memref<16xi32, #tpu.memory_space<vmem>>) semaphore(%run_scoped3A_214 : memref<!tpu.dma_semaphore, #tpu.memory_space<semaphore_mem>>) {add = true}
          %dma_wait3A_218 = arith.constant 0 : i32
          %dma_wait3A_219 = arith.constant 0 : i32
          %dma_wait3A_220 = tpu.memref_slice %arg32[%dma_wait3A_218, %dma_wait3A_219] : memref<640x128xf32, #tpu.memory_space<vmem_shared>> -> memref<640x128xf32, #tpu.memory_space<vmem_shared>>
          tpu.wait_indirect_dma semaphore(%run_scoped3A_214 : memref<!tpu.dma_semaphore, #tpu.memory_space<semaphore_mem>>) src(%arg22 : memref<16x128xf32, #tpu.memory_space<vmem>>) dst(%dma_wait3A_220 : memref<640x128xf32, #tpu.memory_space<vmem_shared>>)
          tpu.yield
        }) : () -> ()
        "tpu.region"() ({
          %run_scoped3A_214 = tpu.sem_alloc : memref<!tpu.dma_semaphore, #tpu.memory_space<semaphore_mem>>
          %dma_start3A_215 = arith.constant 0 : i32
          %dma_start3A_216 = arith.constant 0 : i32
          %dma_start3A_217 = tpu.memref_slice %arg33[%dma_start3A_215, %dma_start3A_216] : memref<640x128xf32, #tpu.memory_space<vmem_shared>> -> memref<640x128xf32, #tpu.memory_space<vmem_shared>>
          tpu.enqueue_indirect_dma source(%arg23 : memref<16x128xf32, #tpu.memory_space<vmem>>) target(%dma_start3A_217 : memref<640x128xf32, #tpu.memory_space<vmem_shared>>) offsets(%arg30 : memref<16xi32, #tpu.memory_space<vmem>>) semaphore(%run_scoped3A_214 : memref<!tpu.dma_semaphore, #tpu.memory_space<semaphore_mem>>) {add = true}
          %dma_wait3A_218 = arith.constant 0 : i32
          %dma_wait3A_219 = arith.constant 0 : i32
          %dma_wait3A_220 = tpu.memref_slice %arg33[%dma_wait3A_218, %dma_wait3A_219] : memref<640x128xf32, #tpu.memory_space<vmem_shared>> -> memref<640x128xf32, #tpu.memory_space<vmem_shared>>
          tpu.wait_indirect_dma semaphore(%run_scoped3A_214 : memref<!tpu.dma_semaphore, #tpu.memory_space<semaphore_mem>>) src(%arg23 : memref<16x128xf32, #tpu.memory_space<vmem>>) dst(%dma_wait3A_220 : memref<640x128xf32, #tpu.memory_space<vmem_shared>>)
          tpu.yield
        }) : () -> ()
        "tpu.region"() ({
          %run_scoped3A_214 = tpu.sem_alloc : memref<!tpu.dma_semaphore, #tpu.memory_space<semaphore_mem>>
          %dma_start3A_215 = arith.constant 0 : i32
          %dma_start3A_216 = arith.constant 0 : i32
          %dma_start3A_217 = tpu.memref_slice %arg34[%dma_start3A_215, %dma_start3A_216] : memref<640x128xf32, #tpu.memory_space<vmem_shared>> -> memref<640x128xf32, #tpu.memory_space<vmem_shared>>
          tpu.enqueue_indirect_dma source(%arg24 : memref<16x128xf32, #tpu.memory_space<vmem>>) target(%dma_start3A_217 : memref<640x128xf32, #tpu.memory_space<vmem_shared>>) offsets(%arg30 : memref<16xi32, #tpu.memory_space<vmem>>) semaphore(%run_scoped3A_214 : memref<!tpu.dma_semaphore, #tpu.memory_space<semaphore_mem>>) {add = true}
          %dma_wait3A_218 = arith.constant 0 : i32
          %dma_wait3A_219 = arith.constant 0 : i32
          %dma_wait3A_220 = tpu.memref_slice %arg34[%dma_wait3A_218, %dma_wait3A_219] : memref<640x128xf32, #tpu.memory_space<vmem_shared>> -> memref<640x128xf32, #tpu.memory_space<vmem_shared>>
          tpu.wait_indirect_dma semaphore(%run_scoped3A_214 : memref<!tpu.dma_semaphore, #tpu.memory_space<semaphore_mem>>) src(%arg24 : memref<16x128xf32, #tpu.memory_space<vmem>>) dst(%dma_wait3A_220 : memref<640x128xf32, #tpu.memory_space<vmem_shared>>)
          tpu.yield
        }) : () -> ()
        "tpu.region"() ({
          %run_scoped3A_214 = tpu.sem_alloc : memref<!tpu.dma_semaphore, #tpu.memory_space<semaphore_mem>>
          %dma_start3A_215 = arith.constant 0 : i32
          %dma_start3A_216 = arith.constant 0 : i32
          %dma_start3A_217 = tpu.memref_slice %arg35[%dma_start3A_215, %dma_start3A_216] : memref<640x128xf32, #tpu.memory_space<vmem_shared>> -> memref<640x128xf32, #tpu.memory_space<vmem_shared>>
          tpu.enqueue_indirect_dma source(%arg25 : memref<16x128xf32, #tpu.memory_space<vmem>>) target(%dma_start3A_217 : memref<640x128xf32, #tpu.memory_space<vmem_shared>>) offsets(%arg30 : memref<16xi32, #tpu.memory_space<vmem>>) semaphore(%run_scoped3A_214 : memref<!tpu.dma_semaphore, #tpu.memory_space<semaphore_mem>>) {add = true}
          %dma_wait3A_218 = arith.constant 0 : i32
          %dma_wait3A_219 = arith.constant 0 : i32
          %dma_wait3A_220 = tpu.memref_slice %arg35[%dma_wait3A_218, %dma_wait3A_219] : memref<640x128xf32, #tpu.memory_space<vmem_shared>> -> memref<640x128xf32, #tpu.memory_space<vmem_shared>>
          tpu.wait_indirect_dma semaphore(%run_scoped3A_214 : memref<!tpu.dma_semaphore, #tpu.memory_space<semaphore_mem>>) src(%arg25 : memref<16x128xf32, #tpu.memory_space<vmem>>) dst(%dma_wait3A_220 : memref<640x128xf32, #tpu.memory_space<vmem_shared>>)
          tpu.yield
        }) : () -> ()
        "tpu.region"() ({
          %run_scoped3A_214 = tpu.sem_alloc : memref<!tpu.dma_semaphore, #tpu.memory_space<semaphore_mem>>
          %dma_start3A_215 = arith.constant 0 : i32
          %dma_start3A_216 = arith.constant 0 : i32
          %dma_start3A_217 = tpu.memref_slice %arg36[%dma_start3A_215, %dma_start3A_216] : memref<640x128xf32, #tpu.memory_space<vmem_shared>> -> memref<640x128xf32, #tpu.memory_space<vmem_shared>>
          tpu.enqueue_indirect_dma source(%arg26 : memref<16x128xf32, #tpu.memory_space<vmem>>) target(%dma_start3A_217 : memref<640x128xf32, #tpu.memory_space<vmem_shared>>) offsets(%arg30 : memref<16xi32, #tpu.memory_space<vmem>>) semaphore(%run_scoped3A_214 : memref<!tpu.dma_semaphore, #tpu.memory_space<semaphore_mem>>) {add = true}
          %dma_wait3A_218 = arith.constant 0 : i32
          %dma_wait3A_219 = arith.constant 0 : i32
          %dma_wait3A_220 = tpu.memref_slice %arg36[%dma_wait3A_218, %dma_wait3A_219] : memref<640x128xf32, #tpu.memory_space<vmem_shared>> -> memref<640x128xf32, #tpu.memory_space<vmem_shared>>
          tpu.wait_indirect_dma semaphore(%run_scoped3A_214 : memref<!tpu.dma_semaphore, #tpu.memory_space<semaphore_mem>>) src(%arg26 : memref<16x128xf32, #tpu.memory_space<vmem>>) dst(%dma_wait3A_220 : memref<640x128xf32, #tpu.memory_space<vmem_shared>>)
          tpu.yield
        }) : () -> ()
        "tpu.region"() ({
          %run_scoped3A_214 = tpu.sem_alloc : memref<!tpu.dma_semaphore, #tpu.memory_space<semaphore_mem>>
          %dma_start3A_215 = arith.constant 0 : i32
          %dma_start3A_216 = arith.constant 0 : i32
          %dma_start3A_217 = tpu.memref_slice %arg37[%dma_start3A_215, %dma_start3A_216] : memref<640x128xf32, #tpu.memory_space<vmem_shared>> -> memref<640x128xf32, #tpu.memory_space<vmem_shared>>
          tpu.enqueue_indirect_dma source(%arg27 : memref<16x128xf32, #tpu.memory_space<vmem>>) target(%dma_start3A_217 : memref<640x128xf32, #tpu.memory_space<vmem_shared>>) offsets(%arg30 : memref<16xi32, #tpu.memory_space<vmem>>) semaphore(%run_scoped3A_214 : memref<!tpu.dma_semaphore, #tpu.memory_space<semaphore_mem>>) {add = true}
          %dma_wait3A_218 = arith.constant 0 : i32
          %dma_wait3A_219 = arith.constant 0 : i32
          %dma_wait3A_220 = tpu.memref_slice %arg37[%dma_wait3A_218, %dma_wait3A_219] : memref<640x128xf32, #tpu.memory_space<vmem_shared>> -> memref<640x128xf32, #tpu.memory_space<vmem_shared>>
          tpu.wait_indirect_dma semaphore(%run_scoped3A_214 : memref<!tpu.dma_semaphore, #tpu.memory_space<semaphore_mem>>) src(%arg27 : memref<16x128xf32, #tpu.memory_space<vmem>>) dst(%dma_wait3A_220 : memref<640x128xf32, #tpu.memory_space<vmem_shared>>)
          tpu.yield
        }) : () -> ()
        "tpu.region"() ({
          %run_scoped3A_214 = tpu.sem_alloc : memref<!tpu.dma_semaphore, #tpu.memory_space<semaphore_mem>>
          %dma_start3A_215 = arith.constant 0 : i32
          %dma_start3A_216 = arith.constant 0 : i32
          %dma_start3A_217 = tpu.memref_slice %arg38[%dma_start3A_215, %dma_start3A_216] : memref<640x128xf32, #tpu.memory_space<vmem_shared>> -> memref<640x128xf32, #tpu.memory_space<vmem_shared>>
          tpu.enqueue_indirect_dma source(%arg28 : memref<16x128xf32, #tpu.memory_space<vmem>>) target(%dma_start3A_217 : memref<640x128xf32, #tpu.memory_space<vmem_shared>>) offsets(%arg30 : memref<16xi32, #tpu.memory_space<vmem>>) semaphore(%run_scoped3A_214 : memref<!tpu.dma_semaphore, #tpu.memory_space<semaphore_mem>>) {add = true}
          %dma_wait3A_218 = arith.constant 0 : i32
          %dma_wait3A_219 = arith.constant 0 : i32
          %dma_wait3A_220 = tpu.memref_slice %arg38[%dma_wait3A_218, %dma_wait3A_219] : memref<640x128xf32, #tpu.memory_space<vmem_shared>> -> memref<640x128xf32, #tpu.memory_space<vmem_shared>>
          tpu.wait_indirect_dma semaphore(%run_scoped3A_214 : memref<!tpu.dma_semaphore, #tpu.memory_space<semaphore_mem>>) src(%arg28 : memref<16x128xf32, #tpu.memory_space<vmem>>) dst(%dma_wait3A_220 : memref<640x128xf32, #tpu.memory_space<vmem_shared>>)
          tpu.yield
        }) : () -> ()
        "tpu.region"() ({
          %run_scoped3A_214 = tpu.sem_alloc : memref<!tpu.dma_semaphore, #tpu.memory_space<semaphore_mem>>
          %dma_start3A_215 = arith.constant 0 : i32
          %dma_start3A_216 = arith.constant 0 : i32
          %dma_start3A_217 = tpu.memref_slice %arg39[%dma_start3A_215, %dma_start3A_216] : memref<640x128xf32, #tpu.memory_space<vmem_shared>> -> memref<640x128xf32, #tpu.memory_space<vmem_shared>>
          tpu.enqueue_indirect_dma source(%arg29 : memref<16x128xf32, #tpu.memory_space<vmem>>) target(%dma_start3A_217 : memref<640x128xf32, #tpu.memory_space<vmem_shared>>) offsets(%arg30 : memref<16xi32, #tpu.memory_space<vmem>>) semaphore(%run_scoped3A_214 : memref<!tpu.dma_semaphore, #tpu.memory_space<semaphore_mem>>) {add = true}
          %dma_wait3A_218 = arith.constant 0 : i32
          %dma_wait3A_219 = arith.constant 0 : i32
          %dma_wait3A_220 = tpu.memref_slice %arg39[%dma_wait3A_218, %dma_wait3A_219] : memref<640x128xf32, #tpu.memory_space<vmem_shared>> -> memref<640x128xf32, #tpu.memory_space<vmem_shared>>
          tpu.wait_indirect_dma semaphore(%run_scoped3A_214 : memref<!tpu.dma_semaphore, #tpu.memory_space<semaphore_mem>>) src(%arg29 : memref<16x128xf32, #tpu.memory_space<vmem>>) dst(%dma_wait3A_220 : memref<640x128xf32, #tpu.memory_space<vmem_shared>>)
          tpu.yield
        }) : () -> ()
      }
      %while3A_92 = arith.constant 1 : i32
      scf.for %while3A_148 = %while3A_90 to %while3A_86 step %while3A_92  : i32 {
        %mul3A_149 = arith.constant 16 : i32
        %mul3A_150 = arith.muli %while3A_148, %mul3A_149 : i32
        %get3A = arith.index_cast %mul3A_150 : i32 to index
        %get3A_151 = tpu.vector_load %arg18[%get3A] {strides = array<i32>} : memref<6592xi32, #tpu.memory_space<vmem>>, vector<16xi32>,
        %mul3A_152 = arith.constant 16 : i32
        %mul3A_153 = arith.muli %arg1, %mul3A_152 : i32
        "tpu.region"() ({
          %run_scoped3A_214 = tpu.sem_alloc : memref<!tpu.dma_semaphore, #tpu.memory_space<semaphore_mem>>
          %dma_start3A_215 = tpu.memref_slice %arg19[%mul3A_150] : memref<6592xi32, #tpu.memory_space<vmem>> -> memref<16xi32, #tpu.memory_space<vmem>>
          %dma_start3A_216 = tpu.memref_slice %arg40[%mul3A_153] : memref<256xi32, #tpu.memory_space<vmem_shared>> -> memref<16xi32, #tpu.memory_space<vmem_shared>>
          %dma_start3A_217 = tpu.memref_slice %arg40[%mul3A_153] : memref<256xi32, #tpu.memory_space<vmem_shared>> -> memref<16xi32, #tpu.memory_space<vmem_shared>>
          %dma_start3A_218 = tpu.memref_slice %arg19[%mul3A_150] : memref<6592xi32, #tpu.memory_space<vmem>> -> memref<16xi32, #tpu.memory_space<vmem>>
          tpu.enqueue_dma source(%dma_start3A_218 : memref<16xi32, #tpu.memory_space<vmem>>) target(%dma_start3A_217 : memref<16xi32, #tpu.memory_space<vmem_shared>>) target_semaphore(%run_scoped3A_214 : memref<!tpu.dma_semaphore, #tpu.memory_space<semaphore_mem>>)
          %dma_wait3A_219 = tpu.memref_slice %arg19[%mul3A_150] : memref<6592xi32, #tpu.memory_space<vmem>> -> memref<16xi32, #tpu.memory_space<vmem>>
          %dma_wait3A_220 = tpu.memref_slice %arg40[%mul3A_153] : memref<256xi32, #tpu.memory_space<vmem_shared>> -> memref<16xi32, #tpu.memory_space<vmem_shared>>
          %dma_wait3A_221 = tpu.memref_slice %arg40[%mul3A_153] : memref<256xi32, #tpu.memory_space<vmem_shared>> -> memref<16xi32, #tpu.memory_space<vmem_shared>>
          %dma_wait3A_222 = tpu.memref_slice %arg19[%mul3A_150] : memref<6592xi32, #tpu.memory_space<vmem>> -> memref<16xi32, #tpu.memory_space<vmem>>
          tpu.wait_dma2 semaphore(%run_scoped3A_214 : memref<!tpu.dma_semaphore, #tpu.memory_space<semaphore_mem>>) src(%dma_wait3A_222 : memref<16xi32, #tpu.memory_space<vmem>>) dst(%dma_wait3A_221 : memref<16xi32, #tpu.memory_space<vmem_shared>>)
          tpu.yield
        }) : () -> ()
        %mul3A_154 = arith.constant 16 : i32
        %mul3A_155 = arith.muli %arg1, %mul3A_154 : i32
        "tpu.region"() ({
          %run_scoped3A_214 = tpu.sem_alloc : memref<!tpu.dma_semaphore, #tpu.memory_space<semaphore_mem>>
          %dma_start3A_215 = tpu.memref_slice %arg40[%mul3A_155] : memref<256xi32, #tpu.memory_space<vmem_shared>> -> memref<16xi32, #tpu.memory_space<vmem_shared>>
          %dma_start3A_216 = tpu.memref_slice %arg40[%mul3A_155] : memref<256xi32, #tpu.memory_space<vmem_shared>> -> memref<16xi32, #tpu.memory_space<vmem_shared>>
          tpu.enqueue_dma source(%dma_start3A_216 : memref<16xi32, #tpu.memory_space<vmem_shared>>) target(%arg30 : memref<16xi32, #tpu.memory_space<vmem>>) target_semaphore(%run_scoped3A_214 : memref<!tpu.dma_semaphore, #tpu.memory_space<semaphore_mem>>)
          %dma_wait3A_217 = tpu.memref_slice %arg40[%mul3A_155] : memref<256xi32, #tpu.memory_space<vmem_shared>> -> memref<16xi32, #tpu.memory_space<vmem_shared>>
          %dma_wait3A_218 = tpu.memref_slice %arg40[%mul3A_155] : memref<256xi32, #tpu.memory_space<vmem_shared>> -> memref<16xi32, #tpu.memory_space<vmem_shared>>
          tpu.wait_dma2 semaphore(%run_scoped3A_214 : memref<!tpu.dma_semaphore, #tpu.memory_space<semaphore_mem>>) src(%dma_wait3A_218 : memref<16xi32, #tpu.memory_space<vmem_shared>>) dst(%arg30 : memref<16xi32, #tpu.memory_space<vmem>>)
          tpu.yield
        }) : () -> ()
        %dma_start3A = arith.constant 0 : i32
        %dma_start3A_156 = arith.constant 0 : i32
        %dma_start3A_157 = tpu.memref_slice %arg4[%dma_start3A, %dma_start3A_156] : memref<10240x128xf32, #tpu.memory_space<hbm>> -> memref<10240x128xf32, #tpu.memory_space<hbm>>
        tpu.enqueue_indirect_dma source(%dma_start3A_157 : memref<10240x128xf32, #tpu.memory_space<hbm>>) target(%arg21 : memref<16x128xf32, #tpu.memory_space<vmem>>) offsets(%get3A_151 : vector<16xi32>) semaphore(%arg41 : memref<!tpu.dma_semaphore, #tpu.memory_space<semaphore_mem>>)
        %dma_start3A_158 = arith.constant 0 : i32
        %dma_start3A_159 = arith.constant 0 : i32
        %dma_start3A_160 = tpu.memref_slice %arg5[%dma_start3A_158, %dma_start3A_159] : memref<10240x128xf32, #tpu.memory_space<hbm>> -> memref<10240x128xf32, #tpu.memory_space<hbm>>
        tpu.enqueue_indirect_dma source(%dma_start3A_160 : memref<10240x128xf32, #tpu.memory_space<hbm>>) target(%arg22 : memref<16x128xf32, #tpu.memory_space<vmem>>) offsets(%get3A_151 : vector<16xi32>) semaphore(%arg41 : memref<!tpu.dma_semaphore, #tpu.memory_space<semaphore_mem>>)
        %dma_start3A_161 = arith.constant 0 : i32
        %dma_start3A_162 = arith.constant 0 : i32
        %dma_start3A_163 = tpu.memref_slice %arg6[%dma_start3A_161, %dma_start3A_162] : memref<10240x128xf32, #tpu.memory_space<hbm>> -> memref<10240x128xf32, #tpu.memory_space<hbm>>
        tpu.enqueue_indirect_dma source(%dma_start3A_163 : memref<10240x128xf32, #tpu.memory_space<hbm>>) target(%arg23 : memref<16x128xf32, #tpu.memory_space<vmem>>) offsets(%get3A_151 : vector<16xi32>) semaphore(%arg41 : memref<!tpu.dma_semaphore, #tpu.memory_space<semaphore_mem>>)
        %dma_start3A_164 = arith.constant 0 : i32
        %dma_start3A_165 = arith.constant 0 : i32
        %dma_start3A_166 = tpu.memref_slice %arg7[%dma_start3A_164, %dma_start3A_165] : memref<10240x128xf32, #tpu.memory_space<hbm>> -> memref<10240x128xf32, #tpu.memory_space<hbm>>
        tpu.enqueue_indirect_dma source(%dma_start3A_166 : memref<10240x128xf32, #tpu.memory_space<hbm>>) target(%arg24 : memref<16x128xf32, #tpu.memory_space<vmem>>) offsets(%get3A_151 : vector<16xi32>) semaphore(%arg41 : memref<!tpu.dma_semaphore, #tpu.memory_space<semaphore_mem>>)
        %dma_start3A_167 = arith.constant 0 : i32
        %dma_start3A_168 = arith.constant 0 : i32
        %dma_start3A_169 = tpu.memref_slice %arg8[%dma_start3A_167, %dma_start3A_168] : memref<10240x128xf32, #tpu.memory_space<hbm>> -> memref<10240x128xf32, #tpu.memory_space<hbm>>
        tpu.enqueue_indirect_dma source(%dma_start3A_169 : memref<10240x128xf32, #tpu.memory_space<hbm>>) target(%arg25 : memref<16x128xf32, #tpu.memory_space<vmem>>) offsets(%get3A_151 : vector<16xi32>) semaphore(%arg41 : memref<!tpu.dma_semaphore, #tpu.memory_space<semaphore_mem>>)
        %dma_start3A_170 = arith.constant 0 : i32
        %dma_start3A_171 = arith.constant 0 : i32
        %dma_start3A_172 = tpu.memref_slice %arg9[%dma_start3A_170, %dma_start3A_171] : memref<10240x128xf32, #tpu.memory_space<hbm>> -> memref<10240x128xf32, #tpu.memory_space<hbm>>
        tpu.enqueue_indirect_dma source(%dma_start3A_172 : memref<10240x128xf32, #tpu.memory_space<hbm>>) target(%arg26 : memref<16x128xf32, #tpu.memory_space<vmem>>) offsets(%get3A_151 : vector<16xi32>) semaphore(%arg41 : memref<!tpu.dma_semaphore, #tpu.memory_space<semaphore_mem>>)
        %dma_start3A_173 = arith.constant 0 : i32
        %dma_start3A_174 = arith.constant 0 : i32
        %dma_start3A_175 = tpu.memref_slice %arg10[%dma_start3A_173, %dma_start3A_174] : memref<10240x128xf32, #tpu.memory_space<hbm>> -> memref<10240x128xf32, #tpu.memory_space<hbm>>
        tpu.enqueue_indirect_dma source(%dma_start3A_175 : memref<10240x128xf32, #tpu.memory_space<hbm>>) target(%arg27 : memref<16x128xf32, #tpu.memory_space<vmem>>) offsets(%get3A_151 : vector<16xi32>) semaphore(%arg41 : memref<!tpu.dma_semaphore, #tpu.memory_space<semaphore_mem>>)
        %dma_start3A_176 = arith.constant 0 : i32
        %dma_start3A_177 = arith.constant 0 : i32
        %dma_start3A_178 = tpu.memref_slice %arg11[%dma_start3A_176, %dma_start3A_177] : memref<10240x128xf32, #tpu.memory_space<hbm>> -> memref<10240x128xf32, #tpu.memory_space<hbm>>
        tpu.enqueue_indirect_dma source(%dma_start3A_178 : memref<10240x128xf32, #tpu.memory_space<hbm>>) target(%arg28 : memref<16x128xf32, #tpu.memory_space<vmem>>) offsets(%get3A_151 : vector<16xi32>) semaphore(%arg41 : memref<!tpu.dma_semaphore, #tpu.memory_space<semaphore_mem>>)
        %dma_start3A_179 = arith.constant 0 : i32
        %dma_start3A_180 = arith.constant 0 : i32
        %dma_start3A_181 = tpu.memref_slice %arg12[%dma_start3A_179, %dma_start3A_180] : memref<10240x128xf32, #tpu.memory_space<hbm>> -> memref<10240x128xf32, #tpu.memory_space<hbm>>
        tpu.enqueue_indirect_dma source(%dma_start3A_181 : memref<10240x128xf32, #tpu.memory_space<hbm>>) target(%arg29 : memref<16x128xf32, #tpu.memory_space<vmem>>) offsets(%get3A_151 : vector<16xi32>) semaphore(%arg41 : memref<!tpu.dma_semaphore, #tpu.memory_space<semaphore_mem>>)
        %dma_wait3A = arith.constant 0 : i32
        %dma_wait3A_182 = arith.constant 0 : i32
        %dma_wait3A_183 = tpu.memref_slice %arg4[%dma_wait3A, %dma_wait3A_182] : memref<10240x128xf32, #tpu.memory_space<hbm>> -> memref<10240x128xf32, #tpu.memory_space<hbm>>
        tpu.wait_indirect_dma semaphore(%arg41 : memref<!tpu.dma_semaphore, #tpu.memory_space<semaphore_mem>>) src(%dma_wait3A_183 : memref<10240x128xf32, #tpu.memory_space<hbm>>) dst(%arg21 : memref<16x128xf32, #tpu.memory_space<vmem>>)
        %dma_wait3A_184 = arith.constant 0 : i32
        %dma_wait3A_185 = arith.constant 0 : i32
        %dma_wait3A_186 = tpu.memref_slice %arg5[%dma_wait3A_184, %dma_wait3A_185] : memref<10240x128xf32, #tpu.memory_space<hbm>> -> memref<10240x128xf32, #tpu.memory_space<hbm>>
        tpu.wait_indirect_dma semaphore(%arg41 : memref<!tpu.dma_semaphore, #tpu.memory_space<semaphore_mem>>) src(%dma_wait3A_186 : memref<10240x128xf32, #tpu.memory_space<hbm>>) dst(%arg22 : memref<16x128xf32, #tpu.memory_space<vmem>>)
        %dma_wait3A_187 = arith.constant 0 : i32
        %dma_wait3A_188 = arith.constant 0 : i32
        %dma_wait3A_189 = tpu.memref_slice %arg6[%dma_wait3A_187, %dma_wait3A_188] : memref<10240x128xf32, #tpu.memory_space<hbm>> -> memref<10240x128xf32, #tpu.memory_space<hbm>>
        tpu.wait_indirect_dma semaphore(%arg41 : memref<!tpu.dma_semaphore, #tpu.memory_space<semaphore_mem>>) src(%dma_wait3A_189 : memref<10240x128xf32, #tpu.memory_space<hbm>>) dst(%arg23 : memref<16x128xf32, #tpu.memory_space<vmem>>)
        %dma_wait3A_190 = arith.constant 0 : i32
        %dma_wait3A_191 = arith.constant 0 : i32
        %dma_wait3A_192 = tpu.memref_slice %arg7[%dma_wait3A_190, %dma_wait3A_191] : memref<10240x128xf32, #tpu.memory_space<hbm>> -> memref<10240x128xf32, #tpu.memory_space<hbm>>
        tpu.wait_indirect_dma semaphore(%arg41 : memref<!tpu.dma_semaphore, #tpu.memory_space<semaphore_mem>>) src(%dma_wait3A_192 : memref<10240x128xf32, #tpu.memory_space<hbm>>) dst(%arg24 : memref<16x128xf32, #tpu.memory_space<vmem>>)
        %dma_wait3A_193 = arith.constant 0 : i32
        %dma_wait3A_194 = arith.constant 0 : i32
        %dma_wait3A_195 = tpu.memref_slice %arg8[%dma_wait3A_193, %dma_wait3A_194] : memref<10240x128xf32, #tpu.memory_space<hbm>> -> memref<10240x128xf32, #tpu.memory_space<hbm>>
        tpu.wait_indirect_dma semaphore(%arg41 : memref<!tpu.dma_semaphore, #tpu.memory_space<semaphore_mem>>) src(%dma_wait3A_195 : memref<10240x128xf32, #tpu.memory_space<hbm>>) dst(%arg25 : memref<16x128xf32, #tpu.memory_space<vmem>>)
        %dma_wait3A_196 = arith.constant 0 : i32
        %dma_wait3A_197 = arith.constant 0 : i32
        %dma_wait3A_198 = tpu.memref_slice %arg9[%dma_wait3A_196, %dma_wait3A_197] : memref<10240x128xf32, #tpu.memory_space<hbm>> -> memref<10240x128xf32, #tpu.memory_space<hbm>>
        tpu.wait_indirect_dma semaphore(%arg41 : memref<!tpu.dma_semaphore, #tpu.memory_space<semaphore_mem>>) src(%dma_wait3A_198 : memref<10240x128xf32, #tpu.memory_space<hbm>>) dst(%arg26 : memref<16x128xf32, #tpu.memory_space<vmem>>)
        %dma_wait3A_199 = arith.constant 0 : i32
        %dma_wait3A_200 = arith.constant 0 : i32
        %dma_wait3A_201 = tpu.memref_slice %arg10[%dma_wait3A_199, %dma_wait3A_200] : memref<10240x128xf32, #tpu.memory_space<hbm>> -> memref<10240x128xf32, #tpu.memory_space<hbm>>
        tpu.wait_indirect_dma semaphore(%arg41 : memref<!tpu.dma_semaphore, #tpu.memory_space<semaphore_mem>>) src(%dma_wait3A_201 : memref<10240x128xf32, #tpu.memory_space<hbm>>) dst(%arg27 : memref<16x128xf32, #tpu.memory_space<vmem>>)
        %dma_wait3A_202 = arith.constant 0 : i32
        %dma_wait3A_203 = arith.constant 0 : i32
        %dma_wait3A_204 = tpu.memref_slice %arg11[%dma_wait3A_202, %dma_wait3A_203] : memref<10240x128xf32, #tpu.memory_space<hbm>> -> memref<10240x128xf32, #tpu.memory_space<hbm>>
        tpu.wait_indirect_dma semaphore(%arg41 : memref<!tpu.dma_semaphore, #tpu.memory_space<semaphore_mem>>) src(%dma_wait3A_204 : memref<10240x128xf32, #tpu.memory_space<hbm>>) dst(%arg28 : memref<16x128xf32, #tpu.memory_space<vmem>>)
        %dma_wait3A_205 = arith.constant 0 : i32
        %dma_wait3A_206 = arith.constant 0 : i32
        %dma_wait3A_207 = tpu.memref_slice %arg12[%dma_wait3A_205, %dma_wait3A_206] : memref<10240x128xf32, #tpu.memory_space<hbm>> -> memref<10240x128xf32, #tpu.memory_space<hbm>>
        tpu.wait_indirect_dma semaphore(%arg41 : memref<!tpu.dma_semaphore, #tpu.memory_space<semaphore_mem>>) src(%dma_wait3A_207 : memref<10240x128xf32, #tpu.memory_space<hbm>>) dst(%arg29 : memref<16x128xf32, #tpu.memory_space<vmem>>)
        %scan3A_208 = arith.constant 0 : i32
        %scan3A_209 = arith.constant 0 : i32
        %scan3A_210 = arith.constant 16 : i32
        %scan3A_211 = arith.addi %scan3A_209, %scan3A_210 : i32
        %scan3A_212 = arith.constant 1 : i32
        scf.for %scan3A_214 = %scan3A_209 to %scan3A_211 step %scan3A_212  : i32 {
          %add3A_215 = arith.addi %mul3A_150, %scan3A_214 : i32
          %get3A_216 = arith.index_cast %add3A_215 : i32 to index
          %get3A_217 = tpu.vector_load %arg19[%get3A_216] {strides = array<i32>} : memref<6592xi32, #tpu.memory_space<vmem>>, vector<16xi32>,
          %slice3A = vector.extract_strided_slice %get3A_217 {offsets = [0], sizes = [1], strides = [1]} : vector<16xi32> to vector<1xi32>
          %squeeze3A = vector.extract %slice3A[0] : i32 from vector<1xi32>
          %mul3A_218 = arith.constant 8 : i32
          %mul3A_219 = arith.muli %squeeze3A, %mul3A_218 : i32
          %iota3A = tpu.iota {dimensions = array<i32: 0>} : vector<16xi32>
          %add3A_220 = vector.broadcast %mul3A_219 : i32 to vector<16xi32>
          %add3A_221 = arith.addi %add3A_220, %iota3A : vector<16xi32>
          %gather3A = tpu.vector_load_idx %arg20[%add3A_221] : memref<5120xf32, #tpu.memory_space<vmem>>[vector<16xi32>], vector<16xf32>,
          %get3A_222 = arith.index_cast %scan3A_214 : i32 to index
          %get3A_223 = arith.constant 0 : index
          %get3A_224 = tpu.vector_load %arg29[%get3A_222, %get3A_223] {strides = array<i32>} : memref<16x128xf32, #tpu.memory_space<vmem>>, vector<16xf32>,
          %iota3A_225 = tpu.iota {dimensions = array<i32: 0>} : vector<16xi32>
          %and3A_226 = arith.constant 7 : i32
          %and3A_227 = vector.broadcast %and3A_226 : i32 to vector<16xi32>
          %and3A_228 = arith.andi %iota3A_225, %and3A_227 : vector<16xi32>
          %add3A_229 = arith.constant 8 : i32
          %add3A_230 = vector.broadcast %add3A_229 : i32 to vector<16xi32>
          %add3A_231 = arith.addi %add3A_230, %and3A_228 : vector<16xi32>
          %broadcast_in_dim3A_232 = vector.shape_cast %add3A_231 : vector<16xi32> to vector<16x1xi32>
          %gather3A_233 = vector.shape_cast %broadcast_in_dim3A_232 : vector<16x1xi32> to vector<16xi32>
          %gather3A_234 = tpu.dynamic_gather %get3A_224[%gather3A_233] in [0] : vector<16xf32>, vector<16xi32> -> vector<16xf32>
          %add3A_235 = arith.addf %gather3A_234, %gather3A : vector<16xf32>
          %mul3A_236 = arith.constant 2.000000e-01 : f32
          %mul3A_237 = vector.broadcast %mul3A_236 : f32 to vector<16xf32>
          %mul3A_238 = arith.mulf %add3A_235, %mul3A_237 : vector<16xf32>
          %max3A = arith.maximumf %add3A_235, %mul3A_238 : vector<16xf32>
          %exp3A = math.exp %max3A : vector<16xf32>
          %slice3A_239 = vector.extract_strided_slice %exp3A {offsets = [0], sizes = [1], strides = [1]} : vector<16xf32> to vector<1xf32>
          %squeeze3A_240 = vector.extract %slice3A_239[0] : f32 from vector<1xf32>
          %get3A_241 = arith.index_cast %scan3A_214 : i32 to index
          %get3A_242 = arith.constant 0 : index
          %get3A_243 = tpu.vector_load %arg21[%get3A_241, %get3A_242] {strides = array<i32>} : memref<16x128xf32, #tpu.memory_space<vmem>>, vector<16xf32>,
          %mul3A_244 = vector.broadcast %squeeze3A_240 : f32 to vector<16xf32>
          %mul3A_245 = arith.mulf %get3A_243, %mul3A_244 : vector<16xf32>
          %swap3A_246 = arith.index_cast %scan3A_214 : i32 to index
          %swap3A_247 = arith.constant 0 : index
          %swap3A_248 = tpu.vector_load %arg21[%swap3A_246, %swap3A_247] {strides = array<i32>} : memref<16x128xf32, #tpu.memory_space<vmem>>, vector<16xf32>,
          tpu.vector_store %arg21[%swap3A_246, %swap3A_247], %mul3A_245 {strides = array<i32>} : memref<16x128xf32, #tpu.memory_space<vmem>>, vector<16xf32>,
          %get3A_249 = arith.index_cast %scan3A_214 : i32 to index
          %get3A_250 = arith.constant 16 : index
          %get3A_251 = tpu.vector_load %arg21[%get3A_249, %get3A_250] {strides = array<i32>} : memref<16x128xf32, #tpu.memory_space<vmem>>, vector<16xf32>,
          %mul3A_252 = vector.broadcast %squeeze3A_240 : f32 to vector<16xf32>
          %mul3A_253 = arith.mulf %get3A_251, %mul3A_252 : vector<16xf32>
          %swap3A_254 = arith.index_cast %scan3A_214 : i32 to index
          %swap3A_255 = arith.constant 16 : index
          %swap3A_256 = tpu.vector_load %arg21[%swap3A_254, %swap3A_255] {strides = array<i32>} : memref<16x128xf32, #tpu.memory_space<vmem>>, vector<16xf32>,
          tpu.vector_store %arg21[%swap3A_254, %swap3A_255], %mul3A_253 {strides = array<i32>} : memref<16x128xf32, #tpu.memory_space<vmem>>, vector<16xf32>,
          %get3A_257 = arith.index_cast %scan3A_214 : i32 to index
          %get3A_258 = arith.constant 32 : index
          %get3A_259 = tpu.vector_load %arg21[%get3A_257, %get3A_258] {strides = array<i32>} : memref<16x128xf32, #tpu.memory_space<vmem>>, vector<16xf32>,
          %mul3A_260 = vector.broadcast %squeeze3A_240 : f32 to vector<16xf32>
          %mul3A_261 = arith.mulf %get3A_259, %mul3A_260 : vector<16xf32>
          %swap3A_262 = arith.index_cast %scan3A_214 : i32 to index
          %swap3A_263 = arith.constant 32 : index
          %swap3A_264 = tpu.vector_load %arg21[%swap3A_262, %swap3A_263] {strides = array<i32>} : memref<16x128xf32, #tpu.memory_space<vmem>>, vector<16xf32>,
          tpu.vector_store %arg21[%swap3A_262, %swap3A_263], %mul3A_261 {strides = array<i32>} : memref<16x128xf32, #tpu.memory_space<vmem>>, vector<16xf32>,
          %get3A_265 = arith.index_cast %scan3A_214 : i32 to index
          %get3A_266 = arith.constant 48 : index
          %get3A_267 = tpu.vector_load %arg21[%get3A_265, %get3A_266] {strides = array<i32>} : memref<16x128xf32, #tpu.memory_space<vmem>>, vector<16xf32>,
          %mul3A_268 = vector.broadcast %squeeze3A_240 : f32 to vector<16xf32>
          %mul3A_269 = arith.mulf %get3A_267, %mul3A_268 : vector<16xf32>
          %swap3A_270 = arith.index_cast %scan3A_214 : i32 to index
          %swap3A_271 = arith.constant 48 : index
          %swap3A_272 = tpu.vector_load %arg21[%swap3A_270, %swap3A_271] {strides = array<i32>} : memref<16x128xf32, #tpu.memory_space<vmem>>, vector<16xf32>,
          tpu.vector_store %arg21[%swap3A_270, %swap3A_271], %mul3A_269 {strides = array<i32>} : memref<16x128xf32, #tpu.memory_space<vmem>>, vector<16xf32>,
          %get3A_273 = arith.index_cast %scan3A_214 : i32 to index
          %get3A_274 = arith.constant 64 : index
          %get3A_275 = tpu.vector_load %arg21[%get3A_273, %get3A_274] {strides = array<i32>} : memref<16x128xf32, #tpu.memory_space<vmem>>, vector<16xf32>,
          %mul3A_276 = vector.broadcast %squeeze3A_240 : f32 to vector<16xf32>
          %mul3A_277 = arith.mulf %get3A_275, %mul3A_276 : vector<16xf32>
          %swap3A_278 = arith.index_cast %scan3A_214 : i32 to index
          %swap3A_279 = arith.constant 64 : index
          %swap3A_280 = tpu.vector_load %arg21[%swap3A_278, %swap3A_279] {strides = array<i32>} : memref<16x128xf32, #tpu.memory_space<vmem>>, vector<16xf32>,
          tpu.vector_store %arg21[%swap3A_278, %swap3A_279], %mul3A_277 {strides = array<i32>} : memref<16x128xf32, #tpu.memory_space<vmem>>, vector<16xf32>,
          %get3A_281 = arith.index_cast %scan3A_214 : i32 to index
          %get3A_282 = arith.constant 80 : index
          %get3A_283 = tpu.vector_load %arg21[%get3A_281, %get3A_282] {strides = array<i32>} : memref<16x128xf32, #tpu.memory_space<vmem>>, vector<16xf32>,
          %mul3A_284 = vector.broadcast %squeeze3A_240 : f32 to vector<16xf32>
          %mul3A_285 = arith.mulf %get3A_283, %mul3A_284 : vector<16xf32>
          %swap3A_286 = arith.index_cast %scan3A_214 : i32 to index
          %swap3A_287 = arith.constant 80 : index
          %swap3A_288 = tpu.vector_load %arg21[%swap3A_286, %swap3A_287] {strides = array<i32>} : memref<16x128xf32, #tpu.memory_space<vmem>>, vector<16xf32>,
          tpu.vector_store %arg21[%swap3A_286, %swap3A_287], %mul3A_285 {strides = array<i32>} : memref<16x128xf32, #tpu.memory_space<vmem>>, vector<16xf32>,
          %get3A_289 = arith.index_cast %scan3A_214 : i32 to index
          %get3A_290 = arith.constant 96 : index
          %get3A_291 = tpu.vector_load %arg21[%get3A_289, %get3A_290] {strides = array<i32>} : memref<16x128xf32, #tpu.memory_space<vmem>>, vector<16xf32>,
          %mul3A_292 = vector.broadcast %squeeze3A_240 : f32 to vector<16xf32>
          %mul3A_293 = arith.mulf %get3A_291, %mul3A_292 : vector<16xf32>
          %swap3A_294 = arith.index_cast %scan3A_214 : i32 to index
          %swap3A_295 = arith.constant 96 : index
          %swap3A_296 = tpu.vector_load %arg21[%swap3A_294, %swap3A_295] {strides = array<i32>} : memref<16x128xf32, #tpu.memory_space<vmem>>, vector<16xf32>,
          tpu.vector_store %arg21[%swap3A_294, %swap3A_295], %mul3A_293 {strides = array<i32>} : memref<16x128xf32, #tpu.memory_space<vmem>>, vector<16xf32>,
          %get3A_297 = arith.index_cast %scan3A_214 : i32 to index
          %get3A_298 = arith.constant 112 : index
          %get3A_299 = tpu.vector_load %arg21[%get3A_297, %get3A_298] {strides = array<i32>} : memref<16x128xf32, #tpu.memory_space<vmem>>, vector<16xf32>,
          %mul3A_300 = vector.broadcast %squeeze3A_240 : f32 to vector<16xf32>
          %mul3A_301 = arith.mulf %get3A_299, %mul3A_300 : vector<16xf32>
          %swap3A_302 = arith.index_cast %scan3A_214 : i32 to index
          %swap3A_303 = arith.constant 112 : index
          %swap3A_304 = tpu.vector_load %arg21[%swap3A_302, %swap3A_303] {strides = array<i32>} : memref<16x128xf32, #tpu.memory_space<vmem>>, vector<16xf32>,
          tpu.vector_store %arg21[%swap3A_302, %swap3A_303], %mul3A_301 {strides = array<i32>} : memref<16x128xf32, #tpu.memory_space<vmem>>, vector<16xf32>,
          %slice3A_305 = vector.extract_strided_slice %exp3A {offsets = [1], sizes = [1], strides = [1]} : vector<16xf32> to vector<1xf32>
          %squeeze3A_306 = vector.extract %slice3A_305[0] : f32 from vector<1xf32>
          %get3A_307 = arith.index_cast %scan3A_214 : i32 to index
          %get3A_308 = arith.constant 0 : index
          %get3A_309 = tpu.vector_load %arg22[%get3A_307, %get3A_308] {strides = array<i32>} : memref<16x128xf32, #tpu.memory_space<vmem>>, vector<16xf32>,
          %mul3A_310 = vector.broadcast %squeeze3A_306 : f32 to vector<16xf32>
          %mul3A_311 = arith.mulf %get3A_309, %mul3A_310 : vector<16xf32>
          %swap3A_312 = arith.index_cast %scan3A_214 : i32 to index
          %swap3A_313 = arith.constant 0 : index
          %swap3A_314 = tpu.vector_load %arg22[%swap3A_312, %swap3A_313] {strides = array<i32>} : memref<16x128xf32, #tpu.memory_space<vmem>>, vector<16xf32>,
          tpu.vector_store %arg22[%swap3A_312, %swap3A_313], %mul3A_311 {strides = array<i32>} : memref<16x128xf32, #tpu.memory_space<vmem>>, vector<16xf32>,
          %get3A_315 = arith.index_cast %scan3A_214 : i32 to index
          %get3A_316 = arith.constant 16 : index
          %get3A_317 = tpu.vector_load %arg22[%get3A_315, %get3A_316] {strides = array<i32>} : memref<16x128xf32, #tpu.memory_space<vmem>>, vector<16xf32>,
          %mul3A_318 = vector.broadcast %squeeze3A_306 : f32 to vector<16xf32>
          %mul3A_319 = arith.mulf %get3A_317, %mul3A_318 : vector<16xf32>
          %swap3A_320 = arith.index_cast %scan3A_214 : i32 to index
          %swap3A_321 = arith.constant 16 : index
          %swap3A_322 = tpu.vector_load %arg22[%swap3A_320, %swap3A_321] {strides = array<i32>} : memref<16x128xf32, #tpu.memory_space<vmem>>, vector<16xf32>,
          tpu.vector_store %arg22[%swap3A_320, %swap3A_321], %mul3A_319 {strides = array<i32>} : memref<16x128xf32, #tpu.memory_space<vmem>>, vector<16xf32>,
          %get3A_323 = arith.index_cast %scan3A_214 : i32 to index
          %get3A_324 = arith.constant 32 : index
          %get3A_325 = tpu.vector_load %arg22[%get3A_323, %get3A_324] {strides = array<i32>} : memref<16x128xf32, #tpu.memory_space<vmem>>, vector<16xf32>,
          %mul3A_326 = vector.broadcast %squeeze3A_306 : f32 to vector<16xf32>
          %mul3A_327 = arith.mulf %get3A_325, %mul3A_326 : vector<16xf32>
          %swap3A_328 = arith.index_cast %scan3A_214 : i32 to index
          %swap3A_329 = arith.constant 32 : index
          %swap3A_330 = tpu.vector_load %arg22[%swap3A_328, %swap3A_329] {strides = array<i32>} : memref<16x128xf32, #tpu.memory_space<vmem>>, vector<16xf32>,
          tpu.vector_store %arg22[%swap3A_328, %swap3A_329], %mul3A_327 {strides = array<i32>} : memref<16x128xf32, #tpu.memory_space<vmem>>, vector<16xf32>,
          %get3A_331 = arith.index_cast %scan3A_214 : i32 to index
          %get3A_332 = arith.constant 48 : index
          %get3A_333 = tpu.vector_load %arg22[%get3A_331, %get3A_332] {strides = array<i32>} : memref<16x128xf32, #tpu.memory_space<vmem>>, vector<16xf32>,
          %mul3A_334 = vector.broadcast %squeeze3A_306 : f32 to vector<16xf32>
          %mul3A_335 = arith.mulf %get3A_333, %mul3A_334 : vector<16xf32>
          %swap3A_336 = arith.index_cast %scan3A_214 : i32 to index
          %swap3A_337 = arith.constant 48 : index
          %swap3A_338 = tpu.vector_load %arg22[%swap3A_336, %swap3A_337] {strides = array<i32>} : memref<16x128xf32, #tpu.memory_space<vmem>>, vector<16xf32>,
          tpu.vector_store %arg22[%swap3A_336, %swap3A_337], %mul3A_335 {strides = array<i32>} : memref<16x128xf32, #tpu.memory_space<vmem>>, vector<16xf32>,
          %get3A_339 = arith.index_cast %scan3A_214 : i32 to index
          %get3A_340 = arith.constant 64 : index
          %get3A_341 = tpu.vector_load %arg22[%get3A_339, %get3A_340] {strides = array<i32>} : memref<16x128xf32, #tpu.memory_space<vmem>>, vector<16xf32>,
          %mul3A_342 = vector.broadcast %squeeze3A_306 : f32 to vector<16xf32>
          %mul3A_343 = arith.mulf %get3A_341, %mul3A_342 : vector<16xf32>
          %swap3A_344 = arith.index_cast %scan3A_214 : i32 to index
          %swap3A_345 = arith.constant 64 : index
          %swap3A_346 = tpu.vector_load %arg22[%swap3A_344, %swap3A_345] {strides = array<i32>} : memref<16x128xf32, #tpu.memory_space<vmem>>, vector<16xf32>,
          tpu.vector_store %arg22[%swap3A_344, %swap3A_345], %mul3A_343 {strides = array<i32>} : memref<16x128xf32, #tpu.memory_space<vmem>>, vector<16xf32>,
          %get3A_347 = arith.index_cast %scan3A_214 : i32 to index
          %get3A_348 = arith.constant 80 : index
          %get3A_349 = tpu.vector_load %arg22[%get3A_347, %get3A_348] {strides = array<i32>} : memref<16x128xf32, #tpu.memory_space<vmem>>, vector<16xf32>,
          %mul3A_350 = vector.broadcast %squeeze3A_306 : f32 to vector<16xf32>
          %mul3A_351 = arith.mulf %get3A_349, %mul3A_350 : vector<16xf32>
          %swap3A_352 = arith.index_cast %scan3A_214 : i32 to index
          %swap3A_353 = arith.constant 80 : index
          %swap3A_354 = tpu.vector_load %arg22[%swap3A_352, %swap3A_353] {strides = array<i32>} : memref<16x128xf32, #tpu.memory_space<vmem>>, vector<16xf32>,
          tpu.vector_store %arg22[%swap3A_352, %swap3A_353], %mul3A_351 {strides = array<i32>} : memref<16x128xf32, #tpu.memory_space<vmem>>, vector<16xf32>,
          %get3A_355 = arith.index_cast %scan3A_214 : i32 to index
          %get3A_356 = arith.constant 96 : index
          %get3A_357 = tpu.vector_load %arg22[%get3A_355, %get3A_356] {strides = array<i32>} : memref<16x128xf32, #tpu.memory_space<vmem>>, vector<16xf32>,
          %mul3A_358 = vector.broadcast %squeeze3A_306 : f32 to vector<16xf32>
          %mul3A_359 = arith.mulf %get3A_357, %mul3A_358 : vector<16xf32>
          %swap3A_360 = arith.index_cast %scan3A_214 : i32 to index
          %swap3A_361 = arith.constant 96 : index
          %swap3A_362 = tpu.vector_load %arg22[%swap3A_360, %swap3A_361] {strides = array<i32>} : memref<16x128xf32, #tpu.memory_space<vmem>>, vector<16xf32>,
          tpu.vector_store %arg22[%swap3A_360, %swap3A_361], %mul3A_359 {strides = array<i32>} : memref<16x128xf32, #tpu.memory_space<vmem>>, vector<16xf32>,
          %get3A_363 = arith.index_cast %scan3A_214 : i32 to index
          %get3A_364 = arith.constant 112 : index
          %get3A_365 = tpu.vector_load %arg22[%get3A_363, %get3A_364] {strides = array<i32>} : memref<16x128xf32, #tpu.memory_space<vmem>>, vector<16xf32>,
          %mul3A_366 = vector.broadcast %squeeze3A_306 : f32 to vector<16xf32>
          %mul3A_367 = arith.mulf %get3A_365, %mul3A_366 : vector<16xf32>
          %swap3A_368 = arith.index_cast %scan3A_214 : i32 to index
          %swap3A_369 = arith.constant 112 : index
          %swap3A_370 = tpu.vector_load %arg22[%swap3A_368, %swap3A_369] {strides = array<i32>} : memref<16x128xf32, #tpu.memory_space<vmem>>, vector<16xf32>,
          tpu.vector_store %arg22[%swap3A_368, %swap3A_369], %mul3A_367 {strides = array<i32>} : memref<16x128xf32, #tpu.memory_space<vmem>>, vector<16xf32>,
          %slice3A_371 = vector.extract_strided_slice %exp3A {offsets = [2], sizes = [1], strides = [1]} : vector<16xf32> to vector<1xf32>
          %squeeze3A_372 = vector.extract %slice3A_371[0] : f32 from vector<1xf32>
          %get3A_373 = arith.index_cast %scan3A_214 : i32 to index
          %get3A_374 = arith.constant 0 : index
          %get3A_375 = tpu.vector_load %arg23[%get3A_373, %get3A_374] {strides = array<i32>} : memref<16x128xf32, #tpu.memory_space<vmem>>, vector<16xf32>,
          %mul3A_376 = vector.broadcast %squeeze3A_372 : f32 to vector<16xf32>
          %mul3A_377 = arith.mulf %get3A_375, %mul3A_376 : vector<16xf32>
          %swap3A_378 = arith.index_cast %scan3A_214 : i32 to index
          %swap3A_379 = arith.constant 0 : index
          %swap3A_380 = tpu.vector_load %arg23[%swap3A_378, %swap3A_379] {strides = array<i32>} : memref<16x128xf32, #tpu.memory_space<vmem>>, vector<16xf32>,
          tpu.vector_store %arg23[%swap3A_378, %swap3A_379], %mul3A_377 {strides = array<i32>} : memref<16x128xf32, #tpu.memory_space<vmem>>, vector<16xf32>,
          %get3A_381 = arith.index_cast %scan3A_214 : i32 to index
          %get3A_382 = arith.constant 16 : index
          %get3A_383 = tpu.vector_load %arg23[%get3A_381, %get3A_382] {strides = array<i32>} : memref<16x128xf32, #tpu.memory_space<vmem>>, vector<16xf32>,
          %mul3A_384 = vector.broadcast %squeeze3A_372 : f32 to vector<16xf32>
          %mul3A_385 = arith.mulf %get3A_383, %mul3A_384 : vector<16xf32>
          %swap3A_386 = arith.index_cast %scan3A_214 : i32 to index
          %swap3A_387 = arith.constant 16 : index
          %swap3A_388 = tpu.vector_load %arg23[%swap3A_386, %swap3A_387] {strides = array<i32>} : memref<16x128xf32, #tpu.memory_space<vmem>>, vector<16xf32>,
          tpu.vector_store %arg23[%swap3A_386, %swap3A_387], %mul3A_385 {strides = array<i32>} : memref<16x128xf32, #tpu.memory_space<vmem>>, vector<16xf32>,
          %get3A_389 = arith.index_cast %scan3A_214 : i32 to index
          %get3A_390 = arith.constant 32 : index
          %get3A_391 = tpu.vector_load %arg23[%get3A_389, %get3A_390] {strides = array<i32>} : memref<16x128xf32, #tpu.memory_space<vmem>>, vector<16xf32>,
          %mul3A_392 = vector.broadcast %squeeze3A_372 : f32 to vector<16xf32>
          %mul3A_393 = arith.mulf %get3A_391, %mul3A_392 : vector<16xf32>
          %swap3A_394 = arith.index_cast %scan3A_214 : i32 to index
          %swap3A_395 = arith.constant 32 : index
          %swap3A_396 = tpu.vector_load %arg23[%swap3A_394, %swap3A_395] {strides = array<i32>} : memref<16x128xf32, #tpu.memory_space<vmem>>, vector<16xf32>,
          tpu.vector_store %arg23[%swap3A_394, %swap3A_395], %mul3A_393 {strides = array<i32>} : memref<16x128xf32, #tpu.memory_space<vmem>>, vector<16xf32>,
          %get3A_397 = arith.index_cast %scan3A_214 : i32 to index
          %get3A_398 = arith.constant 48 : index
          %get3A_399 = tpu.vector_load %arg23[%get3A_397, %get3A_398] {strides = array<i32>} : memref<16x128xf32, #tpu.memory_space<vmem>>, vector<16xf32>,
          %mul3A_400 = vector.broadcast %squeeze3A_372 : f32 to vector<16xf32>
          %mul3A_401 = arith.mulf %get3A_399, %mul3A_400 : vector<16xf32>
          %swap3A_402 = arith.index_cast %scan3A_214 : i32 to index
          %swap3A_403 = arith.constant 48 : index
          %swap3A_404 = tpu.vector_load %arg23[%swap3A_402, %swap3A_403] {strides = array<i32>} : memref<16x128xf32, #tpu.memory_space<vmem>>, vector<16xf32>,
          tpu.vector_store %arg23[%swap3A_402, %swap3A_403], %mul3A_401 {strides = array<i32>} : memref<16x128xf32, #tpu.memory_space<vmem>>, vector<16xf32>,
          %get3A_405 = arith.index_cast %scan3A_214 : i32 to index
          %get3A_406 = arith.constant 64 : index
          %get3A_407 = tpu.vector_load %arg23[%get3A_405, %get3A_406] {strides = array<i32>} : memref<16x128xf32, #tpu.memory_space<vmem>>, vector<16xf32>,
          %mul3A_408 = vector.broadcast %squeeze3A_372 : f32 to vector<16xf32>
          %mul3A_409 = arith.mulf %get3A_407, %mul3A_408 : vector<16xf32>
          %swap3A_410 = arith.index_cast %scan3A_214 : i32 to index
          %swap3A_411 = arith.constant 64 : index
          %swap3A_412 = tpu.vector_load %arg23[%swap3A_410, %swap3A_411] {strides = array<i32>} : memref<16x128xf32, #tpu.memory_space<vmem>>, vector<16xf32>,
          tpu.vector_store %arg23[%swap3A_410, %swap3A_411], %mul3A_409 {strides = array<i32>} : memref<16x128xf32, #tpu.memory_space<vmem>>, vector<16xf32>,
          %get3A_413 = arith.index_cast %scan3A_214 : i32 to index
          %get3A_414 = arith.constant 80 : index
          %get3A_415 = tpu.vector_load %arg23[%get3A_413, %get3A_414] {strides = array<i32>} : memref<16x128xf32, #tpu.memory_space<vmem>>, vector<16xf32>,
          %mul3A_416 = vector.broadcast %squeeze3A_372 : f32 to vector<16xf32>
          %mul3A_417 = arith.mulf %get3A_415, %mul3A_416 : vector<16xf32>
          %swap3A_418 = arith.index_cast %scan3A_214 : i32 to index
          %swap3A_419 = arith.constant 80 : index
          %swap3A_420 = tpu.vector_load %arg23[%swap3A_418, %swap3A_419] {strides = array<i32>} : memref<16x128xf32, #tpu.memory_space<vmem>>, vector<16xf32>,
          tpu.vector_store %arg23[%swap3A_418, %swap3A_419], %mul3A_417 {strides = array<i32>} : memref<16x128xf32, #tpu.memory_space<vmem>>, vector<16xf32>,
          %get3A_421 = arith.index_cast %scan3A_214 : i32 to index
          %get3A_422 = arith.constant 96 : index
          %get3A_423 = tpu.vector_load %arg23[%get3A_421, %get3A_422] {strides = array<i32>} : memref<16x128xf32, #tpu.memory_space<vmem>>, vector<16xf32>,
          %mul3A_424 = vector.broadcast %squeeze3A_372 : f32 to vector<16xf32>
          %mul3A_425 = arith.mulf %get3A_423, %mul3A_424 : vector<16xf32>
          %swap3A_426 = arith.index_cast %scan3A_214 : i32 to index
          %swap3A_427 = arith.constant 96 : index
          %swap3A_428 = tpu.vector_load %arg23[%swap3A_426, %swap3A_427] {strides = array<i32>} : memref<16x128xf32, #tpu.memory_space<vmem>>, vector<16xf32>,
          tpu.vector_store %arg23[%swap3A_426, %swap3A_427], %mul3A_425 {strides = array<i32>} : memref<16x128xf32, #tpu.memory_space<vmem>>, vector<16xf32>,
          %get3A_429 = arith.index_cast %scan3A_214 : i32 to index
          %get3A_430 = arith.constant 112 : index
          %get3A_431 = tpu.vector_load %arg23[%get3A_429, %get3A_430] {strides = array<i32>} : memref<16x128xf32, #tpu.memory_space<vmem>>, vector<16xf32>,
          %mul3A_432 = vector.broadcast %squeeze3A_372 : f32 to vector<16xf32>
          %mul3A_433 = arith.mulf %get3A_431, %mul3A_432 : vector<16xf32>
          %swap3A_434 = arith.index_cast %scan3A_214 : i32 to index
          %swap3A_435 = arith.constant 112 : index
          %swap3A_436 = tpu.vector_load %arg23[%swap3A_434, %swap3A_435] {strides = array<i32>} : memref<16x128xf32, #tpu.memory_space<vmem>>, vector<16xf32>,
          tpu.vector_store %arg23[%swap3A_434, %swap3A_435], %mul3A_433 {strides = array<i32>} : memref<16x128xf32, #tpu.memory_space<vmem>>, vector<16xf32>,
          %slice3A_437 = vector.extract_strided_slice %exp3A {offsets = [3], sizes = [1], strides = [1]} : vector<16xf32> to vector<1xf32>
          %squeeze3A_438 = vector.extract %slice3A_437[0] : f32 from vector<1xf32>
          %get3A_439 = arith.index_cast %scan3A_214 : i32 to index
          %get3A_440 = arith.constant 0 : index
          %get3A_441 = tpu.vector_load %arg24[%get3A_439, %get3A_440] {strides = array<i32>} : memref<16x128xf32, #tpu.memory_space<vmem>>, vector<16xf32>,
          %mul3A_442 = vector.broadcast %squeeze3A_438 : f32 to vector<16xf32>
          %mul3A_443 = arith.mulf %get3A_441, %mul3A_442 : vector<16xf32>
          %swap3A_444 = arith.index_cast %scan3A_214 : i32 to index
          %swap3A_445 = arith.constant 0 : index
          %swap3A_446 = tpu.vector_load %arg24[%swap3A_444, %swap3A_445] {strides = array<i32>} : memref<16x128xf32, #tpu.memory_space<vmem>>, vector<16xf32>,
          tpu.vector_store %arg24[%swap3A_444, %swap3A_445], %mul3A_443 {strides = array<i32>} : memref<16x128xf32, #tpu.memory_space<vmem>>, vector<16xf32>,
          %get3A_447 = arith.index_cast %scan3A_214 : i32 to index
          %get3A_448 = arith.constant 16 : index
          %get3A_449 = tpu.vector_load %arg24[%get3A_447, %get3A_448] {strides = array<i32>} : memref<16x128xf32, #tpu.memory_space<vmem>>, vector<16xf32>,
          %mul3A_450 = vector.broadcast %squeeze3A_438 : f32 to vector<16xf32>
          %mul3A_451 = arith.mulf %get3A_449, %mul3A_450 : vector<16xf32>
          %swap3A_452 = arith.index_cast %scan3A_214 : i32 to index
          %swap3A_453 = arith.constant 16 : index
          %swap3A_454 = tpu.vector_load %arg24[%swap3A_452, %swap3A_453] {strides = array<i32>} : memref<16x128xf32, #tpu.memory_space<vmem>>, vector<16xf32>,
          tpu.vector_store %arg24[%swap3A_452, %swap3A_453], %mul3A_451 {strides = array<i32>} : memref<16x128xf32, #tpu.memory_space<vmem>>, vector<16xf32>,
          %get3A_455 = arith.index_cast %scan3A_214 : i32 to index
          %get3A_456 = arith.constant 32 : index
          %get3A_457 = tpu.vector_load %arg24[%get3A_455, %get3A_456] {strides = array<i32>} : memref<16x128xf32, #tpu.memory_space<vmem>>, vector<16xf32>,
          %mul3A_458 = vector.broadcast %squeeze3A_438 : f32 to vector<16xf32>
          %mul3A_459 = arith.mulf %get3A_457, %mul3A_458 : vector<16xf32>
          %swap3A_460 = arith.index_cast %scan3A_214 : i32 to index
          %swap3A_461 = arith.constant 32 : index
          %swap3A_462 = tpu.vector_load %arg24[%swap3A_460, %swap3A_461] {strides = array<i32>} : memref<16x128xf32, #tpu.memory_space<vmem>>, vector<16xf32>,
          tpu.vector_store %arg24[%swap3A_460, %swap3A_461], %mul3A_459 {strides = array<i32>} : memref<16x128xf32, #tpu.memory_space<vmem>>, vector<16xf32>,
          %get3A_463 = arith.index_cast %scan3A_214 : i32 to index
          %get3A_464 = arith.constant 48 : index
          %get3A_465 = tpu.vector_load %arg24[%get3A_463, %get3A_464] {strides = array<i32>} : memref<16x128xf32, #tpu.memory_space<vmem>>, vector<16xf32>,
          %mul3A_466 = vector.broadcast %squeeze3A_438 : f32 to vector<16xf32>
          %mul3A_467 = arith.mulf %get3A_465, %mul3A_466 : vector<16xf32>
          %swap3A_468 = arith.index_cast %scan3A_214 : i32 to index
          %swap3A_469 = arith.constant 48 : index
          %swap3A_470 = tpu.vector_load %arg24[%swap3A_468, %swap3A_469] {strides = array<i32>} : memref<16x128xf32, #tpu.memory_space<vmem>>, vector<16xf32>,
          tpu.vector_store %arg24[%swap3A_468, %swap3A_469], %mul3A_467 {strides = array<i32>} : memref<16x128xf32, #tpu.memory_space<vmem>>, vector<16xf32>,
          %get3A_471 = arith.index_cast %scan3A_214 : i32 to index
          %get3A_472 = arith.constant 64 : index
          %get3A_473 = tpu.vector_load %arg24[%get3A_471, %get3A_472] {strides = array<i32>} : memref<16x128xf32, #tpu.memory_space<vmem>>, vector<16xf32>,
          %mul3A_474 = vector.broadcast %squeeze3A_438 : f32 to vector<16xf32>
          %mul3A_475 = arith.mulf %get3A_473, %mul3A_474 : vector<16xf32>
          %swap3A_476 = arith.index_cast %scan3A_214 : i32 to index
          %swap3A_477 = arith.constant 64 : index
          %swap3A_478 = tpu.vector_load %arg24[%swap3A_476, %swap3A_477] {strides = array<i32>} : memref<16x128xf32, #tpu.memory_space<vmem>>, vector<16xf32>,
          tpu.vector_store %arg24[%swap3A_476, %swap3A_477], %mul3A_475 {strides = array<i32>} : memref<16x128xf32, #tpu.memory_space<vmem>>, vector<16xf32>,
          %get3A_479 = arith.index_cast %scan3A_214 : i32 to index
          %get3A_480 = arith.constant 80 : index
          %get3A_481 = tpu.vector_load %arg24[%get3A_479, %get3A_480] {strides = array<i32>} : memref<16x128xf32, #tpu.memory_space<vmem>>, vector<16xf32>,
          %mul3A_482 = vector.broadcast %squeeze3A_438 : f32 to vector<16xf32>
          %mul3A_483 = arith.mulf %get3A_481, %mul3A_482 : vector<16xf32>
          %swap3A_484 = arith.index_cast %scan3A_214 : i32 to index
          %swap3A_485 = arith.constant 80 : index
          %swap3A_486 = tpu.vector_load %arg24[%swap3A_484, %swap3A_485] {strides = array<i32>} : memref<16x128xf32, #tpu.memory_space<vmem>>, vector<16xf32>,
          tpu.vector_store %arg24[%swap3A_484, %swap3A_485], %mul3A_483 {strides = array<i32>} : memref<16x128xf32, #tpu.memory_space<vmem>>, vector<16xf32>,
          %get3A_487 = arith.index_cast %scan3A_214 : i32 to index
          %get3A_488 = arith.constant 96 : index
          %get3A_489 = tpu.vector_load %arg24[%get3A_487, %get3A_488] {strides = array<i32>} : memref<16x128xf32, #tpu.memory_space<vmem>>, vector<16xf32>,
          %mul3A_490 = vector.broadcast %squeeze3A_438 : f32 to vector<16xf32>
          %mul3A_491 = arith.mulf %get3A_489, %mul3A_490 : vector<16xf32>
          %swap3A_492 = arith.index_cast %scan3A_214 : i32 to index
          %swap3A_493 = arith.constant 96 : index
          %swap3A_494 = tpu.vector_load %arg24[%swap3A_492, %swap3A_493] {strides = array<i32>} : memref<16x128xf32, #tpu.memory_space<vmem>>, vector<16xf32>,
          tpu.vector_store %arg24[%swap3A_492, %swap3A_493], %mul3A_491 {strides = array<i32>} : memref<16x128xf32, #tpu.memory_space<vmem>>, vector<16xf32>,
          %get3A_495 = arith.index_cast %scan3A_214 : i32 to index
          %get3A_496 = arith.constant 112 : index
          %get3A_497 = tpu.vector_load %arg24[%get3A_495, %get3A_496] {strides = array<i32>} : memref<16x128xf32, #tpu.memory_space<vmem>>, vector<16xf32>,
          %mul3A_498 = vector.broadcast %squeeze3A_438 : f32 to vector<16xf32>
          %mul3A_499 = arith.mulf %get3A_497, %mul3A_498 : vector<16xf32>
          %swap3A_500 = arith.index_cast %scan3A_214 : i32 to index
          %swap3A_501 = arith.constant 112 : index
          %swap3A_502 = tpu.vector_load %arg24[%swap3A_500, %swap3A_501] {strides = array<i32>} : memref<16x128xf32, #tpu.memory_space<vmem>>, vector<16xf32>,
          tpu.vector_store %arg24[%swap3A_500, %swap3A_501], %mul3A_499 {strides = array<i32>} : memref<16x128xf32, #tpu.memory_space<vmem>>, vector<16xf32>,
          %slice3A_503 = vector.extract_strided_slice %exp3A {offsets = [4], sizes = [1], strides = [1]} : vector<16xf32> to vector<1xf32>
          %squeeze3A_504 = vector.extract %slice3A_503[0] : f32 from vector<1xf32>
          %get3A_505 = arith.index_cast %scan3A_214 : i32 to index
          %get3A_506 = arith.constant 0 : index
          %get3A_507 = tpu.vector_load %arg25[%get3A_505, %get3A_506] {strides = array<i32>} : memref<16x128xf32, #tpu.memory_space<vmem>>, vector<16xf32>,
          %mul3A_508 = vector.broadcast %squeeze3A_504 : f32 to vector<16xf32>
          %mul3A_509 = arith.mulf %get3A_507, %mul3A_508 : vector<16xf32>
          %swap3A_510 = arith.index_cast %scan3A_214 : i32 to index
          %swap3A_511 = arith.constant 0 : index
          %swap3A_512 = tpu.vector_load %arg25[%swap3A_510, %swap3A_511] {strides = array<i32>} : memref<16x128xf32, #tpu.memory_space<vmem>>, vector<16xf32>,
          tpu.vector_store %arg25[%swap3A_510, %swap3A_511], %mul3A_509 {strides = array<i32>} : memref<16x128xf32, #tpu.memory_space<vmem>>, vector<16xf32>,
          %get3A_513 = arith.index_cast %scan3A_214 : i32 to index
          %get3A_514 = arith.constant 16 : index
          %get3A_515 = tpu.vector_load %arg25[%get3A_513, %get3A_514] {strides = array<i32>} : memref<16x128xf32, #tpu.memory_space<vmem>>, vector<16xf32>,
          %mul3A_516 = vector.broadcast %squeeze3A_504 : f32 to vector<16xf32>
          %mul3A_517 = arith.mulf %get3A_515, %mul3A_516 : vector<16xf32>
          %swap3A_518 = arith.index_cast %scan3A_214 : i32 to index
          %swap3A_519 = arith.constant 16 : index
          %swap3A_520 = tpu.vector_load %arg25[%swap3A_518, %swap3A_519] {strides = array<i32>} : memref<16x128xf32, #tpu.memory_space<vmem>>, vector<16xf32>,
          tpu.vector_store %arg25[%swap3A_518, %swap3A_519], %mul3A_517 {strides = array<i32>} : memref<16x128xf32, #tpu.memory_space<vmem>>, vector<16xf32>,
          %get3A_521 = arith.index_cast %scan3A_214 : i32 to index
          %get3A_522 = arith.constant 32 : index
          %get3A_523 = tpu.vector_load %arg25[%get3A_521, %get3A_522] {strides = array<i32>} : memref<16x128xf32, #tpu.memory_space<vmem>>, vector<16xf32>,
          %mul3A_524 = vector.broadcast %squeeze3A_504 : f32 to vector<16xf32>
          %mul3A_525 = arith.mulf %get3A_523, %mul3A_524 : vector<16xf32>
          %swap3A_526 = arith.index_cast %scan3A_214 : i32 to index
          %swap3A_527 = arith.constant 32 : index
          %swap3A_528 = tpu.vector_load %arg25[%swap3A_526, %swap3A_527] {strides = array<i32>} : memref<16x128xf32, #tpu.memory_space<vmem>>, vector<16xf32>,
          tpu.vector_store %arg25[%swap3A_526, %swap3A_527], %mul3A_525 {strides = array<i32>} : memref<16x128xf32, #tpu.memory_space<vmem>>, vector<16xf32>,
          %get3A_529 = arith.index_cast %scan3A_214 : i32 to index
          %get3A_530 = arith.constant 48 : index
          %get3A_531 = tpu.vector_load %arg25[%get3A_529, %get3A_530] {strides = array<i32>} : memref<16x128xf32, #tpu.memory_space<vmem>>, vector<16xf32>,
          %mul3A_532 = vector.broadcast %squeeze3A_504 : f32 to vector<16xf32>
          %mul3A_533 = arith.mulf %get3A_531, %mul3A_532 : vector<16xf32>
          %swap3A_534 = arith.index_cast %scan3A_214 : i32 to index
          %swap3A_535 = arith.constant 48 : index
          %swap3A_536 = tpu.vector_load %arg25[%swap3A_534, %swap3A_535] {strides = array<i32>} : memref<16x128xf32, #tpu.memory_space<vmem>>, vector<16xf32>,
          tpu.vector_store %arg25[%swap3A_534, %swap3A_535], %mul3A_533 {strides = array<i32>} : memref<16x128xf32, #tpu.memory_space<vmem>>, vector<16xf32>,
          %get3A_537 = arith.index_cast %scan3A_214 : i32 to index
          %get3A_538 = arith.constant 64 : index
          %get3A_539 = tpu.vector_load %arg25[%get3A_537, %get3A_538] {strides = array<i32>} : memref<16x128xf32, #tpu.memory_space<vmem>>, vector<16xf32>,
          %mul3A_540 = vector.broadcast %squeeze3A_504 : f32 to vector<16xf32>
          %mul3A_541 = arith.mulf %get3A_539, %mul3A_540 : vector<16xf32>
          %swap3A_542 = arith.index_cast %scan3A_214 : i32 to index
          %swap3A_543 = arith.constant 64 : index
          %swap3A_544 = tpu.vector_load %arg25[%swap3A_542, %swap3A_543] {strides = array<i32>} : memref<16x128xf32, #tpu.memory_space<vmem>>, vector<16xf32>,
          tpu.vector_store %arg25[%swap3A_542, %swap3A_543], %mul3A_541 {strides = array<i32>} : memref<16x128xf32, #tpu.memory_space<vmem>>, vector<16xf32>,
          %get3A_545 = arith.index_cast %scan3A_214 : i32 to index
          %get3A_546 = arith.constant 80 : index
          %get3A_547 = tpu.vector_load %arg25[%get3A_545, %get3A_546] {strides = array<i32>} : memref<16x128xf32, #tpu.memory_space<vmem>>, vector<16xf32>,
          %mul3A_548 = vector.broadcast %squeeze3A_504 : f32 to vector<16xf32>
          %mul3A_549 = arith.mulf %get3A_547, %mul3A_548 : vector<16xf32>
          %swap3A_550 = arith.index_cast %scan3A_214 : i32 to index
          %swap3A_551 = arith.constant 80 : index
          %swap3A_552 = tpu.vector_load %arg25[%swap3A_550, %swap3A_551] {strides = array<i32>} : memref<16x128xf32, #tpu.memory_space<vmem>>, vector<16xf32>,
          tpu.vector_store %arg25[%swap3A_550, %swap3A_551], %mul3A_549 {strides = array<i32>} : memref<16x128xf32, #tpu.memory_space<vmem>>, vector<16xf32>,
          %get3A_553 = arith.index_cast %scan3A_214 : i32 to index
          %get3A_554 = arith.constant 96 : index
          %get3A_555 = tpu.vector_load %arg25[%get3A_553, %get3A_554] {strides = array<i32>} : memref<16x128xf32, #tpu.memory_space<vmem>>, vector<16xf32>,
          %mul3A_556 = vector.broadcast %squeeze3A_504 : f32 to vector<16xf32>
          %mul3A_557 = arith.mulf %get3A_555, %mul3A_556 : vector<16xf32>
          %swap3A_558 = arith.index_cast %scan3A_214 : i32 to index
          %swap3A_559 = arith.constant 96 : index
          %swap3A_560 = tpu.vector_load %arg25[%swap3A_558, %swap3A_559] {strides = array<i32>} : memref<16x128xf32, #tpu.memory_space<vmem>>, vector<16xf32>,
          tpu.vector_store %arg25[%swap3A_558, %swap3A_559], %mul3A_557 {strides = array<i32>} : memref<16x128xf32, #tpu.memory_space<vmem>>, vector<16xf32>,
          %get3A_561 = arith.index_cast %scan3A_214 : i32 to index
          %get3A_562 = arith.constant 112 : index
          %get3A_563 = tpu.vector_load %arg25[%get3A_561, %get3A_562] {strides = array<i32>} : memref<16x128xf32, #tpu.memory_space<vmem>>, vector<16xf32>,
          %mul3A_564 = vector.broadcast %squeeze3A_504 : f32 to vector<16xf32>
          %mul3A_565 = arith.mulf %get3A_563, %mul3A_564 : vector<16xf32>
          %swap3A_566 = arith.index_cast %scan3A_214 : i32 to index
          %swap3A_567 = arith.constant 112 : index
          %swap3A_568 = tpu.vector_load %arg25[%swap3A_566, %swap3A_567] {strides = array<i32>} : memref<16x128xf32, #tpu.memory_space<vmem>>, vector<16xf32>,
          tpu.vector_store %arg25[%swap3A_566, %swap3A_567], %mul3A_565 {strides = array<i32>} : memref<16x128xf32, #tpu.memory_space<vmem>>, vector<16xf32>,
          %slice3A_569 = vector.extract_strided_slice %exp3A {offsets = [5], sizes = [1], strides = [1]} : vector<16xf32> to vector<1xf32>
          %squeeze3A_570 = vector.extract %slice3A_569[0] : f32 from vector<1xf32>
          %get3A_571 = arith.index_cast %scan3A_214 : i32 to index
          %get3A_572 = arith.constant 0 : index
          %get3A_573 = tpu.vector_load %arg26[%get3A_571, %get3A_572] {strides = array<i32>} : memref<16x128xf32, #tpu.memory_space<vmem>>, vector<16xf32>,
          %mul3A_574 = vector.broadcast %squeeze3A_570 : f32 to vector<16xf32>
          %mul3A_575 = arith.mulf %get3A_573, %mul3A_574 : vector<16xf32>
          %swap3A_576 = arith.index_cast %scan3A_214 : i32 to index
          %swap3A_577 = arith.constant 0 : index
          %swap3A_578 = tpu.vector_load %arg26[%swap3A_576, %swap3A_577] {strides = array<i32>} : memref<16x128xf32, #tpu.memory_space<vmem>>, vector<16xf32>,
          tpu.vector_store %arg26[%swap3A_576, %swap3A_577], %mul3A_575 {strides = array<i32>} : memref<16x128xf32, #tpu.memory_space<vmem>>, vector<16xf32>,
          %get3A_579 = arith.index_cast %scan3A_214 : i32 to index
          %get3A_580 = arith.constant 16 : index
          %get3A_581 = tpu.vector_load %arg26[%get3A_579, %get3A_580] {strides = array<i32>} : memref<16x128xf32, #tpu.memory_space<vmem>>, vector<16xf32>,
          %mul3A_582 = vector.broadcast %squeeze3A_570 : f32 to vector<16xf32>
          %mul3A_583 = arith.mulf %get3A_581, %mul3A_582 : vector<16xf32>
          %swap3A_584 = arith.index_cast %scan3A_214 : i32 to index
          %swap3A_585 = arith.constant 16 : index
          %swap3A_586 = tpu.vector_load %arg26[%swap3A_584, %swap3A_585] {strides = array<i32>} : memref<16x128xf32, #tpu.memory_space<vmem>>, vector<16xf32>,
          tpu.vector_store %arg26[%swap3A_584, %swap3A_585], %mul3A_583 {strides = array<i32>} : memref<16x128xf32, #tpu.memory_space<vmem>>, vector<16xf32>,
          %get3A_587 = arith.index_cast %scan3A_214 : i32 to index
          %get3A_588 = arith.constant 32 : index
          %get3A_589 = tpu.vector_load %arg26[%get3A_587, %get3A_588] {strides = array<i32>} : memref<16x128xf32, #tpu.memory_space<vmem>>, vector<16xf32>,
          %mul3A_590 = vector.broadcast %squeeze3A_570 : f32 to vector<16xf32>
          %mul3A_591 = arith.mulf %get3A_589, %mul3A_590 : vector<16xf32>
          %swap3A_592 = arith.index_cast %scan3A_214 : i32 to index
          %swap3A_593 = arith.constant 32 : index
          %swap3A_594 = tpu.vector_load %arg26[%swap3A_592, %swap3A_593] {strides = array<i32>} : memref<16x128xf32, #tpu.memory_space<vmem>>, vector<16xf32>,
          tpu.vector_store %arg26[%swap3A_592, %swap3A_593], %mul3A_591 {strides = array<i32>} : memref<16x128xf32, #tpu.memory_space<vmem>>, vector<16xf32>,
          %get3A_595 = arith.index_cast %scan3A_214 : i32 to index
          %get3A_596 = arith.constant 48 : index
          %get3A_597 = tpu.vector_load %arg26[%get3A_595, %get3A_596] {strides = array<i32>} : memref<16x128xf32, #tpu.memory_space<vmem>>, vector<16xf32>,
          %mul3A_598 = vector.broadcast %squeeze3A_570 : f32 to vector<16xf32>
          %mul3A_599 = arith.mulf %get3A_597, %mul3A_598 : vector<16xf32>
          %swap3A_600 = arith.index_cast %scan3A_214 : i32 to index
          %swap3A_601 = arith.constant 48 : index
          %swap3A_602 = tpu.vector_load %arg26[%swap3A_600, %swap3A_601] {strides = array<i32>} : memref<16x128xf32, #tpu.memory_space<vmem>>, vector<16xf32>,
          tpu.vector_store %arg26[%swap3A_600, %swap3A_601], %mul3A_599 {strides = array<i32>} : memref<16x128xf32, #tpu.memory_space<vmem>>, vector<16xf32>,
          %get3A_603 = arith.index_cast %scan3A_214 : i32 to index
          %get3A_604 = arith.constant 64 : index
          %get3A_605 = tpu.vector_load %arg26[%get3A_603, %get3A_604] {strides = array<i32>} : memref<16x128xf32, #tpu.memory_space<vmem>>, vector<16xf32>,
          %mul3A_606 = vector.broadcast %squeeze3A_570 : f32 to vector<16xf32>
          %mul3A_607 = arith.mulf %get3A_605, %mul3A_606 : vector<16xf32>
          %swap3A_608 = arith.index_cast %scan3A_214 : i32 to index
          %swap3A_609 = arith.constant 64 : index
          %swap3A_610 = tpu.vector_load %arg26[%swap3A_608, %swap3A_609] {strides = array<i32>} : memref<16x128xf32, #tpu.memory_space<vmem>>, vector<16xf32>,
          tpu.vector_store %arg26[%swap3A_608, %swap3A_609], %mul3A_607 {strides = array<i32>} : memref<16x128xf32, #tpu.memory_space<vmem>>, vector<16xf32>,
          %get3A_611 = arith.index_cast %scan3A_214 : i32 to index
          %get3A_612 = arith.constant 80 : index
          %get3A_613 = tpu.vector_load %arg26[%get3A_611, %get3A_612] {strides = array<i32>} : memref<16x128xf32, #tpu.memory_space<vmem>>, vector<16xf32>,
          %mul3A_614 = vector.broadcast %squeeze3A_570 : f32 to vector<16xf32>
          %mul3A_615 = arith.mulf %get3A_613, %mul3A_614 : vector<16xf32>
          %swap3A_616 = arith.index_cast %scan3A_214 : i32 to index
          %swap3A_617 = arith.constant 80 : index
          %swap3A_618 = tpu.vector_load %arg26[%swap3A_616, %swap3A_617] {strides = array<i32>} : memref<16x128xf32, #tpu.memory_space<vmem>>, vector<16xf32>,
          tpu.vector_store %arg26[%swap3A_616, %swap3A_617], %mul3A_615 {strides = array<i32>} : memref<16x128xf32, #tpu.memory_space<vmem>>, vector<16xf32>,
          %get3A_619 = arith.index_cast %scan3A_214 : i32 to index
          %get3A_620 = arith.constant 96 : index
          %get3A_621 = tpu.vector_load %arg26[%get3A_619, %get3A_620] {strides = array<i32>} : memref<16x128xf32, #tpu.memory_space<vmem>>, vector<16xf32>,
          %mul3A_622 = vector.broadcast %squeeze3A_570 : f32 to vector<16xf32>
          %mul3A_623 = arith.mulf %get3A_621, %mul3A_622 : vector<16xf32>
          %swap3A_624 = arith.index_cast %scan3A_214 : i32 to index
          %swap3A_625 = arith.constant 96 : index
          %swap3A_626 = tpu.vector_load %arg26[%swap3A_624, %swap3A_625] {strides = array<i32>} : memref<16x128xf32, #tpu.memory_space<vmem>>, vector<16xf32>,
          tpu.vector_store %arg26[%swap3A_624, %swap3A_625], %mul3A_623 {strides = array<i32>} : memref<16x128xf32, #tpu.memory_space<vmem>>, vector<16xf32>,
          %get3A_627 = arith.index_cast %scan3A_214 : i32 to index
          %get3A_628 = arith.constant 112 : index
          %get3A_629 = tpu.vector_load %arg26[%get3A_627, %get3A_628] {strides = array<i32>} : memref<16x128xf32, #tpu.memory_space<vmem>>, vector<16xf32>,
          %mul3A_630 = vector.broadcast %squeeze3A_570 : f32 to vector<16xf32>
          %mul3A_631 = arith.mulf %get3A_629, %mul3A_630 : vector<16xf32>
          %swap3A_632 = arith.index_cast %scan3A_214 : i32 to index
          %swap3A_633 = arith.constant 112 : index
          %swap3A_634 = tpu.vector_load %arg26[%swap3A_632, %swap3A_633] {strides = array<i32>} : memref<16x128xf32, #tpu.memory_space<vmem>>, vector<16xf32>,
          tpu.vector_store %arg26[%swap3A_632, %swap3A_633], %mul3A_631 {strides = array<i32>} : memref<16x128xf32, #tpu.memory_space<vmem>>, vector<16xf32>,
          %slice3A_635 = vector.extract_strided_slice %exp3A {offsets = [6], sizes = [1], strides = [1]} : vector<16xf32> to vector<1xf32>
          %squeeze3A_636 = vector.extract %slice3A_635[0] : f32 from vector<1xf32>
          %get3A_637 = arith.index_cast %scan3A_214 : i32 to index
          %get3A_638 = arith.constant 0 : index
          %get3A_639 = tpu.vector_load %arg27[%get3A_637, %get3A_638] {strides = array<i32>} : memref<16x128xf32, #tpu.memory_space<vmem>>, vector<16xf32>,
          %mul3A_640 = vector.broadcast %squeeze3A_636 : f32 to vector<16xf32>
          %mul3A_641 = arith.mulf %get3A_639, %mul3A_640 : vector<16xf32>
          %swap3A_642 = arith.index_cast %scan3A_214 : i32 to index
          %swap3A_643 = arith.constant 0 : index
          %swap3A_644 = tpu.vector_load %arg27[%swap3A_642, %swap3A_643] {strides = array<i32>} : memref<16x128xf32, #tpu.memory_space<vmem>>, vector<16xf32>,
          tpu.vector_store %arg27[%swap3A_642, %swap3A_643], %mul3A_641 {strides = array<i32>} : memref<16x128xf32, #tpu.memory_space<vmem>>, vector<16xf32>,
          %get3A_645 = arith.index_cast %scan3A_214 : i32 to index
          %get3A_646 = arith.constant 16 : index
          %get3A_647 = tpu.vector_load %arg27[%get3A_645, %get3A_646] {strides = array<i32>} : memref<16x128xf32, #tpu.memory_space<vmem>>, vector<16xf32>,
          %mul3A_648 = vector.broadcast %squeeze3A_636 : f32 to vector<16xf32>
          %mul3A_649 = arith.mulf %get3A_647, %mul3A_648 : vector<16xf32>
          %swap3A_650 = arith.index_cast %scan3A_214 : i32 to index
          %swap3A_651 = arith.constant 16 : index
          %swap3A_652 = tpu.vector_load %arg27[%swap3A_650, %swap3A_651] {strides = array<i32>} : memref<16x128xf32, #tpu.memory_space<vmem>>, vector<16xf32>,
          tpu.vector_store %arg27[%swap3A_650, %swap3A_651], %mul3A_649 {strides = array<i32>} : memref<16x128xf32, #tpu.memory_space<vmem>>, vector<16xf32>,
          %get3A_653 = arith.index_cast %scan3A_214 : i32 to index
          %get3A_654 = arith.constant 32 : index
          %get3A_655 = tpu.vector_load %arg27[%get3A_653, %get3A_654] {strides = array<i32>} : memref<16x128xf32, #tpu.memory_space<vmem>>, vector<16xf32>,
          %mul3A_656 = vector.broadcast %squeeze3A_636 : f32 to vector<16xf32>
          %mul3A_657 = arith.mulf %get3A_655, %mul3A_656 : vector<16xf32>
          %swap3A_658 = arith.index_cast %scan3A_214 : i32 to index
          %swap3A_659 = arith.constant 32 : index
          %swap3A_660 = tpu.vector_load %arg27[%swap3A_658, %swap3A_659] {strides = array<i32>} : memref<16x128xf32, #tpu.memory_space<vmem>>, vector<16xf32>,
          tpu.vector_store %arg27[%swap3A_658, %swap3A_659], %mul3A_657 {strides = array<i32>} : memref<16x128xf32, #tpu.memory_space<vmem>>, vector<16xf32>,
          %get3A_661 = arith.index_cast %scan3A_214 : i32 to index
          %get3A_662 = arith.constant 48 : index
          %get3A_663 = tpu.vector_load %arg27[%get3A_661, %get3A_662] {strides = array<i32>} : memref<16x128xf32, #tpu.memory_space<vmem>>, vector<16xf32>,
          %mul3A_664 = vector.broadcast %squeeze3A_636 : f32 to vector<16xf32>
          %mul3A_665 = arith.mulf %get3A_663, %mul3A_664 : vector<16xf32>
          %swap3A_666 = arith.index_cast %scan3A_214 : i32 to index
          %swap3A_667 = arith.constant 48 : index
          %swap3A_668 = tpu.vector_load %arg27[%swap3A_666, %swap3A_667] {strides = array<i32>} : memref<16x128xf32, #tpu.memory_space<vmem>>, vector<16xf32>,
          tpu.vector_store %arg27[%swap3A_666, %swap3A_667], %mul3A_665 {strides = array<i32>} : memref<16x128xf32, #tpu.memory_space<vmem>>, vector<16xf32>,
          %get3A_669 = arith.index_cast %scan3A_214 : i32 to index
          %get3A_670 = arith.constant 64 : index
          %get3A_671 = tpu.vector_load %arg27[%get3A_669, %get3A_670] {strides = array<i32>} : memref<16x128xf32, #tpu.memory_space<vmem>>, vector<16xf32>,
          %mul3A_672 = vector.broadcast %squeeze3A_636 : f32 to vector<16xf32>
          %mul3A_673 = arith.mulf %get3A_671, %mul3A_672 : vector<16xf32>
          %swap3A_674 = arith.index_cast %scan3A_214 : i32 to index
          %swap3A_675 = arith.constant 64 : index
          %swap3A_676 = tpu.vector_load %arg27[%swap3A_674, %swap3A_675] {strides = array<i32>} : memref<16x128xf32, #tpu.memory_space<vmem>>, vector<16xf32>,
          tpu.vector_store %arg27[%swap3A_674, %swap3A_675], %mul3A_673 {strides = array<i32>} : memref<16x128xf32, #tpu.memory_space<vmem>>, vector<16xf32>,
          %get3A_677 = arith.index_cast %scan3A_214 : i32 to index
          %get3A_678 = arith.constant 80 : index
          %get3A_679 = tpu.vector_load %arg27[%get3A_677, %get3A_678] {strides = array<i32>} : memref<16x128xf32, #tpu.memory_space<vmem>>, vector<16xf32>,
          %mul3A_680 = vector.broadcast %squeeze3A_636 : f32 to vector<16xf32>
          %mul3A_681 = arith.mulf %get3A_679, %mul3A_680 : vector<16xf32>
          %swap3A_682 = arith.index_cast %scan3A_214 : i32 to index
          %swap3A_683 = arith.constant 80 : index
          %swap3A_684 = tpu.vector_load %arg27[%swap3A_682, %swap3A_683] {strides = array<i32>} : memref<16x128xf32, #tpu.memory_space<vmem>>, vector<16xf32>,
          tpu.vector_store %arg27[%swap3A_682, %swap3A_683], %mul3A_681 {strides = array<i32>} : memref<16x128xf32, #tpu.memory_space<vmem>>, vector<16xf32>,
          %get3A_685 = arith.index_cast %scan3A_214 : i32 to index
          %get3A_686 = arith.constant 96 : index
          %get3A_687 = tpu.vector_load %arg27[%get3A_685, %get3A_686] {strides = array<i32>} : memref<16x128xf32, #tpu.memory_space<vmem>>, vector<16xf32>,
          %mul3A_688 = vector.broadcast %squeeze3A_636 : f32 to vector<16xf32>
          %mul3A_689 = arith.mulf %get3A_687, %mul3A_688 : vector<16xf32>
          %swap3A_690 = arith.index_cast %scan3A_214 : i32 to index
          %swap3A_691 = arith.constant 96 : index
          %swap3A_692 = tpu.vector_load %arg27[%swap3A_690, %swap3A_691] {strides = array<i32>} : memref<16x128xf32, #tpu.memory_space<vmem>>, vector<16xf32>,
          tpu.vector_store %arg27[%swap3A_690, %swap3A_691], %mul3A_689 {strides = array<i32>} : memref<16x128xf32, #tpu.memory_space<vmem>>, vector<16xf32>,
          %get3A_693 = arith.index_cast %scan3A_214 : i32 to index
          %get3A_694 = arith.constant 112 : index
          %get3A_695 = tpu.vector_load %arg27[%get3A_693, %get3A_694] {strides = array<i32>} : memref<16x128xf32, #tpu.memory_space<vmem>>, vector<16xf32>,
          %mul3A_696 = vector.broadcast %squeeze3A_636 : f32 to vector<16xf32>
          %mul3A_697 = arith.mulf %get3A_695, %mul3A_696 : vector<16xf32>
          %swap3A_698 = arith.index_cast %scan3A_214 : i32 to index
          %swap3A_699 = arith.constant 112 : index
          %swap3A_700 = tpu.vector_load %arg27[%swap3A_698, %swap3A_699] {strides = array<i32>} : memref<16x128xf32, #tpu.memory_space<vmem>>, vector<16xf32>,
          tpu.vector_store %arg27[%swap3A_698, %swap3A_699], %mul3A_697 {strides = array<i32>} : memref<16x128xf32, #tpu.memory_space<vmem>>, vector<16xf32>,
          %slice3A_701 = vector.extract_strided_slice %exp3A {offsets = [7], sizes = [1], strides = [1]} : vector<16xf32> to vector<1xf32>
          %squeeze3A_702 = vector.extract %slice3A_701[0] : f32 from vector<1xf32>
          %get3A_703 = arith.index_cast %scan3A_214 : i32 to index
          %get3A_704 = arith.constant 0 : index
          %get3A_705 = tpu.vector_load %arg28[%get3A_703, %get3A_704] {strides = array<i32>} : memref<16x128xf32, #tpu.memory_space<vmem>>, vector<16xf32>,
          %mul3A_706 = vector.broadcast %squeeze3A_702 : f32 to vector<16xf32>
          %mul3A_707 = arith.mulf %get3A_705, %mul3A_706 : vector<16xf32>
          %swap3A_708 = arith.index_cast %scan3A_214 : i32 to index
          %swap3A_709 = arith.constant 0 : index
          %swap3A_710 = tpu.vector_load %arg28[%swap3A_708, %swap3A_709] {strides = array<i32>} : memref<16x128xf32, #tpu.memory_space<vmem>>, vector<16xf32>,
          tpu.vector_store %arg28[%swap3A_708, %swap3A_709], %mul3A_707 {strides = array<i32>} : memref<16x128xf32, #tpu.memory_space<vmem>>, vector<16xf32>,
          %get3A_711 = arith.index_cast %scan3A_214 : i32 to index
          %get3A_712 = arith.constant 16 : index
          %get3A_713 = tpu.vector_load %arg28[%get3A_711, %get3A_712] {strides = array<i32>} : memref<16x128xf32, #tpu.memory_space<vmem>>, vector<16xf32>,
          %mul3A_714 = vector.broadcast %squeeze3A_702 : f32 to vector<16xf32>
          %mul3A_715 = arith.mulf %get3A_713, %mul3A_714 : vector<16xf32>
          %swap3A_716 = arith.index_cast %scan3A_214 : i32 to index
          %swap3A_717 = arith.constant 16 : index
          %swap3A_718 = tpu.vector_load %arg28[%swap3A_716, %swap3A_717] {strides = array<i32>} : memref<16x128xf32, #tpu.memory_space<vmem>>, vector<16xf32>,
          tpu.vector_store %arg28[%swap3A_716, %swap3A_717], %mul3A_715 {strides = array<i32>} : memref<16x128xf32, #tpu.memory_space<vmem>>, vector<16xf32>,
          %get3A_719 = arith.index_cast %scan3A_214 : i32 to index
          %get3A_720 = arith.constant 32 : index
          %get3A_721 = tpu.vector_load %arg28[%get3A_719, %get3A_720] {strides = array<i32>} : memref<16x128xf32, #tpu.memory_space<vmem>>, vector<16xf32>,
          %mul3A_722 = vector.broadcast %squeeze3A_702 : f32 to vector<16xf32>
          %mul3A_723 = arith.mulf %get3A_721, %mul3A_722 : vector<16xf32>
          %swap3A_724 = arith.index_cast %scan3A_214 : i32 to index
          %swap3A_725 = arith.constant 32 : index
          %swap3A_726 = tpu.vector_load %arg28[%swap3A_724, %swap3A_725] {strides = array<i32>} : memref<16x128xf32, #tpu.memory_space<vmem>>, vector<16xf32>,
          tpu.vector_store %arg28[%swap3A_724, %swap3A_725], %mul3A_723 {strides = array<i32>} : memref<16x128xf32, #tpu.memory_space<vmem>>, vector<16xf32>,
          %get3A_727 = arith.index_cast %scan3A_214 : i32 to index
          %get3A_728 = arith.constant 48 : index
          %get3A_729 = tpu.vector_load %arg28[%get3A_727, %get3A_728] {strides = array<i32>} : memref<16x128xf32, #tpu.memory_space<vmem>>, vector<16xf32>,
          %mul3A_730 = vector.broadcast %squeeze3A_702 : f32 to vector<16xf32>
          %mul3A_731 = arith.mulf %get3A_729, %mul3A_730 : vector<16xf32>
          %swap3A_732 = arith.index_cast %scan3A_214 : i32 to index
          %swap3A_733 = arith.constant 48 : index
          %swap3A_734 = tpu.vector_load %arg28[%swap3A_732, %swap3A_733] {strides = array<i32>} : memref<16x128xf32, #tpu.memory_space<vmem>>, vector<16xf32>,
          tpu.vector_store %arg28[%swap3A_732, %swap3A_733], %mul3A_731 {strides = array<i32>} : memref<16x128xf32, #tpu.memory_space<vmem>>, vector<16xf32>,
          %get3A_735 = arith.index_cast %scan3A_214 : i32 to index
          %get3A_736 = arith.constant 64 : index
          %get3A_737 = tpu.vector_load %arg28[%get3A_735, %get3A_736] {strides = array<i32>} : memref<16x128xf32, #tpu.memory_space<vmem>>, vector<16xf32>,
          %mul3A_738 = vector.broadcast %squeeze3A_702 : f32 to vector<16xf32>
          %mul3A_739 = arith.mulf %get3A_737, %mul3A_738 : vector<16xf32>
          %swap3A_740 = arith.index_cast %scan3A_214 : i32 to index
          %swap3A_741 = arith.constant 64 : index
          %swap3A_742 = tpu.vector_load %arg28[%swap3A_740, %swap3A_741] {strides = array<i32>} : memref<16x128xf32, #tpu.memory_space<vmem>>, vector<16xf32>,
          tpu.vector_store %arg28[%swap3A_740, %swap3A_741], %mul3A_739 {strides = array<i32>} : memref<16x128xf32, #tpu.memory_space<vmem>>, vector<16xf32>,
          %get3A_743 = arith.index_cast %scan3A_214 : i32 to index
          %get3A_744 = arith.constant 80 : index
          %get3A_745 = tpu.vector_load %arg28[%get3A_743, %get3A_744] {strides = array<i32>} : memref<16x128xf32, #tpu.memory_space<vmem>>, vector<16xf32>,
          %mul3A_746 = vector.broadcast %squeeze3A_702 : f32 to vector<16xf32>
          %mul3A_747 = arith.mulf %get3A_745, %mul3A_746 : vector<16xf32>
          %swap3A_748 = arith.index_cast %scan3A_214 : i32 to index
          %swap3A_749 = arith.constant 80 : index
          %swap3A_750 = tpu.vector_load %arg28[%swap3A_748, %swap3A_749] {strides = array<i32>} : memref<16x128xf32, #tpu.memory_space<vmem>>, vector<16xf32>,
          tpu.vector_store %arg28[%swap3A_748, %swap3A_749], %mul3A_747 {strides = array<i32>} : memref<16x128xf32, #tpu.memory_space<vmem>>, vector<16xf32>,
          %get3A_751 = arith.index_cast %scan3A_214 : i32 to index
          %get3A_752 = arith.constant 96 : index
          %get3A_753 = tpu.vector_load %arg28[%get3A_751, %get3A_752] {strides = array<i32>} : memref<16x128xf32, #tpu.memory_space<vmem>>, vector<16xf32>,
          %mul3A_754 = vector.broadcast %squeeze3A_702 : f32 to vector<16xf32>
          %mul3A_755 = arith.mulf %get3A_753, %mul3A_754 : vector<16xf32>
          %swap3A_756 = arith.index_cast %scan3A_214 : i32 to index
          %swap3A_757 = arith.constant 96 : index
          %swap3A_758 = tpu.vector_load %arg28[%swap3A_756, %swap3A_757] {strides = array<i32>} : memref<16x128xf32, #tpu.memory_space<vmem>>, vector<16xf32>,
          tpu.vector_store %arg28[%swap3A_756, %swap3A_757], %mul3A_755 {strides = array<i32>} : memref<16x128xf32, #tpu.memory_space<vmem>>, vector<16xf32>,
          %get3A_759 = arith.index_cast %scan3A_214 : i32 to index
          %get3A_760 = arith.constant 112 : index
          %get3A_761 = tpu.vector_load %arg28[%get3A_759, %get3A_760] {strides = array<i32>} : memref<16x128xf32, #tpu.memory_space<vmem>>, vector<16xf32>,
          %mul3A_762 = vector.broadcast %squeeze3A_702 : f32 to vector<16xf32>
          %mul3A_763 = arith.mulf %get3A_761, %mul3A_762 : vector<16xf32>
          %swap3A_764 = arith.index_cast %scan3A_214 : i32 to index
          %swap3A_765 = arith.constant 112 : index
          %swap3A_766 = tpu.vector_load %arg28[%swap3A_764, %swap3A_765] {strides = array<i32>} : memref<16x128xf32, #tpu.memory_space<vmem>>, vector<16xf32>,
          tpu.vector_store %arg28[%swap3A_764, %swap3A_765], %mul3A_763 {strides = array<i32>} : memref<16x128xf32, #tpu.memory_space<vmem>>, vector<16xf32>,
          %mul3A_767 = arith.mulf %get3A_224, %exp3A : vector<16xf32>
          %swap3A_768 = arith.index_cast %scan3A_214 : i32 to index
          %swap3A_769 = arith.constant 0 : index
          %swap3A_770 = tpu.vector_load %arg29[%swap3A_768, %swap3A_769] {strides = array<i32>} : memref<16x128xf32, #tpu.memory_space<vmem>>, vector<16xf32>,
          tpu.vector_store %arg29[%swap3A_768, %swap3A_769], %mul3A_767 {strides = array<i32>} : memref<16x128xf32, #tpu.memory_space<vmem>>, vector<16xf32>,
        }
        %scan3A_213 = arith.constant 16 : i32
        "tpu.region"() ({
          %run_scoped3A_214 = tpu.sem_alloc : memref<!tpu.dma_semaphore, #tpu.memory_space<semaphore_mem>>
          %dma_start3A_215 = arith.constant 0 : i32
          %dma_start3A_216 = arith.constant 0 : i32
          %dma_start3A_217 = tpu.memref_slice %arg31[%dma_start3A_215, %dma_start3A_216] : memref<640x128xf32, #tpu.memory_space<vmem_shared>> -> memref<640x128xf32, #tpu.memory_space<vmem_shared>>
          tpu.enqueue_indirect_dma source(%arg21 : memref<16x128xf32, #tpu.memory_space<vmem>>) target(%dma_start3A_217 : memref<640x128xf32, #tpu.memory_space<vmem_shared>>) offsets(%arg30 : memref<16xi32, #tpu.memory_space<vmem>>) semaphore(%run_scoped3A_214 : memref<!tpu.dma_semaphore, #tpu.memory_space<semaphore_mem>>) {add = true}
          %dma_wait3A_218 = arith.constant 0 : i32
          %dma_wait3A_219 = arith.constant 0 : i32
          %dma_wait3A_220 = tpu.memref_slice %arg31[%dma_wait3A_218, %dma_wait3A_219] : memref<640x128xf32, #tpu.memory_space<vmem_shared>> -> memref<640x128xf32, #tpu.memory_space<vmem_shared>>
          tpu.wait_indirect_dma semaphore(%run_scoped3A_214 : memref<!tpu.dma_semaphore, #tpu.memory_space<semaphore_mem>>) src(%arg21 : memref<16x128xf32, #tpu.memory_space<vmem>>) dst(%dma_wait3A_220 : memref<640x128xf32, #tpu.memory_space<vmem_shared>>)
          tpu.yield
        }) : () -> ()
        "tpu.region"() ({
          %run_scoped3A_214 = tpu.sem_alloc : memref<!tpu.dma_semaphore, #tpu.memory_space<semaphore_mem>>
          %dma_start3A_215 = arith.constant 0 : i32
          %dma_start3A_216 = arith.constant 0 : i32
          %dma_start3A_217 = tpu.memref_slice %arg32[%dma_start3A_215, %dma_start3A_216] : memref<640x128xf32, #tpu.memory_space<vmem_shared>> -> memref<640x128xf32, #tpu.memory_space<vmem_shared>>
          tpu.enqueue_indirect_dma source(%arg22 : memref<16x128xf32, #tpu.memory_space<vmem>>) target(%dma_start3A_217 : memref<640x128xf32, #tpu.memory_space<vmem_shared>>) offsets(%arg30 : memref<16xi32, #tpu.memory_space<vmem>>) semaphore(%run_scoped3A_214 : memref<!tpu.dma_semaphore, #tpu.memory_space<semaphore_mem>>) {add = true}
          %dma_wait3A_218 = arith.constant 0 : i32
          %dma_wait3A_219 = arith.constant 0 : i32
          %dma_wait3A_220 = tpu.memref_slice %arg32[%dma_wait3A_218, %dma_wait3A_219] : memref<640x128xf32, #tpu.memory_space<vmem_shared>> -> memref<640x128xf32, #tpu.memory_space<vmem_shared>>
          tpu.wait_indirect_dma semaphore(%run_scoped3A_214 : memref<!tpu.dma_semaphore, #tpu.memory_space<semaphore_mem>>) src(%arg22 : memref<16x128xf32, #tpu.memory_space<vmem>>) dst(%dma_wait3A_220 : memref<640x128xf32, #tpu.memory_space<vmem_shared>>)
          tpu.yield
        }) : () -> ()
        "tpu.region"() ({
          %run_scoped3A_214 = tpu.sem_alloc : memref<!tpu.dma_semaphore, #tpu.memory_space<semaphore_mem>>
          %dma_start3A_215 = arith.constant 0 : i32
          %dma_start3A_216 = arith.constant 0 : i32
          %dma_start3A_217 = tpu.memref_slice %arg33[%dma_start3A_215, %dma_start3A_216] : memref<640x128xf32, #tpu.memory_space<vmem_shared>> -> memref<640x128xf32, #tpu.memory_space<vmem_shared>>
          tpu.enqueue_indirect_dma source(%arg23 : memref<16x128xf32, #tpu.memory_space<vmem>>) target(%dma_start3A_217 : memref<640x128xf32, #tpu.memory_space<vmem_shared>>) offsets(%arg30 : memref<16xi32, #tpu.memory_space<vmem>>) semaphore(%run_scoped3A_214 : memref<!tpu.dma_semaphore, #tpu.memory_space<semaphore_mem>>) {add = true}
          %dma_wait3A_218 = arith.constant 0 : i32
          %dma_wait3A_219 = arith.constant 0 : i32
          %dma_wait3A_220 = tpu.memref_slice %arg33[%dma_wait3A_218, %dma_wait3A_219] : memref<640x128xf32, #tpu.memory_space<vmem_shared>> -> memref<640x128xf32, #tpu.memory_space<vmem_shared>>
          tpu.wait_indirect_dma semaphore(%run_scoped3A_214 : memref<!tpu.dma_semaphore, #tpu.memory_space<semaphore_mem>>) src(%arg23 : memref<16x128xf32, #tpu.memory_space<vmem>>) dst(%dma_wait3A_220 : memref<640x128xf32, #tpu.memory_space<vmem_shared>>)
          tpu.yield
        }) : () -> ()
        "tpu.region"() ({
          %run_scoped3A_214 = tpu.sem_alloc : memref<!tpu.dma_semaphore, #tpu.memory_space<semaphore_mem>>
          %dma_start3A_215 = arith.constant 0 : i32
          %dma_start3A_216 = arith.constant 0 : i32
          %dma_start3A_217 = tpu.memref_slice %arg34[%dma_start3A_215, %dma_start3A_216] : memref<640x128xf32, #tpu.memory_space<vmem_shared>> -> memref<640x128xf32, #tpu.memory_space<vmem_shared>>
          tpu.enqueue_indirect_dma source(%arg24 : memref<16x128xf32, #tpu.memory_space<vmem>>) target(%dma_start3A_217 : memref<640x128xf32, #tpu.memory_space<vmem_shared>>) offsets(%arg30 : memref<16xi32, #tpu.memory_space<vmem>>) semaphore(%run_scoped3A_214 : memref<!tpu.dma_semaphore, #tpu.memory_space<semaphore_mem>>) {add = true}
          %dma_wait3A_218 = arith.constant 0 : i32
          %dma_wait3A_219 = arith.constant 0 : i32
          %dma_wait3A_220 = tpu.memref_slice %arg34[%dma_wait3A_218, %dma_wait3A_219] : memref<640x128xf32, #tpu.memory_space<vmem_shared>> -> memref<640x128xf32, #tpu.memory_space<vmem_shared>>
          tpu.wait_indirect_dma semaphore(%run_scoped3A_214 : memref<!tpu.dma_semaphore, #tpu.memory_space<semaphore_mem>>) src(%arg24 : memref<16x128xf32, #tpu.memory_space<vmem>>) dst(%dma_wait3A_220 : memref<640x128xf32, #tpu.memory_space<vmem_shared>>)
          tpu.yield
        }) : () -> ()
        "tpu.region"() ({
          %run_scoped3A_214 = tpu.sem_alloc : memref<!tpu.dma_semaphore, #tpu.memory_space<semaphore_mem>>
          %dma_start3A_215 = arith.constant 0 : i32
          %dma_start3A_216 = arith.constant 0 : i32
          %dma_start3A_217 = tpu.memref_slice %arg35[%dma_start3A_215, %dma_start3A_216] : memref<640x128xf32, #tpu.memory_space<vmem_shared>> -> memref<640x128xf32, #tpu.memory_space<vmem_shared>>
          tpu.enqueue_indirect_dma source(%arg25 : memref<16x128xf32, #tpu.memory_space<vmem>>) target(%dma_start3A_217 : memref<640x128xf32, #tpu.memory_space<vmem_shared>>) offsets(%arg30 : memref<16xi32, #tpu.memory_space<vmem>>) semaphore(%run_scoped3A_214 : memref<!tpu.dma_semaphore, #tpu.memory_space<semaphore_mem>>) {add = true}
          %dma_wait3A_218 = arith.constant 0 : i32
          %dma_wait3A_219 = arith.constant 0 : i32
          %dma_wait3A_220 = tpu.memref_slice %arg35[%dma_wait3A_218, %dma_wait3A_219] : memref<640x128xf32, #tpu.memory_space<vmem_shared>> -> memref<640x128xf32, #tpu.memory_space<vmem_shared>>
          tpu.wait_indirect_dma semaphore(%run_scoped3A_214 : memref<!tpu.dma_semaphore, #tpu.memory_space<semaphore_mem>>) src(%arg25 : memref<16x128xf32, #tpu.memory_space<vmem>>) dst(%dma_wait3A_220 : memref<640x128xf32, #tpu.memory_space<vmem_shared>>)
          tpu.yield
        }) : () -> ()
        "tpu.region"() ({
          %run_scoped3A_214 = tpu.sem_alloc : memref<!tpu.dma_semaphore, #tpu.memory_space<semaphore_mem>>
          %dma_start3A_215 = arith.constant 0 : i32
          %dma_start3A_216 = arith.constant 0 : i32
          %dma_start3A_217 = tpu.memref_slice %arg36[%dma_start3A_215, %dma_start3A_216] : memref<640x128xf32, #tpu.memory_space<vmem_shared>> -> memref<640x128xf32, #tpu.memory_space<vmem_shared>>
          tpu.enqueue_indirect_dma source(%arg26 : memref<16x128xf32, #tpu.memory_space<vmem>>) target(%dma_start3A_217 : memref<640x128xf32, #tpu.memory_space<vmem_shared>>) offsets(%arg30 : memref<16xi32, #tpu.memory_space<vmem>>) semaphore(%run_scoped3A_214 : memref<!tpu.dma_semaphore, #tpu.memory_space<semaphore_mem>>) {add = true}
          %dma_wait3A_218 = arith.constant 0 : i32
          %dma_wait3A_219 = arith.constant 0 : i32
          %dma_wait3A_220 = tpu.memref_slice %arg36[%dma_wait3A_218, %dma_wait3A_219] : memref<640x128xf32, #tpu.memory_space<vmem_shared>> -> memref<640x128xf32, #tpu.memory_space<vmem_shared>>
          tpu.wait_indirect_dma semaphore(%run_scoped3A_214 : memref<!tpu.dma_semaphore, #tpu.memory_space<semaphore_mem>>) src(%arg26 : memref<16x128xf32, #tpu.memory_space<vmem>>) dst(%dma_wait3A_220 : memref<640x128xf32, #tpu.memory_space<vmem_shared>>)
          tpu.yield
        }) : () -> ()
        "tpu.region"() ({
          %run_scoped3A_214 = tpu.sem_alloc : memref<!tpu.dma_semaphore, #tpu.memory_space<semaphore_mem>>
          %dma_start3A_215 = arith.constant 0 : i32
          %dma_start3A_216 = arith.constant 0 : i32
          %dma_start3A_217 = tpu.memref_slice %arg37[%dma_start3A_215, %dma_start3A_216] : memref<640x128xf32, #tpu.memory_space<vmem_shared>> -> memref<640x128xf32, #tpu.memory_space<vmem_shared>>
          tpu.enqueue_indirect_dma source(%arg27 : memref<16x128xf32, #tpu.memory_space<vmem>>) target(%dma_start3A_217 : memref<640x128xf32, #tpu.memory_space<vmem_shared>>) offsets(%arg30 : memref<16xi32, #tpu.memory_space<vmem>>) semaphore(%run_scoped3A_214 : memref<!tpu.dma_semaphore, #tpu.memory_space<semaphore_mem>>) {add = true}
          %dma_wait3A_218 = arith.constant 0 : i32
          %dma_wait3A_219 = arith.constant 0 : i32
          %dma_wait3A_220 = tpu.memref_slice %arg37[%dma_wait3A_218, %dma_wait3A_219] : memref<640x128xf32, #tpu.memory_space<vmem_shared>> -> memref<640x128xf32, #tpu.memory_space<vmem_shared>>
          tpu.wait_indirect_dma semaphore(%run_scoped3A_214 : memref<!tpu.dma_semaphore, #tpu.memory_space<semaphore_mem>>) src(%arg27 : memref<16x128xf32, #tpu.memory_space<vmem>>) dst(%dma_wait3A_220 : memref<640x128xf32, #tpu.memory_space<vmem_shared>>)
          tpu.yield
        }) : () -> ()
        "tpu.region"() ({
          %run_scoped3A_214 = tpu.sem_alloc : memref<!tpu.dma_semaphore, #tpu.memory_space<semaphore_mem>>
          %dma_start3A_215 = arith.constant 0 : i32
          %dma_start3A_216 = arith.constant 0 : i32
          %dma_start3A_217 = tpu.memref_slice %arg38[%dma_start3A_215, %dma_start3A_216] : memref<640x128xf32, #tpu.memory_space<vmem_shared>> -> memref<640x128xf32, #tpu.memory_space<vmem_shared>>
          tpu.enqueue_indirect_dma source(%arg28 : memref<16x128xf32, #tpu.memory_space<vmem>>) target(%dma_start3A_217 : memref<640x128xf32, #tpu.memory_space<vmem_shared>>) offsets(%arg30 : memref<16xi32, #tpu.memory_space<vmem>>) semaphore(%run_scoped3A_214 : memref<!tpu.dma_semaphore, #tpu.memory_space<semaphore_mem>>) {add = true}
          %dma_wait3A_218 = arith.constant 0 : i32
          %dma_wait3A_219 = arith.constant 0 : i32
          %dma_wait3A_220 = tpu.memref_slice %arg38[%dma_wait3A_218, %dma_wait3A_219] : memref<640x128xf32, #tpu.memory_space<vmem_shared>> -> memref<640x128xf32, #tpu.memory_space<vmem_shared>>
          tpu.wait_indirect_dma semaphore(%run_scoped3A_214 : memref<!tpu.dma_semaphore, #tpu.memory_space<semaphore_mem>>) src(%arg28 : memref<16x128xf32, #tpu.memory_space<vmem>>) dst(%dma_wait3A_220 : memref<640x128xf32, #tpu.memory_space<vmem_shared>>)
          tpu.yield
        }) : () -> ()
        "tpu.region"() ({
          %run_scoped3A_214 = tpu.sem_alloc : memref<!tpu.dma_semaphore, #tpu.memory_space<semaphore_mem>>
          %dma_start3A_215 = arith.constant 0 : i32
          %dma_start3A_216 = arith.constant 0 : i32
          %dma_start3A_217 = tpu.memref_slice %arg39[%dma_start3A_215, %dma_start3A_216] : memref<640x128xf32, #tpu.memory_space<vmem_shared>> -> memref<640x128xf32, #tpu.memory_space<vmem_shared>>
          tpu.enqueue_indirect_dma source(%arg29 : memref<16x128xf32, #tpu.memory_space<vmem>>) target(%dma_start3A_217 : memref<640x128xf32, #tpu.memory_space<vmem_shared>>) offsets(%arg30 : memref<16xi32, #tpu.memory_space<vmem>>) semaphore(%run_scoped3A_214 : memref<!tpu.dma_semaphore, #tpu.memory_space<semaphore_mem>>) {add = true}
          %dma_wait3A_218 = arith.constant 0 : i32
          %dma_wait3A_219 = arith.constant 0 : i32
          %dma_wait3A_220 = tpu.memref_slice %arg39[%dma_wait3A_218, %dma_wait3A_219] : memref<640x128xf32, #tpu.memory_space<vmem_shared>> -> memref<640x128xf32, #tpu.memory_space<vmem_shared>>
          tpu.wait_indirect_dma semaphore(%run_scoped3A_214 : memref<!tpu.dma_semaphore, #tpu.memory_space<semaphore_mem>>) src(%arg29 : memref<16x128xf32, #tpu.memory_space<vmem>>) dst(%dma_wait3A_220 : memref<640x128xf32, #tpu.memory_space<vmem_shared>>)
          tpu.yield
        }) : () -> ()
      }
      %barrier3A_93 = arith.constant 0 : index
      tpu.barrier barrier_id(%barrier3A_93)
      %mul3A_94 = arith.constant 32 : i32
      %mul3A_95 = arith.muli %arg1, %mul3A_94 : i32
      %mul3A_96 = arith.constant 32 : i32
      %mul3A_97 = arith.muli %arg1, %mul3A_96 : i32
      %add3A_98 = arith.addi %mul3A_12, %mul3A_97 : i32
      %run_scoped3A = arith.constant 0 : i32
      "tpu.region"() ({
        %run_scoped3A_148 = tpu.sem_alloc : memref<!tpu.dma_semaphore, #tpu.memory_space<semaphore_mem>>
        %dma_start3A = arith.constant 0 : i32
        %dma_start3A_149 = tpu.memref_slice %arg15[%run_scoped3A, %add3A_98, %dma_start3A] : memref<9x10240x128xf32, #tpu.memory_space<hbm>> -> memref<1x32x128xf32, #tpu.memory_space<hbm>>
        %dma_start3A_150 = tpu.memref_squeeze %dma_start3A_149 : memref<1x32x128xf32, #tpu.memory_space<hbm>> -> memref<32x128xf32, #tpu.memory_space<hbm>>
        %dma_start3A_151 = arith.constant 0 : i32
        %dma_start3A_152 = tpu.memref_slice %arg31[%mul3A_95, %dma_start3A_151] : memref<640x128xf32, #tpu.memory_space<vmem_shared>> -> memref<32x128xf32, #tpu.memory_space<vmem_shared>>
        tpu.enqueue_dma source(%dma_start3A_152 : memref<32x128xf32, #tpu.memory_space<vmem_shared>>) target(%dma_start3A_150 : memref<32x128xf32, #tpu.memory_space<hbm>>) target_semaphore(%run_scoped3A_148 : memref<!tpu.dma_semaphore, #tpu.memory_space<semaphore_mem>>)
        %dma_wait3A = arith.constant 0 : i32
        %dma_wait3A_153 = tpu.memref_slice %arg15[%run_scoped3A, %add3A_98, %dma_wait3A] : memref<9x10240x128xf32, #tpu.memory_space<hbm>> -> memref<1x32x128xf32, #tpu.memory_space<hbm>>
        %dma_wait3A_154 = tpu.memref_squeeze %dma_wait3A_153 : memref<1x32x128xf32, #tpu.memory_space<hbm>> -> memref<32x128xf32, #tpu.memory_space<hbm>>
        %dma_wait3A_155 = arith.constant 0 : i32
        %dma_wait3A_156 = tpu.memref_slice %arg31[%mul3A_95, %dma_wait3A_155] : memref<640x128xf32, #tpu.memory_space<vmem_shared>> -> memref<32x128xf32, #tpu.memory_space<vmem_shared>>
        tpu.wait_dma2 semaphore(%run_scoped3A_148 : memref<!tpu.dma_semaphore, #tpu.memory_space<semaphore_mem>>) src(%dma_wait3A_156 : memref<32x128xf32, #tpu.memory_space<vmem_shared>>) dst(%dma_wait3A_154 : memref<32x128xf32, #tpu.memory_space<hbm>>)
        tpu.yield
      }) : () -> ()
      %mul3A_99 = arith.constant 32 : i32
      %mul3A_100 = arith.muli %arg1, %mul3A_99 : i32
      %mul3A_101 = arith.constant 32 : i32
      %mul3A_102 = arith.muli %arg1, %mul3A_101 : i32
      %add3A_103 = arith.addi %mul3A_12, %mul3A_102 : i32
      %run_scoped3A_104 = arith.constant 1 : i32
      "tpu.region"() ({
        %run_scoped3A_148 = tpu.sem_alloc : memref<!tpu.dma_semaphore, #tpu.memory_space<semaphore_mem>>
        %dma_start3A = arith.constant 0 : i32
        %dma_start3A_149 = tpu.memref_slice %arg15[%run_scoped3A_104, %add3A_103, %dma_start3A] : memref<9x10240x128xf32, #tpu.memory_space<hbm>> -> memref<1x32x128xf32, #tpu.memory_space<hbm>>
        %dma_start3A_150 = tpu.memref_squeeze %dma_start3A_149 : memref<1x32x128xf32, #tpu.memory_space<hbm>> -> memref<32x128xf32, #tpu.memory_space<hbm>>
        %dma_start3A_151 = arith.constant 0 : i32
        %dma_start3A_152 = tpu.memref_slice %arg32[%mul3A_100, %dma_start3A_151] : memref<640x128xf32, #tpu.memory_space<vmem_shared>> -> memref<32x128xf32, #tpu.memory_space<vmem_shared>>
        tpu.enqueue_dma source(%dma_start3A_152 : memref<32x128xf32, #tpu.memory_space<vmem_shared>>) target(%dma_start3A_150 : memref<32x128xf32, #tpu.memory_space<hbm>>) target_semaphore(%run_scoped3A_148 : memref<!tpu.dma_semaphore, #tpu.memory_space<semaphore_mem>>)
        %dma_wait3A = arith.constant 0 : i32
        %dma_wait3A_153 = tpu.memref_slice %arg15[%run_scoped3A_104, %add3A_103, %dma_wait3A] : memref<9x10240x128xf32, #tpu.memory_space<hbm>> -> memref<1x32x128xf32, #tpu.memory_space<hbm>>
        %dma_wait3A_154 = tpu.memref_squeeze %dma_wait3A_153 : memref<1x32x128xf32, #tpu.memory_space<hbm>> -> memref<32x128xf32, #tpu.memory_space<hbm>>
        %dma_wait3A_155 = arith.constant 0 : i32
        %dma_wait3A_156 = tpu.memref_slice %arg32[%mul3A_100, %dma_wait3A_155] : memref<640x128xf32, #tpu.memory_space<vmem_shared>> -> memref<32x128xf32, #tpu.memory_space<vmem_shared>>
        tpu.wait_dma2 semaphore(%run_scoped3A_148 : memref<!tpu.dma_semaphore, #tpu.memory_space<semaphore_mem>>) src(%dma_wait3A_156 : memref<32x128xf32, #tpu.memory_space<vmem_shared>>) dst(%dma_wait3A_154 : memref<32x128xf32, #tpu.memory_space<hbm>>)
        tpu.yield
      }) : () -> ()
      %mul3A_105 = arith.constant 32 : i32
      %mul3A_106 = arith.muli %arg1, %mul3A_105 : i32
      %mul3A_107 = arith.constant 32 : i32
      %mul3A_108 = arith.muli %arg1, %mul3A_107 : i32
      %add3A_109 = arith.addi %mul3A_12, %mul3A_108 : i32
      %run_scoped3A_110 = arith.constant 2 : i32
      "tpu.region"() ({
        %run_scoped3A_148 = tpu.sem_alloc : memref<!tpu.dma_semaphore, #tpu.memory_space<semaphore_mem>>
        %dma_start3A = arith.constant 0 : i32
        %dma_start3A_149 = tpu.memref_slice %arg15[%run_scoped3A_110, %add3A_109, %dma_start3A] : memref<9x10240x128xf32, #tpu.memory_space<hbm>> -> memref<1x32x128xf32, #tpu.memory_space<hbm>>
        %dma_start3A_150 = tpu.memref_squeeze %dma_start3A_149 : memref<1x32x128xf32, #tpu.memory_space<hbm>> -> memref<32x128xf32, #tpu.memory_space<hbm>>
        %dma_start3A_151 = arith.constant 0 : i32
        %dma_start3A_152 = tpu.memref_slice %arg33[%mul3A_106, %dma_start3A_151] : memref<640x128xf32, #tpu.memory_space<vmem_shared>> -> memref<32x128xf32, #tpu.memory_space<vmem_shared>>
        tpu.enqueue_dma source(%dma_start3A_152 : memref<32x128xf32, #tpu.memory_space<vmem_shared>>) target(%dma_start3A_150 : memref<32x128xf32, #tpu.memory_space<hbm>>) target_semaphore(%run_scoped3A_148 : memref<!tpu.dma_semaphore, #tpu.memory_space<semaphore_mem>>)
        %dma_wait3A = arith.constant 0 : i32
        %dma_wait3A_153 = tpu.memref_slice %arg15[%run_scoped3A_110, %add3A_109, %dma_wait3A] : memref<9x10240x128xf32, #tpu.memory_space<hbm>> -> memref<1x32x128xf32, #tpu.memory_space<hbm>>
        %dma_wait3A_154 = tpu.memref_squeeze %dma_wait3A_153 : memref<1x32x128xf32, #tpu.memory_space<hbm>> -> memref<32x128xf32, #tpu.memory_space<hbm>>
        %dma_wait3A_155 = arith.constant 0 : i32
        %dma_wait3A_156 = tpu.memref_slice %arg33[%mul3A_106, %dma_wait3A_155] : memref<640x128xf32, #tpu.memory_space<vmem_shared>> -> memref<32x128xf32, #tpu.memory_space<vmem_shared>>
        tpu.wait_dma2 semaphore(%run_scoped3A_148 : memref<!tpu.dma_semaphore, #tpu.memory_space<semaphore_mem>>) src(%dma_wait3A_156 : memref<32x128xf32, #tpu.memory_space<vmem_shared>>) dst(%dma_wait3A_154 : memref<32x128xf32, #tpu.memory_space<hbm>>)
        tpu.yield
      }) : () -> ()
      %mul3A_111 = arith.constant 32 : i32
      %mul3A_112 = arith.muli %arg1, %mul3A_111 : i32
      %mul3A_113 = arith.constant 32 : i32
      %mul3A_114 = arith.muli %arg1, %mul3A_113 : i32
      %add3A_115 = arith.addi %mul3A_12, %mul3A_114 : i32
      %run_scoped3A_116 = arith.constant 3 : i32
      "tpu.region"() ({
        %run_scoped3A_148 = tpu.sem_alloc : memref<!tpu.dma_semaphore, #tpu.memory_space<semaphore_mem>>
        %dma_start3A = arith.constant 0 : i32
        %dma_start3A_149 = tpu.memref_slice %arg15[%run_scoped3A_116, %add3A_115, %dma_start3A] : memref<9x10240x128xf32, #tpu.memory_space<hbm>> -> memref<1x32x128xf32, #tpu.memory_space<hbm>>
        %dma_start3A_150 = tpu.memref_squeeze %dma_start3A_149 : memref<1x32x128xf32, #tpu.memory_space<hbm>> -> memref<32x128xf32, #tpu.memory_space<hbm>>
        %dma_start3A_151 = arith.constant 0 : i32
        %dma_start3A_152 = tpu.memref_slice %arg34[%mul3A_112, %dma_start3A_151] : memref<640x128xf32, #tpu.memory_space<vmem_shared>> -> memref<32x128xf32, #tpu.memory_space<vmem_shared>>
        tpu.enqueue_dma source(%dma_start3A_152 : memref<32x128xf32, #tpu.memory_space<vmem_shared>>) target(%dma_start3A_150 : memref<32x128xf32, #tpu.memory_space<hbm>>) target_semaphore(%run_scoped3A_148 : memref<!tpu.dma_semaphore, #tpu.memory_space<semaphore_mem>>)
        %dma_wait3A = arith.constant 0 : i32
        %dma_wait3A_153 = tpu.memref_slice %arg15[%run_scoped3A_116, %add3A_115, %dma_wait3A] : memref<9x10240x128xf32, #tpu.memory_space<hbm>> -> memref<1x32x128xf32, #tpu.memory_space<hbm>>
        %dma_wait3A_154 = tpu.memref_squeeze %dma_wait3A_153 : memref<1x32x128xf32, #tpu.memory_space<hbm>> -> memref<32x128xf32, #tpu.memory_space<hbm>>
        %dma_wait3A_155 = arith.constant 0 : i32
        %dma_wait3A_156 = tpu.memref_slice %arg34[%mul3A_112, %dma_wait3A_155] : memref<640x128xf32, #tpu.memory_space<vmem_shared>> -> memref<32x128xf32, #tpu.memory_space<vmem_shared>>
        tpu.wait_dma2 semaphore(%run_scoped3A_148 : memref<!tpu.dma_semaphore, #tpu.memory_space<semaphore_mem>>) src(%dma_wait3A_156 : memref<32x128xf32, #tpu.memory_space<vmem_shared>>) dst(%dma_wait3A_154 : memref<32x128xf32, #tpu.memory_space<hbm>>)
        tpu.yield
      }) : () -> ()
      %mul3A_117 = arith.constant 32 : i32
      %mul3A_118 = arith.muli %arg1, %mul3A_117 : i32
      %mul3A_119 = arith.constant 32 : i32
      %mul3A_120 = arith.muli %arg1, %mul3A_119 : i32
      %add3A_121 = arith.addi %mul3A_12, %mul3A_120 : i32
      %run_scoped3A_122 = arith.constant 4 : i32
      "tpu.region"() ({
        %run_scoped3A_148 = tpu.sem_alloc : memref<!tpu.dma_semaphore, #tpu.memory_space<semaphore_mem>>
        %dma_start3A = arith.constant 0 : i32
        %dma_start3A_149 = tpu.memref_slice %arg15[%run_scoped3A_122, %add3A_121, %dma_start3A] : memref<9x10240x128xf32, #tpu.memory_space<hbm>> -> memref<1x32x128xf32, #tpu.memory_space<hbm>>
        %dma_start3A_150 = tpu.memref_squeeze %dma_start3A_149 : memref<1x32x128xf32, #tpu.memory_space<hbm>> -> memref<32x128xf32, #tpu.memory_space<hbm>>
        %dma_start3A_151 = arith.constant 0 : i32
        %dma_start3A_152 = tpu.memref_slice %arg35[%mul3A_118, %dma_start3A_151] : memref<640x128xf32, #tpu.memory_space<vmem_shared>> -> memref<32x128xf32, #tpu.memory_space<vmem_shared>>
        tpu.enqueue_dma source(%dma_start3A_152 : memref<32x128xf32, #tpu.memory_space<vmem_shared>>) target(%dma_start3A_150 : memref<32x128xf32, #tpu.memory_space<hbm>>) target_semaphore(%run_scoped3A_148 : memref<!tpu.dma_semaphore, #tpu.memory_space<semaphore_mem>>)
        %dma_wait3A = arith.constant 0 : i32
        %dma_wait3A_153 = tpu.memref_slice %arg15[%run_scoped3A_122, %add3A_121, %dma_wait3A] : memref<9x10240x128xf32, #tpu.memory_space<hbm>> -> memref<1x32x128xf32, #tpu.memory_space<hbm>>
        %dma_wait3A_154 = tpu.memref_squeeze %dma_wait3A_153 : memref<1x32x128xf32, #tpu.memory_space<hbm>> -> memref<32x128xf32, #tpu.memory_space<hbm>>
        %dma_wait3A_155 = arith.constant 0 : i32
        %dma_wait3A_156 = tpu.memref_slice %arg35[%mul3A_118, %dma_wait3A_155] : memref<640x128xf32, #tpu.memory_space<vmem_shared>> -> memref<32x128xf32, #tpu.memory_space<vmem_shared>>
        tpu.wait_dma2 semaphore(%run_scoped3A_148 : memref<!tpu.dma_semaphore, #tpu.memory_space<semaphore_mem>>) src(%dma_wait3A_156 : memref<32x128xf32, #tpu.memory_space<vmem_shared>>) dst(%dma_wait3A_154 : memref<32x128xf32, #tpu.memory_space<hbm>>)
        tpu.yield
      }) : () -> ()
      %mul3A_123 = arith.constant 32 : i32
      %mul3A_124 = arith.muli %arg1, %mul3A_123 : i32
      %mul3A_125 = arith.constant 32 : i32
      %mul3A_126 = arith.muli %arg1, %mul3A_125 : i32
      %add3A_127 = arith.addi %mul3A_12, %mul3A_126 : i32
      %run_scoped3A_128 = arith.constant 5 : i32
      "tpu.region"() ({
        %run_scoped3A_148 = tpu.sem_alloc : memref<!tpu.dma_semaphore, #tpu.memory_space<semaphore_mem>>
        %dma_start3A = arith.constant 0 : i32
        %dma_start3A_149 = tpu.memref_slice %arg15[%run_scoped3A_128, %add3A_127, %dma_start3A] : memref<9x10240x128xf32, #tpu.memory_space<hbm>> -> memref<1x32x128xf32, #tpu.memory_space<hbm>>
        %dma_start3A_150 = tpu.memref_squeeze %dma_start3A_149 : memref<1x32x128xf32, #tpu.memory_space<hbm>> -> memref<32x128xf32, #tpu.memory_space<hbm>>
        %dma_start3A_151 = arith.constant 0 : i32
        %dma_start3A_152 = tpu.memref_slice %arg36[%mul3A_124, %dma_start3A_151] : memref<640x128xf32, #tpu.memory_space<vmem_shared>> -> memref<32x128xf32, #tpu.memory_space<vmem_shared>>
        tpu.enqueue_dma source(%dma_start3A_152 : memref<32x128xf32, #tpu.memory_space<vmem_shared>>) target(%dma_start3A_150 : memref<32x128xf32, #tpu.memory_space<hbm>>) target_semaphore(%run_scoped3A_148 : memref<!tpu.dma_semaphore, #tpu.memory_space<semaphore_mem>>)
        %dma_wait3A = arith.constant 0 : i32
        %dma_wait3A_153 = tpu.memref_slice %arg15[%run_scoped3A_128, %add3A_127, %dma_wait3A] : memref<9x10240x128xf32, #tpu.memory_space<hbm>> -> memref<1x32x128xf32, #tpu.memory_space<hbm>>
        %dma_wait3A_154 = tpu.memref_squeeze %dma_wait3A_153 : memref<1x32x128xf32, #tpu.memory_space<hbm>> -> memref<32x128xf32, #tpu.memory_space<hbm>>
        %dma_wait3A_155 = arith.constant 0 : i32
        %dma_wait3A_156 = tpu.memref_slice %arg36[%mul3A_124, %dma_wait3A_155] : memref<640x128xf32, #tpu.memory_space<vmem_shared>> -> memref<32x128xf32, #tpu.memory_space<vmem_shared>>
        tpu.wait_dma2 semaphore(%run_scoped3A_148 : memref<!tpu.dma_semaphore, #tpu.memory_space<semaphore_mem>>) src(%dma_wait3A_156 : memref<32x128xf32, #tpu.memory_space<vmem_shared>>) dst(%dma_wait3A_154 : memref<32x128xf32, #tpu.memory_space<hbm>>)
        tpu.yield
      }) : () -> ()
      %mul3A_129 = arith.constant 32 : i32
      %mul3A_130 = arith.muli %arg1, %mul3A_129 : i32
      %mul3A_131 = arith.constant 32 : i32
      %mul3A_132 = arith.muli %arg1, %mul3A_131 : i32
      %add3A_133 = arith.addi %mul3A_12, %mul3A_132 : i32
      %run_scoped3A_134 = arith.constant 6 : i32
      "tpu.region"() ({
        %run_scoped3A_148 = tpu.sem_alloc : memref<!tpu.dma_semaphore, #tpu.memory_space<semaphore_mem>>
        %dma_start3A = arith.constant 0 : i32
        %dma_start3A_149 = tpu.memref_slice %arg15[%run_scoped3A_134, %add3A_133, %dma_start3A] : memref<9x10240x128xf32, #tpu.memory_space<hbm>> -> memref<1x32x128xf32, #tpu.memory_space<hbm>>
        %dma_start3A_150 = tpu.memref_squeeze %dma_start3A_149 : memref<1x32x128xf32, #tpu.memory_space<hbm>> -> memref<32x128xf32, #tpu.memory_space<hbm>>
        %dma_start3A_151 = arith.constant 0 : i32
        %dma_start3A_152 = tpu.memref_slice %arg37[%mul3A_130, %dma_start3A_151] : memref<640x128xf32, #tpu.memory_space<vmem_shared>> -> memref<32x128xf32, #tpu.memory_space<vmem_shared>>
        tpu.enqueue_dma source(%dma_start3A_152 : memref<32x128xf32, #tpu.memory_space<vmem_shared>>) target(%dma_start3A_150 : memref<32x128xf32, #tpu.memory_space<hbm>>) target_semaphore(%run_scoped3A_148 : memref<!tpu.dma_semaphore, #tpu.memory_space<semaphore_mem>>)
        %dma_wait3A = arith.constant 0 : i32
        %dma_wait3A_153 = tpu.memref_slice %arg15[%run_scoped3A_134, %add3A_133, %dma_wait3A] : memref<9x10240x128xf32, #tpu.memory_space<hbm>> -> memref<1x32x128xf32, #tpu.memory_space<hbm>>
        %dma_wait3A_154 = tpu.memref_squeeze %dma_wait3A_153 : memref<1x32x128xf32, #tpu.memory_space<hbm>> -> memref<32x128xf32, #tpu.memory_space<hbm>>
        %dma_wait3A_155 = arith.constant 0 : i32
        %dma_wait3A_156 = tpu.memref_slice %arg37[%mul3A_130, %dma_wait3A_155] : memref<640x128xf32, #tpu.memory_space<vmem_shared>> -> memref<32x128xf32, #tpu.memory_space<vmem_shared>>
        tpu.wait_dma2 semaphore(%run_scoped3A_148 : memref<!tpu.dma_semaphore, #tpu.memory_space<semaphore_mem>>) src(%dma_wait3A_156 : memref<32x128xf32, #tpu.memory_space<vmem_shared>>) dst(%dma_wait3A_154 : memref<32x128xf32, #tpu.memory_space<hbm>>)
        tpu.yield
      }) : () -> ()
      %mul3A_135 = arith.constant 32 : i32
      %mul3A_136 = arith.muli %arg1, %mul3A_135 : i32
      %mul3A_137 = arith.constant 32 : i32
      %mul3A_138 = arith.muli %arg1, %mul3A_137 : i32
      %add3A_139 = arith.addi %mul3A_12, %mul3A_138 : i32
      %run_scoped3A_140 = arith.constant 7 : i32
      "tpu.region"() ({
        %run_scoped3A_148 = tpu.sem_alloc : memref<!tpu.dma_semaphore, #tpu.memory_space<semaphore_mem>>
        %dma_start3A = arith.constant 0 : i32
        %dma_start3A_149 = tpu.memref_slice %arg15[%run_scoped3A_140, %add3A_139, %dma_start3A] : memref<9x10240x128xf32, #tpu.memory_space<hbm>> -> memref<1x32x128xf32, #tpu.memory_space<hbm>>
        %dma_start3A_150 = tpu.memref_squeeze %dma_start3A_149 : memref<1x32x128xf32, #tpu.memory_space<hbm>> -> memref<32x128xf32, #tpu.memory_space<hbm>>
        %dma_start3A_151 = arith.constant 0 : i32
        %dma_start3A_152 = tpu.memref_slice %arg38[%mul3A_136, %dma_start3A_151] : memref<640x128xf32, #tpu.memory_space<vmem_shared>> -> memref<32x128xf32, #tpu.memory_space<vmem_shared>>
        tpu.enqueue_dma source(%dma_start3A_152 : memref<32x128xf32, #tpu.memory_space<vmem_shared>>) target(%dma_start3A_150 : memref<32x128xf32, #tpu.memory_space<hbm>>) target_semaphore(%run_scoped3A_148 : memref<!tpu.dma_semaphore, #tpu.memory_space<semaphore_mem>>)
        %dma_wait3A = arith.constant 0 : i32
        %dma_wait3A_153 = tpu.memref_slice %arg15[%run_scoped3A_140, %add3A_139, %dma_wait3A] : memref<9x10240x128xf32, #tpu.memory_space<hbm>> -> memref<1x32x128xf32, #tpu.memory_space<hbm>>
        %dma_wait3A_154 = tpu.memref_squeeze %dma_wait3A_153 : memref<1x32x128xf32, #tpu.memory_space<hbm>> -> memref<32x128xf32, #tpu.memory_space<hbm>>
        %dma_wait3A_155 = arith.constant 0 : i32
        %dma_wait3A_156 = tpu.memref_slice %arg38[%mul3A_136, %dma_wait3A_155] : memref<640x128xf32, #tpu.memory_space<vmem_shared>> -> memref<32x128xf32, #tpu.memory_space<vmem_shared>>
        tpu.wait_dma2 semaphore(%run_scoped3A_148 : memref<!tpu.dma_semaphore, #tpu.memory_space<semaphore_mem>>) src(%dma_wait3A_156 : memref<32x128xf32, #tpu.memory_space<vmem_shared>>) dst(%dma_wait3A_154 : memref<32x128xf32, #tpu.memory_space<hbm>>)
        tpu.yield
      }) : () -> ()
      %mul3A_141 = arith.constant 32 : i32
      %mul3A_142 = arith.muli %arg1, %mul3A_141 : i32
      %mul3A_143 = arith.constant 32 : i32
      %mul3A_144 = arith.muli %arg1, %mul3A_143 : i32
      %add3A_145 = arith.addi %mul3A_12, %mul3A_144 : i32
      %run_scoped3A_146 = arith.constant 8 : i32
      "tpu.region"() ({
        %run_scoped3A_148 = tpu.sem_alloc : memref<!tpu.dma_semaphore, #tpu.memory_space<semaphore_mem>>
        %dma_start3A = arith.constant 0 : i32
        %dma_start3A_149 = tpu.memref_slice %arg15[%run_scoped3A_146, %add3A_145, %dma_start3A] : memref<9x10240x128xf32, #tpu.memory_space<hbm>> -> memref<1x32x128xf32, #tpu.memory_space<hbm>>
        %dma_start3A_150 = tpu.memref_squeeze %dma_start3A_149 : memref<1x32x128xf32, #tpu.memory_space<hbm>> -> memref<32x128xf32, #tpu.memory_space<hbm>>
        %dma_start3A_151 = arith.constant 0 : i32
        %dma_start3A_152 = tpu.memref_slice %arg39[%mul3A_142, %dma_start3A_151] : memref<640x128xf32, #tpu.memory_space<vmem_shared>> -> memref<32x128xf32, #tpu.memory_space<vmem_shared>>
        tpu.enqueue_dma source(%dma_start3A_152 : memref<32x128xf32, #tpu.memory_space<vmem_shared>>) target(%dma_start3A_150 : memref<32x128xf32, #tpu.memory_space<hbm>>) target_semaphore(%run_scoped3A_148 : memref<!tpu.dma_semaphore, #tpu.memory_space<semaphore_mem>>)
        %dma_wait3A = arith.constant 0 : i32
        %dma_wait3A_153 = tpu.memref_slice %arg15[%run_scoped3A_146, %add3A_145, %dma_wait3A] : memref<9x10240x128xf32, #tpu.memory_space<hbm>> -> memref<1x32x128xf32, #tpu.memory_space<hbm>>
        %dma_wait3A_154 = tpu.memref_squeeze %dma_wait3A_153 : memref<1x32x128xf32, #tpu.memory_space<hbm>> -> memref<32x128xf32, #tpu.memory_space<hbm>>
        %dma_wait3A_155 = arith.constant 0 : i32
        %dma_wait3A_156 = tpu.memref_slice %arg39[%mul3A_142, %dma_wait3A_155] : memref<640x128xf32, #tpu.memory_space<vmem_shared>> -> memref<32x128xf32, #tpu.memory_space<vmem_shared>>
        tpu.wait_dma2 semaphore(%run_scoped3A_148 : memref<!tpu.dma_semaphore, #tpu.memory_space<semaphore_mem>>) src(%dma_wait3A_156 : memref<32x128xf32, #tpu.memory_space<vmem_shared>>) dst(%dma_wait3A_154 : memref<32x128xf32, #tpu.memory_space<hbm>>)
        tpu.yield
      }) : () -> ()
      %barrier3A_147 = arith.constant 0 : index
      tpu.barrier barrier_id(%barrier3A_147)
    }
    %scan3A_7 = arith.constant 10 : i32
    return
  }
}

module attributes {stable_mosaic.version = 14 : i64} {
  func.func @_k1_body(%arg0: i32, %arg1: memref<256x128xf32, #tpu.memory_space<vmem>>, %arg2: memref<128x1024xf32, #tpu.memory_space<vmem>>, %arg3: memref<1024x8xf32, #tpu.memory_space<vmem>>, %arg4: memref<1024x8xf32, #tpu.memory_space<vmem>>, %arg5: memref<256x1152xf32, #tpu.memory_space<vmem>>, %arg6: memref<256x128xf32, #tpu.memory_space<vmem>>) attributes {dimension_semantics = [#tpu.dimension_semantics<arbitrary>], iteration_bounds = array<i64: 40>, scalar_prefetch = 0 : i64, scratch_operands = 0 : i64, tpu.core_type = #tpu.core_type<tc>, window_params = [{transform_indices = @transform_0, window_bounds = array<i64: 256, 128>}, {pipeline_mode = #tpu.pipeline_mode<synchronous>, transform_indices = @transform_1, window_bounds = array<i64: 128, 1024>}, {pipeline_mode = #tpu.pipeline_mode<synchronous>, transform_indices = @transform_2, window_bounds = array<i64: 1024, 8>}, {pipeline_mode = #tpu.pipeline_mode<synchronous>, transform_indices = @transform_3, window_bounds = array<i64: 1024, 8>}, {transform_indices = @transform_4, window_bounds = array<i64: 256, 1152>}, {transform_indices = @transform_5, window_bounds = array<i64: 256, 128>}]} {
    %get3A = arith.constant 0 : index
    %get3A_0 = arith.constant 0 : index
    %get3A_1 = vector.load %arg1[%get3A, %get3A_0] : memref<256x128xf32, #tpu.memory_space<vmem>>, vector<256x128xf32>
    %get3A_2 = arith.constant 0 : index
    %get3A_3 = arith.constant 0 : index
    %get3A_4 = vector.load %arg2[%get3A_2, %get3A_3] : memref<128x1024xf32, #tpu.memory_space<vmem>>, vector<128x1024xf32>
    %dot_general3A = arith.constant dense<0.000000e+00> : vector<256x1024xf32>
    %dot_general3A_5 = tpu.matmul %get3A_1, %get3A_4, %dot_general3A {dimension_numbers = #tpu.dot_dimension_numbers<[1], [0], [0], [1], [0, 0, 1, 1], [], []>, transpose_lhs_hint = false} : vector<256x128xf32>, vector<128x1024xf32>, vector<256x1024xf32> -> vector<256x1024xf32>
    %get3A_6 = arith.constant 0 : index
    %get3A_7 = arith.constant 0 : index
    %get3A_8 = vector.load %arg3[%get3A_6, %get3A_7] : memref<1024x8xf32, #tpu.memory_space<vmem>>, vector<1024x8xf32>
    %dot_general3A_9 = arith.constant dense<0.000000e+00> : vector<256x8xf32>
    %dot_general3A_10 = tpu.matmul %dot_general3A_5, %get3A_8, %dot_general3A_9 {dimension_numbers = #tpu.dot_dimension_numbers<[1], [0], [0], [1], [0, 0, 1, 1], [], []>, transpose_lhs_hint = false} : vector<256x1024xf32>, vector<1024x8xf32>, vector<256x8xf32> -> vector<256x8xf32>
    %get3A_11 = arith.constant 0 : index
    %get3A_12 = arith.constant 0 : index
    %get3A_13 = vector.load %arg4[%get3A_11, %get3A_12] : memref<1024x8xf32, #tpu.memory_space<vmem>>, vector<1024x8xf32>
    %dot_general3A_14 = arith.constant dense<0.000000e+00> : vector<256x8xf32>
    %dot_general3A_15 = tpu.matmul %dot_general3A_5, %get3A_13, %dot_general3A_14 {dimension_numbers = #tpu.dot_dimension_numbers<[1], [0], [0], [1], [0, 0, 1, 1], [], []>, transpose_lhs_hint = false} : vector<256x1024xf32>, vector<1024x8xf32>, vector<256x8xf32> -> vector<256x8xf32>
    %broadcast_in_dim3A = arith.constant 1.000000e+00 : f32
    %broadcast_in_dim3A_16 = vector.broadcast %broadcast_in_dim3A : f32 to vector<256x8xf32>
    %broadcast_in_dim3A_17 = arith.constant 0.000000e+00 : f32
    %broadcast_in_dim3A_18 = vector.broadcast %broadcast_in_dim3A_17 : f32 to vector<256x112xf32>
    %concatenate3A = tpu.concatenate %dot_general3A_5, %broadcast_in_dim3A_16, %dot_general3A_10, %broadcast_in_dim3A_18 in 1 : vector<256x1024xf32>, vector<256x8xf32>, vector<256x8xf32>, vector<256x112xf32> -> vector<256x1152xf32>
    %swap3A = arith.constant 0 : index
    %swap3A_19 = arith.constant 0 : index
    %swap3A_20 = vector.load %arg5[%swap3A, %swap3A_19] : memref<256x1152xf32, #tpu.memory_space<vmem>>, vector<256x1152xf32>
    tpu.vector_store %arg5[%swap3A, %swap3A_19], %concatenate3A {strides = array<i32>} : memref<256x1152xf32, #tpu.memory_space<vmem>>, vector<256x1152xf32>,
    %broadcast_in_dim3A_21 = arith.constant 0.000000e+00 : f32
    %broadcast_in_dim3A_22 = vector.broadcast %broadcast_in_dim3A_21 : f32 to vector<256x112xf32>
    %concatenate3A_23 = tpu.concatenate %dot_general3A_10, %dot_general3A_15, %broadcast_in_dim3A_22 in 1 : vector<256x8xf32>, vector<256x8xf32>, vector<256x112xf32> -> vector<256x128xf32>
    %swap3A_24 = arith.constant 0 : index
    %swap3A_25 = arith.constant 0 : index
    %swap3A_26 = vector.load %arg6[%swap3A_24, %swap3A_25] : memref<256x128xf32, #tpu.memory_space<vmem>>, vector<256x128xf32>
    tpu.vector_store %arg6[%swap3A_24, %swap3A_25], %concatenate3A_23 {strides = array<i32>} : memref<256x128xf32, #tpu.memory_space<vmem>>, vector<256x128xf32>,
    return
  }
  func.func @transform_0(%arg0: i32) -> (i32, i32) {
    %c0_i32 = arith.constant 0 : i32
    %c0_i32_0 = arith.constant 0 : i32
    return %arg0, %c0_i32 : i32, i32
  }
  func.func @transform_1(%arg0: i32) -> (i32, i32) {
    %c0_i32 = arith.constant 0 : i32
    %c0_i32_0 = arith.constant 0 : i32
    %c0_i32_1 = arith.constant 0 : i32
    return %c0_i32, %c0_i32_0 : i32, i32
  }
  func.func @transform_2(%arg0: i32) -> (i32, i32) {
    %c0_i32 = arith.constant 0 : i32
    %c0_i32_0 = arith.constant 0 : i32
    %c0_i32_1 = arith.constant 0 : i32
    return %c0_i32, %c0_i32_0 : i32, i32
  }
  func.func @transform_3(%arg0: i32) -> (i32, i32) {
    %c0_i32 = arith.constant 0 : i32
    %c0_i32_0 = arith.constant 0 : i32
    %c0_i32_1 = arith.constant 0 : i32
    return %c0_i32, %c0_i32_0 : i32, i32
  }
  func.func @transform_4(%arg0: i32) -> (i32, i32) {
    %c0_i32 = arith.constant 0 : i32
    %c0_i32_0 = arith.constant 0 : i32
    return %arg0, %c0_i32 : i32, i32
  }
  func.func @transform_5(%arg0: i32) -> (i32, i32) {
    %c0_i32 = arith.constant 0 : i32
    %c0_i32_0 = arith.constant 0 : i32
    return %arg0, %c0_i32 : i32, i32
  }
}

module attributes {stable_mosaic.version = 14 : i64} {
  func.func @_k3_body(%arg0: i32, %arg1: memref<9x256x128xf32, #tpu.memory_space<vmem>>, %arg2: memref<256x1152xf32, #tpu.memory_space<vmem>>, %arg3: memref<256x128xf32, #tpu.memory_space<vmem>>, %arg4: memref<1024x128xf32, #tpu.memory_space<vmem>>, %arg5: memref<1x1024xf32, #tpu.memory_space<vmem>>, %arg6: memref<256x128xf32, #tpu.memory_space<vmem>>) attributes {dimension_semantics = [#tpu.dimension_semantics<arbitrary>], iteration_bounds = array<i64: 40>, scalar_prefetch = 0 : i64, scratch_operands = 0 : i64, tpu.core_type = #tpu.core_type<tc>, window_params = [{transform_indices = @transform_0, window_bounds = array<i64: 9, 256, 128>}, {transform_indices = @transform_1, window_bounds = array<i64: 256, 1152>}, {transform_indices = @transform_2, window_bounds = array<i64: 256, 128>}, {pipeline_mode = #tpu.pipeline_mode<synchronous>, transform_indices = @transform_3, window_bounds = array<i64: 1024, 128>}, {pipeline_mode = #tpu.pipeline_mode<synchronous>, transform_indices = @transform_4, window_bounds = array<i64: 1, 1024>}, {transform_indices = @transform_5, window_bounds = array<i64: 256, 128>}]} {
    %get3A = arith.constant 0 : index
    %get3A_0 = arith.constant 0 : index
    %get3A_1 = vector.load %arg3[%get3A, %get3A_0] : memref<256x128xf32, #tpu.memory_space<vmem>>, vector<256x128xf32>
    %slice3A = vector.extract_strided_slice %get3A_1 {offsets = [0, 0], sizes = [256, 8], strides = [1, 1]} : vector<256x128xf32> to vector<256x8xf32>
    %slice3A_2 = vector.extract_strided_slice %get3A_1 {offsets = [0, 8], sizes = [256, 8], strides = [1, 1]} : vector<256x128xf32> to vector<256x8xf32>
    %add3A = arith.addf %slice3A, %slice3A_2 : vector<256x8xf32>
    %mul3A = arith.constant 2.000000e-01 : f32
    %mul3A_3 = vector.broadcast %mul3A : f32 to vector<256x8xf32>
    %mul3A_4 = arith.mulf %add3A, %mul3A_3 : vector<256x8xf32>
    %max3A = arith.maximumf %add3A, %mul3A_4 : vector<256x8xf32>
    %exp3A = math.exp %max3A : vector<256x8xf32>
    %get3A_5 = arith.constant 0 : index
    %get3A_6 = arith.constant 0 : index
    %get3A_7 = arith.constant 0 : index
    %get3A_8 = vector.load %arg1[%get3A_5, %get3A_6, %get3A_7] : memref<9x256x128xf32, #tpu.memory_space<vmem>>, vector<1x256x128xf32>
    %get3A_9 = vector.shape_cast %get3A_8 : vector<1x256x128xf32> to vector<256x128xf32>
    %slice3A_10 = vector.extract_strided_slice %exp3A {offsets = [0, 0], sizes = [256, 1], strides = [1, 1]} : vector<256x8xf32> to vector<256x1xf32>
    %get3A_11 = arith.constant 0 : index
    %get3A_12 = arith.constant 0 : index
    %get3A_13 = vector.load %arg2[%get3A_11, %get3A_12] : memref<256x1152xf32, #tpu.memory_space<vmem>>, vector<256x128xf32>
    %mul3A_14 = vector.broadcast %slice3A_10 : vector<256x1xf32> to vector<256x128xf32>
    %mul3A_15 = arith.mulf %mul3A_14, %get3A_13 : vector<256x128xf32>
    %add3A_16 = arith.addf %get3A_9, %mul3A_15 : vector<256x128xf32>
    %get3A_17 = arith.constant 8 : index
    %get3A_18 = arith.constant 0 : index
    %get3A_19 = arith.constant 0 : index
    %get3A_20 = vector.load %arg1[%get3A_17, %get3A_18, %get3A_19] : memref<9x256x128xf32, #tpu.memory_space<vmem>>, vector<1x256x1xf32>
    %get3A_21 = vector.shape_cast %get3A_20 : vector<1x256x1xf32> to vector<256x1xf32>
    %slice3A_22 = vector.extract_strided_slice %exp3A {offsets = [0, 0], sizes = [256, 1], strides = [1, 1]} : vector<256x8xf32> to vector<256x1xf32>
    %add3A_23 = arith.addf %get3A_21, %slice3A_22 : vector<256x1xf32>
    %div3A = vector.broadcast %add3A_23 : vector<256x1xf32> to vector<256x128xf32>
    %div3A_24 = arith.divf %add3A_16, %div3A : vector<256x128xf32>
    %get3A_25 = arith.constant 1 : index
    %get3A_26 = arith.constant 0 : index
    %get3A_27 = arith.constant 0 : index
    %get3A_28 = vector.load %arg1[%get3A_25, %get3A_26, %get3A_27] : memref<9x256x128xf32, #tpu.memory_space<vmem>>, vector<1x256x128xf32>
    %get3A_29 = vector.shape_cast %get3A_28 : vector<1x256x128xf32> to vector<256x128xf32>
    %slice3A_30 = vector.extract_strided_slice %exp3A {offsets = [0, 1], sizes = [256, 1], strides = [1, 1]} : vector<256x8xf32> to vector<256x1xf32>
    %get3A_31 = arith.constant 0 : index
    %get3A_32 = arith.constant 128 : index
    %get3A_33 = vector.load %arg2[%get3A_31, %get3A_32] : memref<256x1152xf32, #tpu.memory_space<vmem>>, vector<256x128xf32>
    %mul3A_34 = vector.broadcast %slice3A_30 : vector<256x1xf32> to vector<256x128xf32>
    %mul3A_35 = arith.mulf %mul3A_34, %get3A_33 : vector<256x128xf32>
    %add3A_36 = arith.addf %get3A_29, %mul3A_35 : vector<256x128xf32>
    %get3A_37 = arith.constant 8 : index
    %get3A_38 = arith.constant 0 : index
    %get3A_39 = arith.constant 1 : index
    %get3A_40 = vector.load %arg1[%get3A_37, %get3A_38, %get3A_39] : memref<9x256x128xf32, #tpu.memory_space<vmem>>, vector<1x256x1xf32>
    %get3A_41 = vector.shape_cast %get3A_40 : vector<1x256x1xf32> to vector<256x1xf32>
    %slice3A_42 = vector.extract_strided_slice %exp3A {offsets = [0, 1], sizes = [256, 1], strides = [1, 1]} : vector<256x8xf32> to vector<256x1xf32>
    %add3A_43 = arith.addf %get3A_41, %slice3A_42 : vector<256x1xf32>
    %div3A_44 = vector.broadcast %add3A_43 : vector<256x1xf32> to vector<256x128xf32>
    %div3A_45 = arith.divf %add3A_36, %div3A_44 : vector<256x128xf32>
    %get3A_46 = arith.constant 2 : index
    %get3A_47 = arith.constant 0 : index
    %get3A_48 = arith.constant 0 : index
    %get3A_49 = vector.load %arg1[%get3A_46, %get3A_47, %get3A_48] : memref<9x256x128xf32, #tpu.memory_space<vmem>>, vector<1x256x128xf32>
    %get3A_50 = vector.shape_cast %get3A_49 : vector<1x256x128xf32> to vector<256x128xf32>
    %slice3A_51 = vector.extract_strided_slice %exp3A {offsets = [0, 2], sizes = [256, 1], strides = [1, 1]} : vector<256x8xf32> to vector<256x1xf32>
    %get3A_52 = arith.constant 0 : index
    %get3A_53 = arith.constant 256 : index
    %get3A_54 = vector.load %arg2[%get3A_52, %get3A_53] : memref<256x1152xf32, #tpu.memory_space<vmem>>, vector<256x128xf32>
    %mul3A_55 = vector.broadcast %slice3A_51 : vector<256x1xf32> to vector<256x128xf32>
    %mul3A_56 = arith.mulf %mul3A_55, %get3A_54 : vector<256x128xf32>
    %add3A_57 = arith.addf %get3A_50, %mul3A_56 : vector<256x128xf32>
    %get3A_58 = arith.constant 8 : index
    %get3A_59 = arith.constant 0 : index
    %get3A_60 = arith.constant 2 : index
    %get3A_61 = vector.load %arg1[%get3A_58, %get3A_59, %get3A_60] : memref<9x256x128xf32, #tpu.memory_space<vmem>>, vector<1x256x1xf32>
    %get3A_62 = vector.shape_cast %get3A_61 : vector<1x256x1xf32> to vector<256x1xf32>
    %slice3A_63 = vector.extract_strided_slice %exp3A {offsets = [0, 2], sizes = [256, 1], strides = [1, 1]} : vector<256x8xf32> to vector<256x1xf32>
    %add3A_64 = arith.addf %get3A_62, %slice3A_63 : vector<256x1xf32>
    %div3A_65 = vector.broadcast %add3A_64 : vector<256x1xf32> to vector<256x128xf32>
    %div3A_66 = arith.divf %add3A_57, %div3A_65 : vector<256x128xf32>
    %get3A_67 = arith.constant 3 : index
    %get3A_68 = arith.constant 0 : index
    %get3A_69 = arith.constant 0 : index
    %get3A_70 = vector.load %arg1[%get3A_67, %get3A_68, %get3A_69] : memref<9x256x128xf32, #tpu.memory_space<vmem>>, vector<1x256x128xf32>
    %get3A_71 = vector.shape_cast %get3A_70 : vector<1x256x128xf32> to vector<256x128xf32>
    %slice3A_72 = vector.extract_strided_slice %exp3A {offsets = [0, 3], sizes = [256, 1], strides = [1, 1]} : vector<256x8xf32> to vector<256x1xf32>
    %get3A_73 = arith.constant 0 : index
    %get3A_74 = arith.constant 384 : index
    %get3A_75 = vector.load %arg2[%get3A_73, %get3A_74] : memref<256x1152xf32, #tpu.memory_space<vmem>>, vector<256x128xf32>
    %mul3A_76 = vector.broadcast %slice3A_72 : vector<256x1xf32> to vector<256x128xf32>
    %mul3A_77 = arith.mulf %mul3A_76, %get3A_75 : vector<256x128xf32>
    %add3A_78 = arith.addf %get3A_71, %mul3A_77 : vector<256x128xf32>
    %get3A_79 = arith.constant 8 : index
    %get3A_80 = arith.constant 0 : index
    %get3A_81 = arith.constant 3 : index
    %get3A_82 = vector.load %arg1[%get3A_79, %get3A_80, %get3A_81] : memref<9x256x128xf32, #tpu.memory_space<vmem>>, vector<1x256x1xf32>
    %get3A_83 = vector.shape_cast %get3A_82 : vector<1x256x1xf32> to vector<256x1xf32>
    %slice3A_84 = vector.extract_strided_slice %exp3A {offsets = [0, 3], sizes = [256, 1], strides = [1, 1]} : vector<256x8xf32> to vector<256x1xf32>
    %add3A_85 = arith.addf %get3A_83, %slice3A_84 : vector<256x1xf32>
    %div3A_86 = vector.broadcast %add3A_85 : vector<256x1xf32> to vector<256x128xf32>
    %div3A_87 = arith.divf %add3A_78, %div3A_86 : vector<256x128xf32>
    %get3A_88 = arith.constant 4 : index
    %get3A_89 = arith.constant 0 : index
    %get3A_90 = arith.constant 0 : index
    %get3A_91 = vector.load %arg1[%get3A_88, %get3A_89, %get3A_90] : memref<9x256x128xf32, #tpu.memory_space<vmem>>, vector<1x256x128xf32>
    %get3A_92 = vector.shape_cast %get3A_91 : vector<1x256x128xf32> to vector<256x128xf32>
    %slice3A_93 = vector.extract_strided_slice %exp3A {offsets = [0, 4], sizes = [256, 1], strides = [1, 1]} : vector<256x8xf32> to vector<256x1xf32>
    %get3A_94 = arith.constant 0 : index
    %get3A_95 = arith.constant 512 : index
    %get3A_96 = vector.load %arg2[%get3A_94, %get3A_95] : memref<256x1152xf32, #tpu.memory_space<vmem>>, vector<256x128xf32>
    %mul3A_97 = vector.broadcast %slice3A_93 : vector<256x1xf32> to vector<256x128xf32>
    %mul3A_98 = arith.mulf %mul3A_97, %get3A_96 : vector<256x128xf32>
    %add3A_99 = arith.addf %get3A_92, %mul3A_98 : vector<256x128xf32>
    %get3A_100 = arith.constant 8 : index
    %get3A_101 = arith.constant 0 : index
    %get3A_102 = arith.constant 4 : index
    %get3A_103 = vector.load %arg1[%get3A_100, %get3A_101, %get3A_102] : memref<9x256x128xf32, #tpu.memory_space<vmem>>, vector<1x256x1xf32>
    %get3A_104 = vector.shape_cast %get3A_103 : vector<1x256x1xf32> to vector<256x1xf32>
    %slice3A_105 = vector.extract_strided_slice %exp3A {offsets = [0, 4], sizes = [256, 1], strides = [1, 1]} : vector<256x8xf32> to vector<256x1xf32>
    %add3A_106 = arith.addf %get3A_104, %slice3A_105 : vector<256x1xf32>
    %div3A_107 = vector.broadcast %add3A_106 : vector<256x1xf32> to vector<256x128xf32>
    %div3A_108 = arith.divf %add3A_99, %div3A_107 : vector<256x128xf32>
    %get3A_109 = arith.constant 5 : index
    %get3A_110 = arith.constant 0 : index
    %get3A_111 = arith.constant 0 : index
    %get3A_112 = vector.load %arg1[%get3A_109, %get3A_110, %get3A_111] : memref<9x256x128xf32, #tpu.memory_space<vmem>>, vector<1x256x128xf32>
    %get3A_113 = vector.shape_cast %get3A_112 : vector<1x256x128xf32> to vector<256x128xf32>
    %slice3A_114 = vector.extract_strided_slice %exp3A {offsets = [0, 5], sizes = [256, 1], strides = [1, 1]} : vector<256x8xf32> to vector<256x1xf32>
    %get3A_115 = arith.constant 0 : index
    %get3A_116 = arith.constant 640 : index
    %get3A_117 = vector.load %arg2[%get3A_115, %get3A_116] : memref<256x1152xf32, #tpu.memory_space<vmem>>, vector<256x128xf32>
    %mul3A_118 = vector.broadcast %slice3A_114 : vector<256x1xf32> to vector<256x128xf32>
    %mul3A_119 = arith.mulf %mul3A_118, %get3A_117 : vector<256x128xf32>
    %add3A_120 = arith.addf %get3A_113, %mul3A_119 : vector<256x128xf32>
    %get3A_121 = arith.constant 8 : index
    %get3A_122 = arith.constant 0 : index
    %get3A_123 = arith.constant 5 : index
    %get3A_124 = vector.load %arg1[%get3A_121, %get3A_122, %get3A_123] : memref<9x256x128xf32, #tpu.memory_space<vmem>>, vector<1x256x1xf32>
    %get3A_125 = vector.shape_cast %get3A_124 : vector<1x256x1xf32> to vector<256x1xf32>
    %slice3A_126 = vector.extract_strided_slice %exp3A {offsets = [0, 5], sizes = [256, 1], strides = [1, 1]} : vector<256x8xf32> to vector<256x1xf32>
    %add3A_127 = arith.addf %get3A_125, %slice3A_126 : vector<256x1xf32>
    %div3A_128 = vector.broadcast %add3A_127 : vector<256x1xf32> to vector<256x128xf32>
    %div3A_129 = arith.divf %add3A_120, %div3A_128 : vector<256x128xf32>
    %get3A_130 = arith.constant 6 : index
    %get3A_131 = arith.constant 0 : index
    %get3A_132 = arith.constant 0 : index
    %get3A_133 = vector.load %arg1[%get3A_130, %get3A_131, %get3A_132] : memref<9x256x128xf32, #tpu.memory_space<vmem>>, vector<1x256x128xf32>
    %get3A_134 = vector.shape_cast %get3A_133 : vector<1x256x128xf32> to vector<256x128xf32>
    %slice3A_135 = vector.extract_strided_slice %exp3A {offsets = [0, 6], sizes = [256, 1], strides = [1, 1]} : vector<256x8xf32> to vector<256x1xf32>
    %get3A_136 = arith.constant 0 : index
    %get3A_137 = arith.constant 768 : index
    %get3A_138 = vector.load %arg2[%get3A_136, %get3A_137] : memref<256x1152xf32, #tpu.memory_space<vmem>>, vector<256x128xf32>
    %mul3A_139 = vector.broadcast %slice3A_135 : vector<256x1xf32> to vector<256x128xf32>
    %mul3A_140 = arith.mulf %mul3A_139, %get3A_138 : vector<256x128xf32>
    %add3A_141 = arith.addf %get3A_134, %mul3A_140 : vector<256x128xf32>
    %get3A_142 = arith.constant 8 : index
    %get3A_143 = arith.constant 0 : index
    %get3A_144 = arith.constant 6 : index
    %get3A_145 = vector.load %arg1[%get3A_142, %get3A_143, %get3A_144] : memref<9x256x128xf32, #tpu.memory_space<vmem>>, vector<1x256x1xf32>
    %get3A_146 = vector.shape_cast %get3A_145 : vector<1x256x1xf32> to vector<256x1xf32>
    %slice3A_147 = vector.extract_strided_slice %exp3A {offsets = [0, 6], sizes = [256, 1], strides = [1, 1]} : vector<256x8xf32> to vector<256x1xf32>
    %add3A_148 = arith.addf %get3A_146, %slice3A_147 : vector<256x1xf32>
    %div3A_149 = vector.broadcast %add3A_148 : vector<256x1xf32> to vector<256x128xf32>
    %div3A_150 = arith.divf %add3A_141, %div3A_149 : vector<256x128xf32>
    %get3A_151 = arith.constant 7 : index
    %get3A_152 = arith.constant 0 : index
    %get3A_153 = arith.constant 0 : index
    %get3A_154 = vector.load %arg1[%get3A_151, %get3A_152, %get3A_153] : memref<9x256x128xf32, #tpu.memory_space<vmem>>, vector<1x256x128xf32>
    %get3A_155 = vector.shape_cast %get3A_154 : vector<1x256x128xf32> to vector<256x128xf32>
    %slice3A_156 = vector.extract_strided_slice %exp3A {offsets = [0, 7], sizes = [256, 1], strides = [1, 1]} : vector<256x8xf32> to vector<256x1xf32>
    %get3A_157 = arith.constant 0 : index
    %get3A_158 = arith.constant 896 : index
    %get3A_159 = vector.load %arg2[%get3A_157, %get3A_158] : memref<256x1152xf32, #tpu.memory_space<vmem>>, vector<256x128xf32>
    %mul3A_160 = vector.broadcast %slice3A_156 : vector<256x1xf32> to vector<256x128xf32>
    %mul3A_161 = arith.mulf %mul3A_160, %get3A_159 : vector<256x128xf32>
    %add3A_162 = arith.addf %get3A_155, %mul3A_161 : vector<256x128xf32>
    %get3A_163 = arith.constant 8 : index
    %get3A_164 = arith.constant 0 : index
    %get3A_165 = arith.constant 7 : index
    %get3A_166 = vector.load %arg1[%get3A_163, %get3A_164, %get3A_165] : memref<9x256x128xf32, #tpu.memory_space<vmem>>, vector<1x256x1xf32>
    %get3A_167 = vector.shape_cast %get3A_166 : vector<1x256x1xf32> to vector<256x1xf32>
    %slice3A_168 = vector.extract_strided_slice %exp3A {offsets = [0, 7], sizes = [256, 1], strides = [1, 1]} : vector<256x8xf32> to vector<256x1xf32>
    %add3A_169 = arith.addf %get3A_167, %slice3A_168 : vector<256x1xf32>
    %div3A_170 = vector.broadcast %add3A_169 : vector<256x1xf32> to vector<256x128xf32>
    %div3A_171 = arith.divf %add3A_162, %div3A_170 : vector<256x128xf32>
    %concatenate3A = tpu.concatenate %div3A_24, %div3A_45, %div3A_66, %div3A_87, %div3A_108, %div3A_129, %div3A_150, %div3A_171 in 1 : vector<256x128xf32>, vector<256x128xf32>, vector<256x128xf32>, vector<256x128xf32>, vector<256x128xf32>, vector<256x128xf32>, vector<256x128xf32>, vector<256x128xf32> -> vector<256x1024xf32>
    %get3A_172 = arith.constant 0 : index
    %get3A_173 = arith.constant 0 : index
    %get3A_174 = vector.load %arg5[%get3A_172, %get3A_173] : memref<1x1024xf32, #tpu.memory_space<vmem>>, vector<1x1024xf32>
    %add3A_175 = vector.broadcast %get3A_174 : vector<1x1024xf32> to vector<256x1024xf32>
    %add3A_176 = arith.addf %concatenate3A, %add3A_175 : vector<256x1024xf32>
    %gt3A = arith.constant 0.000000e+00 : f32
    %gt3A_177 = vector.broadcast %gt3A : f32 to vector<256x1024xf32>
    %gt3A_178 = arith.cmpf ogt, %add3A_176, %gt3A_177 : vector<256x1024xf32>
    %exp3A_179 = math.exp %add3A_176 : vector<256x1024xf32>
    %sub3A = arith.constant 1.000000e+00 : f32
    %sub3A_180 = vector.broadcast %sub3A : f32 to vector<256x1024xf32>
    %sub3A_181 = arith.subf %exp3A_179, %sub3A_180 : vector<256x1024xf32>
    %select_n3A = arith.select %gt3A_178, %add3A_176, %sub3A_181 : vector<256x1024xi1>, vector<256x1024xf32>
    %get3A_182 = arith.constant 0 : index
    %get3A_183 = arith.constant 0 : index
    %get3A_184 = vector.load %arg4[%get3A_182, %get3A_183] : memref<1024x128xf32, #tpu.memory_space<vmem>>, vector<1024x128xf32>
    %dot_general3A = arith.constant dense<0.000000e+00> : vector<256x128xf32>
    %dot_general3A_185 = tpu.matmul %select_n3A, %get3A_184, %dot_general3A {dimension_numbers = #tpu.dot_dimension_numbers<[1], [0], [0], [1], [0, 0, 1, 1], [], []>, transpose_lhs_hint = false} : vector<256x1024xf32>, vector<1024x128xf32>, vector<256x128xf32> -> vector<256x128xf32>
    %iota3A = tpu.iota {dimensions = array<i32: 1>} : vector<256x128xi32>
    %eq3A = arith.constant 40 : i32
    %eq3A_186 = vector.broadcast %eq3A : i32 to vector<256x128xi32>
    %eq3A_187 = arith.cmpi eq, %iota3A, %eq3A_186 : vector<256x128xi32>
    %jit3A = arith.constant 1.000000e+00 : f32
    %broadcast_in_dim3A = vector.broadcast %jit3A : f32 to vector<256x128xf32>
    %select_n3A_188 = arith.select %eq3A_187, %broadcast_in_dim3A, %dot_general3A_185 : vector<256x128xi1>, vector<256x128xf32>
    %swap3A = arith.constant 0 : index
    %swap3A_189 = arith.constant 0 : index
    %swap3A_190 = vector.load %arg6[%swap3A, %swap3A_189] : memref<256x128xf32, #tpu.memory_space<vmem>>, vector<256x128xf32>
    tpu.vector_store %arg6[%swap3A, %swap3A_189], %select_n3A_188 {strides = array<i32>} : memref<256x128xf32, #tpu.memory_space<vmem>>, vector<256x128xf32>,
    return
  }
  func.func @transform_0(%arg0: i32) -> (i32, i32, i32) {
    %c0_i32 = arith.constant 0 : i32
    %c0_i32_0 = arith.constant 0 : i32
    %c0_i32_1 = arith.constant 0 : i32
    return %c0_i32, %arg0, %c0_i32_0 : i32, i32, i32
  }
  func.func @transform_1(%arg0: i32) -> (i32, i32) {
    %c0_i32 = arith.constant 0 : i32
    %c0_i32_0 = arith.constant 0 : i32
    return %arg0, %c0_i32 : i32, i32
  }
  func.func @transform_2(%arg0: i32) -> (i32, i32) {
    %c0_i32 = arith.constant 0 : i32
    %c0_i32_0 = arith.constant 0 : i32
    return %arg0, %c0_i32 : i32, i32
  }
  func.func @transform_3(%arg0: i32) -> (i32, i32) {
    %c0_i32 = arith.constant 0 : i32
    %c0_i32_0 = arith.constant 0 : i32
    %c0_i32_1 = arith.constant 0 : i32
    return %c0_i32, %c0_i32_0 : i32, i32
  }
  func.func @transform_4(%arg0: i32) -> (i32, i32) {
    %c0_i32 = arith.constant 0 : i32
    %c0_i32_0 = arith.constant 0 : i32
    %c0_i32_1 = arith.constant 0 : i32
    return %c0_i32, %c0_i32_0 : i32, i32
  }
  func.func @transform_5(%arg0: i32) -> (i32, i32) {
    %c0_i32 = arith.constant 0 : i32
    %c0_i32_0 = arith.constant 0 : i32
    return %arg0, %c0_i32 : i32, i32
  }
}

module attributes {stable_mosaic.version = 14 : i64} {
  func.func @_k4_body(%arg0: i32, %arg1: memref<256x128xf32, #tpu.memory_space<vmem>>, %arg2: memref<256x128xf32, #tpu.memory_space<vmem>>, %arg3: memref<256x128xf32, #tpu.memory_space<vmem>>, %arg4: memref<1x40xf32, #tpu.memory_space<vmem>>, %arg5: memref<256x40xf32, #tpu.memory_space<vmem>>) attributes {dimension_semantics = [#tpu.dimension_semantics<arbitrary>], iteration_bounds = array<i64: 40>, scalar_prefetch = 0 : i64, scratch_operands = 0 : i64, tpu.core_type = #tpu.core_type<tc>, window_params = [{transform_indices = @transform_0, window_bounds = array<i64: 256, 128>}, {transform_indices = @transform_1, window_bounds = array<i64: 256, 128>}, {transform_indices = @transform_2, window_bounds = array<i64: 256, 128>}, {pipeline_mode = #tpu.pipeline_mode<synchronous>, transform_indices = @transform_3, window_bounds = array<i64: 1, 40>}, {transform_indices = @transform_4, window_bounds = array<i64: 256, 40>}]} {
    %get3A = arith.constant 0 : index
    %get3A_0 = arith.constant 0 : index
    %get3A_1 = vector.load %arg3[%get3A, %get3A_0] : memref<256x128xf32, #tpu.memory_space<vmem>>, vector<256x128xf32>
    %slice3A = vector.extract_strided_slice %get3A_1 {offsets = [0, 41], sizes = [256, 1], strides = [1, 1]} : vector<256x128xf32> to vector<256x1xf32>
    %slice3A_2 = vector.extract_strided_slice %get3A_1 {offsets = [0, 42], sizes = [256, 1], strides = [1, 1]} : vector<256x128xf32> to vector<256x1xf32>
    %add3A = arith.addf %slice3A, %slice3A_2 : vector<256x1xf32>
    %mul3A = arith.constant 2.000000e-01 : f32
    %mul3A_3 = vector.broadcast %mul3A : f32 to vector<256x1xf32>
    %mul3A_4 = arith.mulf %add3A, %mul3A_3 : vector<256x1xf32>
    %max3A = arith.maximumf %add3A, %mul3A_4 : vector<256x1xf32>
    %exp3A = math.exp %max3A : vector<256x1xf32>
    %get3A_5 = arith.constant 0 : index
    %get3A_6 = arith.constant 0 : index
    %get3A_7 = vector.load %arg1[%get3A_5, %get3A_6] : memref<256x128xf32, #tpu.memory_space<vmem>>, vector<256x128xf32>
    %get3A_8 = arith.constant 0 : index
    %get3A_9 = arith.constant 0 : index
    %get3A_10 = vector.load %arg2[%get3A_8, %get3A_9] : memref<256x128xf32, #tpu.memory_space<vmem>>, vector<256x128xf32>
    %add3A_11 = arith.addf %get3A_7, %get3A_10 : vector<256x128xf32>
    %slice3A_12 = vector.extract_strided_slice %add3A_11 {offsets = [0, 0], sizes = [256, 40], strides = [1, 1]} : vector<256x128xf32> to vector<256x40xf32>
    %slice3A_13 = vector.extract_strided_slice %get3A_1 {offsets = [0, 0], sizes = [256, 40], strides = [1, 1]} : vector<256x128xf32> to vector<256x40xf32>
    %mul3A_14 = vector.broadcast %exp3A : vector<256x1xf32> to vector<256x40xf32>
    %mul3A_15 = arith.mulf %mul3A_14, %slice3A_13 : vector<256x40xf32>
    %add3A_16 = arith.addf %slice3A_12, %mul3A_15 : vector<256x40xf32>
    %slice3A_17 = vector.extract_strided_slice %add3A_11 {offsets = [0, 40], sizes = [256, 1], strides = [1, 1]} : vector<256x128xf32> to vector<256x1xf32>
    %add3A_18 = arith.addf %slice3A_17, %exp3A : vector<256x1xf32>
    %div3A = vector.broadcast %add3A_18 : vector<256x1xf32> to vector<256x40xf32>
    %div3A_19 = arith.divf %add3A_16, %div3A : vector<256x40xf32>
    %get3A_20 = arith.constant 0 : index
    %get3A_21 = arith.constant 0 : index
    %get3A_22 = vector.load %arg4[%get3A_20, %get3A_21] : memref<1x40xf32, #tpu.memory_space<vmem>>, vector<1x40xf32>
    %add3A_23 = vector.broadcast %get3A_22 : vector<1x40xf32> to vector<256x40xf32>
    %add3A_24 = arith.addf %div3A_19, %add3A_23 : vector<256x40xf32>
    %reduce_max3A = arith.constant dense<0xFF800000> : vector<256xf32>
    %reduce_max3A_25 = vector.multi_reduction <maximumf>, %add3A_24, %reduce_max3A [1] : vector<256x40xf32> to vector<256xf32>
    %broadcast_in_dim3A = vector.shape_cast %reduce_max3A_25 : vector<256xf32> to vector<256x1xf32>
    %sub3A = vector.broadcast %broadcast_in_dim3A : vector<256x1xf32> to vector<256x40xf32>
    %sub3A_26 = arith.subf %add3A_24, %sub3A : vector<256x40xf32>
    %exp3A_27 = math.exp %sub3A_26 : vector<256x40xf32>
    %reduce_sum3A = arith.constant dense<0.000000e+00> : vector<256xf32>
    %reduce_sum3A_28 = vector.multi_reduction <add>, %exp3A_27, %reduce_sum3A [1] : vector<256x40xf32> to vector<256xf32>
    %broadcast_in_dim3A_29 = vector.shape_cast %reduce_sum3A_28 : vector<256xf32> to vector<256x1xf32>
    %div3A_30 = vector.broadcast %broadcast_in_dim3A_29 : vector<256x1xf32> to vector<256x40xf32>
    %div3A_31 = arith.divf %exp3A_27, %div3A_30 : vector<256x40xf32>
    %swap3A = arith.constant 0 : index
    %swap3A_32 = arith.constant 0 : index
    %swap3A_33 = vector.load %arg5[%swap3A, %swap3A_32] : memref<256x40xf32, #tpu.memory_space<vmem>>, vector<256x40xf32>
    tpu.vector_store %arg5[%swap3A, %swap3A_32], %div3A_31 {strides = array<i32>} : memref<256x40xf32, #tpu.memory_space<vmem>>, vector<256x40xf32>,
    return
  }
  func.func @transform_0(%arg0: i32) -> (i32, i32) {
    %c0_i32 = arith.constant 0 : i32
    %c0_i32_0 = arith.constant 0 : i32
    return %arg0, %c0_i32 : i32, i32
  }
  func.func @transform_1(%arg0: i32) -> (i32, i32) {
    %c0_i32 = arith.constant 0 : i32
    %c0_i32_0 = arith.constant 0 : i32
    return %arg0, %c0_i32 : i32, i32
  }
  func.func @transform_2(%arg0: i32) -> (i32, i32) {
    %c0_i32 = arith.constant 0 : i32
    %c0_i32_0 = arith.constant 0 : i32
    return %arg0, %c0_i32 : i32, i32
  }
  func.func @transform_3(%arg0: i32) -> (i32, i32) {
    %c0_i32 = arith.constant 0 : i32
    %c0_i32_0 = arith.constant 0 : i32
    %c0_i32_1 = arith.constant 0 : i32
    return %c0_i32, %c0_i32_0 : i32, i32
  }
  func.func @transform_4(%arg0: i32) -> (i32, i32) {
    %c0_i32 = arith.constant 0 : i32
    %c0_i32_0 = arith.constant 0 : i32
    return %arg0, %c0_i32 : i32, i32
  }
}

</mosaic_0001>

<sc_bundles>
// kernel: kernel.10.cloned.1.call-start
scs
__scs_entry_jumppad:
0x0: {  	(pc) =	sbr.rel $0x88, $3  }
0x1: {  	(tag) =	ssettag $0x0;
	lr =	simm.s32 $0x1  }
0x2: {  	[smem:$0x3F97] =	sst lr;
	_ =	strace $0xD0000000  }
0x3: {  	_ = 	snop  }
0x4: {  	_ = 	snop  }
0x5: {  	_ = 	snop  }
0x6: {  	_ = 	snop  }
0x7: {  	_ = 	snop  }
__scs_overlays_trampoline_lowered:
0x8: {  	[smem:$0x3FA6] =	sst s0  }
0x9: {  	[smem:$0x3FA7] =	sst s1  }
0xa: {  	[smem:$0x3FA8] =	sst s2  }
0xb: {  	[smem:$0x3FA9] =	sst s3  }
0xc: {  	[smem:$0x3FAA] =	sst s4  }
0xd: {  	[smem:$0x3FAB] =	sst s5  }
0xe: {  	[smem:$0x3FAC] =	sst s6  }
0xf: {  	[smem:$0x3FAD] =	sst s7  }
0x10: {  	[smem:$0x3FAE] =	sst s8  }
0x11: {  	[smem:$0x3FAF] =	sst s9;
	s0 =	simm.s32 @!p0 $0x0  }
0x12: {  	s1 =	sld [smem:$0x3F95];
	s0 =	simm.s32 @p0 $0x1  }
0x13: {  	[smem:$0x3FB0] =	sst s0;
	s0 =	simm.s32 @!p1 $0x0  }
0x14: {  	s2 =	sld [smem:$0x3F94];
	s0 =	simm.s32 @p1 $0x1  }
0x15: {  	[smem:$0x3FB1] =	sst s0;
	s0 =	simm.s32 @!p2 $0x0  }
0x16: {  	s3 =	sld [smem:$0x3FDB];
	s0 =	simm.s32 @p2 $0x1  }
0x17: {  	s4 =	simm.s32 $0x1BF5;
	[smem:$0x3FB3] =	sst s0  }
0x18: {  	s0 =	sld [smem:$0x3F96];
	_ =	swait.ge [sflag:s4], $0x0  }
0x19: {  	s7 =	sld [smem:$0x3F97]  }
0x1a: {  	s8 =	sadd.s32 $0xFFFFE003, lr  }
0x1b: {  	s9 =	sadd.s32 $0xFFFFFEF7, lr;
	s5 =	simm.s32 $0xFFFFFFFF;
	p2 =	slt.u32 s8, $0xFFFFF086  }
0x1c: {  	p1 =	slt.u32 s9, $0xF7A;
	s5 =	simm.s32 @!p2 $0x0  }
0x1d: {  	s5 =	simm.s32 @p1 $0x1;
	p0 =	seq.s32 s7, s2  }
0x1e: {  	s7 =	smul.u32 @!p0 $0xF7A, s2;
	p2 =	seq.s32 @!p0 s5, $0x0  }
0x1f: {  	s9 =	smul.u32 $0xF7A, s1;
	s8 =	simm.s32 @!p0 $0x1BF5;
	p2 =	por !p2, p0  }
0x20: {  	[sflag:s8] =	ssyncset.s32 @!p0 $0xFFFFF086;
	s6 =	sadd.s32 @!p0 s3, s7;
	s7 =	simm.s32 @!p0 $0x108  }
0x21: {  	s3 =	sadd.s32 s3, s9;
	s6 =	sadd.s32 @!p0 $0x88, s6;
	s7 =	simm.s32 @p2 $0x1082  }
0x22: {  	[simem:s7], [sflag:s8] =	dma.local @!p0 [hbm:s6], $0xF7A  }
0x23: {  	s9 =	sor.u32 $0xD0000000, s2;
	s6 =	simm.s32 $0x108;
	_ =	swait.ge @!p0 [sflag:s8], $0x0  }
0x24: {  	s3 =	sadd.s32 $0x88, s3;
	s6 =	simm.s32 @!p1 $0x1082;
	[sflag:s4] =	ssyncset.s32 $0xFFFFF086  }
0x25: {  	[simem:s6], [sflag:s4] =	dma.local [hbm:s3], $0xF7A  }
0x26: {  	[smem:$0x3F97] =	sst s1;
	(tag) =	ssettag s2;
	_ =	strace s9  }
0x27: {  	s1 =	sld [smem:$0x3FA7]  }
0x28: {  	s2 =	sld [smem:$0x3FA8]  }
0x29: {  	s4 =	sld [smem:$0x3FAA]  }
0x2a: {  	p0 =	seq.s32 s5, $0x0;
	s5 =	sld [smem:$0x3FAB]  }
0x2b: {  	s6 =	sld [smem:$0x3FAC]  }
0x2c: {  	s7 =	sld [smem:$0x3FAD]  }
0x2d: {  	s3 =	simm.s32 $0x108;
	s8 =	sld [smem:$0x3FAE]  }
0x2e: {  	s3 =	simm.s32 @!p0 $0x1082;
	s9 =	sld [smem:$0x3FAF]  }
0x2f: {  	lr =	sadd.s32 s0, s3;
	s0 =	sld [smem:$0x3FA6]  }
0x30: {  	s3 =	sld [smem:$0x3FA9]  }
0x31: {  	[smem:$0x3FB2] =	sst s10  }
0x32: {  	s10 =	sld [smem:$0x3FB0];
	_ =	sdelay $0x3  }
0x33: {  	p0 =	seq.s32 s10, $0x1;
	s10 =	sld [smem:$0x3FB2];
	_ =	sdelay $0x3  }
0x34: {  	[smem:$0x3FB2] =	sst s10  }
0x35: {  	s10 =	sld [smem:$0x3FB1];
	_ =	sdelay $0x3  }
0x36: {  	p1 =	seq.s32 s10, $0x1;
	s10 =	sld [smem:$0x3FB2];
	_ =	sdelay $0x3  }
0x37: {  	[smem:$0x3FB2] =	sst s10  }
0x38: {  	s10 =	sld [smem:$0x3FB3]  }
0x39: {  	_ = 	snop;
	(pc) =	sbr.ind lr, $3  }
0x3a: {  	_ = 	snop  }
0x3b: {  	_ = 	snop  }
0x3c: {  	p2 =	seq.s32 s10, $0x1;
	s10 =	sld [smem:$0x3FB2]  }
0x3d: {  	_ =	shalt  }
0x3e: {  	_ =	shalt  }
0x3f: {  	_ =	shalt  }
0x40: {  	_ =	shalt  }
0x41: {  	_ =	shalt  }
0x42: {  	_ =	shalt  }
0x43: {  	_ =	shalt  }
0x44: {  	_ =	shalt  }
0x45: {  	_ =	shalt  }
0x46: {  	_ =	shalt  }
0x47: {  	_ =	shalt  }
0x48: {  	_ =	shalt  }
0x49: {  	_ =	shalt  }
0x4a: {  	_ =	shalt  }
0x4b: {  	_ =	shalt  }
0x4c: {  	_ =	shalt  }
0x4d: {  	_ =	shalt  }
0x4e: {  	_ =	shalt  }
0x4f: {  	_ =	shalt  }
0x50: {  	_ =	shalt  }
0x51: {  	_ =	shalt  }
0x52: {  	_ =	shalt  }
0x53: {  	_ =	shalt  }
0x54: {  	_ =	shalt  }
0x55: {  	_ =	shalt  }
0x56: {  	_ =	shalt  }
0x57: {  	_ =	shalt  }
0x58: {  	_ =	shalt  }
0x59: {  	_ =	shalt  }
0x5a: {  	_ =	shalt  }
0x5b: {  	_ =	shalt  }
0x5c: {  	_ =	shalt  }
0x5d: {  	_ =	shalt  }
0x5e: {  	_ =	shalt  }
0x5f: {  	_ =	shalt  }
0x60: {  	_ =	shalt  }
0x61: {  	_ =	shalt  }
0x62: {  	_ =	shalt  }
0x63: {  	_ =	shalt  }
0x64: {  	_ =	shalt  }
0x65: {  	_ =	shalt  }
0x66: {  	_ =	shalt  }
0x67: {  	_ =	shalt  }
0x68: {  	_ =	shalt  }
0x69: {  	_ =	shalt  }
0x6a: {  	_ =	shalt  }
0x6b: {  	_ =	shalt  }
0x6c: {  	_ =	shalt  }
0x6d: {  	_ =	shalt  }
0x6e: {  	_ =	shalt  }
0x6f: {  	_ =	shalt  }
0x70: {  	_ =	shalt  }
0x71: {  	_ =	shalt  }
0x72: {  	_ =	shalt  }
0x73: {  	_ =	shalt  }
0x74: {  	_ =	shalt  }
0x75: {  	_ =	shalt  }
0x76: {  	_ =	shalt  }
0x77: {  	_ =	shalt  }
0x78: {  	_ =	shalt  }
0x79: {  	_ =	shalt  }
0x7a: {  	_ =	shalt  }
0x7b: {  	_ =	shalt  }
0x7c: {  	_ =	shalt  }
0x7d: {  	_ =	shalt  }
0x7e: {  	_ =	shalt  }
0x7f: {  	_ =	shalt  }
0x80: {  	_ =	shalt  }
0x81: {  	_ =	shalt  }
0x82: {  	_ =	shalt  }
0x83: {  	_ =	shalt  }
0x84: {  	_ =	shalt  }
0x85: {  	_ =	shalt  }
0x86: {  	_ =	shalt  }
0x87: {  	_ =	shalt  }
.Lfunc_end0:
.L_simem_size_0:
called_computation.1_lowered:
.L_overlay_start_0:
0x88: {  	s2 =	sld [smem:$0x3FD9]  }
0x89: {  	s3 =	sld [smem:$0x3FFE];
	_ =	sdelay $0x1  }
0x8a: {  	s1 =	srdreg.scid  }
0x8b: {  	s0 =	sand.u32 $0x1, s1  }
0x8c: {  	s17 =	sshll.u32 s0, $0xA;
	s2 =	sadd.s32 s3, s2  }
0x8d: {  	s2 =	sadd.s32 s2, s17  }
0x8e: {  	[smem:$0x3FBE] =	sst s2  }
0x8f: {  	_ = 	snop  }
0x90: {  	s2 =	sld [smem:$0x3FD0];
	(tm) =	ssettm $0x1  }
0x91: {  	s18 =	sld [smem:$0x3FFB];
	_ =	sdelay $0x3  }
0x92: {  	_ =	strace s18  }
0x93: {  	s3 =	sld [smem:$0x3FFC];
	_ =	sdelay $0x3  }
0x94: {  	_ =	strace s3  }
0x95: {  	s3 =	sld [smem:$0x3FFD];
	_ =	sdelay $0x3  }
0x96: {  	_ =	strace s3  }
0x97: {  	_ =	strace $0x8FFFFFFF  }
0x98: {  	s19 =	sld [smem:$0x3FDB];
	_ =	sdelay $0x1  }
0x99: {  	s4 =	simm.s32 $_scs_section_size  }
0x9a: {  	s5 =	simm.s32 $_size__tile_overlayer_lowered;
	s6 =	simm.s32 $_tile_overlayer_lowered  }
0x9b: {  	s22 =	simm.s32 $0x1BFF;
	s21 =	sshll.u32 s6, $0x1;
	s3 =	sadd.s32 s4, s19  }
0x9c: {  	s7 =	simm.s32 $0x0;
	s20 =	sshll.u32 s5, $0x1;
	s5 =	sadd.s32 s21, s3  }
0x9d: {  	[timem:s7], [sflag:s22] =	dma.local [hbm:s5], s20  }
0x9e: {  	_ =	swait.ge [sflag:s22], s20  }
0x9f: {  	s4 =	ssub.s32 $0x0, s20;
	[sflag:s22] =	ssyncset.done $0x0  }
0xa0: {  	[sflag:s22] =	ssyncadd.s32 s4;
	_ =	sdelay $0x1  }
0xa1: {  	s23 =	simm.s32 $0x1B8B  }
0xa2: {  	_ =	swait.ge [sflag:s23], $0x1  }
0xa3: {  	[sflag:s23] =	ssyncset.done $0x0  }
0xa4: {  	s25 =	simm.s32 $0x1B8E;
	s24 =	sld [smem:$0x3FFE];
	[sflag:s23] =	ssyncadd.s32 $0xFFFFFFFF  }
0xa5: {  	s26 =	simm.s32 $execute0_lowered;
	[smem:$0x3FD2] =	sst s25  }
0xa6: {  	s5 =	sshll.u32 s26, $0x1;
	_ =	strace $0x80000049;
	[dreg:$0x1] =	wrdreg $0xFFFFFFFF  }
0xa7: {  	s28 =	simm.s32 $_size_execute0_lowered;
	s3 =	sadd.s32 s3, s5;
	[dreg:$0x0] =	wrdreg $0x0  }
0xa8: {  	s5 =	sshll.u32 s28, $0x1;
	[dreg:$0x2] =	wrdreg s3  }
0xa9: {  	[dreg:$0x3] =	wrdreg s5  }
0xaa: {  	[dreg:$0x4] =	wrdreg $0xC0  }
0xab: {  	_ =	task [dreg:s7], $0x5FFFF  }
0xac: {  	[dreg:$0x1] =	wrdreg $0xFFFFFFFF  }
0xad: {  	[dreg:$0x0] =	wrdreg $0x60  }
0xae: {  	[dreg:$0x2] =	wrdreg s24  }
0xaf: {  	[dreg:$0x3] =	wrdreg s2  }
0xb0: {  	[dreg:$0x4] =	wrdreg $0xA7800  }
0xb1: {  	[dreg:$0x5] =	wrdreg $0x1E7800  }
0xb2: {  	[dreg:$0x6] =	wrdreg $0x9  }
0xb3: {  	_ =	task.clear_ibuf [dreg:s7], $0x7FFFF;
	_ =	strace $0x90000049  }
0xb4: {  	s29 =	simm.s32 $0x9;
	_ =	strace $0x8000004B  }
0xb5: {  	_ =	swait.ge [sflag:s29], $0x1  }
0xb6: {  	[sflag:s29] =	ssyncadd.s32 $0xFFFFFFFF  }
0xb7: {  	_ =	strace $0x9000004B  }
0xb8: {  	_ =	sfence  }
0xb9: {  	s30 =	sld [smem:$0x0];
	_ =	sdelay $0x2  }
0xba: {  	s31 =	sshll.u32 s1, $0xD;
	s1 =	sshrl.u32 s1, $0x2  }
0xbb: {  	s3 =	sand.u32 $0x4000, s31;
	s1 =	sadd.s32 s1, s30  }
0xbc: {  	s0 =	sor.u32 s3, s0;
	s1 =	sshll.u32 s1, $0x11  }
0xbd: {  	s0 =	sor.u32 s1, s0  }
0xbe: {  	s0 =	sadd.s32 $0x8F2B, s0  }
0xbf: {  	[sflag:s0] =	ssyncadd.remote.s32 $0x1  }
0xc0: {  	_ =	sfence.sel $0xFFFF  }
0xc1: {  	[dreg:$0x0] =	wrdreg $0xFFFFFFFF;
	(pc) =	sbr.abs _section_cstart, $3  }
0xc2: {  	[dreg:$0x1] =	wrdreg $0xFFFFFFFF  }
0xc3: {  	_ =	task.clear_ibuf [dreg:s7], $0x2FFFF;
	_ =	strace $0x9FFFFFFF  }
0xc4: {  	(tm) =	ssettm $0x7FFFFFFF  }
0xc5: {  	_ =	shalt  }
tec
execute0_lowered:
.L_overlay_start_1:
0x0: {  	(tag) =	ssettag $0x1  }
0x1: {  	s1 =	rddreg [dreg:$0x0]  }
0x2: {  	s10 =	rddreg [dreg:$0x1]  }
0x3: {  	s2 =	srdreg.scid;
	s3 =	rddreg [dreg:$0x2]  }
0x4: {  	s0 =	stileid.u32;
	s11 =	rddreg [dreg:$0x3];
	s4 =	simm.s32 $0x0  }
0x5: {  	s18 =	simm.s32 $0x7700;
	s19 =	simm.s32 $0xA700;
	s20 =	simm.s32 $0x9F00  }
0x6: {  	s21 =	simm.s32 $0x1;
	s22 =	simm.s32 $0x10;
	s23 =	simm.s32 $0x0  }
0x7: {  	s7 =	sand.u32 $0x1, s2;
	s26 =	sshll.u32 s0, $0x1;
	s2 =	rddreg [dreg:$0x4]  }
0x8: {  	[smem:$0x7FF] =	sst s4;
	s8 =	smul.u32 $0x14000, s0;
	s6 =	sadd.s32 $0x28000, s1  }
0x9: {  	s28 =	smul.u32 $0x50000, s0;
	s30 =	sshll.u32 s0, $0x6;
	s31 =	sshll.u32 s0, $0x4  }
0xa: {  	s5 =	sor.u32 s7, s26;
	_ =	strace $0x8000004A;
	s9 =	smul.u32 $0x140000, s7  }
0xb: {  	s7 =	ssub.s32 $0x2, s7;
	s11 =	sadd.s32 s31, s11;
	s12 =	smul.u32 $0x4E2, s5  }
0xc: {  	s5 =	sadd.s32 $0x28600, s1;
	s14 =	sshrl.u32 s8, $0x3;
	s29 =	sshrl.u32 s7, $0x1  }
0xd: {  	s8 =	sadd.s32 s8, s9;
	s14 =	sadd.s32 s14, s1;
	s9 =	sshrl.u32 s28, $0x2  }
0xe: {  	s16 =	ssub.s32 s7, s29;
	s13 =	sadd.s32 s12, s1;
	s8 =	sshrl.u32 s8, $0x3  }
0xf: {  	s17 =	sadd.s32 s9, s3;
	s7 =	sadd.s32 $0x28C00, s14;
	s10 =	sadd.s32 s10, s12  }
0x10: {  	s15 =	sadd.s32 s8, s1;
	s8 =	sor.u32 $0x1C02, s30;
	s9 =	sadd.s32 $0x2D2A00, s13  }
0x11: {  	s13 =	smax.u32 s16, $0x1;
	s14 =	sshrl.u32 s17, $0x3;
	s16 =	simm.s32 $0x2780  }
0x12: {  	vm0 =	vmmov $0xffff;
	s17 =	simm.s32 $0x4F00;
	s12 =	sadd.s32 $0x50C00, s15;
	s15 =	simm.s32 $0x2  }
.LBB2_1:
0x13: {  	[spmem:s14], [sflag:s8] =	dma.local [hbm:s7], $0x2800  }
0x14: {  	_ =	swait.ge [sflag:s15], $0x2800  }
0x15: {  	[sflag:s15] =	ssyncset.done $0x0  }
0x16: {  	[sflag:s15] =	ssyncadd.s32 $0xFFFFD800  }
0x17: {  	[tilespmem:s4], [sflag:$0x2] =	stream.linear.gather [hbm4b:s9+s4], $0x2710, $0x38;
	[tilespmem:$0x1E790] =	vst v63  }
0x18: {  	_ =	swait.ge [sflag:s15], $0x2710  }
0x19: {  	[sflag:s15] =	ssyncset.done $0x0  }
0x1a: {  	[sflag:s15] =	ssyncadd.s32 $0xFFFFD8F0  }
0x1b: {  	[tilespmem:s16], [sflag:$0x2] =	stream.linear.gather [hbm4b:s10+s4], $0x2710, $0x38;
	[tilespmem:$0x1E790] =	vst v63  }
0x1c: {  	_ =	swait.ge [sflag:s15], $0x2710  }
0x1d: {  	[sflag:s15] =	ssyncset.done $0x0  }
0x1e: {  	[sflag:s15] =	ssyncadd.s32 $0xFFFFD8F0  }
0x1f: {  	[tilespmem:s17], [sflag:$0x2] =	stream.linear.gather [hbm4b:s5+s4], $0x2800, $0x38;
	[tilespmem:$0x1E790] =	vst v63  }
0x20: {  	_ =	swait.ge [sflag:s15], $0x2800  }
0x21: {  	[sflag:s15] =	ssyncset.done $0x0  }
0x22: {  	[sflag:s15] =	ssyncadd.s32 $0xFFFFD800  }
0x23: {  	[tilespmem:s18], [sflag:$0x2] =	stream.linear.gather [hbm4b:s6+s4], $0x2800, $0x38;
	[tilespmem:$0x1E790] =	vst v63  }
0x24: {  	_ =	swait.ge [sflag:s15], $0x2800  }
0x25: {  	[sflag:s15] =	ssyncset.done $0x0  }
0x26: {  	[sflag:s15] =	ssyncadd.s32 $0xFFFFD800  }
0x27: {  	s24 =	simm.s32 $0x0;
	[bflag:$0x0] =	sbarrier.arrive $0xFFFF  }
.LBB2_2:
0x28: {  	s25 =	sshra.s32 s24, $0x2  }
0x29: {  	v1 =	vld [tilespmem:s25+$0x0]  }
0x2a: {  	v0 =	vld [tilespmem:s25+$0x2780];
	_ =	sdelay $0x6  }
0x2b: {  	v2 =	vld.idx.msk [tilespmem:v1+s17+$0x0], $0xffff  }
0x2c: {  	v0 =	vld.idx.msk [tilespmem:v0+s18+$0x0], $0xffff;
	_ =	sdelay $0x4  }
0x2d: {  	v0 =	vadd.f32 v0, v2;
	_ =	sdelay $0x1  }
0x2e: {  	v2 =	vmul.f32 $2.000000030e-01, v0;
	_ =	sdelay $0x1  }
0x2f: {  	v0 =	vmax.f32 v0, v2  }
0x30: {  	v0 =	vmul.f32 $1.442695020e+00, v0;
	_ =	sdelay $0x1  }
0x31: {  	(erf) = vpow2.f32 v0;
	_ =	sdelay $0x7  }
0x32: {  	s25 =	sadd.s32 $0x2780, s25  }
0x33: {  	[spmem:s11] =	stream.linear.scatter [tilespmem:s25], [sflag:$0x2], $0x10, $0x38;
	v0 =	vpop (erf);
	[tilespmem:$0x1E790] =	vst v63  }
0x34: {  	_ =	swait.ge [sflag:s15], $0x10  }
0x35: {  	[sflag:s15] =	ssyncset.done $0x0  }
0x36: {  	[sflag:s15] =	ssyncadd.s32 $0xFFFFFFF0  }
0x37: {  	[tilespmem:s19], [sflag:$0x2] =	stream.linear.gather [spmem:s11], $0x10, $0x38;
	[tilespmem:$0x1E790] =	vst v63  }
0x38: {  	_ =	swait.ge [sflag:s15], $0x10  }
0x39: {  	[sflag:s15] =	ssyncset.done $0x0  }
0x3a: {  	[sflag:s15] =	ssyncadd.s32 $0xFFFFFFF0  }
0x3b: {  	[tilespmem:s20], [sflag:$0x1] =	stream.indirect_vreg.gather [hbm4b:s1+s4], $0x80, v1, vm0, $0xb8;
	[tilespmem:$0x1E790] =	vst v63  }
0x3c: {  	_ =	swait.ge [sflag:s21], $0x800  }
0x3d: {  	[sflag:s21] =	ssyncset.done $0x0  }
0x3e: {  	[sflag:s21] =	ssyncadd.s32 $0xFFFFF800  }
0x3f: {  	v11 =	vld [tilespmem:$0x9F00]  }
0x40: {  	v12 =	vld [tilespmem:$0x9F10]  }
0x41: {  	v3 =	vld [tilespmem:$0x9F20]  }
0x42: {  	v4 =	vbroadcast v0, $0x0;
	v5 =	vld [tilespmem:$0x9F30]  }
0x43: {  	v6 =	vld [tilespmem:$0x9F40]  }
0x44: {  	v7 =	vld [tilespmem:$0x9F50];
	v1 =	vmul.f32 v11, v4  }
0x45: {  	v8 =	vld [tilespmem:$0x9F60];
	v2 =	vmul.f32 v12, v4  }
0x46: {  	v14 =	vld [tilespmem:$0x9F70];
	v13 =	vmul.f32 v3, v4;
	[tilespmem:$0x9F00] =	vst v1  }
0x47: {  	v16 =	vld [tilespmem:$0x9F80];
	v15 =	vmul.f32 v5, v4;
	[tilespmem:$0x9F10] =	vst v2  }
0x48: {  	v18 =	vld [tilespmem:$0x9F90];
	v17 =	vmul.f32 v6, v4;
	[tilespmem:$0x9F20] =	vst v13  }
0x49: {  	v20 =	vld [tilespmem:$0x9FA0];
	v19 =	vmul.f32 v7, v4;
	[tilespmem:$0x9F30] =	vst v15  }
0x4a: {  	v22 =	vbroadcast v0, $0x1;
	v9 =	vld [tilespmem:$0x9FB0];
	v21 =	vmul.f32 v8, v4;
	[tilespmem:$0x9F40] =	vst v17  }
0x4b: {  	v24 =	vld [tilespmem:$0x9FC0];
	v23 =	vmul.f32 v14, v4;
	[tilespmem:$0x9F50] =	vst v19  }
0x4c: {  	v26 =	vld [tilespmem:$0x9FD0];
	v25 =	vmul.f32 v16, v22;
	[tilespmem:$0x9F60] =	vst v21  }
0x4d: {  	v28 =	vld [tilespmem:$0x9FE0];
	v27 =	vmul.f32 v18, v22;
	[tilespmem:$0x9F70] =	vst v23  }
0x4e: {  	v30 =	vld [tilespmem:$0x9FF0];
	v29 =	vmul.f32 v20, v22;
	[tilespmem:$0x9F80] =	vst v25  }
0x4f: {  	v32 =	vld [tilespmem:$0xA000];
	v31 =	vmul.f32 v9, v22;
	[tilespmem:$0x9F90] =	vst v27  }
0x50: {  	v34 =	vld [tilespmem:$0xA010];
	v33 =	vmul.f32 v24, v22;
	[tilespmem:$0x9FA0] =	vst v29  }
0x51: {  	v36 =	vld [tilespmem:$0xA020];
	v35 =	vmul.f32 v26, v22;
	[tilespmem:$0x9FB0] =	vst v31  }
0x52: {  	v38 =	vbroadcast v0, $0x2;
	v39 =	vld [tilespmem:$0xA030];
	v37 =	vmul.f32 v28, v22;
	[tilespmem:$0x9FC0] =	vst v33  }
0x53: {  	v41 =	vld [tilespmem:$0xA040];
	v40 =	vmul.f32 v30, v22;
	[tilespmem:$0x9FD0] =	vst v35  }
0x54: {  	v43 =	vld [tilespmem:$0xA050];
	v42 =	vmul.f32 v32, v38;
	[tilespmem:$0x9FE0] =	vst v37  }
0x55: {  	v45 =	vld [tilespmem:$0xA060];
	v44 =	vmul.f32 v34, v38;
	[tilespmem:$0x9FF0] =	vst v40  }
0x56: {  	v47 =	vld [tilespmem:$0xA070];
	v46 =	vmul.f32 v36, v38;
	[tilespmem:$0xA000] =	vst v42  }
0x57: {  	v49 =	vld [tilespmem:$0xA080];
	v48 =	vmul.f32 v39, v38;
	[tilespmem:$0xA010] =	vst v44  }
0x58: {  	v51 =	vld [tilespmem:$0xA090];
	v50 =	vmul.f32 v41, v38;
	[tilespmem:$0xA020] =	vst v46  }
0x59: {  	v53 =	vld [tilespmem:$0xA0A0];
	v52 =	vmul.f32 v43, v38;
	[tilespmem:$0xA030] =	vst v48  }
0x5a: {  	v55 =	vbroadcast v0, $0x3;
	v56 =	vld [tilespmem:$0xA0B0];
	v54 =	vmul.f32 v45, v38;
	[tilespmem:$0xA040] =	vst v50  }
0x5b: {  	v58 =	vld [tilespmem:$0xA0C0];
	v57 =	vmul.f32 v47, v38;
	[tilespmem:$0xA050] =	vst v52  }
0x5c: {  	v60 =	vld [tilespmem:$0xA0D0];
	v59 =	vmul.f32 v49, v55;
	[tilespmem:$0xA060] =	vst v54  }
0x5d: {  	v62 =	vld [tilespmem:$0xA0E0];
	v61 =	vmul.f32 v51, v55;
	[tilespmem:$0xA070] =	vst v57  }
0x5e: {  	v63 =	vmul.f32 v53, v55;
	v12 =	vld [tilespmem:$0xA0F0];
	[tilespmem:$0xA080] =	vst v59  }
0x5f: {  	v14 =	vld [tilespmem:$0xA100];
	[tilespmem:$0xA090] =	vst v61;
	v13 =	vmul.f32 v56, v55  }
0x60: {  	v16 =	vld [tilespmem:$0xA110];
	[tilespmem:$0xA0A0] =	vst v63;
	v15 =	vmul.f32 v58, v55  }
0x61: {  	v18 =	vld [tilespmem:$0xA120];
	v17 =	vmul.f32 v60, v55;
	[tilespmem:$0xA0B0] =	vst v13  }
0x62: {  	v20 =	vbroadcast v0, $0x4;
	v38 =	vld [tilespmem:$0xA1B0];
	v19 =	vmul.f32 v62, v55;
	[tilespmem:$0xA0C0] =	vst v15  }
0x63: {  	v21 =	vld [tilespmem:$0xA130];
	[tilespmem:$0xA0D0] =	vst v17;
	v22 =	vmul.f32 v12, v55  }
0x64: {  	v23 =	vld [tilespmem:$0xA140];
	[tilespmem:$0xA0E0] =	vst v19;
	v24 =	vmul.f32 v14, v20  }
0x65: {  	v25 =	vld [tilespmem:$0xA150];
	v37 =	vbroadcast v0, $0x5;
	v26 =	vmul.f32 v16, v20;
	[tilespmem:$0xA0F0] =	vst v22  }
0x66: {  	v27 =	vld [tilespmem:$0xA160];
	v28 =	vmul.f32 v18, v20;
	[tilespmem:$0xA100] =	vst v24  }
0x67: {  	v29 =	vld [tilespmem:$0xA170];
	v47 =	vmul.f32 v38, v37;
	[tilespmem:$0xA110] =	vst v26  }
0x68: {  	v31 =	vld [tilespmem:$0xA180];
	v30 =	vmul.f32 v21, v20;
	[tilespmem:$0xA120] =	vst v28  }
0x69: {  	v33 =	vld [tilespmem:$0xA190];
	v32 =	vmul.f32 v23, v20;
	[tilespmem:$0xA1B0] =	vst v47  }
0x6a: {  	v35 =	vld [tilespmem:$0xA1A0];
	v34 =	vmul.f32 v25, v20;
	[tilespmem:$0xA130] =	vst v30  }
0x6b: {  	v40 =	vld [tilespmem:$0xA1C0];
	v36 =	vmul.f32 v27, v20;
	[tilespmem:$0xA140] =	vst v32  }
0x6c: {  	v42 =	vld [tilespmem:$0xA1D0];
	v39 =	vmul.f32 v29, v20;
	[tilespmem:$0xA150] =	vst v34  }
0x6d: {  	v44 =	vld [tilespmem:$0xA1E0];
	v41 =	vmul.f32 v31, v37;
	[tilespmem:$0xA160] =	vst v36  }
0x6e: {  	v46 =	vld [tilespmem:$0xA1F0];
	v43 =	vmul.f32 v33, v37;
	[tilespmem:$0xA170] =	vst v39  }
0x6f: {  	v48 =	vld [tilespmem:$0xA200];
	v45 =	vmul.f32 v35, v37;
	[tilespmem:$0xA180] =	vst v41  }
0x70: {  	v50 =	vld [tilespmem:$0xA210];
	v49 =	vmul.f32 v40, v37;
	[tilespmem:$0xA190] =	vst v43  }
0x71: {  	v52 =	vld [tilespmem:$0xA220];
	v51 =	vmul.f32 v42, v37;
	[tilespmem:$0xA1A0] =	vst v45  }
0x72: {  	v54 =	vbroadcast v0, $0x6;
	v57 =	vld [tilespmem:$0xA240];
	v53 =	vmul.f32 v44, v37;
	[tilespmem:$0xA1C0] =	vst v49  }
0x73: {  	v59 =	vld [tilespmem:$0xA250];
	v56 =	vmul.f32 v46, v37;
	[tilespmem:$0xA1D0] =	vst v51  }
0x74: {  	v61 =	vld [tilespmem:$0xA260];
	v58 =	vmul.f32 v48, v54;
	[tilespmem:$0xA1E0] =	vst v53  }
0x75: {  	v63 =	vld [tilespmem:$0xA270];
	v60 =	vmul.f32 v50, v54;
	[tilespmem:$0xA1F0] =	vst v56  }
0x76: {  	v13 =	vld [tilespmem:$0xA280];
	v62 =	vmul.f32 v52, v54;
	[tilespmem:$0xA200] =	vst v58  }
0x77: {  	v15 =	vld [tilespmem:$0xA290];
	v14 =	vmul.f32 v57, v54;
	[tilespmem:$0xA210] =	vst v60  }
0x78: {  	v17 =	vld [tilespmem:$0xA2A0];
	v16 =	vmul.f32 v59, v54;
	[tilespmem:$0xA220] =	vst v62  }
0x79: {  	v19 =	vbroadcast v0, $0x7;
	v55 =	vld [tilespmem:$0xA230];
	v18 =	vmul.f32 v61, v54;
	[tilespmem:$0xA240] =	vst v14  }
0x7a: {  	v20 =	vld [tilespmem:$0xA2B0];
	v21 =	vmul.f32 v63, v54;
	[tilespmem:$0xA250] =	vst v16  }
0x7b: {  	v22 =	vld [tilespmem:$0xA2C0];
	[tilespmem:$0xA260] =	vst v18;
	v23 =	vmul.f32 v13, v19  }
0x7c: {  	v24 =	vld [tilespmem:$0xA2D0];
	[tilespmem:$0xA270] =	vst v21;
	v25 =	vmul.f32 v15, v19  }
0x7d: {  	v26 =	vld [tilespmem:$0xA2E0];
	v27 =	vmul.f32 v17, v19;
	[tilespmem:$0xA280] =	vst v23  }
0x7e: {  	v28 =	vld [tilespmem:$0xA2F0];
	v12 =	vmul.f32 v55, v54;
	[tilespmem:$0xA290] =	vst v25  }
0x7f: {  	v37 =	vld [tilespmem:$0xA330];
	[tilespmem:$0xA2A0] =	vst v27;
	v29 =	vmul.f32 v20, v19  }
0x80: {  	v47 =	vld [tilespmem:$0xA380];
	[tilespmem:$0xA230] =	vst v12;
	v31 =	vmul.f32 v22, v19  }
0x81: {  	v30 =	vld [tilespmem:$0xA300];
	v33 =	vmul.f32 v24, v19;
	[tilespmem:$0xA2B0] =	vst v29  }
0x82: {  	v32 =	vld [tilespmem:$0xA310];
	v36 =	vbroadcast v0, $0x8;
	v35 =	vmul.f32 v26, v19;
	[tilespmem:$0xA2C0] =	vst v31  }
0x83: {  	v34 =	vld [tilespmem:$0xA320];
	v53 =	vbroadcast v0, $0x9;
	v38 =	vmul.f32 v28, v19;
	[tilespmem:$0xA2D0] =	vst v33  }
0x84: {  	v39 =	vld [tilespmem:$0xA340];
	v46 =	vmul.f32 v37, v36;
	[tilespmem:$0xA2E0] =	vst v35  }
0x85: {  	v41 =	vld [tilespmem:$0xA350];
	v57 =	vmul.f32 v47, v53;
	[tilespmem:$0xA2F0] =	vst v38  }
0x86: {  	v43 =	vld [tilespmem:$0xA360];
	v40 =	vmul.f32 v30, v36;
	[tilespmem:$0xA330] =	vst v46  }
0x87: {  	v45 =	vld [tilespmem:$0xA370];
	v42 =	vmul.f32 v32, v36;
	[tilespmem:$0xA380] =	vst v57  }
0x88: {  	v49 =	vld [tilespmem:$0xA390];
	v44 =	vmul.f32 v34, v36;
	[tilespmem:$0xA300] =	vst v40  }
0x89: {  	v51 =	vld [tilespmem:$0xA3A0];
	v48 =	vmul.f32 v39, v36;
	[tilespmem:$0xA310] =	vst v42  }
0x8a: {  	v56 =	vld [tilespmem:$0xA3C0];
	v50 =	vmul.f32 v41, v36;
	[tilespmem:$0xA320] =	vst v44  }
0x8b: {  	v58 =	vld [tilespmem:$0xA3D0];
	v52 =	vmul.f32 v43, v36;
	[tilespmem:$0xA340] =	vst v48  }
0x8c: {  	v60 =	vld [tilespmem:$0xA3E0];
	v55 =	vmul.f32 v45, v36;
	[tilespmem:$0xA350] =	vst v50  }
0x8d: {  	v62 =	vld [tilespmem:$0xA3F0];
	v59 =	vmul.f32 v49, v53;
	[tilespmem:$0xA360] =	vst v52  }
0x8e: {  	v14 =	vld [tilespmem:$0xA410];
	v61 =	vmul.f32 v51, v53;
	[tilespmem:$0xA370] =	vst v55  }
0x8f: {  	v16 =	vld [tilespmem:$0xA420];
	v13 =	vmul.f32 v56, v53;
	[tilespmem:$0xA390] =	vst v59  }
0x90: {  	v21 =	vld [tilespmem:$0xA440];
	v15 =	vmul.f32 v58, v53;
	[tilespmem:$0xA3A0] =	vst v61  }
0x91: {  	v18 =	vbroadcast v0, $0xA;
	v54 =	vld [tilespmem:$0xA3B0];
	v17 =	vmul.f32 v60, v53;
	[tilespmem:$0xA3C0] =	vst v13  }
0x92: {  	v23 =	vld [tilespmem:$0xA450];
	v20 =	vmul.f32 v62, v53;
	[tilespmem:$0xA3D0] =	vst v15  }
0x93: {  	v25 =	vld [tilespmem:$0xA460];
	v24 =	vmul.f32 v14, v18;
	[tilespmem:$0xA3E0] =	vst v17  }
0x94: {  	v27 =	vld [tilespmem:$0xA470];
	v26 =	vmul.f32 v16, v18;
	[tilespmem:$0xA3F0] =	vst v20  }
0x95: {  	v12 =	vld [tilespmem:$0xA400];
	v30 =	vmul.f32 v21, v18;
	[tilespmem:$0xA410] =	vst v24  }
0x96: {  	v19 =	vld [tilespmem:$0xA430];
	v63 =	vmul.f32 v54, v53;
	[tilespmem:$0xA420] =	vst v26  }
0x97: {  	v29 =	vld [tilespmem:$0xA480];
	v32 =	vmul.f32 v23, v18;
	[tilespmem:$0xA440] =	vst v30  }
0x98: {  	v31 =	vld [tilespmem:$0xA490];
	v34 =	vmul.f32 v25, v18;
	[tilespmem:$0xA3B0] =	vst v63  }
0x99: {  	v33 =	vld [tilespmem:$0xA4A0];
	v37 =	vmul.f32 v27, v18;
	[tilespmem:$0xA450] =	vst v32  }
0x9a: {  	v35 =	vbroadcast v0, $0xB;
	v36 =	vld [tilespmem:$0xA4B0];
	v22 =	vmul.f32 v12, v18;
	[tilespmem:$0xA460] =	vst v34  }
0x9b: {  	v38 =	vld [tilespmem:$0xA4C0];
	v28 =	vmul.f32 v19, v18;
	[tilespmem:$0xA470] =	vst v37  }
0x9c: {  	v46 =	vld [tilespmem:$0xA500];
	[tilespmem:$0xA400] =	vst v22;
	v39 =	vmul.f32 v29, v35  }
0x9d: {  	v57 =	vld [tilespmem:$0xA550];
	[tilespmem:$0xA430] =	vst v28;
	v41 =	vmul.f32 v31, v35  }
0x9e: {  	v53 =	vld [tilespmem:$0xA530];
	v43 =	vmul.f32 v33, v35;
	[tilespmem:$0xA480] =	vst v39  }
0x9f: {  	v40 =	vld [tilespmem:$0xA4D0];
	v52 =	vbroadcast v0, $0xC;
	v45 =	vmul.f32 v36, v35;
	[tilespmem:$0xA490] =	vst v41  }
0xa0: {  	v42 =	vld [tilespmem:$0xA4E0];
	v47 =	vmul.f32 v38, v35;
	[tilespmem:$0xA4A0] =	vst v43  }
0xa1: {  	v44 =	vld [tilespmem:$0xA4F0];
	v56 =	vmul.f32 v46, v52;
	[tilespmem:$0xA4B0] =	vst v45  }
0xa2: {  	v48 =	vld [tilespmem:$0xA510];
	v14 =	vmul.f32 v57, v52;
	[tilespmem:$0xA4C0] =	vst v47  }
0xa3: {  	v50 =	vld [tilespmem:$0xA520];
	v62 =	vmul.f32 v53, v52;
	[tilespmem:$0xA500] =	vst v56  }
0xa4: {  	v55 =	vld [tilespmem:$0xA540];
	v49 =	vmul.f32 v40, v35;
	[tilespmem:$0xA550] =	vst v14  }
0xa5: {  	v59 =	vld [tilespmem:$0xA560];
	v51 =	vmul.f32 v42, v35;
	[tilespmem:$0xA530] =	vst v62  }
0xa6: {  	v61 =	vld [tilespmem:$0xA570];
	v54 =	vmul.f32 v44, v35;
	[tilespmem:$0xA4D0] =	vst v49  }
0xa7: {  	v13 =	vld [tilespmem:$0xA590];
	v58 =	vmul.f32 v48, v52;
	[tilespmem:$0xA4E0] =	vst v51  }
0xa8: {  	v15 =	vld [tilespmem:$0xA5A0];
	v60 =	vmul.f32 v50, v52;
	[tilespmem:$0xA4F0] =	vst v54  }
0xa9: {  	v20 =	vld [tilespmem:$0xA5C0];
	v12 =	vmul.f32 v55, v52;
	[tilespmem:$0xA510] =	vst v58  }
0xaa: {  	v17 =	vbroadcast v0, $0xD;
	v24 =	vld [tilespmem:$0xA5E0];
	v16 =	vmul.f32 v59, v52;
	[tilespmem:$0xA520] =	vst v60  }
0xab: {  	v26 =	vld [tilespmem:$0xA5F0];
	v19 =	vmul.f32 v61, v52;
	[tilespmem:$0xA540] =	vst v12  }
0xac: {  	v30 =	vld [tilespmem:$0xA610];
	v23 =	vmul.f32 v13, v17;
	[tilespmem:$0xA560] =	vst v16  }
0xad: {  	v63 =	vld [tilespmem:$0xA580];
	v25 =	vmul.f32 v15, v17;
	[tilespmem:$0xA570] =	vst v19  }
0xae: {  	v18 =	vld [tilespmem:$0xA5B0];
	v29 =	vmul.f32 v20, v17;
	[tilespmem:$0xA590] =	vst v23  }
0xaf: {  	v32 =	vld [tilespmem:$0xA620];
	v34 =	vbroadcast v0, $0xE;
	v33 =	vmul.f32 v24, v17;
	[tilespmem:$0xA5A0] =	vst v25  }
0xb0: {  	v37 =	vld [tilespmem:$0xA640];
	v36 =	vmul.f32 v26, v17;
	[tilespmem:$0xA5C0] =	vst v29  }
0xb1: {  	v22 =	vld [tilespmem:$0xA5D0];
	v40 =	vmul.f32 v30, v34;
	[tilespmem:$0xA5E0] =	vst v33  }
0xb2: {  	v28 =	vld [tilespmem:$0xA600];
	v21 =	vmul.f32 v63, v17;
	[tilespmem:$0xA5F0] =	vst v36  }
0xb3: {  	v57 =	vld [tilespmem:$0xA6E0];
	v27 =	vmul.f32 v18, v17;
	[tilespmem:$0xA610] =	vst v40  }
0xb4: {  	v53 =	vld [tilespmem:$0xA6C0];
	v42 =	vmul.f32 v32, v34;
	[tilespmem:$0xA580] =	vst v21  }
0xb5: {  	v35 =	vld [tilespmem:$0xA630];
	v46 =	vmul.f32 v37, v34;
	[tilespmem:$0xA5B0] =	vst v27  }
0xb6: {  	v0 =	vbroadcast v0, $0xF;
	v39 =	vld [tilespmem:$0xA650];
	v31 =	vmul.f32 v22, v17;
	[tilespmem:$0xA620] =	vst v42  }
0xb7: {  	v41 =	vld [tilespmem:$0xA660];
	v38 =	vmul.f32 v28, v34;
	[tilespmem:$0xA640] =	vst v46  }
0xb8: {  	v43 =	vld [tilespmem:$0xA670];
	v63 =	vmul.f32 v57, v0;
	[tilespmem:$0xA5D0] =	vst v31  }
0xb9: {  	v45 =	vld [tilespmem:$0xA680];
	v61 =	vmul.f32 v53, v0;
	[tilespmem:$0xA600] =	vst v38  }
0xba: {  	v47 =	vld [tilespmem:$0xA690];
	v44 =	vmul.f32 v35, v34;
	[tilespmem:$0xA6E0] =	vst v63  }
0xbb: {  	v55 =	vld [tilespmem:$0xA6D0];
	v48 =	vmul.f32 v39, v34;
	[tilespmem:$0xA6C0] =	vst v61  }
0xbc: {  	v49 =	vld [tilespmem:$0xA6A0];
	v50 =	vmul.f32 v41, v34;
	[tilespmem:$0xA630] =	vst v44  }
0xbd: {  	v51 =	vld [tilespmem:$0xA6B0];
	v52 =	vmul.f32 v43, v34;
	[tilespmem:$0xA650] =	vst v48  }
0xbe: {  	v59 =	vld [tilespmem:$0xA6F0];
	v54 =	vmul.f32 v45, v0;
	[tilespmem:$0xA660] =	vst v50  }
0xbf: {  	v56 =	vmul.f32 v47, v0;
	[tilespmem:$0xA670] =	vst v52  }
0xc0: {  	v62 =	vmul.f32 v55, v0;
	[tilespmem:$0xA680] =	vst v54  }
0xc1: {  	v58 =	vmul.f32 v49, v0;
	[tilespmem:$0xA690] =	vst v56  }
0xc2: {  	v60 =	vmul.f32 v51, v0;
	[tilespmem:$0xA6D0] =	vst v62  }
0xc3: {  	v0 =	vmul.f32 v59, v0;
	[tilespmem:$0xA6A0] =	vst v58  }
0xc4: {  	p0 =	sne.s32 s24, $0x9C00;
	[tilespmem:$0xA6B0] =	vst v60  }
.Ltmp0:
0xc5: {  	[tilespmem:$0xA6F0] =	vst v0;
	(pc) =	sbr.rel @p0 .LBB2_2-.Ltmp0, $4  }
0xc6: {  	[spmem:s3] =	stream.indirect.scatter.add.f32 [tilespmem:s20], [sflag:$0x2], $0x80, s19, s22, $0xb8;
	[tilespmem:$0x1E790] =	vst v63  }
0xc7: {  	_ =	swait.ge [sflag:s15], $0x800  }
0xc8: {  	[sflag:s15] =	ssyncset.done $0x0  }
0xc9: {  	s24 =	sadd.s32 $0x40, s24;
	[sflag:s15] =	ssyncadd.s32 $0xFFFFF800  }
0xca: {  	s23 =	sadd.s32 $0x1, s23  }
0xcb: {  	p0 =	sne.s32 s23, s13  }
.Ltmp1:
0xcc: {  	[bflag:$0x0] =	sbarrier.arrive $0xFFFF;
	(pc) =	sbr.rel @p0 .LBB2_1-.Ltmp1, $4  }
0xcd: {  	[hbm:s12], [sflag:s8] =	dma.local [spmem:s14], $0x2800  }
0xce: {  	_ =	swait.ge [sflag:s15], $0x2800  }
0xcf: {  	[sflag:s15] =	ssyncset.done $0x0  }
0xd0: {  	[sflag:s15] =	ssyncadd.s32 $0xFFFFD800  }
0xd1: {  	_ =	sfence.sel $0x180000  }
0xd2: {  	[bflag:$0x0] =	sbarrier.arrive $0xFFFF  }
0xd3: {  	p0 =	sne.s32 s0, $0x0;
	_ =	strace $0x9000004A  }
0xd4: {  	s0 =	sadd.s32 @!p0 $0x100000, s2;
	[bflag:$0x2] =	sbarrier.arrive $0xFFFF  }
0xd5: {  	[sflag:s0] =	ssyncadd.tile.s32 @!p0 $0x1;
	_ =	shalt  }
.Lfunc_end2:
_tile_overlayer_lowered:
.L_overlay_start_2:
0xd6: {  	(tag) =	ssettag $0x2  }
0xd7: {  	s0 =	rddreg [dreg:$0x0];
	s2 =	stileid.u32  }
0xd8: {  	s1 =	rddreg [dreg:$0x1];
	p0 =	sne.s32 s2, $0x0  }
0xd9: {  	s3 =	rddreg [dreg:$0x2];
	[bflag:$0x3] =	sbarrier.arrive $0xFFFF;
	s2 =	simm.s32 @!p0 $0x1C02  }
0xda: {  	[timem:s3], [sflag:s2] =	dma.local @!p0 [hbm:s0], s1  }
0xdb: {  	s0 =	simm.s32 @!p0 $0x2  }
0xdc: {  	_ =	swait.ge @!p0 [sflag:s0], s1  }
0xdd: {  	s1 =	ssub.s32 @!p0 $0x0, s1;
	[sflag:s0] =	ssyncset.done @!p0 $0x0  }
0xde: {  	[sflag:s0] =	ssyncadd.s32 @!p0 s1  }
0xdf: {  	[bflag:$0x3] =	sbarrier.arrive $0xFFFF  }
0xe0: {  	_ =	shalt  }

// kernel: kernel.7.cloned.1.call-start
scs
__scs_entry_jumppad:
0x0: {  	(pc) =	sbr.rel $0x88, $3  }
0x1: {  	(tag) =	ssettag $0x0;
	lr =	simm.s32 $0x1  }
0x2: {  	[smem:$0x3F97] =	sst lr;
	_ =	strace $0xD0000000  }
0x3: {  	_ = 	snop  }
0x4: {  	_ = 	snop  }
0x5: {  	_ = 	snop  }
0x6: {  	_ = 	snop  }
0x7: {  	_ = 	snop  }
__scs_overlays_trampoline_lowered:
0x8: {  	[smem:$0x3FA6] =	sst s0  }
0x9: {  	[smem:$0x3FA7] =	sst s1  }
0xa: {  	[smem:$0x3FA8] =	sst s2  }
0xb: {  	[smem:$0x3FA9] =	sst s3  }
0xc: {  	[smem:$0x3FAA] =	sst s4  }
0xd: {  	[smem:$0x3FAB] =	sst s5  }
0xe: {  	[smem:$0x3FAC] =	sst s6  }
0xf: {  	[smem:$0x3FAD] =	sst s7  }
0x10: {  	[smem:$0x3FAE] =	sst s8  }
0x11: {  	[smem:$0x3FAF] =	sst s9;
	s0 =	simm.s32 @!p0 $0x0  }
0x12: {  	s1 =	sld [smem:$0x3F95];
	s0 =	simm.s32 @p0 $0x1  }
0x13: {  	[smem:$0x3FB0] =	sst s0;
	s0 =	simm.s32 @!p1 $0x0  }
0x14: {  	s2 =	sld [smem:$0x3F94];
	s0 =	simm.s32 @p1 $0x1  }
0x15: {  	[smem:$0x3FB1] =	sst s0;
	s0 =	simm.s32 @!p2 $0x0  }
0x16: {  	s3 =	sld [smem:$0x3FDB];
	s0 =	simm.s32 @p2 $0x1  }
0x17: {  	s4 =	simm.s32 $0x1BF5;
	[smem:$0x3FB3] =	sst s0  }
0x18: {  	s0 =	sld [smem:$0x3F96];
	_ =	swait.ge [sflag:s4], $0x0  }
0x19: {  	s7 =	sld [smem:$0x3F97]  }
0x1a: {  	s8 =	sadd.s32 $0xFFFFE003, lr  }
0x1b: {  	s9 =	sadd.s32 $0xFFFFFEF7, lr;
	s5 =	simm.s32 $0xFFFFFFFF;
	p2 =	slt.u32 s8, $0xFFFFF086  }
0x1c: {  	p1 =	slt.u32 s9, $0xF7A;
	s5 =	simm.s32 @!p2 $0x0  }
0x1d: {  	s5 =	simm.s32 @p1 $0x1;
	p0 =	seq.s32 s7, s2  }
0x1e: {  	s7 =	smul.u32 @!p0 $0xF7A, s2;
	p2 =	seq.s32 @!p0 s5, $0x0  }
0x1f: {  	s9 =	smul.u32 $0xF7A, s1;
	s8 =	simm.s32 @!p0 $0x1BF5;
	p2 =	por !p2, p0  }
0x20: {  	[sflag:s8] =	ssyncset.s32 @!p0 $0xFFFFF086;
	s6 =	sadd.s32 @!p0 s3, s7;
	s7 =	simm.s32 @!p0 $0x108  }
0x21: {  	s3 =	sadd.s32 s3, s9;
	s6 =	sadd.s32 @!p0 $0x88, s6;
	s7 =	simm.s32 @p2 $0x1082  }
0x22: {  	[simem:s7], [sflag:s8] =	dma.local @!p0 [hbm:s6], $0xF7A  }
0x23: {  	s9 =	sor.u32 $0xD0000000, s2;
	s6 =	simm.s32 $0x108;
	_ =	swait.ge @!p0 [sflag:s8], $0x0  }
0x24: {  	s3 =	sadd.s32 $0x88, s3;
	s6 =	simm.s32 @!p1 $0x1082;
	[sflag:s4] =	ssyncset.s32 $0xFFFFF086  }
0x25: {  	[simem:s6], [sflag:s4] =	dma.local [hbm:s3], $0xF7A  }
0x26: {  	[smem:$0x3F97] =	sst s1;
	(tag) =	ssettag s2;
	_ =	strace s9  }
0x27: {  	s1 =	sld [smem:$0x3FA7]  }
0x28: {  	s2 =	sld [smem:$0x3FA8]  }
0x29: {  	s4 =	sld [smem:$0x3FAA]  }
0x2a: {  	p0 =	seq.s32 s5, $0x0;
	s5 =	sld [smem:$0x3FAB]  }
0x2b: {  	s6 =	sld [smem:$0x3FAC]  }
0x2c: {  	s7 =	sld [smem:$0x3FAD]  }
0x2d: {  	s3 =	simm.s32 $0x108;
	s8 =	sld [smem:$0x3FAE]  }
0x2e: {  	s3 =	simm.s32 @!p0 $0x1082;
	s9 =	sld [smem:$0x3FAF]  }
0x2f: {  	lr =	sadd.s32 s0, s3;
	s0 =	sld [smem:$0x3FA6]  }
0x30: {  	s3 =	sld [smem:$0x3FA9]  }
0x31: {  	[smem:$0x3FB2] =	sst s10  }
0x32: {  	s10 =	sld [smem:$0x3FB0];
	_ =	sdelay $0x3  }
0x33: {  	p0 =	seq.s32 s10, $0x1;
	s10 =	sld [smem:$0x3FB2];
	_ =	sdelay $0x3  }
0x34: {  	[smem:$0x3FB2] =	sst s10  }
0x35: {  	s10 =	sld [smem:$0x3FB1];
	_ =	sdelay $0x3  }
0x36: {  	p1 =	seq.s32 s10, $0x1;
	s10 =	sld [smem:$0x3FB2];
	_ =	sdelay $0x3  }
0x37: {  	[smem:$0x3FB2] =	sst s10  }
0x38: {  	s10 =	sld [smem:$0x3FB3]  }
0x39: {  	_ = 	snop;
	(pc) =	sbr.ind lr, $3  }
0x3a: {  	_ = 	snop  }
0x3b: {  	_ = 	snop  }
0x3c: {  	p2 =	seq.s32 s10, $0x1;
	s10 =	sld [smem:$0x3FB2]  }
0x3d: {  	_ =	shalt  }
0x3e: {  	_ =	shalt  }
0x3f: {  	_ =	shalt  }
0x40: {  	_ =	shalt  }
0x41: {  	_ =	shalt  }
0x42: {  	_ =	shalt  }
0x43: {  	_ =	shalt  }
0x44: {  	_ =	shalt  }
0x45: {  	_ =	shalt  }
0x46: {  	_ =	shalt  }
0x47: {  	_ =	shalt  }
0x48: {  	_ =	shalt  }
0x49: {  	_ =	shalt  }
0x4a: {  	_ =	shalt  }
0x4b: {  	_ =	shalt  }
0x4c: {  	_ =	shalt  }
0x4d: {  	_ =	shalt  }
0x4e: {  	_ =	shalt  }
0x4f: {  	_ =	shalt  }
0x50: {  	_ =	shalt  }
0x51: {  	_ =	shalt  }
0x52: {  	_ =	shalt  }
0x53: {  	_ =	shalt  }
0x54: {  	_ =	shalt  }
0x55: {  	_ =	shalt  }
0x56: {  	_ =	shalt  }
0x57: {  	_ =	shalt  }
0x58: {  	_ =	shalt  }
0x59: {  	_ =	shalt  }
0x5a: {  	_ =	shalt  }
0x5b: {  	_ =	shalt  }
0x5c: {  	_ =	shalt  }
0x5d: {  	_ =	shalt  }
0x5e: {  	_ =	shalt  }
0x5f: {  	_ =	shalt  }
0x60: {  	_ =	shalt  }
0x61: {  	_ =	shalt  }
0x62: {  	_ =	shalt  }
0x63: {  	_ =	shalt  }
0x64: {  	_ =	shalt  }
0x65: {  	_ =	shalt  }
0x66: {  	_ =	shalt  }
0x67: {  	_ =	shalt  }
0x68: {  	_ =	shalt  }
0x69: {  	_ =	shalt  }
0x6a: {  	_ =	shalt  }
0x6b: {  	_ =	shalt  }
0x6c: {  	_ =	shalt  }
0x6d: {  	_ =	shalt  }
0x6e: {  	_ =	shalt  }
0x6f: {  	_ =	shalt  }
0x70: {  	_ =	shalt  }
0x71: {  	_ =	shalt  }
0x72: {  	_ =	shalt  }
0x73: {  	_ =	shalt  }
0x74: {  	_ =	shalt  }
0x75: {  	_ =	shalt  }
0x76: {  	_ =	shalt  }
0x77: {  	_ =	shalt  }
0x78: {  	_ =	shalt  }
0x79: {  	_ =	shalt  }
0x7a: {  	_ =	shalt  }
0x7b: {  	_ =	shalt  }
0x7c: {  	_ =	shalt  }
0x7d: {  	_ =	shalt  }
0x7e: {  	_ =	shalt  }
0x7f: {  	_ =	shalt  }
0x80: {  	_ =	shalt  }
0x81: {  	_ =	shalt  }
0x82: {  	_ =	shalt  }
0x83: {  	_ =	shalt  }
0x84: {  	_ =	shalt  }
0x85: {  	_ =	shalt  }
0x86: {  	_ =	shalt  }
0x87: {  	_ =	shalt  }
.Lfunc_end0:
.L_simem_size_0:
called_computation_lowered:
.L_overlay_start_0:
0x88: {  	s2 =	sld [smem:$0x3FD9]  }
0x89: {  	s3 =	sld [smem:$0x3FFE];
	_ =	sdelay $0x1  }
0x8a: {  	s1 =	srdreg.scid  }
0x8b: {  	s0 =	sand.u32 $0x1, s1  }
0x8c: {  	s17 =	sshll.u32 s0, $0xA;
	s2 =	sadd.s32 s3, s2  }
0x8d: {  	s2 =	sadd.s32 s2, s17  }
0x8e: {  	[smem:$0x3FBE] =	sst s2  }
0x8f: {  	_ = 	snop  }
0x90: {  	s2 =	sld [smem:$0x3FD0];
	(tm) =	ssettm $0x1  }
0x91: {  	s18 =	sld [smem:$0x3FFB];
	_ =	sdelay $0x3  }
0x92: {  	_ =	strace s18  }
0x93: {  	s3 =	sld [smem:$0x3FFC];
	_ =	sdelay $0x3  }
0x94: {  	_ =	strace s3  }
0x95: {  	s3 =	sld [smem:$0x3FFD];
	_ =	sdelay $0x3  }
0x96: {  	_ =	strace s3  }
0x97: {  	_ =	strace $0x8FFFFFFF  }
0x98: {  	s19 =	sld [smem:$0x3FDB];
	_ =	sdelay $0x1  }
0x99: {  	s4 =	simm.s32 $_scs_section_size  }
0x9a: {  	s5 =	simm.s32 $_size__tile_overlayer_lowered;
	s6 =	simm.s32 $_tile_overlayer_lowered  }
0x9b: {  	s22 =	simm.s32 $0x1BFF;
	s21 =	sshll.u32 s6, $0x1;
	s3 =	sadd.s32 s4, s19  }
0x9c: {  	s7 =	simm.s32 $0x0;
	s20 =	sshll.u32 s5, $0x1;
	s5 =	sadd.s32 s21, s3  }
0x9d: {  	[timem:s7], [sflag:s22] =	dma.local [hbm:s5], s20  }
0x9e: {  	_ =	swait.ge [sflag:s22], s20  }
0x9f: {  	s4 =	ssub.s32 $0x0, s20;
	[sflag:s22] =	ssyncset.done $0x0  }
0xa0: {  	[sflag:s22] =	ssyncadd.s32 s4;
	_ =	sdelay $0x1  }
0xa1: {  	s23 =	simm.s32 $0x1B8B  }
0xa2: {  	_ =	swait.ge [sflag:s23], $0x1  }
0xa3: {  	[sflag:s23] =	ssyncset.done $0x0  }
0xa4: {  	s25 =	simm.s32 $0x1B8E;
	s24 =	sld [smem:$0x3FFE];
	[sflag:s23] =	ssyncadd.s32 $0xFFFFFFFF  }
0xa5: {  	s26 =	simm.s32 $execute0_lowered;
	[smem:$0x3FD2] =	sst s25  }
0xa6: {  	s5 =	sshll.u32 s26, $0x1;
	_ =	strace $0x80000046;
	[dreg:$0x1] =	wrdreg $0xFFFFFFFF  }
0xa7: {  	s28 =	simm.s32 $_size_execute0_lowered;
	s3 =	sadd.s32 s3, s5;
	[dreg:$0x0] =	wrdreg $0x0  }
0xa8: {  	s5 =	sshll.u32 s28, $0x1;
	[dreg:$0x2] =	wrdreg s3  }
0xa9: {  	[dreg:$0x3] =	wrdreg s5  }
0xaa: {  	[dreg:$0x4] =	wrdreg $0xC0  }
0xab: {  	_ =	task [dreg:s7], $0x5FFFF  }
0xac: {  	[dreg:$0x1] =	wrdreg $0xFFFFFFFF  }
0xad: {  	[dreg:$0x0] =	wrdreg $0x60  }
0xae: {  	[dreg:$0x2] =	wrdreg s24  }
0xaf: {  	[dreg:$0x3] =	wrdreg s2  }
0xb0: {  	[dreg:$0x4] =	wrdreg $0x12D800  }
0xb1: {  	[dreg:$0x5] =	wrdreg $0x141800  }
0xb2: {  	[dreg:$0x6] =	wrdreg $0x155800  }
0xb3: {  	[dreg:$0x7] =	wrdreg $0x169800  }
0xb4: {  	[dreg:$0x8] =	wrdreg $0x17D800  }
0xb5: {  	[dreg:$0x9] =	wrdreg $0x191800  }
0xb6: {  	[dreg:$0xa] =	wrdreg $0x1A5800  }
0xb7: {  	[dreg:$0xb] =	wrdreg $0x1B9800  }
0xb8: {  	[dreg:$0xc] =	wrdreg $0x1CD800  }
0xb9: {  	[dreg:$0xd] =	wrdreg $0x1E1800  }
0xba: {  	[dreg:$0xe] =	wrdreg $0x9  }
0xbb: {  	_ =	task.clear_ibuf [dreg:s7], $0xFFFFF;
	_ =	strace $0x90000046  }
0xbc: {  	s29 =	simm.s32 $0x9;
	_ =	strace $0x80000048  }
0xbd: {  	_ =	swait.ge [sflag:s29], $0x1  }
0xbe: {  	[sflag:s29] =	ssyncadd.s32 $0xFFFFFFFF  }
0xbf: {  	_ =	strace $0x90000048  }
0xc0: {  	_ =	sfence  }
0xc1: {  	s30 =	sld [smem:$0x0];
	_ =	sdelay $0x2  }
0xc2: {  	s31 =	sshll.u32 s1, $0xD;
	s1 =	sshrl.u32 s1, $0x2  }
0xc3: {  	s3 =	sand.u32 $0x4000, s31;
	s1 =	sadd.s32 s1, s30  }
0xc4: {  	s0 =	sor.u32 s3, s0;
	s1 =	sshll.u32 s1, $0x11  }
0xc5: {  	s0 =	sor.u32 s1, s0  }
0xc6: {  	s0 =	sadd.s32 $0x8F2B, s0  }
0xc7: {  	[sflag:s0] =	ssyncadd.remote.s32 $0x1  }
0xc8: {  	_ =	sfence.sel $0xFFFF  }
0xc9: {  	[dreg:$0x0] =	wrdreg $0xFFFFFFFF;
	(pc) =	sbr.abs _section_cstart, $3  }
0xca: {  	[dreg:$0x1] =	wrdreg $0xFFFFFFFF  }
0xcb: {  	_ =	task.clear_ibuf [dreg:s7], $0x2FFFF;
	_ =	strace $0x9FFFFFFF  }
0xcc: {  	(tm) =	ssettm $0x7FFFFFFF  }
0xcd: {  	_ =	shalt  }
tec
execute0_lowered:
.L_overlay_start_1:
0x0: {  	(tag) =	ssettag $0x1  }
0x1: {  	s0 =	rddreg [dreg:$0x0]  }
0x2: {  	s1 =	rddreg [dreg:$0x1]  }
0x3: {  	s11 =	rddreg [dreg:$0x2]  }
0x4: {  	s12 =	rddreg [dreg:$0x3]  }
0x5: {  	s13 =	rddreg [dreg:$0x4]  }
0x6: {  	s14 =	rddreg [dreg:$0x5]  }
0x7: {  	s15 =	rddreg [dreg:$0x6]  }
0x8: {  	s17 =	rddreg [dreg:$0x7]  }
0x9: {  	s18 =	rddreg [dreg:$0x8]  }
0xa: {  	s28 =	rddreg [dreg:$0x9]  }
0xb: {  	s30 =	rddreg [dreg:$0xa]  }
0xc: {  	s2 =	rddreg [dreg:$0xb];
	s4 =	simm.s32 $0x0;
	s29 =	stileid.u32  }
0xd: {  	s3 =	srdreg.scid;
	s31 =	simm.s32 $0xD100;
	s22 =	smul.u32 $0x9C4, s29  }
0xe: {  	[smem:$0x7FF] =	sst s4;
	s3 =	sand.u32 $0x1, s3;
	s5 =	smul.u32 $0x280, s29  }
0xf: {  	s9 =	smul.u32 $0x1400, s29;
	s25 =	sshll.u32 s29, $0x4;
	s19 =	sadd.s32 $0x2A8000, s0  }
0x10: {  	s26 =	sadd.s32 $0x280000, s0;
	s20 =	sadd.s32 $0x230000, s0;
	s21 =	sadd.s32 $0x208000, s0  }
0x11: {  	_ =	strace $0x80000047;
	s6 =	ssub.s32 $0x2, s3;
	[dreg:$0x11] =	wrdreg s19  }
0x12: {  	s23 =	sshll.u32 s3, $0x9;
	s16 =	sadd.s32 s25, s2;
	[dreg:$0x12] =	wrdreg s26  }
0x13: {  	s19 =	sadd.s32 $0x258000, s0;
	s25 =	sadd.s32 $0x168000, s0;
	s26 =	sadd.s32 $0x2D0000, s0  }
0x14: {  	s7 =	sadd.s32 s22, s0;
	s8 =	sshrl.u32 s6, $0x1;
	s5 =	sadd.s32 s5, s0  }
0x15: {  	s1 =	sadd.s32 s1, s22;
	[dreg:$0xf] =	wrdreg s23;
	s3 =	sadd.s32 s9, s12  }
0x16: {  	s4 =	sadd.s32 s9, s13;
	s2 =	sadd.s32 s9, s17;
	s10 =	sadd.s32 s9, s28  }
0x17: {  	s22 =	sadd.s32 $0x1E0000, s0;
	s23 =	sadd.s32 $0x1B8000, s0;
	[dreg:$0x13] =	wrdreg s26  }
0x18: {  	s26 =	sadd.s32 $0x2DF000, s0;
	s6 =	ssub.s32 s6, s8;
	[dreg:$0xe] =	wrdreg s1  }
0x19: {  	s7 =	sadd.s32 $0x2D2A00, s7;
	s1 =	sadd.s32 s9, s11;
	[dreg:$0x14] =	wrdreg s26  }
0x1a: {  	s24 =	sadd.s32 $0x2DC800, s5;
	s5 =	sadd.s32 s9, s14;
	[dreg:$0xd] =	wrdreg s7  }
0x1b: {  	[dreg:$0x10] =	wrdreg s24;
	s24 =	sadd.s32 $0x190000, s0;
	s0 =	sadd.s32 $0x41F000, s0  }
0x1c: {  	s8 =	sadd.s32 s9, s18;
	s6 =	smax.u32 s6, $0x1;
	[dreg:$0x15] =	wrdreg s0  }
0x1d: {  	s7 =	sadd.s32 s9, s15;
	s1 =	sshrl.u32 s1, $0x3;
	[dreg:$0x16] =	wrdreg s6  }
0x1e: {  	s9 =	sadd.s32 s9, s30;
	[dreg:$0x17] =	wrdreg s1;
	s6 =	sshrl.u32 s2, $0x3  }
0x1f: {  	s0 =	sshll.u32 s29, $0xC;
	s9 =	sshrl.u32 s9, $0x3;
	[dreg:$0x1c] =	wrdreg s6  }
0x20: {  	s26 =	sadd.s32 s0, s18;
	s18 =	sshrl.u32 s3, $0x3;
	[dreg:$0x1f] =	wrdreg s9  }
0x21: {  	s1 =	simm.s32 $0x10;
	s3 =	sshrl.u32 s4, $0x3;
	[dreg:$0x18] =	wrdreg s18  }
0x22: {  	s11 =	sadd.s32 s0, s11;
	s4 =	sshrl.u32 s5, $0x3;
	[dreg:$0x19] =	wrdreg s3  }
0x23: {  	s12 =	sadd.s32 s0, s12;
	s5 =	sshrl.u32 s7, $0x3;
	[dreg:$0x1a] =	wrdreg s4  }
0x24: {  	s13 =	sadd.s32 s0, s13;
	s7 =	sshrl.u32 s8, $0x3;
	[dreg:$0x1b] =	wrdreg s5  }
0x25: {  	s14 =	sadd.s32 s0, s14;
	s8 =	sshrl.u32 s10, $0x3;
	[dreg:$0x1d] =	wrdreg s7  }
0x26: {  	s15 =	sadd.s32 s0, s15;
	[dreg:$0x1e] =	wrdreg s8;
	s10 =	sshrl.u32 s11, $0x3  }
0x27: {  	s17 =	sadd.s32 s0, s17;
	s11 =	sshrl.u32 s12, $0x3;
	[smem:$0x7F4] =	sst s10  }
0x28: {  	s28 =	sadd.s32 s0, s28;
	s12 =	sshrl.u32 s13, $0x3;
	[smem:$0x7F5] =	sst s11  }
0x29: {  	s0 =	sadd.s32 s0, s30;
	s13 =	sshrl.u32 s14, $0x3;
	[smem:$0x7F6] =	sst s12  }
0x2a: {  	s9 =	simm.s32 $0x12D00;
	s14 =	sshrl.u32 s15, $0x3;
	[smem:$0x7F7] =	sst s13  }
0x2b: {  	s30 =	simm.s32 $0xFD00;
	s15 =	sshrl.u32 s17, $0x3;
	[smem:$0x7F8] =	sst s14  }
0x2c: {  	s17 =	sshrl.u32 s26, $0x3;
	s18 =	sshrl.u32 s28, $0x3;
	[smem:$0x7F9] =	sst s15  }
0x2d: {  	s0 =	sshrl.u32 s0, $0x3;
	s26 =	sshll.u32 s29, $0x5;
	[smem:$0x7FA] =	sst s17  }
.Ltmp0:
0x2e: {  	s29 =	simm.s32 $0x2;
	[smem:$0x7FB] =	sst s18;
	(pc) =	sbr.rel .LBB2_1-.Ltmp0, $4  }
0x2f: {  	s4 =	simm.s32 $0x1;
	s28 =	simm.s32 $0x11500;
	[smem:$0x7FC] =	sst s0  }
0x30: {  	s3 =	simm.s32 $0x0;
	[smem:$0x7FD] =	sst s26;
	s11 =	simm.s32 $0xE500  }
0x31: {  	v0 =	vimm.s32 $0x0;
	v1 =	vlaneseq.u32;
	s12 =	simm.s32 $0xED00;
	s13 =	simm.s32 $0xF500;
	s14 =	simm.s32 $0x10500  }
0x32: {  	v2 =	vimm.s32 $0x200;
	vm0 =	vmmov $0xffff;
	v3 =	vor.u32 $0x8, v1;
	s26 =	simm.s32 $0x10D00;
	s15 =	simm.s32 $0x11D00;
	s0 =	simm.s32 $0x12500  }
.LBB2_9:
0x33: {  	s3 =	sld [smem:$0x7F2];
	_ =	sdelay $0x2  }
0x34: {  	s2 =	rddreg [dreg:$0x16];
	s3 =	sadd.s32 $0x1, s3  }
0x35: {  	p0 =	sne.s32 s3, s2  }
.Ltmp1:
0x36: {  	_ = 	snop;
	(pc) =	sbr.rel @!p0 .LBB2_10-.Ltmp1, $1  }
0x37: {  	_ =	sdelay $0x3  }
.LBB2_1:
0x38: {  	[smem:$0x7F2] =	sst s3  }
0x39: {  	s2 =	simm.s32 $0x0;
	s10 =	rddreg [dreg:$0xd]  }
0x3a: {  	[tilespmem:s2], [sflag:$0x2] =	stream.linear.gather [hbm4b:s10+s2], $0x4E20, $0x38;
	[tilespmem:$0x1E190] =	vst v63  }
0x3b: {  	_ =	swait.ge [sflag:s29], $0x4E20  }
0x3c: {  	s5 =	simm.s32 $0x4E80;
	s18 =	stileid.u32;
	[sflag:s29] =	ssyncset.done $0x0  }
.Ltmp2:
0x3d: {  	s17 =	rddreg [dreg:$0xe];
	[sflag:s29] =	ssyncadd.s32 $0xFFFFB1E0;
	(pc) =	sbr.rel .LBB2_2-.Ltmp2, $4  }
0x3e: {  	[tilespmem:s5], [sflag:$0x2] =	stream.linear.gather [hbm4b:s17+s2], $0x4E20, $0x38;
	[tilespmem:$0x1E190] =	vst v63  }
0x3f: {  	s2 =	sshll.u32 s18, $0x6;
	_ =	swait.ge [sflag:s29], $0x4E20  }
0x40: {  	s7 =	sor.u32 $0x1C02, s2;
	[sflag:s29] =	ssyncset.done $0x0  }
0x41: {  	s5 =	simm.s32 $0x0;
	[smem:$0x7F3] =	sst s7;
	[sflag:s29] =	ssyncadd.s32 $0xFFFFB1E0  }
.LBB2_8:
0x42: {  	s2 =	sld [smem:$0x7FD]  }
0x43: {  	s3 =	sld [smem:$0x7F1]  }
0x44: {  	[bflag:$0x0] =	sbarrier.arrive $0xFFFF  }
0x45: {  	s6 =	sld [smem:$0x7F4]  }
0x46: {  	s7 =	sld [smem:$0x7F3];
	s2 =	sor.u32 s2, s3  }
0x47: {  	s5 =	rddreg [dreg:$0x14];
	s2 =	sshll.u32 s2, $0x4  }
0x48: {  	s18 =	sadd.s32 s5, s2  }
0x49: {  	[hbm:s18], [sflag:s7] =	dma.local [spmem:s6], $0x200  }
0x4a: {  	_ =	swait.ge [sflag:s29], $0x200  }
0x4b: {  	s8 =	sand.u32 $0x1FFFFFF0, s2;
	s10 =	sld [smem:$0x7F5]  }
0x4c: {  	s3 =	sadd.s32 s5, s8;
	[sflag:s29] =	ssyncset.done $0x0  }
0x4d: {  	s5 =	sadd.s32 $0x28000, s3;
	[sflag:s29] =	ssyncadd.s32 $0xFFFFFE00  }
0x4e: {  	[hbm:s5], [sflag:s7] =	dma.local [spmem:s10], $0x200  }
0x4f: {  	_ =	swait.ge [sflag:s29], $0x200  }
0x50: {  	s18 =	sld [smem:$0x7F6]  }
0x51: {  	[sflag:s29] =	ssyncset.done $0x0  }
0x52: {  	s17 =	sadd.s32 $0x50000, s3;
	[sflag:s29] =	ssyncadd.s32 $0xFFFFFE00  }
0x53: {  	[hbm:s17], [sflag:s7] =	dma.local [spmem:s18], $0x200  }
0x54: {  	_ =	swait.ge [sflag:s29], $0x200  }
0x55: {  	s10 =	sld [smem:$0x7F7]  }
0x56: {  	[sflag:s29] =	ssyncset.done $0x0  }
0x57: {  	s8 =	sadd.s32 $0x78000, s3;
	[sflag:s29] =	ssyncadd.s32 $0xFFFFFE00  }
0x58: {  	[hbm:s8], [sflag:s7] =	dma.local [spmem:s10], $0x200  }
0x59: {  	_ =	swait.ge [sflag:s29], $0x200  }
0x5a: {  	s18 =	sld [smem:$0x7F8]  }
0x5b: {  	[sflag:s29] =	ssyncset.done $0x0  }
0x5c: {  	s17 =	sadd.s32 $0xA0000, s3;
	[sflag:s29] =	ssyncadd.s32 $0xFFFFFE00  }
0x5d: {  	[hbm:s17], [sflag:s7] =	dma.local [spmem:s18], $0x200  }
0x5e: {  	_ =	swait.ge [sflag:s29], $0x200  }
0x5f: {  	s10 =	sld [smem:$0x7F9]  }
0x60: {  	[sflag:s29] =	ssyncset.done $0x0  }
0x61: {  	s8 =	sadd.s32 $0xC8000, s3;
	[sflag:s29] =	ssyncadd.s32 $0xFFFFFE00  }
0x62: {  	[hbm:s8], [sflag:s7] =	dma.local [spmem:s10], $0x200  }
0x63: {  	_ =	swait.ge [sflag:s29], $0x200  }
0x64: {  	s18 =	sld [smem:$0x7FA]  }
0x65: {  	[sflag:s29] =	ssyncset.done $0x0  }
0x66: {  	s17 =	sadd.s32 $0xF0000, s3;
	[sflag:s29] =	ssyncadd.s32 $0xFFFFFE00  }
0x67: {  	[hbm:s17], [sflag:s7] =	dma.local [spmem:s18], $0x200  }
0x68: {  	_ =	swait.ge [sflag:s29], $0x200  }
0x69: {  	s8 =	sld [smem:$0x7FB]  }
0x6a: {  	[sflag:s29] =	ssyncset.done $0x0  }
0x6b: {  	s3 =	sadd.s32 $0x118000, s3;
	[sflag:s29] =	ssyncadd.s32 $0xFFFFFE00  }
0x6c: {  	[hbm:s3], [sflag:s7] =	dma.local [spmem:s8], $0x200  }
0x6d: {  	_ =	swait.ge [sflag:s29], $0x200  }
0x6e: {  	s17 =	sld [smem:$0x7FC]  }
0x6f: {  	[sflag:s29] =	ssyncset.done $0x0;
	s10 =	rddreg [dreg:$0x15]  }
0x70: {  	[sflag:s29] =	ssyncadd.s32 $0xFFFFFE00;
	s2 =	sadd.s32 s2, s10  }
0x71: {  	[hbm:s2], [sflag:s7] =	dma.local [spmem:s17], $0x200  }
0x72: {  	_ =	swait.ge [sflag:s29], $0x200  }
0x73: {  	s18 =	sld [smem:$0x7F0];
	_ =	sdelay $0x2  }
0x74: {  	s5 =	sadd.s32 $0x1, s18  }
0x75: {  	p0 =	sne.s32 s5, $0xA  }
.Ltmp3:
0x76: {  	_ = 	snop;
	(pc) =	sbr.rel @!p0 .LBB2_9-.Ltmp3, $3  }
0x77: {  	[sflag:s29] =	ssyncset.done $0x0  }
0x78: {  	[sflag:s29] =	ssyncadd.s32 $0xFFFFFE00  }
0x79: {  	[bflag:$0x0] =	sbarrier.arrive $0xFFFF;
	_ =	sdelay $0x1  }
.LBB2_2:
0x7a: {  	s2 =	rddreg [dreg:$0x10]  }
0x7b: {  	s3 =	rddreg [dreg:$0x17]  }
0x7c: {  	[spmem:s3], [sflag:s7] =	dma.local [hbm:s2], $0x280  }
0x7d: {  	_ =	swait.ge [sflag:s29], $0x280  }
0x7e: {  	[sflag:s29] =	ssyncset.done $0x0  }
0x7f: {  	s17 =	rddreg [dreg:$0x18];
	[sflag:s29] =	ssyncadd.s32 $0xFFFFFD80  }
0x80: {  	[spmem:s17], [sflag:s7] =	dma.local [hbm:s2], $0x280  }
0x81: {  	_ =	swait.ge [sflag:s29], $0x280  }
0x82: {  	[sflag:s29] =	ssyncset.done $0x0  }
0x83: {  	s18 =	rddreg [dreg:$0x19];
	[sflag:s29] =	ssyncadd.s32 $0xFFFFFD80  }
0x84: {  	[spmem:s18], [sflag:s7] =	dma.local [hbm:s2], $0x280  }
0x85: {  	_ =	swait.ge [sflag:s29], $0x280  }
0x86: {  	[sflag:s29] =	ssyncset.done $0x0  }
0x87: {  	s6 =	rddreg [dreg:$0x1a];
	[sflag:s29] =	ssyncadd.s32 $0xFFFFFD80  }
0x88: {  	[spmem:s6], [sflag:s7] =	dma.local [hbm:s2], $0x280  }
0x89: {  	_ =	swait.ge [sflag:s29], $0x280  }
0x8a: {  	[sflag:s29] =	ssyncset.done $0x0  }
0x8b: {  	s8 =	rddreg [dreg:$0x1b];
	[sflag:s29] =	ssyncadd.s32 $0xFFFFFD80  }
0x8c: {  	[spmem:s8], [sflag:s7] =	dma.local [hbm:s2], $0x280  }
0x8d: {  	_ =	swait.ge [sflag:s29], $0x280  }
0x8e: {  	[sflag:s29] =	ssyncset.done $0x0  }
0x8f: {  	s10 =	rddreg [dreg:$0x1c];
	[sflag:s29] =	ssyncadd.s32 $0xFFFFFD80  }
0x90: {  	[spmem:s10], [sflag:s7] =	dma.local [hbm:s2], $0x280  }
0x91: {  	_ =	swait.ge [sflag:s29], $0x280  }
0x92: {  	[sflag:s29] =	ssyncset.done $0x0  }
0x93: {  	s17 =	rddreg [dreg:$0x1d];
	[sflag:s29] =	ssyncadd.s32 $0xFFFFFD80  }
0x94: {  	[spmem:s17], [sflag:s7] =	dma.local [hbm:s2], $0x280  }
0x95: {  	_ =	swait.ge [sflag:s29], $0x280  }
0x96: {  	[sflag:s29] =	ssyncset.done $0x0  }
0x97: {  	s18 =	rddreg [dreg:$0x1e];
	[sflag:s29] =	ssyncadd.s32 $0xFFFFFD80  }
0x98: {  	[spmem:s18], [sflag:s7] =	dma.local [hbm:s2], $0x280  }
0x99: {  	_ =	swait.ge [sflag:s29], $0x280  }
0x9a: {  	[sflag:s29] =	ssyncset.done $0x0  }
0x9b: {  	s6 =	rddreg [dreg:$0x1f];
	[sflag:s29] =	ssyncadd.s32 $0xFFFFFD80  }
0x9c: {  	[spmem:s6], [sflag:s7] =	dma.local [hbm:s2], $0x280  }
0x9d: {  	[smem:$0x7F0] =	sst s5  }
0x9e: {  	_ =	swait.ge [sflag:s29], $0x280  }
0x9f: {  	s8 =	sshll.u32 s5, $0xA;
	s10 =	rddreg [dreg:$0xf]  }
0xa0: {  	[sflag:s29] =	ssyncset.done $0x0;
	s17 =	rddreg [dreg:$0x13];
	s5 =	sor.u32 s10, s8  }
0xa1: {  	s2 =	simm.s32 $0x0;
	[sflag:s29] =	ssyncadd.s32 $0xFFFFFD80;
	s3 =	sadd.s32 s17, s5  }
0xa2: {  	[tilespmem:s31], [sflag:$0x2] =	stream.linear.gather [hbm4b:s3+s2], $0x1400, $0x38;
	[tilespmem:$0x1E190] =	vst v63  }
0xa3: {  	_ =	swait.ge [sflag:s29], $0x1400  }
0xa4: {  	[sflag:s29] =	ssyncset.done $0x0  }
0xa5: {  	[sflag:s29] =	ssyncadd.s32 $0xFFFFEC00  }
0xa6: {  	s18 =	simm.s32 $0x0;
	[bflag:$0x0] =	sbarrier.arrive $0xFFFF  }
0xa7: {  	v5 =	vld [tilespmem:s18+$0x4E80];
	_ =	sdelay $0x3  }
0xa8: {  	v4 =	vmov s5  }
0xa9: {  	v5 =	vsub.s32 v5, v4  }
0xaa: {  	vm1 =	vlt.u32 v5, $0x200  }
0xab: {  	v7 =	vmpcnt.ones.xlane vm1;
	_ =	sdelay $0x1  }
0xac: {  	v6 =	vld [tilespmem:s18+$0x0];
	(v2sf) =	vpush v7, $0x0;
	_ =	sdelay $0x4  }
0xad: {  	[tilespmem:s2+$0x9D00] =	vst.msk vm1, v6  }
0xae: {  	s3 =	simm.s32 $0x80;
	[smem:$0x7F1] =	sst s5;
	s5 =	simm.s32 $0x10;
	[tilespmem:s2+$0xB700] =	vst.msk vm1, v5  }
.LBB2_3:
0xaf: {  	p0 =	sne.s32 s3, $0x13840;
	v5 =	vld [tilespmem:s5+$0x4E80];
	_ =	sdelay $0x4  }
0xb0: {  	v6 =	vld [tilespmem:s5+$0x0];
	v5 =	vsub.s32 v5, v4  }
0xb1: {  	vm1 =	vlt.u32 v5, $0x200  }
0xb2: {  	v7 =	vmpcnt.ones.xlane vm1  }
0xb3: {  	s5 =	spop (v2sf)  }
0xb4: {  	(v2sf) =	vpush v7, $0x0;
	s2 =	sadd.s32 s2, s5  }
0xb5: {  	[tilespmem:s2+$0x9D00] =	vst.msk vm1, v6  }
.Ltmp4:
0xb6: {  	[tilespmem:s2+$0xB700] =	vst.msk vm1, v5;
	(pc) =	sbr.rel @p0 .LBB2_3-.Ltmp4, $2  }
0xb7: {  	_ =	sdelay $0x2  }
0xb8: {  	s5 =	sshra.s32 s3, $0x2;
	s3 =	sadd.s32 $0x40, s3  }
0xb9: {  	v5 =	vld [tilespmem:s5+$0x4E80];
	_ =	sdelay $0x4  }
0xba: {  	v4 =	vsub.s32 v5, v4  }
0xbb: {  	vm1 =	vlt.u32 v4, $0x200  }
0xbc: {  	v5 =	vmpcnt.ones.xlane vm1;
	_ =	sdelay $0x1  }
0xbd: {  	(v2sf) =	vpush v5, $0x0;
	_ =	sdelay $0xd  }
0xbe: {  	s3 =	spop (v2sf)  }
0xbf: {  	s2 =	sadd.s32 s2, s3;
	s10 =	spop (v2sf)  }
0xc0: {  	s6 =	sadd.s32 s2, s10  }
0xc1: {  	s3 =	sadd.s32 $0xF, s6  }
0xc2: {  	s17 =	sand.u32 $0xF, s3  }
0xc3: {  	s18 =	sshra.s32 s3, $0x1F;
	p1 =	slt.s32 s3, $0x1;
	p0 =	sne.s32 s17, $0x0  }
0xc4: {  	v5 =	vld [tilespmem:s5+$0x0];
	s5 =	sshrl.u32 s18, $0x1C;
	p0 =	por !p1, !p0  }
0xc5: {  	s3 =	sadd.s32 s5, s3;
	s5 =	simm.s32 $0x1;
	p0 =	por !p0, !p0  }
0xc6: {  	s3 =	sshra.s32 s3, $0x4;
	s5 =	simm.s32 @!p0 $0x0  }
0xc7: {  	s3 =	ssub.s32 s3, s5  }
0xc8: {  	p0 =	slt.s32 s3, $0x1  }
.Ltmp5:
0xc9: {  	_ = 	snop;
	(pc) =	sbr.rel @p0 .LBB2_8-.Ltmp5, $4  }
0xca: {  	[tilespmem:s2+$0x9D00] =	vst.msk vm1, v5  }
0xcb: {  	[tilespmem:s2+$0xB700] =	vst.msk vm1, v4  }
0xcc: {  	[tilespmem:s6+$0x9D00] =	vst v0  }
0xcd: {  	s7 =	simm.s32 $0x0;
	s2 =	simm.s32 $0xB700;
	[tilespmem:s6+$0xB700] =	vst v2;
	s5 =	simm.s32 $0x0  }
.LBB2_5:
0xce: {  	s6 =	sshll.u32 s7, $0x4  }
0xcf: {  	v4 =	vld [tilespmem:s6+$0x9D00];
	s6 =	sadd.s32 $0xB700, s6  }
0xd0: {  	[spmem:s16] =	stream.linear.scatter [tilespmem:s6], [sflag:$0x2], $0x10, $0x38;
	[tilespmem:$0x1E190] =	vst v63  }
0xd1: {  	_ =	swait.ge [sflag:s29], $0x10  }
0xd2: {  	[sflag:s29] =	ssyncset.done $0x0  }
0xd3: {  	[sflag:s29] =	ssyncadd.s32 $0xFFFFFFF0  }
0xd4: {  	[tilespmem:s9], [sflag:$0x2] =	stream.linear.gather [spmem:s16], $0x10, $0x38;
	[tilespmem:$0x1E190] =	vst v63  }
0xd5: {  	_ =	swait.ge [sflag:s29], $0x10  }
0xd6: {  	[sflag:s29] =	ssyncset.done $0x0  }
0xd7: {  	s17 =	rddreg [dreg:$0x11];
	[sflag:s29] =	ssyncadd.s32 $0xFFFFFFF0  }
0xd8: {  	[tilespmem:s11], [sflag:$0x1] =	stream.indirect_vreg.gather [hbm4b:s17+s5], $0x80, v4, vm0, $0xb8;
	[tilespmem:$0x1E190] =	vst v63  }
0xd9: {  	s18 =	rddreg [dreg:$0x12]  }
0xda: {  	[tilespmem:s12], [sflag:$0x1] =	stream.indirect_vreg.gather [hbm4b:s18+s5], $0x80, v4, vm0, $0xb8;
	[tilespmem:$0x1E190] =	vst v63  }
0xdb: {  	_ = 	snop  }
0xdc: {  	[tilespmem:s13], [sflag:$0x1] =	stream.indirect_vreg.gather [hbm4b:s19+s5], $0x80, v4, vm0, $0xb8;
	[tilespmem:$0x1E190] =	vst v63  }
0xdd: {  	_ = 	snop  }
0xde: {  	[tilespmem:s30], [sflag:$0x1] =	stream.indirect_vreg.gather [hbm4b:s20+s5], $0x80, v4, vm0, $0xb8;
	[tilespmem:$0x1E190] =	vst v63  }
0xdf: {  	_ = 	snop  }
0xe0: {  	[tilespmem:s14], [sflag:$0x1] =	stream.indirect_vreg.gather [hbm4b:s21+s5], $0x80, v4, vm0, $0xb8;
	[tilespmem:$0x1E190] =	vst v63  }
0xe1: {  	_ = 	snop  }
0xe2: {  	[tilespmem:s26], [sflag:$0x1] =	stream.indirect_vreg.gather [hbm4b:s22+s5], $0x80, v4, vm0, $0xb8;
	[tilespmem:$0x1E190] =	vst v63  }
0xe3: {  	_ = 	snop  }
0xe4: {  	[tilespmem:s28], [sflag:$0x1] =	stream.indirect_vreg.gather [hbm4b:s23+s5], $0x80, v4, vm0, $0xb8;
	[tilespmem:$0x1E190] =	vst v63  }
0xe5: {  	_ = 	snop  }
0xe6: {  	[tilespmem:s15], [sflag:$0x1] =	stream.indirect_vreg.gather [hbm4b:s24+s5], $0x80, v4, vm0, $0xb8;
	[tilespmem:$0x1E190] =	vst v63  }
0xe7: {  	_ = 	snop  }
0xe8: {  	[tilespmem:s0], [sflag:$0x1] =	stream.indirect_vreg.gather [hbm4b:s25+s5], $0x80, v4, vm0, $0xb8;
	[tilespmem:$0x1E190] =	vst v63  }
0xe9: {  	_ =	swait.ge [sflag:s4], $0x800  }
0xea: {  	[sflag:s4] =	ssyncset.done $0x0  }
0xeb: {  	[sflag:s4] =	ssyncadd.s32 $0xFFFFF800  }
0xec: {  	_ =	swait.ge [sflag:s4], $0x800  }
0xed: {  	[sflag:s4] =	ssyncset.done $0x0  }
0xee: {  	[sflag:s4] =	ssyncadd.s32 $0xFFFFF800  }
0xef: {  	_ =	swait.ge [sflag:s4], $0x800  }
0xf0: {  	[sflag:s4] =	ssyncset.done $0x0  }
0xf1: {  	[sflag:s4] =	ssyncadd.s32 $0xFFFFF800  }
0xf2: {  	_ =	swait.ge [sflag:s4], $0x800  }
0xf3: {  	[sflag:s4] =	ssyncset.done $0x0  }
0xf4: {  	[sflag:s4] =	ssyncadd.s32 $0xFFFFF800  }
0xf5: {  	_ =	swait.ge [sflag:s4], $0x800  }
0xf6: {  	[sflag:s4] =	ssyncset.done $0x0  }
0xf7: {  	[sflag:s4] =	ssyncadd.s32 $0xFFFFF800  }
0xf8: {  	_ =	swait.ge [sflag:s4], $0x800  }
0xf9: {  	[sflag:s4] =	ssyncset.done $0x0  }
0xfa: {  	[sflag:s4] =	ssyncadd.s32 $0xFFFFF800  }
0xfb: {  	_ =	swait.ge [sflag:s4], $0x800  }
0xfc: {  	[sflag:s4] =	ssyncset.done $0x0  }
0xfd: {  	[sflag:s4] =	ssyncadd.s32 $0xFFFFF800  }
0xfe: {  	_ =	swait.ge [sflag:s4], $0x800  }
0xff: {  	[sflag:s4] =	ssyncset.done $0x0  }
0x100: {  	[sflag:s4] =	ssyncadd.s32 $0xFFFFF800  }
0x101: {  	_ =	swait.ge [sflag:s4], $0x800  }
0x102: {  	[sflag:s4] =	ssyncset.done $0x0  }
0x103: {  	[sflag:s4] =	ssyncadd.s32 $0xFFFFF800  }
0x104: {  	s10 =	simm.s32 $0x200;
	s8 =	simm.s32 $0x0;
	s6 =	smov.u32 s2;
	v4 =	vld [tilespmem:s2+$0x0]  }
.LBB2_6:
0x105: {  	p0 =	sne.s32 s10, $0x1E00;
	_ =	sdelay $0x3  }
0x106: {  	(v2sf) =	vpush v4, $0x0;
	_ =	sdelay $0x8  }
0x107: {  	s17 =	sshra.s32 s8, $0x2;
	s8 =	smov.u32 s10  }
0x108: {  	v4 =	vld [tilespmem:s17+$0x11D70]  }
0x109: {  	v5 =	vld [tilespmem:s17+$0x11D50]  }
0x10a: {  	v6 =	vld [tilespmem:s17+$0x11D30]  }
0x10b: {  	v7 =	vld [tilespmem:s17+$0x11D10]  }
0x10c: {  	v9 =	vld [tilespmem:s17+$0x11570]  }
0x10d: {  	v10 =	vld [tilespmem:s17+$0x11550];
	s18 =	spop (v2sf)  }
0x10e: {  	s18 =	sshll.u32 s18, $0x3;
	v11 =	vld [tilespmem:s17+$0x11530]  }
0x10f: {  	v16 =	vadd.s32 s18, v1;
	v12 =	vld [tilespmem:s17+$0x11510]  }
0x110: {  	v13 =	vld [tilespmem:s17+$0x10D70]  }
0x111: {  	v14 =	vld [tilespmem:s17+$0x10D50]  }
0x112: {  	v15 =	vld [tilespmem:s17+$0x10D30]  }
0x113: {  	v8 =	vld [tilespmem:s17+$0x12500]  }
0x114: {  	v16 =	vld.idx.msk [tilespmem:v16+s31+$0x0], $0xffff  }
0x115: {  	v17 =	vld [tilespmem:s17+$0x10D10]  }
0x116: {  	v18 =	vld [tilespmem:s17+$0x10570]  }
0x117: {  	v19 =	vld [tilespmem:s17+$0x10550]  }
0x118: {  	v20 =	vperm.xlane v8, v3;
	v21 =	vld [tilespmem:s17+$0xFD70]  }
0x119: {  	v22 =	vld [tilespmem:s17+$0xFD50]  }
0x11a: {  	v16 =	vadd.f32 v20, v16;
	v20 =	vld [tilespmem:s17+$0xFD30]  }
0x11b: {  	v23 =	vld [tilespmem:s17+$0xFD10]  }
0x11c: {  	v24 =	vmul.f32 $2.000000030e-01, v16;
	v25 =	vld [tilespmem:s17+$0xF570]  }
0x11d: {  	v26 =	vld [tilespmem:s17+$0xF550]  }
0x11e: {  	v16 =	vmax.f32 v16, v24;
	v24 =	vld [tilespmem:s17+$0xF530]  }
0x11f: {  	v16 =	vmul.f32 $1.442695020e+00, v16;
	v27 =	vld [tilespmem:s17+$0xF510]  }
0x120: {  	v28 =	vld [tilespmem:s17+$0xED70]  }
0x121: {  	v29 =	vld [tilespmem:s17+$0xED50];
	(erf) = vpow2.f32 v16  }
0x122: {  	v30 =	vld [tilespmem:s17+$0xED30]  }
0x123: {  	v31 =	vld [tilespmem:s17+$0xED10]  }
0x124: {  	v32 =	vld [tilespmem:s17+$0xE570]  }
0x125: {  	v33 =	vld [tilespmem:s17+$0xE550]  }
0x126: {  	v34 =	vld [tilespmem:s17+$0xE530]  }
0x127: {  	v35 =	vld [tilespmem:s17+$0xE510]  }
0x128: {  	v36 =	vld [tilespmem:s17+$0xE500]  }
0x129: {  	v37 =	vld [tilespmem:s17+$0xE520]  }
0x12a: {  	v38 =	vld [tilespmem:s17+$0xE540];
	v16 =	vpop (erf)  }
0x12b: {  	v39 =	vbroadcast v16, $0x0;
	v40 =	vld [tilespmem:s17+$0xE560];
	v41 =	vbroadcast v16, $0x1  }
0x12c: {  	v43 =	vbroadcast v16, $0x2;
	v44 =	vbroadcast v16, $0x3;
	v42 =	vld [tilespmem:s17+$0xED00]  }
0x12d: {  	v36 =	vmul.f32 v39, v36;
	v35 =	vmul.f32 v39, v35;
	v45 =	vld [tilespmem:s17+$0xED20]  }
0x12e: {  	v34 =	vmul.f32 v34, v39;
	v37 =	vmul.f32 v39, v37;
	v46 =	vld [tilespmem:s17+$0xED40]  }
0x12f: {  	v33 =	vmul.f32 v33, v39;
	[tilespmem:s17+$0xE500] =	vst v36;
	v36 =	vmul.f32 v38, v39;
	v38 =	vld [tilespmem:s17+$0xED60]  }
0x130: {  	v32 =	vmul.f32 v32, v39;
	[tilespmem:s17+$0xE510] =	vst v35;
	v35 =	vmul.f32 v40, v39;
	v39 =	vld [tilespmem:s17+$0xF500]  }
0x131: {  	v31 =	vmul.f32 v31, v41;
	[tilespmem:s17+$0xE520] =	vst v37;
	v37 =	vmul.f32 v42, v41;
	v40 =	vld [tilespmem:s17+$0xF520]  }
0x132: {  	v30 =	vmul.f32 v30, v41;
	[tilespmem:s17+$0xE530] =	vst v34;
	v34 =	vmul.f32 v45, v41;
	v42 =	vld [tilespmem:s17+$0xF540]  }
0x133: {  	v29 =	vmul.f32 v29, v41;
	[tilespmem:s17+$0xE540] =	vst v36;
	v36 =	vmul.f32 v46, v41;
	v45 =	vld [tilespmem:s17+$0xF560]  }
0x134: {  	v28 =	vmul.f32 v28, v41;
	[tilespmem:s17+$0xE550] =	vst v33;
	v33 =	vmul.f32 v38, v41;
	v38 =	vld [tilespmem:s17+$0xFD00]  }
0x135: {  	v27 =	vmul.f32 v27, v43;
	[tilespmem:s17+$0xE560] =	vst v35;
	v35 =	vmul.f32 v39, v43;
	v39 =	vld [tilespmem:s17+$0xFD20]  }
0x136: {  	v24 =	vmul.f32 v24, v43;
	[tilespmem:s17+$0xE570] =	vst v32;
	v32 =	vmul.f32 v40, v43;
	v40 =	vld [tilespmem:s17+$0xFD40]  }
0x137: {  	v26 =	vmul.f32 v26, v43;
	[tilespmem:s17+$0xED00] =	vst v37;
	v37 =	vmul.f32 v42, v43;
	v41 =	vld [tilespmem:s17+$0xFD60]  }
0x138: {  	v25 =	vmul.f32 v25, v43;
	[tilespmem:s17+$0xED10] =	vst v31;
	v31 =	vmul.f32 v45, v43;
	v42 =	vld [tilespmem:s17+$0x10530]  }
0x139: {  	v23 =	vmul.f32 v23, v44;
	[tilespmem:s17+$0xED20] =	vst v34;
	v34 =	vmul.f32 v38, v44;
	v38 =	vld [tilespmem:s17+$0x10510]  }
0x13a: {  	v20 =	vmul.f32 v20, v44;
	[tilespmem:s17+$0xED30] =	vst v30;
	v30 =	vmul.f32 v39, v44;
	v39 =	vld [tilespmem:s17+$0x10500]  }
0x13b: {  	v22 =	vmul.f32 v22, v44;
	[tilespmem:s17+$0xED40] =	vst v36;
	v36 =	vmul.f32 v40, v44;
	v40 =	vld [tilespmem:s17+$0x10520]  }
0x13c: {  	v21 =	vmul.f32 v21, v44;
	[tilespmem:s17+$0xED50] =	vst v29;
	v29 =	vmul.f32 v41, v44;
	v41 =	vld [tilespmem:s17+$0x10540]  }
0x13d: {  	v44 =	vbroadcast v16, $0x5;
	[tilespmem:s17+$0xED60] =	vst v33;
	v33 =	vbroadcast v16, $0x4;
	v43 =	vld [tilespmem:s17+$0x10560]  }
0x13e: {  	v46 =	vbroadcast v16, $0x7;
	v45 =	vbroadcast v16, $0x6;
	[tilespmem:s17+$0xED70] =	vst v28;
	v28 =	vld [tilespmem:s17+$0x10D00]  }
0x13f: {  	[tilespmem:s17+$0xF500] =	vst v35;
	v35 =	vmul.f32 v39, v33;
	v38 =	vmul.f32 v38, v33;
	v39 =	vld [tilespmem:s17+$0x10D20]  }
0x140: {  	[tilespmem:s17+$0xF510] =	vst v27;
	v27 =	vmul.f32 v40, v33;
	v40 =	vmul.f32 v42, v33;
	v42 =	vld [tilespmem:s17+$0x10D40]  }
0x141: {  	v19 =	vmul.f32 v19, v33;
	[tilespmem:s17+$0xF520] =	vst v32;
	v32 =	vmul.f32 v41, v33;
	v41 =	vld [tilespmem:s17+$0x10D60]  }
0x142: {  	v18 =	vmul.f32 v18, v33;
	[tilespmem:s17+$0xF530] =	vst v24;
	v24 =	vmul.f32 v43, v33;
	v33 =	vld [tilespmem:s17+$0x11500]  }
0x143: {  	v17 =	vmul.f32 v17, v44;
	[tilespmem:s17+$0xF540] =	vst v37;
	v28 =	vmul.f32 v28, v44;
	v37 =	vld [tilespmem:s17+$0x11520]  }
0x144: {  	v15 =	vmul.f32 v15, v44;
	[tilespmem:s17+$0xF550] =	vst v26;
	v26 =	vmul.f32 v39, v44;
	v39 =	vld [tilespmem:s17+$0x11540]  }
0x145: {  	v14 =	vmul.f32 v14, v44;
	[tilespmem:s17+$0xF560] =	vst v31;
	v31 =	vmul.f32 v42, v44;
	v42 =	vld [tilespmem:s17+$0x11560]  }
0x146: {  	v13 =	vmul.f32 v13, v44;
	[tilespmem:s17+$0xF570] =	vst v25;
	v25 =	vmul.f32 v41, v44;
	v41 =	vld [tilespmem:s17+$0x11D00]  }
0x147: {  	v12 =	vmul.f32 v12, v45;
	[tilespmem:s17+$0xFD00] =	vst v34;
	v33 =	vmul.f32 v33, v45;
	v34 =	vld [tilespmem:s17+$0x11D20]  }
0x148: {  	v11 =	vmul.f32 v11, v45;
	[tilespmem:s17+$0xFD10] =	vst v23;
	v23 =	vmul.f32 v37, v45;
	v37 =	vld [tilespmem:s17+$0x11D40]  }
0x149: {  	v10 =	vmul.f32 v10, v45;
	[tilespmem:s17+$0xFD20] =	vst v30;
	v30 =	vmul.f32 v39, v45;
	v39 =	vld [tilespmem:s17+$0x11D60]  }
0x14a: {  	v9 =	vmul.f32 v9, v45;
	[tilespmem:s17+$0xFD30] =	vst v20;
	v20 =	vmul.f32 v42, v45  }
0x14b: {  	v7 =	vmul.f32 v7, v46;
	[tilespmem:s17+$0xFD40] =	vst v36;
	v36 =	vmul.f32 v41, v46  }
0x14c: {  	v6 =	vmul.f32 v6, v46;
	[tilespmem:s17+$0xFD50] =	vst v22;
	v22 =	vmul.f32 v34, v46  }
0x14d: {  	v5 =	vmul.f32 v5, v46;
	[tilespmem:s17+$0xFD60] =	vst v29;
	v29 =	vmul.f32 v37, v46  }
0x14e: {  	v4 =	vmul.f32 v4, v46;
	[tilespmem:s17+$0xFD70] =	vst v21;
	v21 =	vmul.f32 v39, v46  }
0x14f: {  	v8 =	vmul.f32 v16, v8;
	[tilespmem:s17+$0x10500] =	vst v35  }
0x150: {  	[tilespmem:s17+$0x10510] =	vst v38  }
0x151: {  	[tilespmem:s17+$0x10520] =	vst v27  }
0x152: {  	[tilespmem:s17+$0x10530] =	vst v40  }
0x153: {  	[tilespmem:s17+$0x10540] =	vst v32  }
0x154: {  	[tilespmem:s17+$0x10550] =	vst v19  }
0x155: {  	[tilespmem:s17+$0x10560] =	vst v24  }
0x156: {  	[tilespmem:s17+$0x10570] =	vst v18  }
0x157: {  	[tilespmem:s17+$0x10D00] =	vst v28  }
0x158: {  	[tilespmem:s17+$0x10D10] =	vst v17  }
0x159: {  	[tilespmem:s17+$0x10D20] =	vst v26  }
0x15a: {  	[tilespmem:s17+$0x10D30] =	vst v15  }
0x15b: {  	[tilespmem:s17+$0x10D40] =	vst v31  }
0x15c: {  	[tilespmem:s17+$0x10D50] =	vst v14  }
0x15d: {  	[tilespmem:s17+$0x10D60] =	vst v25  }
0x15e: {  	[tilespmem:s17+$0x10D70] =	vst v13  }
0x15f: {  	[tilespmem:s17+$0x11500] =	vst v33  }
0x160: {  	[tilespmem:s17+$0x11510] =	vst v12  }
0x161: {  	[tilespmem:s17+$0x11520] =	vst v23  }
0x162: {  	[tilespmem:s17+$0x11530] =	vst v11  }
0x163: {  	[tilespmem:s17+$0x11540] =	vst v30  }
0x164: {  	[tilespmem:s17+$0x11550] =	vst v10  }
0x165: {  	[tilespmem:s17+$0x11560] =	vst v20  }
0x166: {  	[tilespmem:s17+$0x11570] =	vst v9  }
0x167: {  	[tilespmem:s17+$0x11D00] =	vst v36  }
0x168: {  	[tilespmem:s17+$0x11D10] =	vst v7  }
0x169: {  	[tilespmem:s17+$0x11D20] =	vst v22  }
0x16a: {  	[tilespmem:s17+$0x11D30] =	vst v6  }
0x16b: {  	[tilespmem:s17+$0x11D40] =	vst v29  }
.Ltmp6:
0x16c: {  	[tilespmem:s17+$0x11D50] =	vst v5;
	(pc) =	sbr.rel @p0 .LBB2_6-.Ltmp6, $4  }
0x16d: {  	[tilespmem:s17+$0x11D60] =	vst v21  }
0x16e: {  	[tilespmem:s17+$0x11D70] =	vst v4  }
0x16f: {  	s6 =	sadd.s32 $0x1, s6;
	[tilespmem:s17+$0x12500] =	vst v8  }
0x170: {  	s10 =	sadd.s32 $0x200, s10;
	v4 =	vld [tilespmem:s6+$0x0]  }
0x171: {  	_ =	sdelay $0x3  }
0x172: {  	(v2sf) =	vpush v4, $0x0;
	_ =	sdelay $0xe  }
0x173: {  	s6 =	spop (v2sf)  }
0x174: {  	s6 =	sshll.u32 s6, $0x3  }
0x175: {  	v5 =	vadd.s32 s6, v1;
	_ =	sdelay $0x1  }
0x176: {  	s17 =	sshra.s32 s8, $0x2  }
0x177: {  	v4 =	vld [tilespmem:s17+$0x12500];
	_ =	sdelay $0x1  }
0x178: {  	v5 =	vld.idx.msk [tilespmem:v5+s31+$0x0], $0xffff;
	_ =	sdelay $0x2  }
0x179: {  	v6 =	vperm.xlane v4, v3;
	_ =	sdelay $0x1  }
0x17a: {  	v5 =	vadd.f32 v6, v5;
	_ =	sdelay $0x1  }
0x17b: {  	v6 =	vmul.f32 $2.000000030e-01, v5;
	_ =	sdelay $0x1  }
0x17c: {  	v5 =	vmax.f32 v5, v6  }
0x17d: {  	v5 =	vmul.f32 $1.442695020e+00, v5;
	_ =	sdelay $0x1  }
0x17e: {  	(erf) = vpow2.f32 v5;
	_ =	sdelay $0x6  }
0x17f: {  	v42 =	vld [tilespmem:s17+$0xE500]  }
0x180: {  	v7 =	vld [tilespmem:s17+$0xE510]  }
0x181: {  	v8 =	vld [tilespmem:s17+$0xE520];
	v5 =	vpop (erf)  }
0x182: {  	v9 =	vld [tilespmem:s17+$0xE530];
	v10 =	vbroadcast v5, $0x0  }
0x183: {  	v11 =	vld [tilespmem:s17+$0xE540];
	v4 =	vmul.f32 v5, v4  }
0x184: {  	v12 =	vld [tilespmem:s17+$0xE550];
	v6 =	vmul.f32 v10, v42  }
0x185: {  	v13 =	vld [tilespmem:s17+$0xE560];
	v7 =	vmul.f32 v10, v7;
	[tilespmem:s17+$0x12500] =	vst v4  }
0x186: {  	v14 =	vld [tilespmem:s17+$0xE570];
	v8 =	vmul.f32 v10, v8;
	[tilespmem:s17+$0xE500] =	vst v6  }
0x187: {  	v63 =	vld [tilespmem:s17+$0xFD30];
	v9 =	vmul.f32 v9, v10;
	[tilespmem:s17+$0xE510] =	vst v7  }
0x188: {  	v20 =	vld [tilespmem:s17+$0xFD50];
	v11 =	vmul.f32 v11, v10;
	[tilespmem:s17+$0xE520] =	vst v8  }
0x189: {  	v43 =	vld [tilespmem:s17+$0xED00];
	v12 =	vmul.f32 v12, v10;
	[tilespmem:s17+$0xE530] =	vst v9  }
0x18a: {  	v44 =	vld [tilespmem:s17+$0xED10];
	v18 =	vbroadcast v5, $0x3;
	v13 =	vmul.f32 v13, v10;
	[tilespmem:s17+$0xE540] =	vst v11  }
0x18b: {  	v45 =	vld [tilespmem:s17+$0xED20];
	v10 =	vmul.f32 v14, v10;
	[tilespmem:s17+$0xE550] =	vst v12  }
0x18c: {  	v46 =	vld [tilespmem:s17+$0xED30];
	v15 =	vbroadcast v5, $0x1;
	v23 =	vmul.f32 v63, v18;
	[tilespmem:s17+$0xE560] =	vst v13  }
0x18d: {  	v47 =	vld [tilespmem:s17+$0xED40];
	v26 =	vmul.f32 v20, v18;
	[tilespmem:s17+$0xE570] =	vst v10  }
0x18e: {  	v48 =	vld [tilespmem:s17+$0xED50];
	v6 =	vmul.f32 v43, v15;
	[tilespmem:s17+$0xFD30] =	vst v23  }
0x18f: {  	v49 =	vld [tilespmem:s17+$0xED60];
	v7 =	vmul.f32 v44, v15;
	[tilespmem:s17+$0xFD50] =	vst v26  }
0x190: {  	v50 =	vld [tilespmem:s17+$0xED70];
	v8 =	vmul.f32 v45, v15;
	[tilespmem:s17+$0xED00] =	vst v6  }
0x191: {  	v51 =	vld [tilespmem:s17+$0xF500];
	v9 =	vmul.f32 v46, v15;
	[tilespmem:s17+$0xED10] =	vst v7  }
0x192: {  	v52 =	vld [tilespmem:s17+$0xF510];
	v11 =	vmul.f32 v47, v15;
	[tilespmem:s17+$0xED20] =	vst v8  }
0x193: {  	v53 =	vld [tilespmem:s17+$0xF520];
	v12 =	vmul.f32 v48, v15;
	[tilespmem:s17+$0xED30] =	vst v9  }
0x194: {  	v54 =	vld [tilespmem:s17+$0xF530];
	v55 =	vbroadcast v5, $0x2;
	v13 =	vmul.f32 v49, v15;
	[tilespmem:s17+$0xED40] =	vst v11  }
0x195: {  	v56 =	vld [tilespmem:s17+$0xF540];
	v10 =	vmul.f32 v50, v15;
	[tilespmem:s17+$0xED50] =	vst v12  }
0x196: {  	v57 =	vld [tilespmem:s17+$0xF550];
	v6 =	vmul.f32 v51, v55;
	[tilespmem:s17+$0xED60] =	vst v13  }
0x197: {  	v58 =	vld [tilespmem:s17+$0xF560];
	v7 =	vmul.f32 v52, v55;
	[tilespmem:s17+$0xED70] =	vst v10  }
0x198: {  	v59 =	vld [tilespmem:s17+$0xF570];
	v8 =	vmul.f32 v53, v55;
	[tilespmem:s17+$0xF500] =	vst v6  }
0x199: {  	v60 =	vld [tilespmem:s17+$0xFD00];
	v9 =	vmul.f32 v54, v55;
	[tilespmem:s17+$0xF510] =	vst v7  }
0x19a: {  	v61 =	vld [tilespmem:s17+$0xFD10];
	v11 =	vmul.f32 v56, v55;
	[tilespmem:s17+$0xF520] =	vst v8  }
0x19b: {  	v62 =	vld [tilespmem:s17+$0xFD20];
	v12 =	vmul.f32 v57, v55;
	[tilespmem:s17+$0xF530] =	vst v9  }
0x19c: {  	v19 =	vld [tilespmem:s17+$0xFD40];
	v13 =	vmul.f32 v58, v55;
	[tilespmem:s17+$0xF540] =	vst v11  }
0x19d: {  	v21 =	vld [tilespmem:s17+$0xFD60];
	v10 =	vmul.f32 v59, v55;
	[tilespmem:s17+$0xF550] =	vst v12  }
0x19e: {  	v22 =	vld [tilespmem:s17+$0xFD70];
	v6 =	vmul.f32 v60, v18;
	[tilespmem:s17+$0xF560] =	vst v13  }
0x19f: {  	v24 =	vld [tilespmem:s17+$0x10500];
	v7 =	vmul.f32 v61, v18;
	[tilespmem:s17+$0xF570] =	vst v10  }
0x1a0: {  	v27 =	vld [tilespmem:s17+$0x10520];
	v8 =	vmul.f32 v62, v18;
	[tilespmem:s17+$0xFD00] =	vst v6  }
0x1a1: {  	v25 =	vld [tilespmem:s17+$0x10510];
	v11 =	vmul.f32 v19, v18;
	[tilespmem:s17+$0xFD10] =	vst v7  }
0x1a2: {  	v28 =	vld [tilespmem:s17+$0x10530];
	v29 =	vbroadcast v5, $0x4;
	v13 =	vmul.f32 v21, v18;
	[tilespmem:s17+$0xFD20] =	vst v8  }
0x1a3: {  	v30 =	vld [tilespmem:s17+$0x10540];
	v10 =	vmul.f32 v22, v18;
	[tilespmem:s17+$0xFD40] =	vst v11  }
0x1a4: {  	v31 =	vld [tilespmem:s17+$0x10550];
	v9 =	vmul.f32 v24, v29;
	[tilespmem:s17+$0xFD60] =	vst v13  }
0x1a5: {  	v32 =	vld [tilespmem:s17+$0x10560];
	v12 =	vmul.f32 v27, v29;
	[tilespmem:s17+$0xFD70] =	vst v10  }
0x1a6: {  	v33 =	vld [tilespmem:s17+$0x10570];
	v7 =	vmul.f32 v25, v29;
	[tilespmem:s17+$0x10500] =	vst v9  }
0x1a7: {  	v34 =	vld [tilespmem:s17+$0x10D00];
	v6 =	vmul.f32 v28, v29;
	[tilespmem:s17+$0x10520] =	vst v12  }
0x1a8: {  	v36 =	vld [tilespmem:s17+$0x10D20];
	v11 =	vmul.f32 v30, v29;
	[tilespmem:s17+$0x10510] =	vst v7  }
0x1a9: {  	v57 =	vld [tilespmem:s17+$0x11D40];
	v8 =	vmul.f32 v31, v29;
	[tilespmem:s17+$0x10530] =	vst v6  }
0x1aa: {  	v38 =	vbroadcast v5, $0x5;
	v59 =	vld [tilespmem:s17+$0x11D60];
	v13 =	vmul.f32 v32, v29;
	[tilespmem:s17+$0x10540] =	vst v11  }
0x1ab: {  	v35 =	vld [tilespmem:s17+$0x10D10];
	v10 =	vmul.f32 v33, v29;
	[tilespmem:s17+$0x10550] =	vst v8  }
0x1ac: {  	v37 =	vld [tilespmem:s17+$0x10D30];
	v56 =	vbroadcast v5, $0x7;
	v9 =	vmul.f32 v34, v38;
	[tilespmem:s17+$0x10560] =	vst v13  }
0x1ad: {  	v39 =	vld [tilespmem:s17+$0x10D40];
	v12 =	vmul.f32 v36, v38;
	[tilespmem:s17+$0x10570] =	vst v10  }
0x1ae: {  	v40 =	vld [tilespmem:s17+$0x10D50];
	v61 =	vmul.f32 v57, v56;
	[tilespmem:s17+$0x10D00] =	vst v9  }
0x1af: {  	v41 =	vld [tilespmem:s17+$0x10D60];
	v62 =	vmul.f32 v59, v56;
	[tilespmem:s17+$0x10D20] =	vst v12  }
0x1b0: {  	v42 =	vld [tilespmem:s17+$0x10D70];
	v7 =	vmul.f32 v35, v38;
	[tilespmem:s17+$0x11D40] =	vst v61  }
0x1b1: {  	v43 =	vld [tilespmem:s17+$0x11500];
	v6 =	vmul.f32 v37, v38;
	[tilespmem:s17+$0x11D60] =	vst v62  }
0x1b2: {  	v45 =	vld [tilespmem:s17+$0x11520];
	v11 =	vmul.f32 v39, v38;
	[tilespmem:s17+$0x10D10] =	vst v7  }
0x1b3: {  	v60 =	vld [tilespmem:s17+$0x11D70];
	v8 =	vmul.f32 v40, v38;
	[tilespmem:s17+$0x10D30] =	vst v6  }
0x1b4: {  	v44 =	vld [tilespmem:s17+$0x11510];
	v47 =	vbroadcast v5, $0x6;
	v13 =	vmul.f32 v41, v38;
	[tilespmem:s17+$0x10D40] =	vst v11  }
0x1b5: {  	v46 =	vld [tilespmem:s17+$0x11530];
	v10 =	vmul.f32 v42, v38;
	[tilespmem:s17+$0x10D50] =	vst v8  }
0x1b6: {  	v48 =	vld [tilespmem:s17+$0x11540];
	v9 =	vmul.f32 v43, v47;
	[tilespmem:s17+$0x10D60] =	vst v13  }
0x1b7: {  	v49 =	vld [tilespmem:s17+$0x11550];
	v12 =	vmul.f32 v45, v47;
	[tilespmem:s17+$0x10D70] =	vst v10  }
0x1b8: {  	v50 =	vld [tilespmem:s17+$0x11560];
	v63 =	vmul.f32 v60, v56;
	[tilespmem:s17+$0x11500] =	vst v9  }
0x1b9: {  	v51 =	vld [tilespmem:s17+$0x11570];
	v7 =	vmul.f32 v44, v47;
	[tilespmem:s17+$0x11520] =	vst v12  }
0x1ba: {  	v52 =	vld [tilespmem:s17+$0x11D00];
	v6 =	vmul.f32 v46, v47;
	[tilespmem:s17+$0x11D70] =	vst v63  }
0x1bb: {  	v54 =	vld [tilespmem:s17+$0x11D20];
	v11 =	vmul.f32 v48, v47;
	[tilespmem:s17+$0x11510] =	vst v7  }
0x1bc: {  	v53 =	vld [tilespmem:s17+$0x11D10];
	v8 =	vmul.f32 v49, v47;
	[tilespmem:s17+$0x11530] =	vst v6  }
0x1bd: {  	v55 =	vld [tilespmem:s17+$0x11D30];
	v13 =	vmul.f32 v50, v47;
	[tilespmem:s17+$0x11540] =	vst v11  }
0x1be: {  	v58 =	vld [tilespmem:s17+$0x11D50];
	v10 =	vmul.f32 v51, v47;
	[tilespmem:s17+$0x11550] =	vst v8  }
0x1bf: {  	v9 =	vmul.f32 v52, v56;
	[tilespmem:s17+$0x11560] =	vst v13  }
0x1c0: {  	v12 =	vmul.f32 v54, v56;
	[tilespmem:s17+$0x11570] =	vst v10  }
0x1c1: {  	v7 =	vmul.f32 v53, v56;
	[tilespmem:s17+$0x11D00] =	vst v9  }
0x1c2: {  	v6 =	vmul.f32 v55, v56;
	[tilespmem:s17+$0x11D20] =	vst v12  }
0x1c3: {  	v8 =	vmul.f32 v58, v56;
	[tilespmem:s17+$0x11D10] =	vst v7  }
0x1c4: {  	[tilespmem:s17+$0x11D30] =	vst v6  }
0x1c5: {  	s18 =	rddreg [dreg:$0x2];
	[tilespmem:s17+$0x11D50] =	vst v8  }
0x1c6: {  	[spmem:s18] =	stream.indirect.scatter.add.f32 [tilespmem:s11], [sflag:$0x2], $0x80, s9, s1, $0xb8;
	[tilespmem:$0x1E190] =	vst v63  }
0x1c7: {  	_ =	swait.ge [sflag:s29], $0x800  }
0x1c8: {  	[sflag:s29] =	ssyncset.done $0x0  }
0x1c9: {  	[sflag:s29] =	ssyncadd.s32 $0xFFFFF800  }
0x1ca: {  	s8 =	rddreg [dreg:$0x3]  }
0x1cb: {  	[spmem:s8] =	stream.indirect.scatter.add.f32 [tilespmem:s12], [sflag:$0x2], $0x80, s9, s1, $0xb8;
	[tilespmem:$0x1E190] =	vst v63  }
0x1cc: {  	_ =	swait.ge [sflag:s29], $0x800  }
0x1cd: {  	[sflag:s29] =	ssyncset.done $0x0  }
0x1ce: {  	[sflag:s29] =	ssyncadd.s32 $0xFFFFF800  }
0x1cf: {  	s10 =	rddreg [dreg:$0x4]  }
0x1d0: {  	[spmem:s10] =	stream.indirect.scatter.add.f32 [tilespmem:s13], [sflag:$0x2], $0x80, s9, s1, $0xb8;
	[tilespmem:$0x1E190] =	vst v63  }
0x1d1: {  	_ =	swait.ge [sflag:s29], $0x800  }
0x1d2: {  	[sflag:s29] =	ssyncset.done $0x0  }
0x1d3: {  	[sflag:s29] =	ssyncadd.s32 $0xFFFFF800  }
0x1d4: {  	s17 =	rddreg [dreg:$0x5]  }
0x1d5: {  	[spmem:s17] =	stream.indirect.scatter.add.f32 [tilespmem:s30], [sflag:$0x2], $0x80, s9, s1, $0xb8;
	[tilespmem:$0x1E190] =	vst v63  }
0x1d6: {  	_ =	swait.ge [sflag:s29], $0x800  }
0x1d7: {  	[sflag:s29] =	ssyncset.done $0x0  }
0x1d8: {  	[sflag:s29] =	ssyncadd.s32 $0xFFFFF800  }
0x1d9: {  	s18 =	rddreg [dreg:$0x6]  }
0x1da: {  	[spmem:s18] =	stream.indirect.scatter.add.f32 [tilespmem:s14], [sflag:$0x2], $0x80, s9, s1, $0xb8;
	[tilespmem:$0x1E190] =	vst v63  }
0x1db: {  	_ =	swait.ge [sflag:s29], $0x800  }
0x1dc: {  	[sflag:s29] =	ssyncset.done $0x0  }
0x1dd: {  	[sflag:s29] =	ssyncadd.s32 $0xFFFFF800  }
0x1de: {  	s8 =	rddreg [dreg:$0x7]  }
0x1df: {  	[spmem:s8] =	stream.indirect.scatter.add.f32 [tilespmem:s26], [sflag:$0x2], $0x80, s9, s1, $0xb8;
	[tilespmem:$0x1E190] =	vst v63  }
0x1e0: {  	_ =	swait.ge [sflag:s29], $0x800  }
0x1e1: {  	[sflag:s29] =	ssyncset.done $0x0  }
0x1e2: {  	[sflag:s29] =	ssyncadd.s32 $0xFFFFF800  }
0x1e3: {  	s10 =	rddreg [dreg:$0x8]  }
0x1e4: {  	[spmem:s10] =	stream.indirect.scatter.add.f32 [tilespmem:s28], [sflag:$0x2], $0x80, s9, s1, $0xb8;
	[tilespmem:$0x1E190] =	vst v63  }
0x1e5: {  	_ =	swait.ge [sflag:s29], $0x800  }
0x1e6: {  	[sflag:s29] =	ssyncset.done $0x0  }
0x1e7: {  	[sflag:s29] =	ssyncadd.s32 $0xFFFFF800  }
0x1e8: {  	s17 =	rddreg [dreg:$0x9]  }
0x1e9: {  	[spmem:s17] =	stream.indirect.scatter.add.f32 [tilespmem:s15], [sflag:$0x2], $0x80, s9, s1, $0xb8;
	[tilespmem:$0x1E190] =	vst v63  }
0x1ea: {  	_ =	swait.ge [sflag:s29], $0x800  }
0x1eb: {  	[sflag:s29] =	ssyncset.done $0x0  }
0x1ec: {  	s7 =	sadd.s32 $0x1, s7;
	[sflag:s29] =	ssyncadd.s32 $0xFFFFF800  }
0x1ed: {  	p0 =	sne.s32 s7, s3;
	s18 =	rddreg [dreg:$0xa]  }
0x1ee: {  	[spmem:s18] =	stream.indirect.scatter.add.f32 [tilespmem:s0], [sflag:$0x2], $0x80, s9, s1, $0xb8;
	[tilespmem:$0x1E190] =	vst v63  }
.Ltmp7:
0x1ef: {  	_ = 	snop;
	(pc) =	sbr.rel @p0 .LBB2_5-.Ltmp7, $4  }
.Ltmp8:
0x1f0: {  	_ = 	snop;
	(pc) =	sbr.rel @!p0 .LBB2_8-.Ltmp8, $4  }
0x1f1: {  	_ =	swait.ge [sflag:s29], $0x800  }
0x1f2: {  	[sflag:s29] =	ssyncset.done $0x0  }
0x1f3: {  	s2 =	sadd.s32 $0x10, s2;
	[sflag:s29] =	ssyncadd.s32 $0xFFFFF800  }
0x1f4: {  	_ = 	snop  }
.LBB2_10:
0x1f5: {  	_ =	sfence.sel $0x180000  }
0x1f6: {  	[bflag:$0x0] =	sbarrier.arrive $0xFFFF  }
0x1f7: {  	_ =	strace $0x90000047  }
0x1f8: {  	s0 =	stileid.u32;
	[bflag:$0x2] =	sbarrier.arrive $0xFFFF  }
0x1f9: {  	p0 =	sne.s32 s0, $0x0;
	s0 =	rddreg [dreg:$0xc]  }
0x1fa: {  	s0 =	sadd.s32 @!p0 $0x100000, s0  }
0x1fb: {  	[sflag:s0] =	ssyncadd.tile.s32 @!p0 $0x1;
	_ =	shalt  }
.Lfunc_end2:
_tile_overlayer_lowered:
.L_overlay_start_2:
0x1fc: {  	(tag) =	ssettag $0x2  }
0x1fd: {  	s0 =	rddreg [dreg:$0x0];
	s2 =	stileid.u32  }
0x1fe: {  	s1 =	rddreg [dreg:$0x1];
	p0 =	sne.s32 s2, $0x0  }
0x1ff: {  	s3 =	rddreg [dreg:$0x2];
	[bflag:$0x3] =	sbarrier.arrive $0xFFFF;
	s2 =	simm.s32 @!p0 $0x1C02  }
0x200: {  	[timem:s3], [sflag:s2] =	dma.local @!p0 [hbm:s0], s1  }
0x201: {  	s0 =	simm.s32 @!p0 $0x2  }
0x202: {  	_ =	swait.ge @!p0 [sflag:s0], s1  }
0x203: {  	s1 =	ssub.s32 @!p0 $0x0, s1;
	[sflag:s0] =	ssyncset.done @!p0 $0x0  }
0x204: {  	[sflag:s0] =	ssyncadd.s32 @!p0 s1  }
0x205: {  	[bflag:$0x3] =	sbarrier.arrive $0xFFFF  }
0x206: {  	_ =	shalt  }

</sc_bundles>
